<compile_context>
chip_gen: v7x
topology: tpu7x:2x2x1
jax: 0.10.2.dev20260603
libtpu: 0.0.44.dev20260713+nightly
codegen_flags: <defaults>
</compile_context>

<pallas_src>
import functools

import numpy as np

import jax
import jax.numpy as jnp
from jax import lax
from jax.experimental import pallas as pl
from jax.experimental.pallas import tpu as pltpu
from jax.experimental.pallas import tpu_sc as plsc

_NC = 2
_NS = 16
_G = 64


def _make_deg_kernel(NP, N, E):
    mesh = plsc.VectorSubcoreMesh(core_axis_name="c", subcore_axis_name="s", num_cores=_NC, num_subcores=_NS)
    npw = NP // _NS
    epw = 10240
    HC = epw // 128 // 2

    @functools.partial(
        pl.kernel,
        out_type=[jax.ShapeDtypeStruct((NP,), jnp.float32)] * 2,
        mesh=mesh,
        compiler_params=pltpu.CompilerParams(needs_layout_passes=False),
        scratch_types=[
            pltpu.VMEM((2, epw), jnp.int32),
            pltpu.VMEM((128,), jnp.float32),
            pltpu.VMEM((npw,), jnp.float32),
            pltpu.VMEM_SHARED((NP,), jnp.float32),
        ],
    )
    def deg_kernel(ei_hbm, deg0_hbm, deg1_hbm, ei_v, ones_v, wk_v, deg_sp):
        c = lax.axis_index("c")
        w = lax.axis_index("s")
        last = _NS - 1
        last_n = E - last * epw
        last_ch = last_n // 128

        def _zero(j, carry):
            wk_v[pl.ds(j * 16, 16)] = jnp.zeros((16,), jnp.float32)
            return carry

        lax.fori_loop(0, npw // 16, _zero, 0)
        for j in range(8):
            ones_v[pl.ds(j * 16, 16)] = jnp.ones((16,), jnp.float32)
        pltpu.sync_copy(wk_v, deg_sp.at[pl.ds(w * npw, npw)])

        @pl.when(w < last)
        def _ld_full():
            pltpu.sync_copy(ei_hbm.at[:, pl.ds(w * epw, epw)], ei_v)

        @pl.when(w == last)
        def _ld_last():
            pltpu.sync_copy(ei_hbm.at[:, pl.ds(last * epw, last_n)],
                            ei_v.at[:, pl.ds(0, last_n)])

        plsc.subcore_barrier()

        def _scat(j, carry):
            @pl.when((w < last) | (j < last_ch))
            def _():
                pltpu.sync_copy(ones_v,
                                deg_sp.at[ei_v.at[1, pl.ds(j * 128, 128)]],
                                add=True)
            return carry

        lax.fori_loop(c * HC, (c + 1) * HC, _scat, 0)
        plsc.subcore_barrier()

        @pl.when(c == 0)
        def _w0():
            pltpu.sync_copy(deg_sp.at[pl.ds(w * npw, npw)],
                            deg0_hbm.at[pl.ds(w * npw, npw)])

        @pl.when(c == 1)
        def _w1():
            pltpu.sync_copy(deg_sp.at[pl.ds(w * npw, npw)],
                            deg1_hbm.at[pl.ds(w * npw, npw)])

    return deg_kernel


def _make_agg_kernel(NP, n_chunks):
    mesh = plsc.VectorSubcoreMesh(core_axis_name="c", subcore_axis_name="s", num_cores=_NC, num_subcores=_NS)
    npw = NP // _NS
    PH = n_chunks // 2

    @functools.partial(
        pl.kernel,
        out_type=[jax.ShapeDtypeStruct((NP, 128), jnp.float32)] * 2,
        mesh=mesh,
        compiler_params=pltpu.CompilerParams(needs_layout_passes=False),
        scratch_types=[
            pltpu.VMEM((PH, 128), jnp.int32),
            pltpu.VMEM((PH, 128), jnp.int32),
            pltpu.VMEM((2, 128, 128), jnp.float32),
            pltpu.VMEM_SHARED((NP, 128), jnp.float32),
            pltpu.SemaphoreType.DMA,
            pltpu.SemaphoreType.DMA,
        ],
    )
    def agg_kernel(src_hbm, dst_hbm, g0_hbm, g1_hbm, out0_hbm, out1_hbm,
                   src_v, dst_v, rows_v, acc_sp, semA, semB):
        c = lax.axis_index("c")
        w = lax.axis_index("s")

        def _pipeline(g_hbm, out_hbm):
            def _zero(r, carry):
                for k in range(8):
                    rows_v[0, r, pl.ds(k * 16, 16)] = jnp.zeros((16,), jnp.float32)
                return carry

            lax.fori_loop(0, 128, _zero, 0)
            for k in range(npw // 128):
                pltpu.sync_copy(rows_v.at[0],
                                acc_sp.at[pl.ds(w * npw + k * 128, 128)])
            plsc.subcore_barrier()

            for p in range(2):
                pltpu.sync_copy(src_hbm.at[2 * w + p], src_v)
                pltpu.sync_copy(dst_hbm.at[2 * w + p], dst_v)
                pltpu.async_copy(g_hbm.at[src_v.at[0]], rows_v.at[0], semA)
                pltpu.async_copy(g_hbm.at[src_v.at[1]], rows_v.at[1], semB)

                def _step(i, carry):
                    j0 = 2 * i
                    pltpu.make_async_copy(g_hbm.at[src_v.at[j0]],
                                          rows_v.at[0], semA).wait()
                    pltpu.sync_copy(rows_v.at[0], acc_sp.at[dst_v.at[j0]],
                                    add=True)

                    @pl.when(i < PH // 2 - 1)
                    def _():
                        pltpu.async_copy(g_hbm.at[src_v.at[j0 + 2]],
                                         rows_v.at[0], semA)

                    pltpu.make_async_copy(g_hbm.at[src_v.at[j0 + 1]],
                                          rows_v.at[1], semB).wait()
                    pltpu.sync_copy(rows_v.at[1], acc_sp.at[dst_v.at[j0 + 1]],
                                    add=True)

                    @pl.when(i < PH // 2 - 1)
                    def _():
                        pltpu.async_copy(g_hbm.at[src_v.at[j0 + 3]],
                                         rows_v.at[1], semB)

                    return carry

                lax.fori_loop(0, PH // 2, _step, 0)
            plsc.subcore_barrier()
            pltpu.sync_copy(acc_sp.at[pl.ds(w * npw, npw)],
                            out_hbm.at[pl.ds(w * npw, npw)])

        @pl.when(c == 0)
        def _c0():
            _pipeline(g0_hbm, out0_hbm)

        @pl.when(c == 1)
        def _c1():
            _pipeline(g1_hbm, out1_hbm)

    return agg_kernel


def _make_pool_kernel(NP, EP):
    mesh = plsc.VectorSubcoreMesh(core_axis_name="c", subcore_axis_name="s", num_cores=_NC, num_subcores=_NS)
    epw = EP // _NS
    npw = NP // _NS

    @functools.partial(
        pl.kernel,
        out_type=jax.ShapeDtypeStruct((_G,), jnp.float32),
        mesh=mesh,
        compiler_params=pltpu.CompilerParams(needs_layout_passes=False),
        scratch_types=[
            pltpu.VMEM((NP,), jnp.float32),
            pltpu.VMEM((NP,), jnp.float32),
            pltpu.VMEM((NP,), jnp.int32),
            pltpu.VMEM((epw,), jnp.int32),
            pltpu.VMEM((epw,), jnp.int32),
            pltpu.VMEM((16,), jnp.float32),
            pltpu.VMEM((16 * 128,), jnp.float32),
            pltpu.VMEM((16 * 128,), jnp.float32),
            pltpu.VMEM((128,), jnp.float32),
            pltpu.VMEM((16, 128), jnp.float32),
            pltpu.VMEM((_G,), jnp.float32),
            pltpu.VMEM_SHARED((16, 128), jnp.float32),
        ],
    )
    def pool_kernel(src_hbm, dst_hbm, g2_hbm, dinv_hbm, bat_hbm, b2_hbm,
                    out_hbm, g2_v, dinv_v, bat_v, src_v, dst_v, b2_v,
                    bins_s, bins_c, part_v, red_v, out_v, part_sp):
        c = lax.axis_index("c")
        w = lax.axis_index("s")

        @pl.when(c == 0)
        def _body():
            def _zb(j, carry):
                bins_s[pl.ds(j * 16, 16)] = jnp.zeros((16,), jnp.float32)
                bins_c[pl.ds(j * 16, 16)] = jnp.zeros((16,), jnp.float32)
                return carry

            lax.fori_loop(0, 128, _zb, 0)
            pltpu.sync_copy(g2_hbm, g2_v)
            pltpu.sync_copy(dinv_hbm, dinv_v)
            pltpu.sync_copy(bat_hbm, bat_v)
            pltpu.sync_copy(src_hbm.at[pl.ds(w * epw, epw)], src_v)
            pltpu.sync_copy(dst_hbm.at[pl.ds(w * epw, epw)], dst_v)
            pltpu.sync_copy(b2_hbm, b2_v)
            lane = lax.iota(jnp.int32, 16)
            lane128 = lane * 128
            b2s = b2_v[pl.ds(0, 16)]

            def _edge(j, carry):
                s16 = src_v[pl.ds(j * 16, 16)]
                d16 = dst_v[pl.ds(j * 16, 16)]
                gs = plsc.load_gather(g2_v, [s16])
                dv = plsc.load_gather(dinv_v, [d16])
                bb = plsc.load_gather(bat_v, [d16])
                plsc.addupdate_scatter(bins_s, [bb + lane128], gs * dv)
                return carry

            lax.fori_loop(0, epw // 16, _edge, 0)

            def _dense(j, carry):
                off = w * npw + j * 16
                bb = bat_v[pl.ds(off, 16)]
                t = dinv_v[pl.ds(off, 16)] * g2_v[pl.ds(off, 16)] + b2s
                plsc.addupdate_scatter(bins_s, [bb + lane128], t)
                plsc.addupdate_scatter(bins_c, [bb + lane128],
                                       jnp.ones((16,), jnp.float32))
                return carry

            lax.fori_loop(0, npw // 16, _dense, 0)

            for cb in range(_G // 16):
                s_acc = jnp.zeros((16,), jnp.float32)
                c_acc = jnp.zeros((16,), jnp.float32)
                for l in range(16):
                    s_acc = s_acc + bins_s[pl.ds(l * 128 + cb * 16, 16)]
                    c_acc = c_acc + bins_c[pl.ds(l * 128 + cb * 16, 16)]
                part_v[pl.ds(cb * 16, 16)] = s_acc
                part_v[pl.ds(_G + cb * 16, 16)] = c_acc
            pltpu.sync_copy(part_v, part_sp.at[w])
            plsc.subcore_barrier()

            @pl.when(w == 0)
            def _final():
                pltpu.sync_copy(part_sp, red_v)
                for cb in range(_G // 16):
                    ssum = jnp.zeros((16,), jnp.float32)
                    csum = jnp.zeros((16,), jnp.float32)
                    for r in range(16):
                        ssum = ssum + red_v[r, pl.ds(cb * 16, 16)]
                        csum = csum + red_v[r, pl.ds(_G + cb * 16, 16)]
                    out_v[pl.ds(cb * 16, 16)] = ssum / jnp.maximum(csum, 1.0)
                pltpu.sync_copy(out_v, out_hbm)

    return pool_kernel


def _mm_body(x_ref, w1_ref, dega_ref, degb_ref, g0_ref, g1_ref, dinv_ref):
    h = jnp.dot(x_ref[...], w1_ref[...], preferred_element_type=jnp.float32)
    dinv = lax.rsqrt(dega_ref[...] + degb_ref[...] + 1.0)
    g = h * dinv
    g0_ref[...] = g[:, :128]
    g1_ref[...] = g[:, 128:]
    dinv_ref[...] = dinv


def _post_body(a0_ref, a1_ref, g0_ref, g1_ref, dinv_ref, b1_ref, w2_ref,
               out_ref):
    dinv = dinv_ref[...]
    b1 = b1_ref[...]
    w2 = w2_ref[...]
    h0 = jnp.maximum(dinv * (a0_ref[...] + g0_ref[...]) + b1[:, :128], 0.0)
    h1 = jnp.maximum(dinv * (a1_ref[...] + g1_ref[...]) + b1[:, 128:], 0.0)
    s2 = (jnp.dot(h0, w2[:128, :], preferred_element_type=jnp.float32)
          + jnp.dot(h1, w2[128:, :], preferred_element_type=jnp.float32))
    out_ref[...] = dinv * s2


def kernel(x, edge_index, x_batch, W1, b1, W2, b2):
    N, D = x.shape
    E = edge_index.shape[1]
    H = D // 2
    NP = ((N + 1023) // 1024) * 1024
    CH = 2 * 128 * _NS
    EP = ((E + CH - 1) // CH) * CH
    n_chunks = EP // _NS // 128

    pad_i = np.arange(EP - E, dtype=np.int32)
    srcp = jnp.concatenate([edge_index[0], jnp.asarray(pad_i % N)])
    dstp = jnp.concatenate([edge_index[1], jnp.asarray(N + pad_i % (NP - N))])
    srcp3 = srcp.reshape(2 * _NS, n_chunks // 2, 128)
    dstp3 = dstp.reshape(2 * _NS, n_chunks // 2, 128)
    batp = jnp.pad(x_batch, (0, NP - N), constant_values=_G)
    b2v = jnp.broadcast_to(b2, (16,))

    dega, degb = _make_deg_kernel(NP, N, E)(edge_index)

    BR = 1024
    H2 = D // 2
    g0, g1, dinv2 = pl.pallas_call(
        _mm_body,
        grid=(NP // BR,),
        in_specs=[
            pl.BlockSpec((BR, D), lambda i: (i, 0)),
            pl.BlockSpec((D, D), lambda i: (0, 0)),
            pl.BlockSpec((BR, 1), lambda i: (i, 0)),
            pl.BlockSpec((BR, 1), lambda i: (i, 0)),
        ],
        out_specs=[pl.BlockSpec((BR, H2), lambda i: (i, 0))] * 2
        + [pl.BlockSpec((BR, 1), lambda i: (i, 0))],
        out_shape=[jax.ShapeDtypeStruct((NP, H2), jnp.float32)] * 2
        + [jax.ShapeDtypeStruct((NP, 1), jnp.float32)],
    )(x, W1, dega.reshape(NP, 1), degb.reshape(NP, 1))

    a0, a1 = _make_agg_kernel(NP, n_chunks)(srcp3, dstp3, g0, g1)

    g2 = pl.pallas_call(
        _post_body,
        grid=(NP // BR,),
        in_specs=[pl.BlockSpec((BR, H2), lambda i: (i, 0))] * 4 + [
            pl.BlockSpec((BR, 1), lambda i: (i, 0)),
            pl.BlockSpec((1, D), lambda i: (0, 0)),
            pl.BlockSpec((D, 1), lambda i: (0, 0)),
        ],
        out_specs=pl.BlockSpec((BR, 1), lambda i: (i, 0)),
        out_shape=jax.ShapeDtypeStruct((NP, 1), jnp.float32),
    )(a0, a1, g0, g1, dinv2, b1.reshape(1, D), W2)

    pooled = _make_pool_kernel(NP, EP)(
        srcp, dstp, g2.reshape(NP), dinv2.reshape(NP), batp, b2v)
    return pooled.reshape(_G, 1)

# --- scband reference (transcript-rebuilt; emitter-appended) ---
"""Pipeline reference for scband-classifier-51084341019430 (READ-ONLY COPY).

The authoritative reference and input builder live on the scoring server;
editing this copy changes nothing except your own understanding.
"""

import jax, jax.numpy as jnp
import numpy as np

N = 10000
E = 160000
D = 256
G = 64


def gcn_conv(x, src, dst, W, b):
    # PyG-style GCNConv: linear transform, then symmetric-normalized aggregation
    h = x @ W
    deg = jnp.zeros((N,), dtype=h.dtype).at[dst].add(1.0)
    dinv = jax.lax.rsqrt(jnp.clip(deg, 1.0))
    norm = dinv[src] * dinv[dst]
    msg = h[src] * norm[:, None]
    out = jnp.zeros((N, h.shape[1]), dtype=h.dtype).at[dst].add(msg)
    return out + b


def setup_inputs(seed: int = 0) -> dict:
    key = jax.random.key(seed)
    ks = jax.random.split(key, 8)
    x = jax.random.normal(ks[0], (N, D), dtype=jnp.float32)
    edge_index = jax.random.randint(ks[1], (2, E), 0, N, dtype=jnp.int32)
    x_batch = jnp.sort(jax.random.randint(ks[2], (N,), 0, G, dtype=jnp.int32))
    W1 = jax.random.normal(ks[3], (D, D), dtype=jnp.float32) * (1.0 / np.sqrt(D))
    b1 = jnp.zeros((D,), dtype=jnp.float32)
    W2 = jax.random.normal(ks[4], (D, 1), dtype=jnp.float32) * (1.0 / np.sqrt(D))
    b2 = jnp.zeros((1,), dtype=jnp.float32)
    return {"x": x, "edge_index": edge_index, "x_batch": x_batch, "W1": W1, "b1": b1, "W2": W2, "b2": b2}


def reference(x, edge_index, x_batch, W1, b1, W2, b2):
    src, dst = edge_index[0], edge_index[1]
    loop = jnp.arange(N, dtype=src.dtype)  # GCNConv adds self-loops
    src = jnp.concatenate([src, loop])
    dst = jnp.concatenate([dst, loop])
    h = gcn_conv(x, src, dst, W1, b1)
    h = jax.nn.relu(h)  # act_type='relu'; dropout inactive at inference
    h = gcn_conv(h, src, dst, W2, b2)
    # global mean pool over graph ids (x_batch) -> graph-level logits [G, 1]
    sums = jax.ops.segment_sum(h, x_batch, num_segments=G)
    cnts = jax.ops.segment_sum(jnp.ones((N, 1), dtype=h.dtype), x_batch, num_segments=G)
    return sums / jnp.clip(cnts, 1.0)

if __name__ == "__main__":
    import jax
    _d = setup_inputs()
    print(jax.jit(kernel)(*tuple(_d.values())))

</pallas_src>

<mosaic_0001>
#map = affine_map<(d0, d1) -> (0, 0)>
#map1 = affine_map<(d0, d1) -> (0)>
module attributes {stable_mosaic.version = 14 : i64} {
  func.func @deg_kernel(%arg0: i32, %arg1: i32, %arg2: memref<2x160000xi32, #tpu.memory_space<hbm>>, %arg3: memref<10240xf32, #tpu.memory_space<hbm>>, %arg4: memref<10240xf32, #tpu.memory_space<hbm>>, %arg5: memref<2x10240xi32, #tpu.memory_space<vmem>>, %arg6: memref<128xf32, #tpu.memory_space<vmem>>, %arg7: memref<640xf32, #tpu.memory_space<vmem>>, %arg8: memref<10240xf32, #tpu.memory_space<vmem_shared>>) attributes {dimension_semantics = [#tpu.dimension_semantics<core_parallel>, #tpu.dimension_semantics<subcore_parallel>], iteration_bounds = array<i64: 2, 16>, scalar_prefetch = 0 : i64, scratch_operands = 4 : i64, tpu.core_type = #tpu.core_type<sc_vector_subcore>, window_params = [{transform_indices = #map}, {transform_indices = #map1}, {transform_indices = #map1}]} {
    %scan3A = arith.constant 0 : i32
    %scan3A_0 = arith.constant 0 : i32
    %scan3A_1 = arith.constant 40 : i32
    %scan3A_2 = arith.addi %scan3A_0, %scan3A_1 : i32
    %scan3A_3 = arith.constant 1 : i32
    scf.for %scan3A_66 = %scan3A_0 to %scan3A_2 step %scan3A_3  : i32 {
      %broadcast_in_dim3A_67 = arith.constant 0.000000e+00 : f32
      %broadcast_in_dim3A_68 = vector.broadcast %broadcast_in_dim3A_67 : f32 to vector<16xf32>
      %mul3A_69 = arith.constant 16 : i32
      %mul3A_70 = arith.muli %scan3A_66, %mul3A_69 : i32
      %swap3A_71 = arith.index_cast %mul3A_70 : i32 to index
      %swap3A_72 = tpu.vector_load %arg7[%swap3A_71] {strides = array<i32>} : memref<640xf32, #tpu.memory_space<vmem>>, vector<16xf32>,
      tpu.vector_store %arg7[%swap3A_71], %broadcast_in_dim3A_68 {strides = array<i32>} : memref<640xf32, #tpu.memory_space<vmem>>, vector<16xf32>,
    }
    %scan3A_4 = arith.constant 40 : i32
    %broadcast_in_dim3A = arith.constant 1.000000e+00 : f32
    %broadcast_in_dim3A_5 = vector.broadcast %broadcast_in_dim3A : f32 to vector<16xf32>
    %swap3A = arith.constant 0 : index
    %swap3A_6 = tpu.vector_load %arg6[%swap3A] {strides = array<i32>} : memref<128xf32, #tpu.memory_space<vmem>>, vector<16xf32>,
    tpu.vector_store %arg6[%swap3A], %broadcast_in_dim3A_5 {strides = array<i32>} : memref<128xf32, #tpu.memory_space<vmem>>, vector<16xf32>,
    %broadcast_in_dim3A_7 = arith.constant 1.000000e+00 : f32
    %broadcast_in_dim3A_8 = vector.broadcast %broadcast_in_dim3A_7 : f32 to vector<16xf32>
    %swap3A_9 = arith.constant 16 : index
    %swap3A_10 = tpu.vector_load %arg6[%swap3A_9] {strides = array<i32>} : memref<128xf32, #tpu.memory_space<vmem>>, vector<16xf32>,
    tpu.vector_store %arg6[%swap3A_9], %broadcast_in_dim3A_8 {strides = array<i32>} : memref<128xf32, #tpu.memory_space<vmem>>, vector<16xf32>,
    %broadcast_in_dim3A_11 = arith.constant 1.000000e+00 : f32
    %broadcast_in_dim3A_12 = vector.broadcast %broadcast_in_dim3A_11 : f32 to vector<16xf32>
    %swap3A_13 = arith.constant 32 : index
    %swap3A_14 = tpu.vector_load %arg6[%swap3A_13] {strides = array<i32>} : memref<128xf32, #tpu.memory_space<vmem>>, vector<16xf32>,
    tpu.vector_store %arg6[%swap3A_13], %broadcast_in_dim3A_12 {strides = array<i32>} : memref<128xf32, #tpu.memory_space<vmem>>, vector<16xf32>,
    %broadcast_in_dim3A_15 = arith.constant 1.000000e+00 : f32
    %broadcast_in_dim3A_16 = vector.broadcast %broadcast_in_dim3A_15 : f32 to vector<16xf32>
    %swap3A_17 = arith.constant 48 : index
    %swap3A_18 = tpu.vector_load %arg6[%swap3A_17] {strides = array<i32>} : memref<128xf32, #tpu.memory_space<vmem>>, vector<16xf32>,
    tpu.vector_store %arg6[%swap3A_17], %broadcast_in_dim3A_16 {strides = array<i32>} : memref<128xf32, #tpu.memory_space<vmem>>, vector<16xf32>,
    %broadcast_in_dim3A_19 = arith.constant 1.000000e+00 : f32
    %broadcast_in_dim3A_20 = vector.broadcast %broadcast_in_dim3A_19 : f32 to vector<16xf32>
    %swap3A_21 = arith.constant 64 : index
    %swap3A_22 = tpu.vector_load %arg6[%swap3A_21] {strides = array<i32>} : memref<128xf32, #tpu.memory_space<vmem>>, vector<16xf32>,
    tpu.vector_store %arg6[%swap3A_21], %broadcast_in_dim3A_20 {strides = array<i32>} : memref<128xf32, #tpu.memory_space<vmem>>, vector<16xf32>,
    %broadcast_in_dim3A_23 = arith.constant 1.000000e+00 : f32
    %broadcast_in_dim3A_24 = vector.broadcast %broadcast_in_dim3A_23 : f32 to vector<16xf32>
    %swap3A_25 = arith.constant 80 : index
    %swap3A_26 = tpu.vector_load %arg6[%swap3A_25] {strides = array<i32>} : memref<128xf32, #tpu.memory_space<vmem>>, vector<16xf32>,
    tpu.vector_store %arg6[%swap3A_25], %broadcast_in_dim3A_24 {strides = array<i32>} : memref<128xf32, #tpu.memory_space<vmem>>, vector<16xf32>,
    %broadcast_in_dim3A_27 = arith.constant 1.000000e+00 : f32
    %broadcast_in_dim3A_28 = vector.broadcast %broadcast_in_dim3A_27 : f32 to vector<16xf32>
    %swap3A_29 = arith.constant 96 : index
    %swap3A_30 = tpu.vector_load %arg6[%swap3A_29] {strides = array<i32>} : memref<128xf32, #tpu.memory_space<vmem>>, vector<16xf32>,
    tpu.vector_store %arg6[%swap3A_29], %broadcast_in_dim3A_28 {strides = array<i32>} : memref<128xf32, #tpu.memory_space<vmem>>, vector<16xf32>,
    %broadcast_in_dim3A_31 = arith.constant 1.000000e+00 : f32
    %broadcast_in_dim3A_32 = vector.broadcast %broadcast_in_dim3A_31 : f32 to vector<16xf32>
    %swap3A_33 = arith.constant 112 : index
    %swap3A_34 = tpu.vector_load %arg6[%swap3A_33] {strides = array<i32>} : memref<128xf32, #tpu.memory_space<vmem>>, vector<16xf32>,
    tpu.vector_store %arg6[%swap3A_33], %broadcast_in_dim3A_32 {strides = array<i32>} : memref<128xf32, #tpu.memory_space<vmem>>, vector<16xf32>,
    %mul3A = arith.constant 640 : i32
    %mul3A_35 = arith.muli %arg1, %mul3A : i32
    "tpu.region"() ({
      %run_scoped3A = tpu.sem_alloc : memref<!tpu.dma_semaphore, #tpu.memory_space<semaphore_mem>>
      %dma_start3A = tpu.memref_slice %arg8[%mul3A_35] : memref<10240xf32, #tpu.memory_space<vmem_shared>> -> memref<640xf32, #tpu.memory_space<vmem_shared>>
      %dma_start3A_66 = tpu.memref_slice %arg8[%mul3A_35] : memref<10240xf32, #tpu.memory_space<vmem_shared>> -> memref<640xf32, #tpu.memory_space<vmem_shared>>
      tpu.enqueue_dma source(%arg7 : memref<640xf32, #tpu.memory_space<vmem>>) target(%dma_start3A_66 : memref<640xf32, #tpu.memory_space<vmem_shared>>) target_semaphore(%run_scoped3A : memref<!tpu.dma_semaphore, #tpu.memory_space<semaphore_mem>>)
      %dma_wait3A = tpu.memref_slice %arg8[%mul3A_35] : memref<10240xf32, #tpu.memory_space<vmem_shared>> -> memref<640xf32, #tpu.memory_space<vmem_shared>>
      %dma_wait3A_67 = tpu.memref_slice %arg8[%mul3A_35] : memref<10240xf32, #tpu.memory_space<vmem_shared>> -> memref<640xf32, #tpu.memory_space<vmem_shared>>
      tpu.wait_dma2 semaphore(%run_scoped3A : memref<!tpu.dma_semaphore, #tpu.memory_space<semaphore_mem>>) src(%arg7 : memref<640xf32, #tpu.memory_space<vmem>>) dst(%dma_wait3A_67 : memref<640xf32, #tpu.memory_space<vmem_shared>>)
      tpu.yield
    }) : () -> ()
    %lt3A = arith.constant 15 : i32
    %lt3A_36 = arith.cmpi slt, %arg1, %lt3A : i32
    %convert_element_type3A = arith.extui %lt3A_36 : i1 to i32
    %cond3A = arith.constant 0 : i32
    %cond3A_37 = arith.cmpi ne, %convert_element_type3A, %cond3A : i32
    scf.if %cond3A_37 {
      %mul3A_66 = arith.constant 10240 : i32
      %mul3A_67 = arith.muli %arg1, %mul3A_66 : i32
      "tpu.region"() ({
        %run_scoped3A = tpu.sem_alloc : memref<!tpu.dma_semaphore, #tpu.memory_space<semaphore_mem>>
        %dma_start3A = arith.constant 0 : i32
        %dma_start3A_68 = tpu.memref_slice %arg2[%dma_start3A, %mul3A_67] : memref<2x160000xi32, #tpu.memory_space<hbm>> -> memref<2x10240xi32, #tpu.memory_space<hbm>>
        %dma_start3A_69 = arith.constant 0 : i32
        %dma_start3A_70 = tpu.memref_slice %arg2[%dma_start3A_69, %mul3A_67] : memref<2x160000xi32, #tpu.memory_space<hbm>> -> memref<2x10240xi32, #tpu.memory_space<hbm>>
        tpu.enqueue_dma source(%dma_start3A_70 : memref<2x10240xi32, #tpu.memory_space<hbm>>) target(%arg5 : memref<2x10240xi32, #tpu.memory_space<vmem>>) target_semaphore(%run_scoped3A : memref<!tpu.dma_semaphore, #tpu.memory_space<semaphore_mem>>)
        %dma_wait3A = arith.constant 0 : i32
        %dma_wait3A_71 = tpu.memref_slice %arg2[%dma_wait3A, %mul3A_67] : memref<2x160000xi32, #tpu.memory_space<hbm>> -> memref<2x10240xi32, #tpu.memory_space<hbm>>
        %dma_wait3A_72 = arith.constant 0 : i32
        %dma_wait3A_73 = tpu.memref_slice %arg2[%dma_wait3A_72, %mul3A_67] : memref<2x160000xi32, #tpu.memory_space<hbm>> -> memref<2x10240xi32, #tpu.memory_space<hbm>>
        tpu.wait_dma2 semaphore(%run_scoped3A : memref<!tpu.dma_semaphore, #tpu.memory_space<semaphore_mem>>) src(%dma_wait3A_73 : memref<2x10240xi32, #tpu.memory_space<hbm>>) dst(%arg5 : memref<2x10240xi32, #tpu.memory_space<vmem>>)
        tpu.yield
      }) : () -> ()
    } else {
    }
    %eq3A = arith.constant 15 : i32
    %eq3A_38 = arith.cmpi eq, %arg1, %eq3A : i32
    %convert_element_type3A_39 = arith.extui %eq3A_38 : i1 to i32
    %cond3A_40 = arith.constant 0 : i32
    %cond3A_41 = arith.cmpi ne, %convert_element_type3A_39, %cond3A_40 : i32
    scf.if %cond3A_41 {
      "tpu.region"() ({
        %run_scoped3A = tpu.sem_alloc : memref<!tpu.dma_semaphore, #tpu.memory_space<semaphore_mem>>
        %dma_start3A = arith.constant 0 : i32
        %dma_start3A_66 = arith.constant 0 : i32
        %dma_start3A_67 = tpu.memref_slice %arg5[%dma_start3A, %dma_start3A_66] : memref<2x10240xi32, #tpu.memory_space<vmem>> -> memref<2x6400xi32, #tpu.memory_space<vmem>>
        %dma_start3A_68 = arith.constant 0 : i32
        %dma_start3A_69 = arith.constant 153600 : i32
        %dma_start3A_70 = tpu.memref_slice %arg2[%dma_start3A_68, %dma_start3A_69] : memref<2x160000xi32, #tpu.memory_space<hbm>> -> memref<2x6400xi32, #tpu.memory_space<hbm>>
        %dma_start3A_71 = arith.constant 0 : i32
        %dma_start3A_72 = arith.constant 0 : i32
        %dma_start3A_73 = tpu.memref_slice %arg5[%dma_start3A_71, %dma_start3A_72] : memref<2x10240xi32, #tpu.memory_space<vmem>> -> memref<2x6400xi32, #tpu.memory_space<vmem>>
        %dma_start3A_74 = arith.constant 0 : i32
        %dma_start3A_75 = arith.constant 153600 : i32
        %dma_start3A_76 = tpu.memref_slice %arg2[%dma_start3A_74, %dma_start3A_75] : memref<2x160000xi32, #tpu.memory_space<hbm>> -> memref<2x6400xi32, #tpu.memory_space<hbm>>
        tpu.enqueue_dma source(%dma_start3A_76 : memref<2x6400xi32, #tpu.memory_space<hbm>>) target(%dma_start3A_73 : memref<2x6400xi32, #tpu.memory_space<vmem>>) target_semaphore(%run_scoped3A : memref<!tpu.dma_semaphore, #tpu.memory_space<semaphore_mem>>)
        %dma_wait3A = arith.constant 0 : i32
        %dma_wait3A_77 = arith.constant 0 : i32
        %dma_wait3A_78 = tpu.memref_slice %arg5[%dma_wait3A, %dma_wait3A_77] : memref<2x10240xi32, #tpu.memory_space<vmem>> -> memref<2x6400xi32, #tpu.memory_space<vmem>>
        %dma_wait3A_79 = arith.constant 0 : i32
        %dma_wait3A_80 = arith.constant 153600 : i32
        %dma_wait3A_81 = tpu.memref_slice %arg2[%dma_wait3A_79, %dma_wait3A_80] : memref<2x160000xi32, #tpu.memory_space<hbm>> -> memref<2x6400xi32, #tpu.memory_space<hbm>>
        %dma_wait3A_82 = arith.constant 0 : i32
        %dma_wait3A_83 = arith.constant 0 : i32
        %dma_wait3A_84 = tpu.memref_slice %arg5[%dma_wait3A_82, %dma_wait3A_83] : memref<2x10240xi32, #tpu.memory_space<vmem>> -> memref<2x6400xi32, #tpu.memory_space<vmem>>
        %dma_wait3A_85 = arith.constant 0 : i32
        %dma_wait3A_86 = arith.constant 153600 : i32
        %dma_wait3A_87 = tpu.memref_slice %arg2[%dma_wait3A_85, %dma_wait3A_86] : memref<2x160000xi32, #tpu.memory_space<hbm>> -> memref<2x6400xi32, #tpu.memory_space<hbm>>
        tpu.wait_dma2 semaphore(%run_scoped3A : memref<!tpu.dma_semaphore, #tpu.memory_space<semaphore_mem>>) src(%dma_wait3A_87 : memref<2x6400xi32, #tpu.memory_space<hbm>>) dst(%dma_wait3A_84 : memref<2x6400xi32, #tpu.memory_space<vmem>>)
        tpu.yield
      }) : () -> ()
    } else {
    }
    %barrier3A = arith.constant 0 : index
    tpu.barrier barrier_id(%barrier3A)
    %mul3A_42 = arith.constant 40 : i32
    %mul3A_43 = arith.muli %arg0, %mul3A_42 : i32
    %add3A = arith.constant 1 : i32
    %add3A_44 = arith.addi %arg0, %add3A : i32
    %mul3A_45 = arith.constant 40 : i32
    %mul3A_46 = arith.muli %add3A_44, %mul3A_45 : i32
    %while3A = arith.constant 0 : i32
    %while3A_47 = arith.subi %mul3A_46, %mul3A_43 : i32
    %while3A_48 = arith.addi %mul3A_43, %while3A_47 : i32
    %while3A_49 = arith.constant 1 : i32
    %while3A_50 = arith.divsi %while3A_47, %while3A_49 : i32
    %while3A_51 = arith.muli %while3A_50, %while3A_49 : i32
    %while3A_52 = arith.addi %mul3A_43, %while3A_51 : i32
    %while3A_53 = arith.constant 1 : i32
    scf.for %while3A_66 = %mul3A_43 to %while3A_52 step %while3A_53  : i32 {
      %lt3A_67 = arith.constant 15 : i32
      %lt3A_68 = arith.cmpi slt, %arg1, %lt3A_67 : i32
      %lt3A_69 = arith.constant 50 : i32
      %lt3A_70 = arith.cmpi slt, %while3A_66, %lt3A_69 : i32
      %or3A = arith.ori %lt3A_68, %lt3A_70 : i1
      %convert_element_type3A_71 = arith.extui %or3A : i1 to i32
      %cond3A_72 = arith.constant 0 : i32
      %cond3A_73 = arith.cmpi ne, %convert_element_type3A_71, %cond3A_72 : i32
      scf.if %cond3A_73 {
        %mul3A_74 = arith.constant 128 : i32
        %mul3A_75 = arith.muli %while3A_66, %mul3A_74 : i32
        %run_scoped3A = arith.constant 1 : i32
        "tpu.region"() ({
          %run_scoped3A_76 = tpu.sem_alloc : memref<!tpu.dma_semaphore, #tpu.memory_space<semaphore_mem>>
          %dma_start3A = tpu.memref_slice %arg5[%run_scoped3A, %mul3A_75] : memref<2x10240xi32, #tpu.memory_space<vmem>> -> memref<1x128xi32, #tpu.memory_space<vmem>>
          %dma_start3A_77 = tpu.memref_squeeze %dma_start3A : memref<1x128xi32, #tpu.memory_space<vmem>> -> memref<128xi32, #tpu.memory_space<vmem>>
          %dma_start3A_78 = arith.constant 0 : i32
          %dma_start3A_79 = tpu.memref_slice %arg8[%dma_start3A_78] : memref<10240xf32, #tpu.memory_space<vmem_shared>> -> memref<10240xf32, #tpu.memory_space<vmem_shared>>
          tpu.enqueue_indirect_dma source(%arg6 : memref<128xf32, #tpu.memory_space<vmem>>) target(%dma_start3A_79 : memref<10240xf32, #tpu.memory_space<vmem_shared>>) offsets(%dma_start3A_77 : memref<128xi32, #tpu.memory_space<vmem>>) semaphore(%run_scoped3A_76 : memref<!tpu.dma_semaphore, #tpu.memory_space<semaphore_mem>>) {add = true}
          %dma_wait3A = tpu.memref_slice %arg5[%run_scoped3A, %mul3A_75] : memref<2x10240xi32, #tpu.memory_space<vmem>> -> memref<1x128xi32, #tpu.memory_space<vmem>>
          %dma_wait3A_80 = tpu.memref_squeeze %dma_wait3A : memref<1x128xi32, #tpu.memory_space<vmem>> -> memref<128xi32, #tpu.memory_space<vmem>>
          %dma_wait3A_81 = arith.constant 0 : i32
          %dma_wait3A_82 = tpu.memref_slice %arg8[%dma_wait3A_81] : memref<10240xf32, #tpu.memory_space<vmem_shared>> -> memref<10240xf32, #tpu.memory_space<vmem_shared>>
          tpu.wait_indirect_dma semaphore(%run_scoped3A_76 : memref<!tpu.dma_semaphore, #tpu.memory_space<semaphore_mem>>) src(%arg6 : memref<128xf32, #tpu.memory_space<vmem>>) dst(%dma_wait3A_82 : memref<10240xf32, #tpu.memory_space<vmem_shared>>)
          tpu.yield
        }) : () -> ()
      } else {
      }
    }
    %while3A_54 = arith.constant 1 : i32
    scf.for %while3A_66 = %while3A_52 to %while3A_48 step %while3A_54  : i32 {
      %lt3A_67 = arith.constant 15 : i32
      %lt3A_68 = arith.cmpi slt, %arg1, %lt3A_67 : i32
      %lt3A_69 = arith.constant 50 : i32
      %lt3A_70 = arith.cmpi slt, %while3A_66, %lt3A_69 : i32
      %or3A = arith.ori %lt3A_68, %lt3A_70 : i1
      %convert_element_type3A_71 = arith.extui %or3A : i1 to i32
      %cond3A_72 = arith.constant 0 : i32
      %cond3A_73 = arith.cmpi ne, %convert_element_type3A_71, %cond3A_72 : i32
      scf.if %cond3A_73 {
        %mul3A_74 = arith.constant 128 : i32
        %mul3A_75 = arith.muli %while3A_66, %mul3A_74 : i32
        %run_scoped3A = arith.constant 1 : i32
        "tpu.region"() ({
          %run_scoped3A_76 = tpu.sem_alloc : memref<!tpu.dma_semaphore, #tpu.memory_space<semaphore_mem>>
          %dma_start3A = tpu.memref_slice %arg5[%run_scoped3A, %mul3A_75] : memref<2x10240xi32, #tpu.memory_space<vmem>> -> memref<1x128xi32, #tpu.memory_space<vmem>>
          %dma_start3A_77 = tpu.memref_squeeze %dma_start3A : memref<1x128xi32, #tpu.memory_space<vmem>> -> memref<128xi32, #tpu.memory_space<vmem>>
          %dma_start3A_78 = arith.constant 0 : i32
          %dma_start3A_79 = tpu.memref_slice %arg8[%dma_start3A_78] : memref<10240xf32, #tpu.memory_space<vmem_shared>> -> memref<10240xf32, #tpu.memory_space<vmem_shared>>
          tpu.enqueue_indirect_dma source(%arg6 : memref<128xf32, #tpu.memory_space<vmem>>) target(%dma_start3A_79 : memref<10240xf32, #tpu.memory_space<vmem_shared>>) offsets(%dma_start3A_77 : memref<128xi32, #tpu.memory_space<vmem>>) semaphore(%run_scoped3A_76 : memref<!tpu.dma_semaphore, #tpu.memory_space<semaphore_mem>>) {add = true}
          %dma_wait3A = tpu.memref_slice %arg5[%run_scoped3A, %mul3A_75] : memref<2x10240xi32, #tpu.memory_space<vmem>> -> memref<1x128xi32, #tpu.memory_space<vmem>>
          %dma_wait3A_80 = tpu.memref_squeeze %dma_wait3A : memref<1x128xi32, #tpu.memory_space<vmem>> -> memref<128xi32, #tpu.memory_space<vmem>>
          %dma_wait3A_81 = arith.constant 0 : i32
          %dma_wait3A_82 = tpu.memref_slice %arg8[%dma_wait3A_81] : memref<10240xf32, #tpu.memory_space<vmem_shared>> -> memref<10240xf32, #tpu.memory_space<vmem_shared>>
          tpu.wait_indirect_dma semaphore(%run_scoped3A_76 : memref<!tpu.dma_semaphore, #tpu.memory_space<semaphore_mem>>) src(%arg6 : memref<128xf32, #tpu.memory_space<vmem>>) dst(%dma_wait3A_82 : memref<10240xf32, #tpu.memory_space<vmem_shared>>)
          tpu.yield
        }) : () -> ()
      } else {
      }
    }
    %barrier3A_55 = arith.constant 0 : index
    tpu.barrier barrier_id(%barrier3A_55)
    %eq3A_56 = arith.constant 0 : i32
    %eq3A_57 = arith.cmpi eq, %arg0, %eq3A_56 : i32
    %convert_element_type3A_58 = arith.extui %eq3A_57 : i1 to i32
    %cond3A_59 = arith.constant 0 : i32
    %cond3A_60 = arith.cmpi ne, %convert_element_type3A_58, %cond3A_59 : i32
    scf.if %cond3A_60 {
      %mul3A_66 = arith.constant 640 : i32
      %mul3A_67 = arith.muli %arg1, %mul3A_66 : i32
      %mul3A_68 = arith.constant 640 : i32
      %mul3A_69 = arith.muli %arg1, %mul3A_68 : i32
      "tpu.region"() ({
        %run_scoped3A = tpu.sem_alloc : memref<!tpu.dma_semaphore, #tpu.memory_space<semaphore_mem>>
        %dma_start3A = tpu.memref_slice %arg3[%mul3A_69] : memref<10240xf32, #tpu.memory_space<hbm>> -> memref<640xf32, #tpu.memory_space<hbm>>
        %dma_start3A_70 = tpu.memref_slice %arg8[%mul3A_67] : memref<10240xf32, #tpu.memory_space<vmem_shared>> -> memref<640xf32, #tpu.memory_space<vmem_shared>>
        tpu.enqueue_dma source(%dma_start3A_70 : memref<640xf32, #tpu.memory_space<vmem_shared>>) target(%dma_start3A : memref<640xf32, #tpu.memory_space<hbm>>) target_semaphore(%run_scoped3A : memref<!tpu.dma_semaphore, #tpu.memory_space<semaphore_mem>>)
        %dma_wait3A = tpu.memref_slice %arg3[%mul3A_69] : memref<10240xf32, #tpu.memory_space<hbm>> -> memref<640xf32, #tpu.memory_space<hbm>>
        %dma_wait3A_71 = tpu.memref_slice %arg8[%mul3A_67] : memref<10240xf32, #tpu.memory_space<vmem_shared>> -> memref<640xf32, #tpu.memory_space<vmem_shared>>
        tpu.wait_dma2 semaphore(%run_scoped3A : memref<!tpu.dma_semaphore, #tpu.memory_space<semaphore_mem>>) src(%dma_wait3A_71 : memref<640xf32, #tpu.memory_space<vmem_shared>>) dst(%dma_wait3A : memref<640xf32, #tpu.memory_space<hbm>>)
        tpu.yield
      }) : () -> ()
    } else {
    }
    %eq3A_61 = arith.constant 1 : i32
    %eq3A_62 = arith.cmpi eq, %arg0, %eq3A_61 : i32
    %convert_element_type3A_63 = arith.extui %eq3A_62 : i1 to i32
    %cond3A_64 = arith.constant 0 : i32
    %cond3A_65 = arith.cmpi ne, %convert_element_type3A_63, %cond3A_64 : i32
    scf.if %cond3A_65 {
      %mul3A_66 = arith.constant 640 : i32
      %mul3A_67 = arith.muli %arg1, %mul3A_66 : i32
      %mul3A_68 = arith.constant 640 : i32
      %mul3A_69 = arith.muli %arg1, %mul3A_68 : i32
      "tpu.region"() ({
        %run_scoped3A = tpu.sem_alloc : memref<!tpu.dma_semaphore, #tpu.memory_space<semaphore_mem>>
        %dma_start3A = tpu.memref_slice %arg4[%mul3A_69] : memref<10240xf32, #tpu.memory_space<hbm>> -> memref<640xf32, #tpu.memory_space<hbm>>
        %dma_start3A_70 = tpu.memref_slice %arg8[%mul3A_67] : memref<10240xf32, #tpu.memory_space<vmem_shared>> -> memref<640xf32, #tpu.memory_space<vmem_shared>>
        tpu.enqueue_dma source(%dma_start3A_70 : memref<640xf32, #tpu.memory_space<vmem_shared>>) target(%dma_start3A : memref<640xf32, #tpu.memory_space<hbm>>) target_semaphore(%run_scoped3A : memref<!tpu.dma_semaphore, #tpu.memory_space<semaphore_mem>>)
        %dma_wait3A = tpu.memref_slice %arg4[%mul3A_69] : memref<10240xf32, #tpu.memory_space<hbm>> -> memref<640xf32, #tpu.memory_space<hbm>>
        %dma_wait3A_71 = tpu.memref_slice %arg8[%mul3A_67] : memref<10240xf32, #tpu.memory_space<vmem_shared>> -> memref<640xf32, #tpu.memory_space<vmem_shared>>
        tpu.wait_dma2 semaphore(%run_scoped3A : memref<!tpu.dma_semaphore, #tpu.memory_space<semaphore_mem>>) src(%dma_wait3A_71 : memref<640xf32, #tpu.memory_space<vmem_shared>>) dst(%dma_wait3A : memref<640xf32, #tpu.memory_space<hbm>>)
        tpu.yield
      }) : () -> ()
    } else {
    }
    return
  }
}

#map = affine_map<(d0, d1) -> (0, 0, 0)>
#map1 = affine_map<(d0, d1) -> (0, 0)>
module attributes {stable_mosaic.version = 14 : i64} {
  func.func @agg_kernel(%arg0: i32, %arg1: i32, %arg2: memref<32x40x128xi32, #tpu.memory_space<hbm>>, %arg3: memref<32x40x128xi32, #tpu.memory_space<hbm>>, %arg4: memref<10240x128xf32, #tpu.memory_space<hbm>>, %arg5: memref<10240x128xf32, #tpu.memory_space<hbm>>, %arg6: memref<10240x128xf32, #tpu.memory_space<hbm>>, %arg7: memref<10240x128xf32, #tpu.memory_space<hbm>>, %arg8: memref<40x128xi32, #tpu.memory_space<vmem>>, %arg9: memref<40x128xi32, #tpu.memory_space<vmem>>, %arg10: memref<2x128x128xf32, #tpu.memory_space<vmem>>, %arg11: memref<10240x128xf32, #tpu.memory_space<vmem_shared>>, %arg12: memref<!tpu.dma_semaphore, #tpu.memory_space<semaphore_mem>>, %arg13: memref<!tpu.dma_semaphore, #tpu.memory_space<semaphore_mem>>) attributes {dimension_semantics = [#tpu.dimension_semantics<core_parallel>, #tpu.dimension_semantics<subcore_parallel>], iteration_bounds = array<i64: 2, 16>, scalar_prefetch = 0 : i64, scratch_operands = 6 : i64, tpu.core_type = #tpu.core_type<sc_vector_subcore>, window_params = [{transform_indices = #map}, {transform_indices = #map}, {transform_indices = #map1}, {transform_indices = #map1}, {transform_indices = #map1}, {transform_indices = #map1}]} {
    %eq3A = arith.constant 0 : i32
    %eq3A_0 = arith.cmpi eq, %arg0, %eq3A : i32
    %convert_element_type3A = arith.extui %eq3A_0 : i1 to i32
    %cond3A = arith.constant 0 : i32
    %cond3A_1 = arith.cmpi ne, %convert_element_type3A, %cond3A : i32
    scf.if %cond3A_1 {
      %scan3A = arith.constant 0 : i32
      %scan3A_7 = arith.constant 0 : i32
      %scan3A_8 = arith.constant 128 : i32
      %scan3A_9 = arith.addi %scan3A_7, %scan3A_8 : i32
      %scan3A_10 = arith.constant 1 : i32
      scf.for %scan3A_114 = %scan3A_7 to %scan3A_9 step %scan3A_10  : i32 {
        %broadcast_in_dim3A = arith.constant 0.000000e+00 : f32
        %broadcast_in_dim3A_115 = vector.broadcast %broadcast_in_dim3A : f32 to vector<16xf32>
        %swap3A = arith.constant 0 : i32
        %swap3A_116 = arith.index_cast %swap3A : i32 to index
        %swap3A_117 = arith.index_cast %scan3A_114 : i32 to index
        %swap3A_118 = arith.constant 0 : index
        %swap3A_119 = tpu.vector_load %arg10[%swap3A_116, %swap3A_117, %swap3A_118] {strides = array<i32>} : memref<2x128x128xf32, #tpu.memory_space<vmem>>, vector<16xf32>,
        tpu.vector_store %arg10[%swap3A_116, %swap3A_117, %swap3A_118], %broadcast_in_dim3A_115 {strides = array<i32>} : memref<2x128x128xf32, #tpu.memory_space<vmem>>, vector<16xf32>,
        %broadcast_in_dim3A_120 = arith.constant 0.000000e+00 : f32
        %broadcast_in_dim3A_121 = vector.broadcast %broadcast_in_dim3A_120 : f32 to vector<16xf32>
        %swap3A_122 = arith.constant 0 : i32
        %swap3A_123 = arith.index_cast %swap3A_122 : i32 to index
        %swap3A_124 = arith.index_cast %scan3A_114 : i32 to index
        %swap3A_125 = arith.constant 16 : index
        %swap3A_126 = tpu.vector_load %arg10[%swap3A_123, %swap3A_124, %swap3A_125] {strides = array<i32>} : memref<2x128x128xf32, #tpu.memory_space<vmem>>, vector<16xf32>,
        tpu.vector_store %arg10[%swap3A_123, %swap3A_124, %swap3A_125], %broadcast_in_dim3A_121 {strides = array<i32>} : memref<2x128x128xf32, #tpu.memory_space<vmem>>, vector<16xf32>,
        %broadcast_in_dim3A_127 = arith.constant 0.000000e+00 : f32
        %broadcast_in_dim3A_128 = vector.broadcast %broadcast_in_dim3A_127 : f32 to vector<16xf32>
        %swap3A_129 = arith.constant 0 : i32
        %swap3A_130 = arith.index_cast %swap3A_129 : i32 to index
        %swap3A_131 = arith.index_cast %scan3A_114 : i32 to index
        %swap3A_132 = arith.constant 32 : index
        %swap3A_133 = tpu.vector_load %arg10[%swap3A_130, %swap3A_131, %swap3A_132] {strides = array<i32>} : memref<2x128x128xf32, #tpu.memory_space<vmem>>, vector<16xf32>,
        tpu.vector_store %arg10[%swap3A_130, %swap3A_131, %swap3A_132], %broadcast_in_dim3A_128 {strides = array<i32>} : memref<2x128x128xf32, #tpu.memory_space<vmem>>, vector<16xf32>,
        %broadcast_in_dim3A_134 = arith.constant 0.000000e+00 : f32
        %broadcast_in_dim3A_135 = vector.broadcast %broadcast_in_dim3A_134 : f32 to vector<16xf32>
        %swap3A_136 = arith.constant 0 : i32
        %swap3A_137 = arith.index_cast %swap3A_136 : i32 to index
        %swap3A_138 = arith.index_cast %scan3A_114 : i32 to index
        %swap3A_139 = arith.constant 48 : index
        %swap3A_140 = tpu.vector_load %arg10[%swap3A_137, %swap3A_138, %swap3A_139] {strides = array<i32>} : memref<2x128x128xf32, #tpu.memory_space<vmem>>, vector<16xf32>,
        tpu.vector_store %arg10[%swap3A_137, %swap3A_138, %swap3A_139], %broadcast_in_dim3A_135 {strides = array<i32>} : memref<2x128x128xf32, #tpu.memory_space<vmem>>, vector<16xf32>,
        %broadcast_in_dim3A_141 = arith.constant 0.000000e+00 : f32
        %broadcast_in_dim3A_142 = vector.broadcast %broadcast_in_dim3A_141 : f32 to vector<16xf32>
        %swap3A_143 = arith.constant 0 : i32
        %swap3A_144 = arith.index_cast %swap3A_143 : i32 to index
        %swap3A_145 = arith.index_cast %scan3A_114 : i32 to index
        %swap3A_146 = arith.constant 64 : index
        %swap3A_147 = tpu.vector_load %arg10[%swap3A_144, %swap3A_145, %swap3A_146] {strides = array<i32>} : memref<2x128x128xf32, #tpu.memory_space<vmem>>, vector<16xf32>,
        tpu.vector_store %arg10[%swap3A_144, %swap3A_145, %swap3A_146], %broadcast_in_dim3A_142 {strides = array<i32>} : memref<2x128x128xf32, #tpu.memory_space<vmem>>, vector<16xf32>,
        %broadcast_in_dim3A_148 = arith.constant 0.000000e+00 : f32
        %broadcast_in_dim3A_149 = vector.broadcast %broadcast_in_dim3A_148 : f32 to vector<16xf32>
        %swap3A_150 = arith.constant 0 : i32
        %swap3A_151 = arith.index_cast %swap3A_150 : i32 to index
        %swap3A_152 = arith.index_cast %scan3A_114 : i32 to index
        %swap3A_153 = arith.constant 80 : index
        %swap3A_154 = tpu.vector_load %arg10[%swap3A_151, %swap3A_152, %swap3A_153] {strides = array<i32>} : memref<2x128x128xf32, #tpu.memory_space<vmem>>, vector<16xf32>,
        tpu.vector_store %arg10[%swap3A_151, %swap3A_152, %swap3A_153], %broadcast_in_dim3A_149 {strides = array<i32>} : memref<2x128x128xf32, #tpu.memory_space<vmem>>, vector<16xf32>,
        %broadcast_in_dim3A_155 = arith.constant 0.000000e+00 : f32
        %broadcast_in_dim3A_156 = vector.broadcast %broadcast_in_dim3A_155 : f32 to vector<16xf32>
        %swap3A_157 = arith.constant 0 : i32
        %swap3A_158 = arith.index_cast %swap3A_157 : i32 to index
        %swap3A_159 = arith.index_cast %scan3A_114 : i32 to index
        %swap3A_160 = arith.constant 96 : index
        %swap3A_161 = tpu.vector_load %arg10[%swap3A_158, %swap3A_159, %swap3A_160] {strides = array<i32>} : memref<2x128x128xf32, #tpu.memory_space<vmem>>, vector<16xf32>,
        tpu.vector_store %arg10[%swap3A_158, %swap3A_159, %swap3A_160], %broadcast_in_dim3A_156 {strides = array<i32>} : memref<2x128x128xf32, #tpu.memory_space<vmem>>, vector<16xf32>,
        %broadcast_in_dim3A_162 = arith.constant 0.000000e+00 : f32
        %broadcast_in_dim3A_163 = vector.broadcast %broadcast_in_dim3A_162 : f32 to vector<16xf32>
        %swap3A_164 = arith.constant 0 : i32
        %swap3A_165 = arith.index_cast %swap3A_164 : i32 to index
        %swap3A_166 = arith.index_cast %scan3A_114 : i32 to index
        %swap3A_167 = arith.constant 112 : index
        %swap3A_168 = tpu.vector_load %arg10[%swap3A_165, %swap3A_166, %swap3A_167] {strides = array<i32>} : memref<2x128x128xf32, #tpu.memory_space<vmem>>, vector<16xf32>,
        tpu.vector_store %arg10[%swap3A_165, %swap3A_166, %swap3A_167], %broadcast_in_dim3A_163 {strides = array<i32>} : memref<2x128x128xf32, #tpu.memory_space<vmem>>, vector<16xf32>,
      }
      %scan3A_11 = arith.constant 128 : i32
      %mul3A = arith.constant 640 : i32
      %mul3A_12 = arith.muli %arg1, %mul3A : i32
      %add3A = arith.constant 0 : i32
      %add3A_13 = arith.addi %mul3A_12, %add3A : i32
      %run_scoped3A = arith.constant 0 : i32
      "tpu.region"() ({
        %run_scoped3A_114 = tpu.sem_alloc : memref<!tpu.dma_semaphore, #tpu.memory_space<semaphore_mem>>
        %dma_start3A_115 = arith.constant 0 : i32
        %dma_start3A_116 = arith.constant 0 : i32
        %dma_start3A_117 = tpu.memref_slice %arg10[%run_scoped3A, %dma_start3A_115, %dma_start3A_116] : memref<2x128x128xf32, #tpu.memory_space<vmem>> -> memref<1x128x128xf32, #tpu.memory_space<vmem>>
        %dma_start3A_118 = tpu.memref_squeeze %dma_start3A_117 : memref<1x128x128xf32, #tpu.memory_space<vmem>> -> memref<128x128xf32, #tpu.memory_space<vmem>>
        %dma_start3A_119 = arith.constant 0 : i32
        %dma_start3A_120 = tpu.memref_slice %arg11[%add3A_13, %dma_start3A_119] : memref<10240x128xf32, #tpu.memory_space<vmem_shared>> -> memref<128x128xf32, #tpu.memory_space<vmem_shared>>
        %dma_start3A_121 = arith.constant 0 : i32
        %dma_start3A_122 = tpu.memref_slice %arg11[%add3A_13, %dma_start3A_121] : memref<10240x128xf32, #tpu.memory_space<vmem_shared>> -> memref<128x128xf32, #tpu.memory_space<vmem_shared>>
        %dma_start3A_123 = arith.constant 0 : i32
        %dma_start3A_124 = arith.constant 0 : i32
        %dma_start3A_125 = tpu.memref_slice %arg10[%run_scoped3A, %dma_start3A_123, %dma_start3A_124] : memref<2x128x128xf32, #tpu.memory_space<vmem>> -> memref<1x128x128xf32, #tpu.memory_space<vmem>>
        %dma_start3A_126 = tpu.memref_squeeze %dma_start3A_125 : memref<1x128x128xf32, #tpu.memory_space<vmem>> -> memref<128x128xf32, #tpu.memory_space<vmem>>
        tpu.enqueue_dma source(%dma_start3A_126 : memref<128x128xf32, #tpu.memory_space<vmem>>) target(%dma_start3A_122 : memref<128x128xf32, #tpu.memory_space<vmem_shared>>) target_semaphore(%run_scoped3A_114 : memref<!tpu.dma_semaphore, #tpu.memory_space<semaphore_mem>>)
        %dma_wait3A = arith.constant 0 : i32
        %dma_wait3A_127 = arith.constant 0 : i32
        %dma_wait3A_128 = tpu.memref_slice %arg10[%run_scoped3A, %dma_wait3A, %dma_wait3A_127] : memref<2x128x128xf32, #tpu.memory_space<vmem>> -> memref<1x128x128xf32, #tpu.memory_space<vmem>>
        %dma_wait3A_129 = tpu.memref_squeeze %dma_wait3A_128 : memref<1x128x128xf32, #tpu.memory_space<vmem>> -> memref<128x128xf32, #tpu.memory_space<vmem>>
        %dma_wait3A_130 = arith.constant 0 : i32
        %dma_wait3A_131 = tpu.memref_slice %arg11[%add3A_13, %dma_wait3A_130] : memref<10240x128xf32, #tpu.memory_space<vmem_shared>> -> memref<128x128xf32, #tpu.memory_space<vmem_shared>>
        %dma_wait3A_132 = arith.constant 0 : i32
        %dma_wait3A_133 = tpu.memref_slice %arg11[%add3A_13, %dma_wait3A_132] : memref<10240x128xf32, #tpu.memory_space<vmem_shared>> -> memref<128x128xf32, #tpu.memory_space<vmem_shared>>
        %dma_wait3A_134 = arith.constant 0 : i32
        %dma_wait3A_135 = arith.constant 0 : i32
        %dma_wait3A_136 = tpu.memref_slice %arg10[%run_scoped3A, %dma_wait3A_134, %dma_wait3A_135] : memref<2x128x128xf32, #tpu.memory_space<vmem>> -> memref<1x128x128xf32, #tpu.memory_space<vmem>>
        %dma_wait3A_137 = tpu.memref_squeeze %dma_wait3A_136 : memref<1x128x128xf32, #tpu.memory_space<vmem>> -> memref<128x128xf32, #tpu.memory_space<vmem>>
        tpu.wait_dma2 semaphore(%run_scoped3A_114 : memref<!tpu.dma_semaphore, #tpu.memory_space<semaphore_mem>>) src(%dma_wait3A_137 : memref<128x128xf32, #tpu.memory_space<vmem>>) dst(%dma_wait3A_133 : memref<128x128xf32, #tpu.memory_space<vmem_shared>>)
        tpu.yield
      }) : () -> ()
      %mul3A_14 = arith.constant 640 : i32
      %mul3A_15 = arith.muli %arg1, %mul3A_14 : i32
      %add3A_16 = arith.constant 128 : i32
      %add3A_17 = arith.addi %mul3A_15, %add3A_16 : i32
      %run_scoped3A_18 = arith.constant 0 : i32
      "tpu.region"() ({
        %run_scoped3A_114 = tpu.sem_alloc : memref<!tpu.dma_semaphore, #tpu.memory_space<semaphore_mem>>
        %dma_start3A_115 = arith.constant 0 : i32
        %dma_start3A_116 = arith.constant 0 : i32
        %dma_start3A_117 = tpu.memref_slice %arg10[%run_scoped3A_18, %dma_start3A_115, %dma_start3A_116] : memref<2x128x128xf32, #tpu.memory_space<vmem>> -> memref<1x128x128xf32, #tpu.memory_space<vmem>>
        %dma_start3A_118 = tpu.memref_squeeze %dma_start3A_117 : memref<1x128x128xf32, #tpu.memory_space<vmem>> -> memref<128x128xf32, #tpu.memory_space<vmem>>
        %dma_start3A_119 = arith.constant 0 : i32
        %dma_start3A_120 = tpu.memref_slice %arg11[%add3A_17, %dma_start3A_119] : memref<10240x128xf32, #tpu.memory_space<vmem_shared>> -> memref<128x128xf32, #tpu.memory_space<vmem_shared>>
        %dma_start3A_121 = arith.constant 0 : i32
        %dma_start3A_122 = tpu.memref_slice %arg11[%add3A_17, %dma_start3A_121] : memref<10240x128xf32, #tpu.memory_space<vmem_shared>> -> memref<128x128xf32, #tpu.memory_space<vmem_shared>>
        %dma_start3A_123 = arith.constant 0 : i32
        %dma_start3A_124 = arith.constant 0 : i32
        %dma_start3A_125 = tpu.memref_slice %arg10[%run_scoped3A_18, %dma_start3A_123, %dma_start3A_124] : memref<2x128x128xf32, #tpu.memory_space<vmem>> -> memref<1x128x128xf32, #tpu.memory_space<vmem>>
        %dma_start3A_126 = tpu.memref_squeeze %dma_start3A_125 : memref<1x128x128xf32, #tpu.memory_space<vmem>> -> memref<128x128xf32, #tpu.memory_space<vmem>>
        tpu.enqueue_dma source(%dma_start3A_126 : memref<128x128xf32, #tpu.memory_space<vmem>>) target(%dma_start3A_122 : memref<128x128xf32, #tpu.memory_space<vmem_shared>>) target_semaphore(%run_scoped3A_114 : memref<!tpu.dma_semaphore, #tpu.memory_space<semaphore_mem>>)
        %dma_wait3A = arith.constant 0 : i32
        %dma_wait3A_127 = arith.constant 0 : i32
        %dma_wait3A_128 = tpu.memref_slice %arg10[%run_scoped3A_18, %dma_wait3A, %dma_wait3A_127] : memref<2x128x128xf32, #tpu.memory_space<vmem>> -> memref<1x128x128xf32, #tpu.memory_space<vmem>>
        %dma_wait3A_129 = tpu.memref_squeeze %dma_wait3A_128 : memref<1x128x128xf32, #tpu.memory_space<vmem>> -> memref<128x128xf32, #tpu.memory_space<vmem>>
        %dma_wait3A_130 = arith.constant 0 : i32
        %dma_wait3A_131 = tpu.memref_slice %arg11[%add3A_17, %dma_wait3A_130] : memref<10240x128xf32, #tpu.memory_space<vmem_shared>> -> memref<128x128xf32, #tpu.memory_space<vmem_shared>>
        %dma_wait3A_132 = arith.constant 0 : i32
        %dma_wait3A_133 = tpu.memref_slice %arg11[%add3A_17, %dma_wait3A_132] : memref<10240x128xf32, #tpu.memory_space<vmem_shared>> -> memref<128x128xf32, #tpu.memory_space<vmem_shared>>
        %dma_wait3A_134 = arith.constant 0 : i32
        %dma_wait3A_135 = arith.constant 0 : i32
        %dma_wait3A_136 = tpu.memref_slice %arg10[%run_scoped3A_18, %dma_wait3A_134, %dma_wait3A_135] : memref<2x128x128xf32, #tpu.memory_space<vmem>> -> memref<1x128x128xf32, #tpu.memory_space<vmem>>
        %dma_wait3A_137 = tpu.memref_squeeze %dma_wait3A_136 : memref<1x128x128xf32, #tpu.memory_space<vmem>> -> memref<128x128xf32, #tpu.memory_space<vmem>>
        tpu.wait_dma2 semaphore(%run_scoped3A_114 : memref<!tpu.dma_semaphore, #tpu.memory_space<semaphore_mem>>) src(%dma_wait3A_137 : memref<128x128xf32, #tpu.memory_space<vmem>>) dst(%dma_wait3A_133 : memref<128x128xf32, #tpu.memory_space<vmem_shared>>)
        tpu.yield
      }) : () -> ()
      %mul3A_19 = arith.constant 640 : i32
      %mul3A_20 = arith.muli %arg1, %mul3A_19 : i32
      %add3A_21 = arith.constant 256 : i32
      %add3A_22 = arith.addi %mul3A_20, %add3A_21 : i32
      %run_scoped3A_23 = arith.constant 0 : i32
      "tpu.region"() ({
        %run_scoped3A_114 = tpu.sem_alloc : memref<!tpu.dma_semaphore, #tpu.memory_space<semaphore_mem>>
        %dma_start3A_115 = arith.constant 0 : i32
        %dma_start3A_116 = arith.constant 0 : i32
        %dma_start3A_117 = tpu.memref_slice %arg10[%run_scoped3A_23, %dma_start3A_115, %dma_start3A_116] : memref<2x128x128xf32, #tpu.memory_space<vmem>> -> memref<1x128x128xf32, #tpu.memory_space<vmem>>
        %dma_start3A_118 = tpu.memref_squeeze %dma_start3A_117 : memref<1x128x128xf32, #tpu.memory_space<vmem>> -> memref<128x128xf32, #tpu.memory_space<vmem>>
        %dma_start3A_119 = arith.constant 0 : i32
        %dma_start3A_120 = tpu.memref_slice %arg11[%add3A_22, %dma_start3A_119] : memref<10240x128xf32, #tpu.memory_space<vmem_shared>> -> memref<128x128xf32, #tpu.memory_space<vmem_shared>>
        %dma_start3A_121 = arith.constant 0 : i32
        %dma_start3A_122 = tpu.memref_slice %arg11[%add3A_22, %dma_start3A_121] : memref<10240x128xf32, #tpu.memory_space<vmem_shared>> -> memref<128x128xf32, #tpu.memory_space<vmem_shared>>
        %dma_start3A_123 = arith.constant 0 : i32
        %dma_start3A_124 = arith.constant 0 : i32
        %dma_start3A_125 = tpu.memref_slice %arg10[%run_scoped3A_23, %dma_start3A_123, %dma_start3A_124] : memref<2x128x128xf32, #tpu.memory_space<vmem>> -> memref<1x128x128xf32, #tpu.memory_space<vmem>>
        %dma_start3A_126 = tpu.memref_squeeze %dma_start3A_125 : memref<1x128x128xf32, #tpu.memory_space<vmem>> -> memref<128x128xf32, #tpu.memory_space<vmem>>
        tpu.enqueue_dma source(%dma_start3A_126 : memref<128x128xf32, #tpu.memory_space<vmem>>) target(%dma_start3A_122 : memref<128x128xf32, #tpu.memory_space<vmem_shared>>) target_semaphore(%run_scoped3A_114 : memref<!tpu.dma_semaphore, #tpu.memory_space<semaphore_mem>>)
        %dma_wait3A = arith.constant 0 : i32
        %dma_wait3A_127 = arith.constant 0 : i32
        %dma_wait3A_128 = tpu.memref_slice %arg10[%run_scoped3A_23, %dma_wait3A, %dma_wait3A_127] : memref<2x128x128xf32, #tpu.memory_space<vmem>> -> memref<1x128x128xf32, #tpu.memory_space<vmem>>
        %dma_wait3A_129 = tpu.memref_squeeze %dma_wait3A_128 : memref<1x128x128xf32, #tpu.memory_space<vmem>> -> memref<128x128xf32, #tpu.memory_space<vmem>>
        %dma_wait3A_130 = arith.constant 0 : i32
        %dma_wait3A_131 = tpu.memref_slice %arg11[%add3A_22, %dma_wait3A_130] : memref<10240x128xf32, #tpu.memory_space<vmem_shared>> -> memref<128x128xf32, #tpu.memory_space<vmem_shared>>
        %dma_wait3A_132 = arith.constant 0 : i32
        %dma_wait3A_133 = tpu.memref_slice %arg11[%add3A_22, %dma_wait3A_132] : memref<10240x128xf32, #tpu.memory_space<vmem_shared>> -> memref<128x128xf32, #tpu.memory_space<vmem_shared>>
        %dma_wait3A_134 = arith.constant 0 : i32
        %dma_wait3A_135 = arith.constant 0 : i32
        %dma_wait3A_136 = tpu.memref_slice %arg10[%run_scoped3A_23, %dma_wait3A_134, %dma_wait3A_135] : memref<2x128x128xf32, #tpu.memory_space<vmem>> -> memref<1x128x128xf32, #tpu.memory_space<vmem>>
        %dma_wait3A_137 = tpu.memref_squeeze %dma_wait3A_136 : memref<1x128x128xf32, #tpu.memory_space<vmem>> -> memref<128x128xf32, #tpu.memory_space<vmem>>
        tpu.wait_dma2 semaphore(%run_scoped3A_114 : memref<!tpu.dma_semaphore, #tpu.memory_space<semaphore_mem>>) src(%dma_wait3A_137 : memref<128x128xf32, #tpu.memory_space<vmem>>) dst(%dma_wait3A_133 : memref<128x128xf32, #tpu.memory_space<vmem_shared>>)
        tpu.yield
      }) : () -> ()
      %mul3A_24 = arith.constant 640 : i32
      %mul3A_25 = arith.muli %arg1, %mul3A_24 : i32
      %add3A_26 = arith.constant 384 : i32
      %add3A_27 = arith.addi %mul3A_25, %add3A_26 : i32
      %run_scoped3A_28 = arith.constant 0 : i32
      "tpu.region"() ({
        %run_scoped3A_114 = tpu.sem_alloc : memref<!tpu.dma_semaphore, #tpu.memory_space<semaphore_mem>>
        %dma_start3A_115 = arith.constant 0 : i32
        %dma_start3A_116 = arith.constant 0 : i32
        %dma_start3A_117 = tpu.memref_slice %arg10[%run_scoped3A_28, %dma_start3A_115, %dma_start3A_116] : memref<2x128x128xf32, #tpu.memory_space<vmem>> -> memref<1x128x128xf32, #tpu.memory_space<vmem>>
        %dma_start3A_118 = tpu.memref_squeeze %dma_start3A_117 : memref<1x128x128xf32, #tpu.memory_space<vmem>> -> memref<128x128xf32, #tpu.memory_space<vmem>>
        %dma_start3A_119 = arith.constant 0 : i32
        %dma_start3A_120 = tpu.memref_slice %arg11[%add3A_27, %dma_start3A_119] : memref<10240x128xf32, #tpu.memory_space<vmem_shared>> -> memref<128x128xf32, #tpu.memory_space<vmem_shared>>
        %dma_start3A_121 = arith.constant 0 : i32
        %dma_start3A_122 = tpu.memref_slice %arg11[%add3A_27, %dma_start3A_121] : memref<10240x128xf32, #tpu.memory_space<vmem_shared>> -> memref<128x128xf32, #tpu.memory_space<vmem_shared>>
        %dma_start3A_123 = arith.constant 0 : i32
        %dma_start3A_124 = arith.constant 0 : i32
        %dma_start3A_125 = tpu.memref_slice %arg10[%run_scoped3A_28, %dma_start3A_123, %dma_start3A_124] : memref<2x128x128xf32, #tpu.memory_space<vmem>> -> memref<1x128x128xf32, #tpu.memory_space<vmem>>
        %dma_start3A_126 = tpu.memref_squeeze %dma_start3A_125 : memref<1x128x128xf32, #tpu.memory_space<vmem>> -> memref<128x128xf32, #tpu.memory_space<vmem>>
        tpu.enqueue_dma source(%dma_start3A_126 : memref<128x128xf32, #tpu.memory_space<vmem>>) target(%dma_start3A_122 : memref<128x128xf32, #tpu.memory_space<vmem_shared>>) target_semaphore(%run_scoped3A_114 : memref<!tpu.dma_semaphore, #tpu.memory_space<semaphore_mem>>)
        %dma_wait3A = arith.constant 0 : i32
        %dma_wait3A_127 = arith.constant 0 : i32
        %dma_wait3A_128 = tpu.memref_slice %arg10[%run_scoped3A_28, %dma_wait3A, %dma_wait3A_127] : memref<2x128x128xf32, #tpu.memory_space<vmem>> -> memref<1x128x128xf32, #tpu.memory_space<vmem>>
        %dma_wait3A_129 = tpu.memref_squeeze %dma_wait3A_128 : memref<1x128x128xf32, #tpu.memory_space<vmem>> -> memref<128x128xf32, #tpu.memory_space<vmem>>
        %dma_wait3A_130 = arith.constant 0 : i32
        %dma_wait3A_131 = tpu.memref_slice %arg11[%add3A_27, %dma_wait3A_130] : memref<10240x128xf32, #tpu.memory_space<vmem_shared>> -> memref<128x128xf32, #tpu.memory_space<vmem_shared>>
        %dma_wait3A_132 = arith.constant 0 : i32
        %dma_wait3A_133 = tpu.memref_slice %arg11[%add3A_27, %dma_wait3A_132] : memref<10240x128xf32, #tpu.memory_space<vmem_shared>> -> memref<128x128xf32, #tpu.memory_space<vmem_shared>>
        %dma_wait3A_134 = arith.constant 0 : i32
        %dma_wait3A_135 = arith.constant 0 : i32
        %dma_wait3A_136 = tpu.memref_slice %arg10[%run_scoped3A_28, %dma_wait3A_134, %dma_wait3A_135] : memref<2x128x128xf32, #tpu.memory_space<vmem>> -> memref<1x128x128xf32, #tpu.memory_space<vmem>>
        %dma_wait3A_137 = tpu.memref_squeeze %dma_wait3A_136 : memref<1x128x128xf32, #tpu.memory_space<vmem>> -> memref<128x128xf32, #tpu.memory_space<vmem>>
        tpu.wait_dma2 semaphore(%run_scoped3A_114 : memref<!tpu.dma_semaphore, #tpu.memory_space<semaphore_mem>>) src(%dma_wait3A_137 : memref<128x128xf32, #tpu.memory_space<vmem>>) dst(%dma_wait3A_133 : memref<128x128xf32, #tpu.memory_space<vmem_shared>>)
        tpu.yield
      }) : () -> ()
      %mul3A_29 = arith.constant 640 : i32
      %mul3A_30 = arith.muli %arg1, %mul3A_29 : i32
      %add3A_31 = arith.constant 512 : i32
      %add3A_32 = arith.addi %mul3A_30, %add3A_31 : i32
      %run_scoped3A_33 = arith.constant 0 : i32
      "tpu.region"() ({
        %run_scoped3A_114 = tpu.sem_alloc : memref<!tpu.dma_semaphore, #tpu.memory_space<semaphore_mem>>
        %dma_start3A_115 = arith.constant 0 : i32
        %dma_start3A_116 = arith.constant 0 : i32
        %dma_start3A_117 = tpu.memref_slice %arg10[%run_scoped3A_33, %dma_start3A_115, %dma_start3A_116] : memref<2x128x128xf32, #tpu.memory_space<vmem>> -> memref<1x128x128xf32, #tpu.memory_space<vmem>>
        %dma_start3A_118 = tpu.memref_squeeze %dma_start3A_117 : memref<1x128x128xf32, #tpu.memory_space<vmem>> -> memref<128x128xf32, #tpu.memory_space<vmem>>
        %dma_start3A_119 = arith.constant 0 : i32
        %dma_start3A_120 = tpu.memref_slice %arg11[%add3A_32, %dma_start3A_119] : memref<10240x128xf32, #tpu.memory_space<vmem_shared>> -> memref<128x128xf32, #tpu.memory_space<vmem_shared>>
        %dma_start3A_121 = arith.constant 0 : i32
        %dma_start3A_122 = tpu.memref_slice %arg11[%add3A_32, %dma_start3A_121] : memref<10240x128xf32, #tpu.memory_space<vmem_shared>> -> memref<128x128xf32, #tpu.memory_space<vmem_shared>>
        %dma_start3A_123 = arith.constant 0 : i32
        %dma_start3A_124 = arith.constant 0 : i32
        %dma_start3A_125 = tpu.memref_slice %arg10[%run_scoped3A_33, %dma_start3A_123, %dma_start3A_124] : memref<2x128x128xf32, #tpu.memory_space<vmem>> -> memref<1x128x128xf32, #tpu.memory_space<vmem>>
        %dma_start3A_126 = tpu.memref_squeeze %dma_start3A_125 : memref<1x128x128xf32, #tpu.memory_space<vmem>> -> memref<128x128xf32, #tpu.memory_space<vmem>>
        tpu.enqueue_dma source(%dma_start3A_126 : memref<128x128xf32, #tpu.memory_space<vmem>>) target(%dma_start3A_122 : memref<128x128xf32, #tpu.memory_space<vmem_shared>>) target_semaphore(%run_scoped3A_114 : memref<!tpu.dma_semaphore, #tpu.memory_space<semaphore_mem>>)
        %dma_wait3A = arith.constant 0 : i32
        %dma_wait3A_127 = arith.constant 0 : i32
        %dma_wait3A_128 = tpu.memref_slice %arg10[%run_scoped3A_33, %dma_wait3A, %dma_wait3A_127] : memref<2x128x128xf32, #tpu.memory_space<vmem>> -> memref<1x128x128xf32, #tpu.memory_space<vmem>>
        %dma_wait3A_129 = tpu.memref_squeeze %dma_wait3A_128 : memref<1x128x128xf32, #tpu.memory_space<vmem>> -> memref<128x128xf32, #tpu.memory_space<vmem>>
        %dma_wait3A_130 = arith.constant 0 : i32
        %dma_wait3A_131 = tpu.memref_slice %arg11[%add3A_32, %dma_wait3A_130] : memref<10240x128xf32, #tpu.memory_space<vmem_shared>> -> memref<128x128xf32, #tpu.memory_space<vmem_shared>>
        %dma_wait3A_132 = arith.constant 0 : i32
        %dma_wait3A_133 = tpu.memref_slice %arg11[%add3A_32, %dma_wait3A_132] : memref<10240x128xf32, #tpu.memory_space<vmem_shared>> -> memref<128x128xf32, #tpu.memory_space<vmem_shared>>
        %dma_wait3A_134 = arith.constant 0 : i32
        %dma_wait3A_135 = arith.constant 0 : i32
        %dma_wait3A_136 = tpu.memref_slice %arg10[%run_scoped3A_33, %dma_wait3A_134, %dma_wait3A_135] : memref<2x128x128xf32, #tpu.memory_space<vmem>> -> memref<1x128x128xf32, #tpu.memory_space<vmem>>
        %dma_wait3A_137 = tpu.memref_squeeze %dma_wait3A_136 : memref<1x128x128xf32, #tpu.memory_space<vmem>> -> memref<128x128xf32, #tpu.memory_space<vmem>>
        tpu.wait_dma2 semaphore(%run_scoped3A_114 : memref<!tpu.dma_semaphore, #tpu.memory_space<semaphore_mem>>) src(%dma_wait3A_137 : memref<128x128xf32, #tpu.memory_space<vmem>>) dst(%dma_wait3A_133 : memref<128x128xf32, #tpu.memory_space<vmem_shared>>)
        tpu.yield
      }) : () -> ()
      %barrier3A = arith.constant 0 : index
      tpu.barrier barrier_id(%barrier3A)
      %mul3A_34 = arith.constant 2 : i32
      %mul3A_35 = arith.muli %mul3A_34, %arg1 : i32
      %add3A_36 = arith.constant 0 : i32
      %add3A_37 = arith.addi %mul3A_35, %add3A_36 : i32
      "tpu.region"() ({
        %run_scoped3A_114 = tpu.sem_alloc : memref<!tpu.dma_semaphore, #tpu.memory_space<semaphore_mem>>
        %dma_start3A_115 = arith.constant 0 : i32
        %dma_start3A_116 = arith.constant 0 : i32
        %dma_start3A_117 = tpu.memref_slice %arg2[%add3A_37, %dma_start3A_115, %dma_start3A_116] : memref<32x40x128xi32, #tpu.memory_space<hbm>> -> memref<1x40x128xi32, #tpu.memory_space<hbm>>
        %dma_start3A_118 = tpu.memref_squeeze %dma_start3A_117 : memref<1x40x128xi32, #tpu.memory_space<hbm>> -> memref<40x128xi32, #tpu.memory_space<hbm>>
        %dma_start3A_119 = arith.constant 0 : i32
        %dma_start3A_120 = arith.constant 0 : i32
        %dma_start3A_121 = tpu.memref_slice %arg2[%add3A_37, %dma_start3A_119, %dma_start3A_120] : memref<32x40x128xi32, #tpu.memory_space<hbm>> -> memref<1x40x128xi32, #tpu.memory_space<hbm>>
        %dma_start3A_122 = tpu.memref_squeeze %dma_start3A_121 : memref<1x40x128xi32, #tpu.memory_space<hbm>> -> memref<40x128xi32, #tpu.memory_space<hbm>>
        tpu.enqueue_dma source(%dma_start3A_122 : memref<40x128xi32, #tpu.memory_space<hbm>>) target(%arg8 : memref<40x128xi32, #tpu.memory_space<vmem>>) target_semaphore(%run_scoped3A_114 : memref<!tpu.dma_semaphore, #tpu.memory_space<semaphore_mem>>)
        %dma_wait3A = arith.constant 0 : i32
        %dma_wait3A_123 = arith.constant 0 : i32
        %dma_wait3A_124 = tpu.memref_slice %arg2[%add3A_37, %dma_wait3A, %dma_wait3A_123] : memref<32x40x128xi32, #tpu.memory_space<hbm>> -> memref<1x40x128xi32, #tpu.memory_space<hbm>>
        %dma_wait3A_125 = tpu.memref_squeeze %dma_wait3A_124 : memref<1x40x128xi32, #tpu.memory_space<hbm>> -> memref<40x128xi32, #tpu.memory_space<hbm>>
        %dma_wait3A_126 = arith.constant 0 : i32
        %dma_wait3A_127 = arith.constant 0 : i32
        %dma_wait3A_128 = tpu.memref_slice %arg2[%add3A_37, %dma_wait3A_126, %dma_wait3A_127] : memref<32x40x128xi32, #tpu.memory_space<hbm>> -> memref<1x40x128xi32, #tpu.memory_space<hbm>>
        %dma_wait3A_129 = tpu.memref_squeeze %dma_wait3A_128 : memref<1x40x128xi32, #tpu.memory_space<hbm>> -> memref<40x128xi32, #tpu.memory_space<hbm>>
        tpu.wait_dma2 semaphore(%run_scoped3A_114 : memref<!tpu.dma_semaphore, #tpu.memory_space<semaphore_mem>>) src(%dma_wait3A_129 : memref<40x128xi32, #tpu.memory_space<hbm>>) dst(%arg8 : memref<40x128xi32, #tpu.memory_space<vmem>>)
        tpu.yield
      }) : () -> ()
      %mul3A_38 = arith.constant 2 : i32
      %mul3A_39 = arith.muli %mul3A_38, %arg1 : i32
      %add3A_40 = arith.constant 0 : i32
      %add3A_41 = arith.addi %mul3A_39, %add3A_40 : i32
      "tpu.region"() ({
        %run_scoped3A_114 = tpu.sem_alloc : memref<!tpu.dma_semaphore, #tpu.memory_space<semaphore_mem>>
        %dma_start3A_115 = arith.constant 0 : i32
        %dma_start3A_116 = arith.constant 0 : i32
        %dma_start3A_117 = tpu.memref_slice %arg3[%add3A_41, %dma_start3A_115, %dma_start3A_116] : memref<32x40x128xi32, #tpu.memory_space<hbm>> -> memref<1x40x128xi32, #tpu.memory_space<hbm>>
        %dma_start3A_118 = tpu.memref_squeeze %dma_start3A_117 : memref<1x40x128xi32, #tpu.memory_space<hbm>> -> memref<40x128xi32, #tpu.memory_space<hbm>>
        %dma_start3A_119 = arith.constant 0 : i32
        %dma_start3A_120 = arith.constant 0 : i32
        %dma_start3A_121 = tpu.memref_slice %arg3[%add3A_41, %dma_start3A_119, %dma_start3A_120] : memref<32x40x128xi32, #tpu.memory_space<hbm>> -> memref<1x40x128xi32, #tpu.memory_space<hbm>>
        %dma_start3A_122 = tpu.memref_squeeze %dma_start3A_121 : memref<1x40x128xi32, #tpu.memory_space<hbm>> -> memref<40x128xi32, #tpu.memory_space<hbm>>
        tpu.enqueue_dma source(%dma_start3A_122 : memref<40x128xi32, #tpu.memory_space<hbm>>) target(%arg9 : memref<40x128xi32, #tpu.memory_space<vmem>>) target_semaphore(%run_scoped3A_114 : memref<!tpu.dma_semaphore, #tpu.memory_space<semaphore_mem>>)
        %dma_wait3A = arith.constant 0 : i32
        %dma_wait3A_123 = arith.constant 0 : i32
        %dma_wait3A_124 = tpu.memref_slice %arg3[%add3A_41, %dma_wait3A, %dma_wait3A_123] : memref<32x40x128xi32, #tpu.memory_space<hbm>> -> memref<1x40x128xi32, #tpu.memory_space<hbm>>
        %dma_wait3A_125 = tpu.memref_squeeze %dma_wait3A_124 : memref<1x40x128xi32, #tpu.memory_space<hbm>> -> memref<40x128xi32, #tpu.memory_space<hbm>>
        %dma_wait3A_126 = arith.constant 0 : i32
        %dma_wait3A_127 = arith.constant 0 : i32
        %dma_wait3A_128 = tpu.memref_slice %arg3[%add3A_41, %dma_wait3A_126, %dma_wait3A_127] : memref<32x40x128xi32, #tpu.memory_space<hbm>> -> memref<1x40x128xi32, #tpu.memory_space<hbm>>
        %dma_wait3A_129 = tpu.memref_squeeze %dma_wait3A_128 : memref<1x40x128xi32, #tpu.memory_space<hbm>> -> memref<40x128xi32, #tpu.memory_space<hbm>>
        tpu.wait_dma2 semaphore(%run_scoped3A_114 : memref<!tpu.dma_semaphore, #tpu.memory_space<semaphore_mem>>) src(%dma_wait3A_129 : memref<40x128xi32, #tpu.memory_space<hbm>>) dst(%arg9 : memref<40x128xi32, #tpu.memory_space<vmem>>)
        tpu.yield
      }) : () -> ()
      %dma_start3A = arith.constant 0 : i32
      %dma_start3A_42 = arith.constant 0 : i32
      %dma_start3A_43 = arith.constant 0 : i32
      %dma_start3A_44 = arith.constant 0 : i32
      %dma_start3A_45 = tpu.memref_slice %arg10[%dma_start3A_42, %dma_start3A_43, %dma_start3A_44] : memref<2x128x128xf32, #tpu.memory_space<vmem>> -> memref<1x128x128xf32, #tpu.memory_space<vmem>>
      %dma_start3A_46 = tpu.memref_squeeze %dma_start3A_45 : memref<1x128x128xf32, #tpu.memory_space<vmem>> -> memref<128x128xf32, #tpu.memory_space<vmem>>
      %dma_start3A_47 = arith.constant 0 : i32
      %dma_start3A_48 = tpu.memref_slice %arg8[%dma_start3A, %dma_start3A_47] : memref<40x128xi32, #tpu.memory_space<vmem>> -> memref<1x128xi32, #tpu.memory_space<vmem>>
      %dma_start3A_49 = tpu.memref_squeeze %dma_start3A_48 : memref<1x128xi32, #tpu.memory_space<vmem>> -> memref<128xi32, #tpu.memory_space<vmem>>
      %dma_start3A_50 = arith.constant 0 : i32
      %dma_start3A_51 = arith.constant 0 : i32
      %dma_start3A_52 = tpu.memref_slice %arg4[%dma_start3A_50, %dma_start3A_51] : memref<10240x128xf32, #tpu.memory_space<hbm>> -> memref<10240x128xf32, #tpu.memory_space<hbm>>
      tpu.enqueue_indirect_dma source(%dma_start3A_52 : memref<10240x128xf32, #tpu.memory_space<hbm>>) target(%dma_start3A_46 : memref<128x128xf32, #tpu.memory_space<vmem>>) offsets(%dma_start3A_49 : memref<128xi32, #tpu.memory_space<vmem>>) semaphore(%arg12 : memref<!tpu.dma_semaphore, #tpu.memory_space<semaphore_mem>>)
      %dma_start3A_53 = arith.constant 1 : i32
      %dma_start3A_54 = arith.constant 1 : i32
      %dma_start3A_55 = arith.constant 0 : i32
      %dma_start3A_56 = arith.constant 0 : i32
      %dma_start3A_57 = tpu.memref_slice %arg10[%dma_start3A_54, %dma_start3A_55, %dma_start3A_56] : memref<2x128x128xf32, #tpu.memory_space<vmem>> -> memref<1x128x128xf32, #tpu.memory_space<vmem>>
      %dma_start3A_58 = tpu.memref_squeeze %dma_start3A_57 : memref<1x128x128xf32, #tpu.memory_space<vmem>> -> memref<128x128xf32, #tpu.memory_space<vmem>>
      %dma_start3A_59 = arith.constant 0 : i32
      %dma_start3A_60 = tpu.memref_slice %arg8[%dma_start3A_53, %dma_start3A_59] : memref<40x128xi32, #tpu.memory_space<vmem>> -> memref<1x128xi32, #tpu.memory_space<vmem>>
      %dma_start3A_61 = tpu.memref_squeeze %dma_start3A_60 : memref<1x128xi32, #tpu.memory_space<vmem>> -> memref<128xi32, #tpu.memory_space<vmem>>
      %dma_start3A_62 = arith.constant 0 : i32
      %dma_start3A_63 = arith.constant 0 : i32
      %dma_start3A_64 = tpu.memref_slice %arg4[%dma_start3A_62, %dma_start3A_63] : memref<10240x128xf32, #tpu.memory_space<hbm>> -> memref<10240x128xf32, #tpu.memory_space<hbm>>
      tpu.enqueue_indirect_dma source(%dma_start3A_64 : memref<10240x128xf32, #tpu.memory_space<hbm>>) target(%dma_start3A_58 : memref<128x128xf32, #tpu.memory_space<vmem>>) offsets(%dma_start3A_61 : memref<128xi32, #tpu.memory_space<vmem>>) semaphore(%arg13 : memref<!tpu.dma_semaphore, #tpu.memory_space<semaphore_mem>>)
      %scan3A_65 = arith.constant 0 : i32
      %scan3A_66 = arith.constant 0 : i32
      %scan3A_67 = arith.constant 20 : i32
      %scan3A_68 = arith.addi %scan3A_66, %scan3A_67 : i32
      %scan3A_69 = arith.constant 1 : i32
      scf.for %scan3A_114 = %scan3A_66 to %scan3A_68 step %scan3A_69  : i32 {
        %mul3A_115 = arith.constant 2 : i32
        %mul3A_116 = arith.muli %mul3A_115, %scan3A_114 : i32
        %dma_wait3A = arith.constant 0 : i32
        %dma_wait3A_117 = arith.constant 0 : i32
        %dma_wait3A_118 = arith.constant 0 : i32
        %dma_wait3A_119 = tpu.memref_slice %arg10[%dma_wait3A, %dma_wait3A_117, %dma_wait3A_118] : memref<2x128x128xf32, #tpu.memory_space<vmem>> -> memref<1x128x128xf32, #tpu.memory_space<vmem>>
        %dma_wait3A_120 = tpu.memref_squeeze %dma_wait3A_119 : memref<1x128x128xf32, #tpu.memory_space<vmem>> -> memref<128x128xf32, #tpu.memory_space<vmem>>
        %dma_wait3A_121 = arith.constant 0 : i32
        %dma_wait3A_122 = tpu.memref_slice %arg8[%mul3A_116, %dma_wait3A_121] : memref<40x128xi32, #tpu.memory_space<vmem>> -> memref<1x128xi32, #tpu.memory_space<vmem>>
        %dma_wait3A_123 = tpu.memref_squeeze %dma_wait3A_122 : memref<1x128xi32, #tpu.memory_space<vmem>> -> memref<128xi32, #tpu.memory_space<vmem>>
        %dma_wait3A_124 = arith.constant 0 : i32
        %dma_wait3A_125 = arith.constant 0 : i32
        %dma_wait3A_126 = tpu.memref_slice %arg4[%dma_wait3A_124, %dma_wait3A_125] : memref<10240x128xf32, #tpu.memory_space<hbm>> -> memref<10240x128xf32, #tpu.memory_space<hbm>>
        tpu.wait_indirect_dma semaphore(%arg12 : memref<!tpu.dma_semaphore, #tpu.memory_space<semaphore_mem>>) src(%dma_wait3A_126 : memref<10240x128xf32, #tpu.memory_space<hbm>>) dst(%dma_wait3A_120 : memref<128x128xf32, #tpu.memory_space<vmem>>)
        %run_scoped3A_127 = arith.constant 0 : i32
        "tpu.region"() ({
          %run_scoped3A_153 = tpu.sem_alloc : memref<!tpu.dma_semaphore, #tpu.memory_space<semaphore_mem>>
          %dma_start3A_154 = arith.constant 0 : i32
          %dma_start3A_155 = arith.constant 0 : i32
          %dma_start3A_156 = tpu.memref_slice %arg10[%run_scoped3A_127, %dma_start3A_154, %dma_start3A_155] : memref<2x128x128xf32, #tpu.memory_space<vmem>> -> memref<1x128x128xf32, #tpu.memory_space<vmem>>
          %dma_start3A_157 = tpu.memref_squeeze %dma_start3A_156 : memref<1x128x128xf32, #tpu.memory_space<vmem>> -> memref<128x128xf32, #tpu.memory_space<vmem>>
          %dma_start3A_158 = arith.constant 0 : i32
          %dma_start3A_159 = tpu.memref_slice %arg9[%mul3A_116, %dma_start3A_158] : memref<40x128xi32, #tpu.memory_space<vmem>> -> memref<1x128xi32, #tpu.memory_space<vmem>>
          %dma_start3A_160 = tpu.memref_squeeze %dma_start3A_159 : memref<1x128xi32, #tpu.memory_space<vmem>> -> memref<128xi32, #tpu.memory_space<vmem>>
          %dma_start3A_161 = arith.constant 0 : i32
          %dma_start3A_162 = arith.constant 0 : i32
          %dma_start3A_163 = tpu.memref_slice %arg11[%dma_start3A_161, %dma_start3A_162] : memref<10240x128xf32, #tpu.memory_space<vmem_shared>> -> memref<10240x128xf32, #tpu.memory_space<vmem_shared>>
          tpu.enqueue_indirect_dma source(%dma_start3A_157 : memref<128x128xf32, #tpu.memory_space<vmem>>) target(%dma_start3A_163 : memref<10240x128xf32, #tpu.memory_space<vmem_shared>>) offsets(%dma_start3A_160 : memref<128xi32, #tpu.memory_space<vmem>>) semaphore(%run_scoped3A_153 : memref<!tpu.dma_semaphore, #tpu.memory_space<semaphore_mem>>) {add = true}
          %dma_wait3A_164 = arith.constant 0 : i32
          %dma_wait3A_165 = arith.constant 0 : i32
          %dma_wait3A_166 = tpu.memref_slice %arg10[%run_scoped3A_127, %dma_wait3A_164, %dma_wait3A_165] : memref<2x128x128xf32, #tpu.memory_space<vmem>> -> memref<1x128x128xf32, #tpu.memory_space<vmem>>
          %dma_wait3A_167 = tpu.memref_squeeze %dma_wait3A_166 : memref<1x128x128xf32, #tpu.memory_space<vmem>> -> memref<128x128xf32, #tpu.memory_space<vmem>>
          %dma_wait3A_168 = arith.constant 0 : i32
          %dma_wait3A_169 = tpu.memref_slice %arg9[%mul3A_116, %dma_wait3A_168] : memref<40x128xi32, #tpu.memory_space<vmem>> -> memref<1x128xi32, #tpu.memory_space<vmem>>
          %dma_wait3A_170 = tpu.memref_squeeze %dma_wait3A_169 : memref<1x128xi32, #tpu.memory_space<vmem>> -> memref<128xi32, #tpu.memory_space<vmem>>
          %dma_wait3A_171 = arith.constant 0 : i32
          %dma_wait3A_172 = arith.constant 0 : i32
          %dma_wait3A_173 = tpu.memref_slice %arg11[%dma_wait3A_171, %dma_wait3A_172] : memref<10240x128xf32, #tpu.memory_space<vmem_shared>> -> memref<10240x128xf32, #tpu.memory_space<vmem_shared>>
          tpu.wait_indirect_dma semaphore(%run_scoped3A_153 : memref<!tpu.dma_semaphore, #tpu.memory_space<semaphore_mem>>) src(%dma_wait3A_167 : memref<128x128xf32, #tpu.memory_space<vmem>>) dst(%dma_wait3A_173 : memref<10240x128xf32, #tpu.memory_space<vmem_shared>>)
          tpu.yield
        }) : () -> ()
        %lt3A = arith.constant 19 : i32
        %lt3A_128 = arith.cmpi slt, %scan3A_114, %lt3A : i32
        %convert_element_type3A_129 = arith.extui %lt3A_128 : i1 to i32
        %cond3A_130 = arith.constant 0 : i32
        %cond3A_131 = arith.cmpi ne, %convert_element_type3A_129, %cond3A_130 : i32
        scf.if %cond3A_131 {
          %add3A_153 = arith.constant 2 : i32
          %add3A_154 = arith.addi %mul3A_116, %add3A_153 : i32
          %dma_start3A_155 = arith.constant 0 : i32
          %dma_start3A_156 = arith.constant 0 : i32
          %dma_start3A_157 = arith.constant 0 : i32
          %dma_start3A_158 = tpu.memref_slice %arg10[%dma_start3A_155, %dma_start3A_156, %dma_start3A_157] : memref<2x128x128xf32, #tpu.memory_space<vmem>> -> memref<1x128x128xf32, #tpu.memory_space<vmem>>
          %dma_start3A_159 = tpu.memref_squeeze %dma_start3A_158 : memref<1x128x128xf32, #tpu.memory_space<vmem>> -> memref<128x128xf32, #tpu.memory_space<vmem>>
          %dma_start3A_160 = arith.constant 0 : i32
          %dma_start3A_161 = tpu.memref_slice %arg8[%add3A_154, %dma_start3A_160] : memref<40x128xi32, #tpu.memory_space<vmem>> -> memref<1x128xi32, #tpu.memory_space<vmem>>
          %dma_start3A_162 = tpu.memref_squeeze %dma_start3A_161 : memref<1x128xi32, #tpu.memory_space<vmem>> -> memref<128xi32, #tpu.memory_space<vmem>>
          %dma_start3A_163 = arith.constant 0 : i32
          %dma_start3A_164 = arith.constant 0 : i32
          %dma_start3A_165 = tpu.memref_slice %arg4[%dma_start3A_163, %dma_start3A_164] : memref<10240x128xf32, #tpu.memory_space<hbm>> -> memref<10240x128xf32, #tpu.memory_space<hbm>>
          tpu.enqueue_indirect_dma source(%dma_start3A_165 : memref<10240x128xf32, #tpu.memory_space<hbm>>) target(%dma_start3A_159 : memref<128x128xf32, #tpu.memory_space<vmem>>) offsets(%dma_start3A_162 : memref<128xi32, #tpu.memory_space<vmem>>) semaphore(%arg12 : memref<!tpu.dma_semaphore, #tpu.memory_space<semaphore_mem>>)
        } else {
        }
        %add3A_132 = arith.constant 1 : i32
        %add3A_133 = arith.addi %mul3A_116, %add3A_132 : i32
        %dma_wait3A_134 = arith.constant 1 : i32
        %dma_wait3A_135 = arith.constant 0 : i32
        %dma_wait3A_136 = arith.constant 0 : i32
        %dma_wait3A_137 = tpu.memref_slice %arg10[%dma_wait3A_134, %dma_wait3A_135, %dma_wait3A_136] : memref<2x128x128xf32, #tpu.memory_space<vmem>> -> memref<1x128x128xf32, #tpu.memory_space<vmem>>
        %dma_wait3A_138 = tpu.memref_squeeze %dma_wait3A_137 : memref<1x128x128xf32, #tpu.memory_space<vmem>> -> memref<128x128xf32, #tpu.memory_space<vmem>>
        %dma_wait3A_139 = arith.constant 0 : i32
        %dma_wait3A_140 = tpu.memref_slice %arg8[%add3A_133, %dma_wait3A_139] : memref<40x128xi32, #tpu.memory_space<vmem>> -> memref<1x128xi32, #tpu.memory_space<vmem>>
        %dma_wait3A_141 = tpu.memref_squeeze %dma_wait3A_140 : memref<1x128xi32, #tpu.memory_space<vmem>> -> memref<128xi32, #tpu.memory_space<vmem>>
        %dma_wait3A_142 = arith.constant 0 : i32
        %dma_wait3A_143 = arith.constant 0 : i32
        %dma_wait3A_144 = tpu.memref_slice %arg4[%dma_wait3A_142, %dma_wait3A_143] : memref<10240x128xf32, #tpu.memory_space<hbm>> -> memref<10240x128xf32, #tpu.memory_space<hbm>>
        tpu.wait_indirect_dma semaphore(%arg13 : memref<!tpu.dma_semaphore, #tpu.memory_space<semaphore_mem>>) src(%dma_wait3A_144 : memref<10240x128xf32, #tpu.memory_space<hbm>>) dst(%dma_wait3A_138 : memref<128x128xf32, #tpu.memory_space<vmem>>)
        %add3A_145 = arith.constant 1 : i32
        %add3A_146 = arith.addi %mul3A_116, %add3A_145 : i32
        %run_scoped3A_147 = arith.constant 1 : i32
        "tpu.region"() ({
          %run_scoped3A_153 = tpu.sem_alloc : memref<!tpu.dma_semaphore, #tpu.memory_space<semaphore_mem>>
          %dma_start3A_154 = arith.constant 0 : i32
          %dma_start3A_155 = arith.constant 0 : i32
          %dma_start3A_156 = tpu.memref_slice %arg10[%run_scoped3A_147, %dma_start3A_154, %dma_start3A_155] : memref<2x128x128xf32, #tpu.memory_space<vmem>> -> memref<1x128x128xf32, #tpu.memory_space<vmem>>
          %dma_start3A_157 = tpu.memref_squeeze %dma_start3A_156 : memref<1x128x128xf32, #tpu.memory_space<vmem>> -> memref<128x128xf32, #tpu.memory_space<vmem>>
          %dma_start3A_158 = arith.constant 0 : i32
          %dma_start3A_159 = tpu.memref_slice %arg9[%add3A_146, %dma_start3A_158] : memref<40x128xi32, #tpu.memory_space<vmem>> -> memref<1x128xi32, #tpu.memory_space<vmem>>
          %dma_start3A_160 = tpu.memref_squeeze %dma_start3A_159 : memref<1x128xi32, #tpu.memory_space<vmem>> -> memref<128xi32, #tpu.memory_space<vmem>>
          %dma_start3A_161 = arith.constant 0 : i32
          %dma_start3A_162 = arith.constant 0 : i32
          %dma_start3A_163 = tpu.memref_slice %arg11[%dma_start3A_161, %dma_start3A_162] : memref<10240x128xf32, #tpu.memory_space<vmem_shared>> -> memref<10240x128xf32, #tpu.memory_space<vmem_shared>>
          tpu.enqueue_indirect_dma source(%dma_start3A_157 : memref<128x128xf32, #tpu.memory_space<vmem>>) target(%dma_start3A_163 : memref<10240x128xf32, #tpu.memory_space<vmem_shared>>) offsets(%dma_start3A_160 : memref<128xi32, #tpu.memory_space<vmem>>) semaphore(%run_scoped3A_153 : memref<!tpu.dma_semaphore, #tpu.memory_space<semaphore_mem>>) {add = true}
          %dma_wait3A_164 = arith.constant 0 : i32
          %dma_wait3A_165 = arith.constant 0 : i32
          %dma_wait3A_166 = tpu.memref_slice %arg10[%run_scoped3A_147, %dma_wait3A_164, %dma_wait3A_165] : memref<2x128x128xf32, #tpu.memory_space<vmem>> -> memref<1x128x128xf32, #tpu.memory_space<vmem>>
          %dma_wait3A_167 = tpu.memref_squeeze %dma_wait3A_166 : memref<1x128x128xf32, #tpu.memory_space<vmem>> -> memref<128x128xf32, #tpu.memory_space<vmem>>
          %dma_wait3A_168 = arith.constant 0 : i32
          %dma_wait3A_169 = tpu.memref_slice %arg9[%add3A_146, %dma_wait3A_168] : memref<40x128xi32, #tpu.memory_space<vmem>> -> memref<1x128xi32, #tpu.memory_space<vmem>>
          %dma_wait3A_170 = tpu.memref_squeeze %dma_wait3A_169 : memref<1x128xi32, #tpu.memory_space<vmem>> -> memref<128xi32, #tpu.memory_space<vmem>>
          %dma_wait3A_171 = arith.constant 0 : i32
          %dma_wait3A_172 = arith.constant 0 : i32
          %dma_wait3A_173 = tpu.memref_slice %arg11[%dma_wait3A_171, %dma_wait3A_172] : memref<10240x128xf32, #tpu.memory_space<vmem_shared>> -> memref<10240x128xf32, #tpu.memory_space<vmem_shared>>
          tpu.wait_indirect_dma semaphore(%run_scoped3A_153 : memref<!tpu.dma_semaphore, #tpu.memory_space<semaphore_mem>>) src(%dma_wait3A_167 : memref<128x128xf32, #tpu.memory_space<vmem>>) dst(%dma_wait3A_173 : memref<10240x128xf32, #tpu.memory_space<vmem_shared>>)
          tpu.yield
        }) : () -> ()
        %lt3A_148 = arith.constant 19 : i32
        %lt3A_149 = arith.cmpi slt, %scan3A_114, %lt3A_148 : i32
        %convert_element_type3A_150 = arith.extui %lt3A_149 : i1 to i32
        %cond3A_151 = arith.constant 0 : i32
        %cond3A_152 = arith.cmpi ne, %convert_element_type3A_150, %cond3A_151 : i32
        scf.if %cond3A_152 {
          %add3A_153 = arith.constant 3 : i32
          %add3A_154 = arith.addi %mul3A_116, %add3A_153 : i32
          %dma_start3A_155 = arith.constant 1 : i32
          %dma_start3A_156 = arith.constant 0 : i32
          %dma_start3A_157 = arith.constant 0 : i32
          %dma_start3A_158 = tpu.memref_slice %arg10[%dma_start3A_155, %dma_start3A_156, %dma_start3A_157] : memref<2x128x128xf32, #tpu.memory_space<vmem>> -> memref<1x128x128xf32, #tpu.memory_space<vmem>>
          %dma_start3A_159 = tpu.memref_squeeze %dma_start3A_158 : memref<1x128x128xf32, #tpu.memory_space<vmem>> -> memref<128x128xf32, #tpu.memory_space<vmem>>
          %dma_start3A_160 = arith.constant 0 : i32
          %dma_start3A_161 = tpu.memref_slice %arg8[%add3A_154, %dma_start3A_160] : memref<40x128xi32, #tpu.memory_space<vmem>> -> memref<1x128xi32, #tpu.memory_space<vmem>>
          %dma_start3A_162 = tpu.memref_squeeze %dma_start3A_161 : memref<1x128xi32, #tpu.memory_space<vmem>> -> memref<128xi32, #tpu.memory_space<vmem>>
          %dma_start3A_163 = arith.constant 0 : i32
          %dma_start3A_164 = arith.constant 0 : i32
          %dma_start3A_165 = tpu.memref_slice %arg4[%dma_start3A_163, %dma_start3A_164] : memref<10240x128xf32, #tpu.memory_space<hbm>> -> memref<10240x128xf32, #tpu.memory_space<hbm>>
          tpu.enqueue_indirect_dma source(%dma_start3A_165 : memref<10240x128xf32, #tpu.memory_space<hbm>>) target(%dma_start3A_159 : memref<128x128xf32, #tpu.memory_space<vmem>>) offsets(%dma_start3A_162 : memref<128xi32, #tpu.memory_space<vmem>>) semaphore(%arg13 : memref<!tpu.dma_semaphore, #tpu.memory_space<semaphore_mem>>)
        } else {
        }
      }
      %scan3A_70 = arith.constant 20 : i32
      %mul3A_71 = arith.constant 2 : i32
      %mul3A_72 = arith.muli %mul3A_71, %arg1 : i32
      %add3A_73 = arith.constant 1 : i32
      %add3A_74 = arith.addi %mul3A_72, %add3A_73 : i32
      "tpu.region"() ({
        %run_scoped3A_114 = tpu.sem_alloc : memref<!tpu.dma_semaphore, #tpu.memory_space<semaphore_mem>>
        %dma_start3A_115 = arith.constant 0 : i32
        %dma_start3A_116 = arith.constant 0 : i32
        %dma_start3A_117 = tpu.memref_slice %arg2[%add3A_74, %dma_start3A_115, %dma_start3A_116] : memref<32x40x128xi32, #tpu.memory_space<hbm>> -> memref<1x40x128xi32, #tpu.memory_space<hbm>>
        %dma_start3A_118 = tpu.memref_squeeze %dma_start3A_117 : memref<1x40x128xi32, #tpu.memory_space<hbm>> -> memref<40x128xi32, #tpu.memory_space<hbm>>
        %dma_start3A_119 = arith.constant 0 : i32
        %dma_start3A_120 = arith.constant 0 : i32
        %dma_start3A_121 = tpu.memref_slice %arg2[%add3A_74, %dma_start3A_119, %dma_start3A_120] : memref<32x40x128xi32, #tpu.memory_space<hbm>> -> memref<1x40x128xi32, #tpu.memory_space<hbm>>
        %dma_start3A_122 = tpu.memref_squeeze %dma_start3A_121 : memref<1x40x128xi32, #tpu.memory_space<hbm>> -> memref<40x128xi32, #tpu.memory_space<hbm>>
        tpu.enqueue_dma source(%dma_start3A_122 : memref<40x128xi32, #tpu.memory_space<hbm>>) target(%arg8 : memref<40x128xi32, #tpu.memory_space<vmem>>) target_semaphore(%run_scoped3A_114 : memref<!tpu.dma_semaphore, #tpu.memory_space<semaphore_mem>>)
        %dma_wait3A = arith.constant 0 : i32
        %dma_wait3A_123 = arith.constant 0 : i32
        %dma_wait3A_124 = tpu.memref_slice %arg2[%add3A_74, %dma_wait3A, %dma_wait3A_123] : memref<32x40x128xi32, #tpu.memory_space<hbm>> -> memref<1x40x128xi32, #tpu.memory_space<hbm>>
        %dma_wait3A_125 = tpu.memref_squeeze %dma_wait3A_124 : memref<1x40x128xi32, #tpu.memory_space<hbm>> -> memref<40x128xi32, #tpu.memory_space<hbm>>
        %dma_wait3A_126 = arith.constant 0 : i32
        %dma_wait3A_127 = arith.constant 0 : i32
        %dma_wait3A_128 = tpu.memref_slice %arg2[%add3A_74, %dma_wait3A_126, %dma_wait3A_127] : memref<32x40x128xi32, #tpu.memory_space<hbm>> -> memref<1x40x128xi32, #tpu.memory_space<hbm>>
        %dma_wait3A_129 = tpu.memref_squeeze %dma_wait3A_128 : memref<1x40x128xi32, #tpu.memory_space<hbm>> -> memref<40x128xi32, #tpu.memory_space<hbm>>
        tpu.wait_dma2 semaphore(%run_scoped3A_114 : memref<!tpu.dma_semaphore, #tpu.memory_space<semaphore_mem>>) src(%dma_wait3A_129 : memref<40x128xi32, #tpu.memory_space<hbm>>) dst(%arg8 : memref<40x128xi32, #tpu.memory_space<vmem>>)
        tpu.yield
      }) : () -> ()
      %mul3A_75 = arith.constant 2 : i32
      %mul3A_76 = arith.muli %mul3A_75, %arg1 : i32
      %add3A_77 = arith.constant 1 : i32
      %add3A_78 = arith.addi %mul3A_76, %add3A_77 : i32
      "tpu.region"() ({
        %run_scoped3A_114 = tpu.sem_alloc : memref<!tpu.dma_semaphore, #tpu.memory_space<semaphore_mem>>
        %dma_start3A_115 = arith.constant 0 : i32
        %dma_start3A_116 = arith.constant 0 : i32
        %dma_start3A_117 = tpu.memref_slice %arg3[%add3A_78, %dma_start3A_115, %dma_start3A_116] : memref<32x40x128xi32, #tpu.memory_space<hbm>> -> memref<1x40x128xi32, #tpu.memory_space<hbm>>
        %dma_start3A_118 = tpu.memref_squeeze %dma_start3A_117 : memref<1x40x128xi32, #tpu.memory_space<hbm>> -> memref<40x128xi32, #tpu.memory_space<hbm>>
        %dma_start3A_119 = arith.constant 0 : i32
        %dma_start3A_120 = arith.constant 0 : i32
        %dma_start3A_121 = tpu.memref_slice %arg3[%add3A_78, %dma_start3A_119, %dma_start3A_120] : memref<32x40x128xi32, #tpu.memory_space<hbm>> -> memref<1x40x128xi32, #tpu.memory_space<hbm>>
        %dma_start3A_122 = tpu.memref_squeeze %dma_start3A_121 : memref<1x40x128xi32, #tpu.memory_space<hbm>> -> memref<40x128xi32, #tpu.memory_space<hbm>>
        tpu.enqueue_dma source(%dma_start3A_122 : memref<40x128xi32, #tpu.memory_space<hbm>>) target(%arg9 : memref<40x128xi32, #tpu.memory_space<vmem>>) target_semaphore(%run_scoped3A_114 : memref<!tpu.dma_semaphore, #tpu.memory_space<semaphore_mem>>)
        %dma_wait3A = arith.constant 0 : i32
        %dma_wait3A_123 = arith.constant 0 : i32
        %dma_wait3A_124 = tpu.memref_slice %arg3[%add3A_78, %dma_wait3A, %dma_wait3A_123] : memref<32x40x128xi32, #tpu.memory_space<hbm>> -> memref<1x40x128xi32, #tpu.memory_space<hbm>>
        %dma_wait3A_125 = tpu.memref_squeeze %dma_wait3A_124 : memref<1x40x128xi32, #tpu.memory_space<hbm>> -> memref<40x128xi32, #tpu.memory_space<hbm>>
        %dma_wait3A_126 = arith.constant 0 : i32
        %dma_wait3A_127 = arith.constant 0 : i32
        %dma_wait3A_128 = tpu.memref_slice %arg3[%add3A_78, %dma_wait3A_126, %dma_wait3A_127] : memref<32x40x128xi32, #tpu.memory_space<hbm>> -> memref<1x40x128xi32, #tpu.memory_space<hbm>>
        %dma_wait3A_129 = tpu.memref_squeeze %dma_wait3A_128 : memref<1x40x128xi32, #tpu.memory_space<hbm>> -> memref<40x128xi32, #tpu.memory_space<hbm>>
        tpu.wait_dma2 semaphore(%run_scoped3A_114 : memref<!tpu.dma_semaphore, #tpu.memory_space<semaphore_mem>>) src(%dma_wait3A_129 : memref<40x128xi32, #tpu.memory_space<hbm>>) dst(%arg9 : memref<40x128xi32, #tpu.memory_space<vmem>>)
        tpu.yield
      }) : () -> ()
      %dma_start3A_79 = arith.constant 0 : i32
      %dma_start3A_80 = arith.constant 0 : i32
      %dma_start3A_81 = arith.constant 0 : i32
      %dma_start3A_82 = arith.constant 0 : i32
      %dma_start3A_83 = tpu.memref_slice %arg10[%dma_start3A_80, %dma_start3A_81, %dma_start3A_82] : memref<2x128x128xf32, #tpu.memory_space<vmem>> -> memref<1x128x128xf32, #tpu.memory_space<vmem>>
      %dma_start3A_84 = tpu.memref_squeeze %dma_start3A_83 : memref<1x128x128xf32, #tpu.memory_space<vmem>> -> memref<128x128xf32, #tpu.memory_space<vmem>>
      %dma_start3A_85 = arith.constant 0 : i32
      %dma_start3A_86 = tpu.memref_slice %arg8[%dma_start3A_79, %dma_start3A_85] : memref<40x128xi32, #tpu.memory_space<vmem>> -> memref<1x128xi32, #tpu.memory_space<vmem>>
      %dma_start3A_87 = tpu.memref_squeeze %dma_start3A_86 : memref<1x128xi32, #tpu.memory_space<vmem>> -> memref<128xi32, #tpu.memory_space<vmem>>
      %dma_start3A_88 = arith.constant 0 : i32
      %dma_start3A_89 = arith.constant 0 : i32
      %dma_start3A_90 = tpu.memref_slice %arg4[%dma_start3A_88, %dma_start3A_89] : memref<10240x128xf32, #tpu.memory_space<hbm>> -> memref<10240x128xf32, #tpu.memory_space<hbm>>
      tpu.enqueue_indirect_dma source(%dma_start3A_90 : memref<10240x128xf32, #tpu.memory_space<hbm>>) target(%dma_start3A_84 : memref<128x128xf32, #tpu.memory_space<vmem>>) offsets(%dma_start3A_87 : memref<128xi32, #tpu.memory_space<vmem>>) semaphore(%arg12 : memref<!tpu.dma_semaphore, #tpu.memory_space<semaphore_mem>>)
      %dma_start3A_91 = arith.constant 1 : i32
      %dma_start3A_92 = arith.constant 1 : i32
      %dma_start3A_93 = arith.constant 0 : i32
      %dma_start3A_94 = arith.constant 0 : i32
      %dma_start3A_95 = tpu.memref_slice %arg10[%dma_start3A_92, %dma_start3A_93, %dma_start3A_94] : memref<2x128x128xf32, #tpu.memory_space<vmem>> -> memref<1x128x128xf32, #tpu.memory_space<vmem>>
      %dma_start3A_96 = tpu.memref_squeeze %dma_start3A_95 : memref<1x128x128xf32, #tpu.memory_space<vmem>> -> memref<128x128xf32, #tpu.memory_space<vmem>>
      %dma_start3A_97 = arith.constant 0 : i32
      %dma_start3A_98 = tpu.memref_slice %arg8[%dma_start3A_91, %dma_start3A_97] : memref<40x128xi32, #tpu.memory_space<vmem>> -> memref<1x128xi32, #tpu.memory_space<vmem>>
      %dma_start3A_99 = tpu.memref_squeeze %dma_start3A_98 : memref<1x128xi32, #tpu.memory_space<vmem>> -> memref<128xi32, #tpu.memory_space<vmem>>
      %dma_start3A_100 = arith.constant 0 : i32
      %dma_start3A_101 = arith.constant 0 : i32
      %dma_start3A_102 = tpu.memref_slice %arg4[%dma_start3A_100, %dma_start3A_101] : memref<10240x128xf32, #tpu.memory_space<hbm>> -> memref<10240x128xf32, #tpu.memory_space<hbm>>
      tpu.enqueue_indirect_dma source(%dma_start3A_102 : memref<10240x128xf32, #tpu.memory_space<hbm>>) target(%dma_start3A_96 : memref<128x128xf32, #tpu.memory_space<vmem>>) offsets(%dma_start3A_99 : memref<128xi32, #tpu.memory_space<vmem>>) semaphore(%arg13 : memref<!tpu.dma_semaphore, #tpu.memory_space<semaphore_mem>>)
      %scan3A_103 = arith.constant 0 : i32
      %scan3A_104 = arith.constant 0 : i32
      %scan3A_105 = arith.constant 20 : i32
      %scan3A_106 = arith.addi %scan3A_104, %scan3A_105 : i32
      %scan3A_107 = arith.constant 1 : i32
      scf.for %scan3A_114 = %scan3A_104 to %scan3A_106 step %scan3A_107  : i32 {
        %mul3A_115 = arith.constant 2 : i32
        %mul3A_116 = arith.muli %mul3A_115, %scan3A_114 : i32
        %dma_wait3A = arith.constant 0 : i32
        %dma_wait3A_117 = arith.constant 0 : i32
        %dma_wait3A_118 = arith.constant 0 : i32
        %dma_wait3A_119 = tpu.memref_slice %arg10[%dma_wait3A, %dma_wait3A_117, %dma_wait3A_118] : memref<2x128x128xf32, #tpu.memory_space<vmem>> -> memref<1x128x128xf32, #tpu.memory_space<vmem>>
        %dma_wait3A_120 = tpu.memref_squeeze %dma_wait3A_119 : memref<1x128x128xf32, #tpu.memory_space<vmem>> -> memref<128x128xf32, #tpu.memory_space<vmem>>
        %dma_wait3A_121 = arith.constant 0 : i32
        %dma_wait3A_122 = tpu.memref_slice %arg8[%mul3A_116, %dma_wait3A_121] : memref<40x128xi32, #tpu.memory_space<vmem>> -> memref<1x128xi32, #tpu.memory_space<vmem>>
        %dma_wait3A_123 = tpu.memref_squeeze %dma_wait3A_122 : memref<1x128xi32, #tpu.memory_space<vmem>> -> memref<128xi32, #tpu.memory_space<vmem>>
        %dma_wait3A_124 = arith.constant 0 : i32
        %dma_wait3A_125 = arith.constant 0 : i32
        %dma_wait3A_126 = tpu.memref_slice %arg4[%dma_wait3A_124, %dma_wait3A_125] : memref<10240x128xf32, #tpu.memory_space<hbm>> -> memref<10240x128xf32, #tpu.memory_space<hbm>>
        tpu.wait_indirect_dma semaphore(%arg12 : memref<!tpu.dma_semaphore, #tpu.memory_space<semaphore_mem>>) src(%dma_wait3A_126 : memref<10240x128xf32, #tpu.memory_space<hbm>>) dst(%dma_wait3A_120 : memref<128x128xf32, #tpu.memory_space<vmem>>)
        %run_scoped3A_127 = arith.constant 0 : i32
        "tpu.region"() ({
          %run_scoped3A_153 = tpu.sem_alloc : memref<!tpu.dma_semaphore, #tpu.memory_space<semaphore_mem>>
          %dma_start3A_154 = arith.constant 0 : i32
          %dma_start3A_155 = arith.constant 0 : i32
          %dma_start3A_156 = tpu.memref_slice %arg10[%run_scoped3A_127, %dma_start3A_154, %dma_start3A_155] : memref<2x128x128xf32, #tpu.memory_space<vmem>> -> memref<1x128x128xf32, #tpu.memory_space<vmem>>
          %dma_start3A_157 = tpu.memref_squeeze %dma_start3A_156 : memref<1x128x128xf32, #tpu.memory_space<vmem>> -> memref<128x128xf32, #tpu.memory_space<vmem>>
          %dma_start3A_158 = arith.constant 0 : i32
          %dma_start3A_159 = tpu.memref_slice %arg9[%mul3A_116, %dma_start3A_158] : memref<40x128xi32, #tpu.memory_space<vmem>> -> memref<1x128xi32, #tpu.memory_space<vmem>>
          %dma_start3A_160 = tpu.memref_squeeze %dma_start3A_159 : memref<1x128xi32, #tpu.memory_space<vmem>> -> memref<128xi32, #tpu.memory_space<vmem>>
          %dma_start3A_161 = arith.constant 0 : i32
          %dma_start3A_162 = arith.constant 0 : i32
          %dma_start3A_163 = tpu.memref_slice %arg11[%dma_start3A_161, %dma_start3A_162] : memref<10240x128xf32, #tpu.memory_space<vmem_shared>> -> memref<10240x128xf32, #tpu.memory_space<vmem_shared>>
          tpu.enqueue_indirect_dma source(%dma_start3A_157 : memref<128x128xf32, #tpu.memory_space<vmem>>) target(%dma_start3A_163 : memref<10240x128xf32, #tpu.memory_space<vmem_shared>>) offsets(%dma_start3A_160 : memref<128xi32, #tpu.memory_space<vmem>>) semaphore(%run_scoped3A_153 : memref<!tpu.dma_semaphore, #tpu.memory_space<semaphore_mem>>) {add = true}
          %dma_wait3A_164 = arith.constant 0 : i32
          %dma_wait3A_165 = arith.constant 0 : i32
          %dma_wait3A_166 = tpu.memref_slice %arg10[%run_scoped3A_127, %dma_wait3A_164, %dma_wait3A_165] : memref<2x128x128xf32, #tpu.memory_space<vmem>> -> memref<1x128x128xf32, #tpu.memory_space<vmem>>
          %dma_wait3A_167 = tpu.memref_squeeze %dma_wait3A_166 : memref<1x128x128xf32, #tpu.memory_space<vmem>> -> memref<128x128xf32, #tpu.memory_space<vmem>>
          %dma_wait3A_168 = arith.constant 0 : i32
          %dma_wait3A_169 = tpu.memref_slice %arg9[%mul3A_116, %dma_wait3A_168] : memref<40x128xi32, #tpu.memory_space<vmem>> -> memref<1x128xi32, #tpu.memory_space<vmem>>
          %dma_wait3A_170 = tpu.memref_squeeze %dma_wait3A_169 : memref<1x128xi32, #tpu.memory_space<vmem>> -> memref<128xi32, #tpu.memory_space<vmem>>
          %dma_wait3A_171 = arith.constant 0 : i32
          %dma_wait3A_172 = arith.constant 0 : i32
          %dma_wait3A_173 = tpu.memref_slice %arg11[%dma_wait3A_171, %dma_wait3A_172] : memref<10240x128xf32, #tpu.memory_space<vmem_shared>> -> memref<10240x128xf32, #tpu.memory_space<vmem_shared>>
          tpu.wait_indirect_dma semaphore(%run_scoped3A_153 : memref<!tpu.dma_semaphore, #tpu.memory_space<semaphore_mem>>) src(%dma_wait3A_167 : memref<128x128xf32, #tpu.memory_space<vmem>>) dst(%dma_wait3A_173 : memref<10240x128xf32, #tpu.memory_space<vmem_shared>>)
          tpu.yield
        }) : () -> ()
        %lt3A = arith.constant 19 : i32
        %lt3A_128 = arith.cmpi slt, %scan3A_114, %lt3A : i32
        %convert_element_type3A_129 = arith.extui %lt3A_128 : i1 to i32
        %cond3A_130 = arith.constant 0 : i32
        %cond3A_131 = arith.cmpi ne, %convert_element_type3A_129, %cond3A_130 : i32
        scf.if %cond3A_131 {
          %add3A_153 = arith.constant 2 : i32
          %add3A_154 = arith.addi %mul3A_116, %add3A_153 : i32
          %dma_start3A_155 = arith.constant 0 : i32
          %dma_start3A_156 = arith.constant 0 : i32
          %dma_start3A_157 = arith.constant 0 : i32
          %dma_start3A_158 = tpu.memref_slice %arg10[%dma_start3A_155, %dma_start3A_156, %dma_start3A_157] : memref<2x128x128xf32, #tpu.memory_space<vmem>> -> memref<1x128x128xf32, #tpu.memory_space<vmem>>
          %dma_start3A_159 = tpu.memref_squeeze %dma_start3A_158 : memref<1x128x128xf32, #tpu.memory_space<vmem>> -> memref<128x128xf32, #tpu.memory_space<vmem>>
          %dma_start3A_160 = arith.constant 0 : i32
          %dma_start3A_161 = tpu.memref_slice %arg8[%add3A_154, %dma_start3A_160] : memref<40x128xi32, #tpu.memory_space<vmem>> -> memref<1x128xi32, #tpu.memory_space<vmem>>
          %dma_start3A_162 = tpu.memref_squeeze %dma_start3A_161 : memref<1x128xi32, #tpu.memory_space<vmem>> -> memref<128xi32, #tpu.memory_space<vmem>>
          %dma_start3A_163 = arith.constant 0 : i32
          %dma_start3A_164 = arith.constant 0 : i32
          %dma_start3A_165 = tpu.memref_slice %arg4[%dma_start3A_163, %dma_start3A_164] : memref<10240x128xf32, #tpu.memory_space<hbm>> -> memref<10240x128xf32, #tpu.memory_space<hbm>>
          tpu.enqueue_indirect_dma source(%dma_start3A_165 : memref<10240x128xf32, #tpu.memory_space<hbm>>) target(%dma_start3A_159 : memref<128x128xf32, #tpu.memory_space<vmem>>) offsets(%dma_start3A_162 : memref<128xi32, #tpu.memory_space<vmem>>) semaphore(%arg12 : memref<!tpu.dma_semaphore, #tpu.memory_space<semaphore_mem>>)
        } else {
        }
        %add3A_132 = arith.constant 1 : i32
        %add3A_133 = arith.addi %mul3A_116, %add3A_132 : i32
        %dma_wait3A_134 = arith.constant 1 : i32
        %dma_wait3A_135 = arith.constant 0 : i32
        %dma_wait3A_136 = arith.constant 0 : i32
        %dma_wait3A_137 = tpu.memref_slice %arg10[%dma_wait3A_134, %dma_wait3A_135, %dma_wait3A_136] : memref<2x128x128xf32, #tpu.memory_space<vmem>> -> memref<1x128x128xf32, #tpu.memory_space<vmem>>
        %dma_wait3A_138 = tpu.memref_squeeze %dma_wait3A_137 : memref<1x128x128xf32, #tpu.memory_space<vmem>> -> memref<128x128xf32, #tpu.memory_space<vmem>>
        %dma_wait3A_139 = arith.constant 0 : i32
        %dma_wait3A_140 = tpu.memref_slice %arg8[%add3A_133, %dma_wait3A_139] : memref<40x128xi32, #tpu.memory_space<vmem>> -> memref<1x128xi32, #tpu.memory_space<vmem>>
        %dma_wait3A_141 = tpu.memref_squeeze %dma_wait3A_140 : memref<1x128xi32, #tpu.memory_space<vmem>> -> memref<128xi32, #tpu.memory_space<vmem>>
        %dma_wait3A_142 = arith.constant 0 : i32
        %dma_wait3A_143 = arith.constant 0 : i32
        %dma_wait3A_144 = tpu.memref_slice %arg4[%dma_wait3A_142, %dma_wait3A_143] : memref<10240x128xf32, #tpu.memory_space<hbm>> -> memref<10240x128xf32, #tpu.memory_space<hbm>>
        tpu.wait_indirect_dma semaphore(%arg13 : memref<!tpu.dma_semaphore, #tpu.memory_space<semaphore_mem>>) src(%dma_wait3A_144 : memref<10240x128xf32, #tpu.memory_space<hbm>>) dst(%dma_wait3A_138 : memref<128x128xf32, #tpu.memory_space<vmem>>)
        %add3A_145 = arith.constant 1 : i32
        %add3A_146 = arith.addi %mul3A_116, %add3A_145 : i32
        %run_scoped3A_147 = arith.constant 1 : i32
        "tpu.region"() ({
          %run_scoped3A_153 = tpu.sem_alloc : memref<!tpu.dma_semaphore, #tpu.memory_space<semaphore_mem>>
          %dma_start3A_154 = arith.constant 0 : i32
          %dma_start3A_155 = arith.constant 0 : i32
          %dma_start3A_156 = tpu.memref_slice %arg10[%run_scoped3A_147, %dma_start3A_154, %dma_start3A_155] : memref<2x128x128xf32, #tpu.memory_space<vmem>> -> memref<1x128x128xf32, #tpu.memory_space<vmem>>
          %dma_start3A_157 = tpu.memref_squeeze %dma_start3A_156 : memref<1x128x128xf32, #tpu.memory_space<vmem>> -> memref<128x128xf32, #tpu.memory_space<vmem>>
          %dma_start3A_158 = arith.constant 0 : i32
          %dma_start3A_159 = tpu.memref_slice %arg9[%add3A_146, %dma_start3A_158] : memref<40x128xi32, #tpu.memory_space<vmem>> -> memref<1x128xi32, #tpu.memory_space<vmem>>
          %dma_start3A_160 = tpu.memref_squeeze %dma_start3A_159 : memref<1x128xi32, #tpu.memory_space<vmem>> -> memref<128xi32, #tpu.memory_space<vmem>>
          %dma_start3A_161 = arith.constant 0 : i32
          %dma_start3A_162 = arith.constant 0 : i32
          %dma_start3A_163 = tpu.memref_slice %arg11[%dma_start3A_161, %dma_start3A_162] : memref<10240x128xf32, #tpu.memory_space<vmem_shared>> -> memref<10240x128xf32, #tpu.memory_space<vmem_shared>>
          tpu.enqueue_indirect_dma source(%dma_start3A_157 : memref<128x128xf32, #tpu.memory_space<vmem>>) target(%dma_start3A_163 : memref<10240x128xf32, #tpu.memory_space<vmem_shared>>) offsets(%dma_start3A_160 : memref<128xi32, #tpu.memory_space<vmem>>) semaphore(%run_scoped3A_153 : memref<!tpu.dma_semaphore, #tpu.memory_space<semaphore_mem>>) {add = true}
          %dma_wait3A_164 = arith.constant 0 : i32
          %dma_wait3A_165 = arith.constant 0 : i32
          %dma_wait3A_166 = tpu.memref_slice %arg10[%run_scoped3A_147, %dma_wait3A_164, %dma_wait3A_165] : memref<2x128x128xf32, #tpu.memory_space<vmem>> -> memref<1x128x128xf32, #tpu.memory_space<vmem>>
          %dma_wait3A_167 = tpu.memref_squeeze %dma_wait3A_166 : memref<1x128x128xf32, #tpu.memory_space<vmem>> -> memref<128x128xf32, #tpu.memory_space<vmem>>
          %dma_wait3A_168 = arith.constant 0 : i32
          %dma_wait3A_169 = tpu.memref_slice %arg9[%add3A_146, %dma_wait3A_168] : memref<40x128xi32, #tpu.memory_space<vmem>> -> memref<1x128xi32, #tpu.memory_space<vmem>>
          %dma_wait3A_170 = tpu.memref_squeeze %dma_wait3A_169 : memref<1x128xi32, #tpu.memory_space<vmem>> -> memref<128xi32, #tpu.memory_space<vmem>>
          %dma_wait3A_171 = arith.constant 0 : i32
          %dma_wait3A_172 = arith.constant 0 : i32
          %dma_wait3A_173 = tpu.memref_slice %arg11[%dma_wait3A_171, %dma_wait3A_172] : memref<10240x128xf32, #tpu.memory_space<vmem_shared>> -> memref<10240x128xf32, #tpu.memory_space<vmem_shared>>
          tpu.wait_indirect_dma semaphore(%run_scoped3A_153 : memref<!tpu.dma_semaphore, #tpu.memory_space<semaphore_mem>>) src(%dma_wait3A_167 : memref<128x128xf32, #tpu.memory_space<vmem>>) dst(%dma_wait3A_173 : memref<10240x128xf32, #tpu.memory_space<vmem_shared>>)
          tpu.yield
        }) : () -> ()
        %lt3A_148 = arith.constant 19 : i32
        %lt3A_149 = arith.cmpi slt, %scan3A_114, %lt3A_148 : i32
        %convert_element_type3A_150 = arith.extui %lt3A_149 : i1 to i32
        %cond3A_151 = arith.constant 0 : i32
        %cond3A_152 = arith.cmpi ne, %convert_element_type3A_150, %cond3A_151 : i32
        scf.if %cond3A_152 {
          %add3A_153 = arith.constant 3 : i32
          %add3A_154 = arith.addi %mul3A_116, %add3A_153 : i32
          %dma_start3A_155 = arith.constant 1 : i32
          %dma_start3A_156 = arith.constant 0 : i32
          %dma_start3A_157 = arith.constant 0 : i32
          %dma_start3A_158 = tpu.memref_slice %arg10[%dma_start3A_155, %dma_start3A_156, %dma_start3A_157] : memref<2x128x128xf32, #tpu.memory_space<vmem>> -> memref<1x128x128xf32, #tpu.memory_space<vmem>>
          %dma_start3A_159 = tpu.memref_squeeze %dma_start3A_158 : memref<1x128x128xf32, #tpu.memory_space<vmem>> -> memref<128x128xf32, #tpu.memory_space<vmem>>
          %dma_start3A_160 = arith.constant 0 : i32
          %dma_start3A_161 = tpu.memref_slice %arg8[%add3A_154, %dma_start3A_160] : memref<40x128xi32, #tpu.memory_space<vmem>> -> memref<1x128xi32, #tpu.memory_space<vmem>>
          %dma_start3A_162 = tpu.memref_squeeze %dma_start3A_161 : memref<1x128xi32, #tpu.memory_space<vmem>> -> memref<128xi32, #tpu.memory_space<vmem>>
          %dma_start3A_163 = arith.constant 0 : i32
          %dma_start3A_164 = arith.constant 0 : i32
          %dma_start3A_165 = tpu.memref_slice %arg4[%dma_start3A_163, %dma_start3A_164] : memref<10240x128xf32, #tpu.memory_space<hbm>> -> memref<10240x128xf32, #tpu.memory_space<hbm>>
          tpu.enqueue_indirect_dma source(%dma_start3A_165 : memref<10240x128xf32, #tpu.memory_space<hbm>>) target(%dma_start3A_159 : memref<128x128xf32, #tpu.memory_space<vmem>>) offsets(%dma_start3A_162 : memref<128xi32, #tpu.memory_space<vmem>>) semaphore(%arg13 : memref<!tpu.dma_semaphore, #tpu.memory_space<semaphore_mem>>)
        } else {
        }
      }
      %scan3A_108 = arith.constant 20 : i32
      %barrier3A_109 = arith.constant 0 : index
      tpu.barrier barrier_id(%barrier3A_109)
      %mul3A_110 = arith.constant 640 : i32
      %mul3A_111 = arith.muli %arg1, %mul3A_110 : i32
      %mul3A_112 = arith.constant 640 : i32
      %mul3A_113 = arith.muli %arg1, %mul3A_112 : i32
      "tpu.region"() ({
        %run_scoped3A_114 = tpu.sem_alloc : memref<!tpu.dma_semaphore, #tpu.memory_space<semaphore_mem>>
        %dma_start3A_115 = arith.constant 0 : i32
        %dma_start3A_116 = tpu.memref_slice %arg6[%mul3A_113, %dma_start3A_115] : memref<10240x128xf32, #tpu.memory_space<hbm>> -> memref<640x128xf32, #tpu.memory_space<hbm>>
        %dma_start3A_117 = arith.constant 0 : i32
        %dma_start3A_118 = tpu.memref_slice %arg11[%mul3A_111, %dma_start3A_117] : memref<10240x128xf32, #tpu.memory_space<vmem_shared>> -> memref<640x128xf32, #tpu.memory_space<vmem_shared>>
        tpu.enqueue_dma source(%dma_start3A_118 : memref<640x128xf32, #tpu.memory_space<vmem_shared>>) target(%dma_start3A_116 : memref<640x128xf32, #tpu.memory_space<hbm>>) target_semaphore(%run_scoped3A_114 : memref<!tpu.dma_semaphore, #tpu.memory_space<semaphore_mem>>)
        %dma_wait3A = arith.constant 0 : i32
        %dma_wait3A_119 = tpu.memref_slice %arg6[%mul3A_113, %dma_wait3A] : memref<10240x128xf32, #tpu.memory_space<hbm>> -> memref<640x128xf32, #tpu.memory_space<hbm>>
        %dma_wait3A_120 = arith.constant 0 : i32
        %dma_wait3A_121 = tpu.memref_slice %arg11[%mul3A_111, %dma_wait3A_120] : memref<10240x128xf32, #tpu.memory_space<vmem_shared>> -> memref<640x128xf32, #tpu.memory_space<vmem_shared>>
        tpu.wait_dma2 semaphore(%run_scoped3A_114 : memref<!tpu.dma_semaphore, #tpu.memory_space<semaphore_mem>>) src(%dma_wait3A_121 : memref<640x128xf32, #tpu.memory_space<vmem_shared>>) dst(%dma_wait3A_119 : memref<640x128xf32, #tpu.memory_space<hbm>>)
        tpu.yield
      }) : () -> ()
    } else {
    }
    %eq3A_2 = arith.constant 1 : i32
    %eq3A_3 = arith.cmpi eq, %arg0, %eq3A_2 : i32
    %convert_element_type3A_4 = arith.extui %eq3A_3 : i1 to i32
    %cond3A_5 = arith.constant 0 : i32
    %cond3A_6 = arith.cmpi ne, %convert_element_type3A_4, %cond3A_5 : i32
    scf.if %cond3A_6 {
      %scan3A = arith.constant 0 : i32
      %scan3A_7 = arith.constant 0 : i32
      %scan3A_8 = arith.constant 128 : i32
      %scan3A_9 = arith.addi %scan3A_7, %scan3A_8 : i32
      %scan3A_10 = arith.constant 1 : i32
      scf.for %scan3A_114 = %scan3A_7 to %scan3A_9 step %scan3A_10  : i32 {
        %broadcast_in_dim3A = arith.constant 0.000000e+00 : f32
        %broadcast_in_dim3A_115 = vector.broadcast %broadcast_in_dim3A : f32 to vector<16xf32>
        %swap3A = arith.constant 0 : i32
        %swap3A_116 = arith.index_cast %swap3A : i32 to index
        %swap3A_117 = arith.index_cast %scan3A_114 : i32 to index
        %swap3A_118 = arith.constant 0 : index
        %swap3A_119 = tpu.vector_load %arg10[%swap3A_116, %swap3A_117, %swap3A_118] {strides = array<i32>} : memref<2x128x128xf32, #tpu.memory_space<vmem>>, vector<16xf32>,
        tpu.vector_store %arg10[%swap3A_116, %swap3A_117, %swap3A_118], %broadcast_in_dim3A_115 {strides = array<i32>} : memref<2x128x128xf32, #tpu.memory_space<vmem>>, vector<16xf32>,
        %broadcast_in_dim3A_120 = arith.constant 0.000000e+00 : f32
        %broadcast_in_dim3A_121 = vector.broadcast %broadcast_in_dim3A_120 : f32 to vector<16xf32>
        %swap3A_122 = arith.constant 0 : i32
        %swap3A_123 = arith.index_cast %swap3A_122 : i32 to index
        %swap3A_124 = arith.index_cast %scan3A_114 : i32 to index
        %swap3A_125 = arith.constant 16 : index
        %swap3A_126 = tpu.vector_load %arg10[%swap3A_123, %swap3A_124, %swap3A_125] {strides = array<i32>} : memref<2x128x128xf32, #tpu.memory_space<vmem>>, vector<16xf32>,
        tpu.vector_store %arg10[%swap3A_123, %swap3A_124, %swap3A_125], %broadcast_in_dim3A_121 {strides = array<i32>} : memref<2x128x128xf32, #tpu.memory_space<vmem>>, vector<16xf32>,
        %broadcast_in_dim3A_127 = arith.constant 0.000000e+00 : f32
        %broadcast_in_dim3A_128 = vector.broadcast %broadcast_in_dim3A_127 : f32 to vector<16xf32>
        %swap3A_129 = arith.constant 0 : i32
        %swap3A_130 = arith.index_cast %swap3A_129 : i32 to index
        %swap3A_131 = arith.index_cast %scan3A_114 : i32 to index
        %swap3A_132 = arith.constant 32 : index
        %swap3A_133 = tpu.vector_load %arg10[%swap3A_130, %swap3A_131, %swap3A_132] {strides = array<i32>} : memref<2x128x128xf32, #tpu.memory_space<vmem>>, vector<16xf32>,
        tpu.vector_store %arg10[%swap3A_130, %swap3A_131, %swap3A_132], %broadcast_in_dim3A_128 {strides = array<i32>} : memref<2x128x128xf32, #tpu.memory_space<vmem>>, vector<16xf32>,
        %broadcast_in_dim3A_134 = arith.constant 0.000000e+00 : f32
        %broadcast_in_dim3A_135 = vector.broadcast %broadcast_in_dim3A_134 : f32 to vector<16xf32>
        %swap3A_136 = arith.constant 0 : i32
        %swap3A_137 = arith.index_cast %swap3A_136 : i32 to index
        %swap3A_138 = arith.index_cast %scan3A_114 : i32 to index
        %swap3A_139 = arith.constant 48 : index
        %swap3A_140 = tpu.vector_load %arg10[%swap3A_137, %swap3A_138, %swap3A_139] {strides = array<i32>} : memref<2x128x128xf32, #tpu.memory_space<vmem>>, vector<16xf32>,
        tpu.vector_store %arg10[%swap3A_137, %swap3A_138, %swap3A_139], %broadcast_in_dim3A_135 {strides = array<i32>} : memref<2x128x128xf32, #tpu.memory_space<vmem>>, vector<16xf32>,
        %broadcast_in_dim3A_141 = arith.constant 0.000000e+00 : f32
        %broadcast_in_dim3A_142 = vector.broadcast %broadcast_in_dim3A_141 : f32 to vector<16xf32>
        %swap3A_143 = arith.constant 0 : i32
        %swap3A_144 = arith.index_cast %swap3A_143 : i32 to index
        %swap3A_145 = arith.index_cast %scan3A_114 : i32 to index
        %swap3A_146 = arith.constant 64 : index
        %swap3A_147 = tpu.vector_load %arg10[%swap3A_144, %swap3A_145, %swap3A_146] {strides = array<i32>} : memref<2x128x128xf32, #tpu.memory_space<vmem>>, vector<16xf32>,
        tpu.vector_store %arg10[%swap3A_144, %swap3A_145, %swap3A_146], %broadcast_in_dim3A_142 {strides = array<i32>} : memref<2x128x128xf32, #tpu.memory_space<vmem>>, vector<16xf32>,
        %broadcast_in_dim3A_148 = arith.constant 0.000000e+00 : f32
        %broadcast_in_dim3A_149 = vector.broadcast %broadcast_in_dim3A_148 : f32 to vector<16xf32>
        %swap3A_150 = arith.constant 0 : i32
        %swap3A_151 = arith.index_cast %swap3A_150 : i32 to index
        %swap3A_152 = arith.index_cast %scan3A_114 : i32 to index
        %swap3A_153 = arith.constant 80 : index
        %swap3A_154 = tpu.vector_load %arg10[%swap3A_151, %swap3A_152, %swap3A_153] {strides = array<i32>} : memref<2x128x128xf32, #tpu.memory_space<vmem>>, vector<16xf32>,
        tpu.vector_store %arg10[%swap3A_151, %swap3A_152, %swap3A_153], %broadcast_in_dim3A_149 {strides = array<i32>} : memref<2x128x128xf32, #tpu.memory_space<vmem>>, vector<16xf32>,
        %broadcast_in_dim3A_155 = arith.constant 0.000000e+00 : f32
        %broadcast_in_dim3A_156 = vector.broadcast %broadcast_in_dim3A_155 : f32 to vector<16xf32>
        %swap3A_157 = arith.constant 0 : i32
        %swap3A_158 = arith.index_cast %swap3A_157 : i32 to index
        %swap3A_159 = arith.index_cast %scan3A_114 : i32 to index
        %swap3A_160 = arith.constant 96 : index
        %swap3A_161 = tpu.vector_load %arg10[%swap3A_158, %swap3A_159, %swap3A_160] {strides = array<i32>} : memref<2x128x128xf32, #tpu.memory_space<vmem>>, vector<16xf32>,
        tpu.vector_store %arg10[%swap3A_158, %swap3A_159, %swap3A_160], %broadcast_in_dim3A_156 {strides = array<i32>} : memref<2x128x128xf32, #tpu.memory_space<vmem>>, vector<16xf32>,
        %broadcast_in_dim3A_162 = arith.constant 0.000000e+00 : f32
        %broadcast_in_dim3A_163 = vector.broadcast %broadcast_in_dim3A_162 : f32 to vector<16xf32>
        %swap3A_164 = arith.constant 0 : i32
        %swap3A_165 = arith.index_cast %swap3A_164 : i32 to index
        %swap3A_166 = arith.index_cast %scan3A_114 : i32 to index
        %swap3A_167 = arith.constant 112 : index
        %swap3A_168 = tpu.vector_load %arg10[%swap3A_165, %swap3A_166, %swap3A_167] {strides = array<i32>} : memref<2x128x128xf32, #tpu.memory_space<vmem>>, vector<16xf32>,
        tpu.vector_store %arg10[%swap3A_165, %swap3A_166, %swap3A_167], %broadcast_in_dim3A_163 {strides = array<i32>} : memref<2x128x128xf32, #tpu.memory_space<vmem>>, vector<16xf32>,
      }
      %scan3A_11 = arith.constant 128 : i32
      %mul3A = arith.constant 640 : i32
      %mul3A_12 = arith.muli %arg1, %mul3A : i32
      %add3A = arith.constant 0 : i32
      %add3A_13 = arith.addi %mul3A_12, %add3A : i32
      %run_scoped3A = arith.constant 0 : i32
      "tpu.region"() ({
        %run_scoped3A_114 = tpu.sem_alloc : memref<!tpu.dma_semaphore, #tpu.memory_space<semaphore_mem>>
        %dma_start3A_115 = arith.constant 0 : i32
        %dma_start3A_116 = arith.constant 0 : i32
        %dma_start3A_117 = tpu.memref_slice %arg10[%run_scoped3A, %dma_start3A_115, %dma_start3A_116] : memref<2x128x128xf32, #tpu.memory_space<vmem>> -> memref<1x128x128xf32, #tpu.memory_space<vmem>>
        %dma_start3A_118 = tpu.memref_squeeze %dma_start3A_117 : memref<1x128x128xf32, #tpu.memory_space<vmem>> -> memref<128x128xf32, #tpu.memory_space<vmem>>
        %dma_start3A_119 = arith.constant 0 : i32
        %dma_start3A_120 = tpu.memref_slice %arg11[%add3A_13, %dma_start3A_119] : memref<10240x128xf32, #tpu.memory_space<vmem_shared>> -> memref<128x128xf32, #tpu.memory_space<vmem_shared>>
        %dma_start3A_121 = arith.constant 0 : i32
        %dma_start3A_122 = tpu.memref_slice %arg11[%add3A_13, %dma_start3A_121] : memref<10240x128xf32, #tpu.memory_space<vmem_shared>> -> memref<128x128xf32, #tpu.memory_space<vmem_shared>>
        %dma_start3A_123 = arith.constant 0 : i32
        %dma_start3A_124 = arith.constant 0 : i32
        %dma_start3A_125 = tpu.memref_slice %arg10[%run_scoped3A, %dma_start3A_123, %dma_start3A_124] : memref<2x128x128xf32, #tpu.memory_space<vmem>> -> memref<1x128x128xf32, #tpu.memory_space<vmem>>
        %dma_start3A_126 = tpu.memref_squeeze %dma_start3A_125 : memref<1x128x128xf32, #tpu.memory_space<vmem>> -> memref<128x128xf32, #tpu.memory_space<vmem>>
        tpu.enqueue_dma source(%dma_start3A_126 : memref<128x128xf32, #tpu.memory_space<vmem>>) target(%dma_start3A_122 : memref<128x128xf32, #tpu.memory_space<vmem_shared>>) target_semaphore(%run_scoped3A_114 : memref<!tpu.dma_semaphore, #tpu.memory_space<semaphore_mem>>)
        %dma_wait3A = arith.constant 0 : i32
        %dma_wait3A_127 = arith.constant 0 : i32
        %dma_wait3A_128 = tpu.memref_slice %arg10[%run_scoped3A, %dma_wait3A, %dma_wait3A_127] : memref<2x128x128xf32, #tpu.memory_space<vmem>> -> memref<1x128x128xf32, #tpu.memory_space<vmem>>
        %dma_wait3A_129 = tpu.memref_squeeze %dma_wait3A_128 : memref<1x128x128xf32, #tpu.memory_space<vmem>> -> memref<128x128xf32, #tpu.memory_space<vmem>>
        %dma_wait3A_130 = arith.constant 0 : i32
        %dma_wait3A_131 = tpu.memref_slice %arg11[%add3A_13, %dma_wait3A_130] : memref<10240x128xf32, #tpu.memory_space<vmem_shared>> -> memref<128x128xf32, #tpu.memory_space<vmem_shared>>
        %dma_wait3A_132 = arith.constant 0 : i32
        %dma_wait3A_133 = tpu.memref_slice %arg11[%add3A_13, %dma_wait3A_132] : memref<10240x128xf32, #tpu.memory_space<vmem_shared>> -> memref<128x128xf32, #tpu.memory_space<vmem_shared>>
        %dma_wait3A_134 = arith.constant 0 : i32
        %dma_wait3A_135 = arith.constant 0 : i32
        %dma_wait3A_136 = tpu.memref_slice %arg10[%run_scoped3A, %dma_wait3A_134, %dma_wait3A_135] : memref<2x128x128xf32, #tpu.memory_space<vmem>> -> memref<1x128x128xf32, #tpu.memory_space<vmem>>
        %dma_wait3A_137 = tpu.memref_squeeze %dma_wait3A_136 : memref<1x128x128xf32, #tpu.memory_space<vmem>> -> memref<128x128xf32, #tpu.memory_space<vmem>>
        tpu.wait_dma2 semaphore(%run_scoped3A_114 : memref<!tpu.dma_semaphore, #tpu.memory_space<semaphore_mem>>) src(%dma_wait3A_137 : memref<128x128xf32, #tpu.memory_space<vmem>>) dst(%dma_wait3A_133 : memref<128x128xf32, #tpu.memory_space<vmem_shared>>)
        tpu.yield
      }) : () -> ()
      %mul3A_14 = arith.constant 640 : i32
      %mul3A_15 = arith.muli %arg1, %mul3A_14 : i32
      %add3A_16 = arith.constant 128 : i32
      %add3A_17 = arith.addi %mul3A_15, %add3A_16 : i32
      %run_scoped3A_18 = arith.constant 0 : i32
      "tpu.region"() ({
        %run_scoped3A_114 = tpu.sem_alloc : memref<!tpu.dma_semaphore, #tpu.memory_space<semaphore_mem>>
        %dma_start3A_115 = arith.constant 0 : i32
        %dma_start3A_116 = arith.constant 0 : i32
        %dma_start3A_117 = tpu.memref_slice %arg10[%run_scoped3A_18, %dma_start3A_115, %dma_start3A_116] : memref<2x128x128xf32, #tpu.memory_space<vmem>> -> memref<1x128x128xf32, #tpu.memory_space<vmem>>
        %dma_start3A_118 = tpu.memref_squeeze %dma_start3A_117 : memref<1x128x128xf32, #tpu.memory_space<vmem>> -> memref<128x128xf32, #tpu.memory_space<vmem>>
        %dma_start3A_119 = arith.constant 0 : i32
        %dma_start3A_120 = tpu.memref_slice %arg11[%add3A_17, %dma_start3A_119] : memref<10240x128xf32, #tpu.memory_space<vmem_shared>> -> memref<128x128xf32, #tpu.memory_space<vmem_shared>>
        %dma_start3A_121 = arith.constant 0 : i32
        %dma_start3A_122 = tpu.memref_slice %arg11[%add3A_17, %dma_start3A_121] : memref<10240x128xf32, #tpu.memory_space<vmem_shared>> -> memref<128x128xf32, #tpu.memory_space<vmem_shared>>
        %dma_start3A_123 = arith.constant 0 : i32
        %dma_start3A_124 = arith.constant 0 : i32
        %dma_start3A_125 = tpu.memref_slice %arg10[%run_scoped3A_18, %dma_start3A_123, %dma_start3A_124] : memref<2x128x128xf32, #tpu.memory_space<vmem>> -> memref<1x128x128xf32, #tpu.memory_space<vmem>>
        %dma_start3A_126 = tpu.memref_squeeze %dma_start3A_125 : memref<1x128x128xf32, #tpu.memory_space<vmem>> -> memref<128x128xf32, #tpu.memory_space<vmem>>
        tpu.enqueue_dma source(%dma_start3A_126 : memref<128x128xf32, #tpu.memory_space<vmem>>) target(%dma_start3A_122 : memref<128x128xf32, #tpu.memory_space<vmem_shared>>) target_semaphore(%run_scoped3A_114 : memref<!tpu.dma_semaphore, #tpu.memory_space<semaphore_mem>>)
        %dma_wait3A = arith.constant 0 : i32
        %dma_wait3A_127 = arith.constant 0 : i32
        %dma_wait3A_128 = tpu.memref_slice %arg10[%run_scoped3A_18, %dma_wait3A, %dma_wait3A_127] : memref<2x128x128xf32, #tpu.memory_space<vmem>> -> memref<1x128x128xf32, #tpu.memory_space<vmem>>
        %dma_wait3A_129 = tpu.memref_squeeze %dma_wait3A_128 : memref<1x128x128xf32, #tpu.memory_space<vmem>> -> memref<128x128xf32, #tpu.memory_space<vmem>>
        %dma_wait3A_130 = arith.constant 0 : i32
        %dma_wait3A_131 = tpu.memref_slice %arg11[%add3A_17, %dma_wait3A_130] : memref<10240x128xf32, #tpu.memory_space<vmem_shared>> -> memref<128x128xf32, #tpu.memory_space<vmem_shared>>
        %dma_wait3A_132 = arith.constant 0 : i32
        %dma_wait3A_133 = tpu.memref_slice %arg11[%add3A_17, %dma_wait3A_132] : memref<10240x128xf32, #tpu.memory_space<vmem_shared>> -> memref<128x128xf32, #tpu.memory_space<vmem_shared>>
        %dma_wait3A_134 = arith.constant 0 : i32
        %dma_wait3A_135 = arith.constant 0 : i32
        %dma_wait3A_136 = tpu.memref_slice %arg10[%run_scoped3A_18, %dma_wait3A_134, %dma_wait3A_135] : memref<2x128x128xf32, #tpu.memory_space<vmem>> -> memref<1x128x128xf32, #tpu.memory_space<vmem>>
        %dma_wait3A_137 = tpu.memref_squeeze %dma_wait3A_136 : memref<1x128x128xf32, #tpu.memory_space<vmem>> -> memref<128x128xf32, #tpu.memory_space<vmem>>
        tpu.wait_dma2 semaphore(%run_scoped3A_114 : memref<!tpu.dma_semaphore, #tpu.memory_space<semaphore_mem>>) src(%dma_wait3A_137 : memref<128x128xf32, #tpu.memory_space<vmem>>) dst(%dma_wait3A_133 : memref<128x128xf32, #tpu.memory_space<vmem_shared>>)
        tpu.yield
      }) : () -> ()
      %mul3A_19 = arith.constant 640 : i32
      %mul3A_20 = arith.muli %arg1, %mul3A_19 : i32
      %add3A_21 = arith.constant 256 : i32
      %add3A_22 = arith.addi %mul3A_20, %add3A_21 : i32
      %run_scoped3A_23 = arith.constant 0 : i32
      "tpu.region"() ({
        %run_scoped3A_114 = tpu.sem_alloc : memref<!tpu.dma_semaphore, #tpu.memory_space<semaphore_mem>>
        %dma_start3A_115 = arith.constant 0 : i32
        %dma_start3A_116 = arith.constant 0 : i32
        %dma_start3A_117 = tpu.memref_slice %arg10[%run_scoped3A_23, %dma_start3A_115, %dma_start3A_116] : memref<2x128x128xf32, #tpu.memory_space<vmem>> -> memref<1x128x128xf32, #tpu.memory_space<vmem>>
        %dma_start3A_118 = tpu.memref_squeeze %dma_start3A_117 : memref<1x128x128xf32, #tpu.memory_space<vmem>> -> memref<128x128xf32, #tpu.memory_space<vmem>>
        %dma_start3A_119 = arith.constant 0 : i32
        %dma_start3A_120 = tpu.memref_slice %arg11[%add3A_22, %dma_start3A_119] : memref<10240x128xf32, #tpu.memory_space<vmem_shared>> -> memref<128x128xf32, #tpu.memory_space<vmem_shared>>
        %dma_start3A_121 = arith.constant 0 : i32
        %dma_start3A_122 = tpu.memref_slice %arg11[%add3A_22, %dma_start3A_121] : memref<10240x128xf32, #tpu.memory_space<vmem_shared>> -> memref<128x128xf32, #tpu.memory_space<vmem_shared>>
        %dma_start3A_123 = arith.constant 0 : i32
        %dma_start3A_124 = arith.constant 0 : i32
        %dma_start3A_125 = tpu.memref_slice %arg10[%run_scoped3A_23, %dma_start3A_123, %dma_start3A_124] : memref<2x128x128xf32, #tpu.memory_space<vmem>> -> memref<1x128x128xf32, #tpu.memory_space<vmem>>
        %dma_start3A_126 = tpu.memref_squeeze %dma_start3A_125 : memref<1x128x128xf32, #tpu.memory_space<vmem>> -> memref<128x128xf32, #tpu.memory_space<vmem>>
        tpu.enqueue_dma source(%dma_start3A_126 : memref<128x128xf32, #tpu.memory_space<vmem>>) target(%dma_start3A_122 : memref<128x128xf32, #tpu.memory_space<vmem_shared>>) target_semaphore(%run_scoped3A_114 : memref<!tpu.dma_semaphore, #tpu.memory_space<semaphore_mem>>)
        %dma_wait3A = arith.constant 0 : i32
        %dma_wait3A_127 = arith.constant 0 : i32
        %dma_wait3A_128 = tpu.memref_slice %arg10[%run_scoped3A_23, %dma_wait3A, %dma_wait3A_127] : memref<2x128x128xf32, #tpu.memory_space<vmem>> -> memref<1x128x128xf32, #tpu.memory_space<vmem>>
        %dma_wait3A_129 = tpu.memref_squeeze %dma_wait3A_128 : memref<1x128x128xf32, #tpu.memory_space<vmem>> -> memref<128x128xf32, #tpu.memory_space<vmem>>
        %dma_wait3A_130 = arith.constant 0 : i32
        %dma_wait3A_131 = tpu.memref_slice %arg11[%add3A_22, %dma_wait3A_130] : memref<10240x128xf32, #tpu.memory_space<vmem_shared>> -> memref<128x128xf32, #tpu.memory_space<vmem_shared>>
        %dma_wait3A_132 = arith.constant 0 : i32
        %dma_wait3A_133 = tpu.memref_slice %arg11[%add3A_22, %dma_wait3A_132] : memref<10240x128xf32, #tpu.memory_space<vmem_shared>> -> memref<128x128xf32, #tpu.memory_space<vmem_shared>>
        %dma_wait3A_134 = arith.constant 0 : i32
        %dma_wait3A_135 = arith.constant 0 : i32
        %dma_wait3A_136 = tpu.memref_slice %arg10[%run_scoped3A_23, %dma_wait3A_134, %dma_wait3A_135] : memref<2x128x128xf32, #tpu.memory_space<vmem>> -> memref<1x128x128xf32, #tpu.memory_space<vmem>>
        %dma_wait3A_137 = tpu.memref_squeeze %dma_wait3A_136 : memref<1x128x128xf32, #tpu.memory_space<vmem>> -> memref<128x128xf32, #tpu.memory_space<vmem>>
        tpu.wait_dma2 semaphore(%run_scoped3A_114 : memref<!tpu.dma_semaphore, #tpu.memory_space<semaphore_mem>>) src(%dma_wait3A_137 : memref<128x128xf32, #tpu.memory_space<vmem>>) dst(%dma_wait3A_133 : memref<128x128xf32, #tpu.memory_space<vmem_shared>>)
        tpu.yield
      }) : () -> ()
      %mul3A_24 = arith.constant 640 : i32
      %mul3A_25 = arith.muli %arg1, %mul3A_24 : i32
      %add3A_26 = arith.constant 384 : i32
      %add3A_27 = arith.addi %mul3A_25, %add3A_26 : i32
      %run_scoped3A_28 = arith.constant 0 : i32
      "tpu.region"() ({
        %run_scoped3A_114 = tpu.sem_alloc : memref<!tpu.dma_semaphore, #tpu.memory_space<semaphore_mem>>
        %dma_start3A_115 = arith.constant 0 : i32
        %dma_start3A_116 = arith.constant 0 : i32
        %dma_start3A_117 = tpu.memref_slice %arg10[%run_scoped3A_28, %dma_start3A_115, %dma_start3A_116] : memref<2x128x128xf32, #tpu.memory_space<vmem>> -> memref<1x128x128xf32, #tpu.memory_space<vmem>>
        %dma_start3A_118 = tpu.memref_squeeze %dma_start3A_117 : memref<1x128x128xf32, #tpu.memory_space<vmem>> -> memref<128x128xf32, #tpu.memory_space<vmem>>
        %dma_start3A_119 = arith.constant 0 : i32
        %dma_start3A_120 = tpu.memref_slice %arg11[%add3A_27, %dma_start3A_119] : memref<10240x128xf32, #tpu.memory_space<vmem_shared>> -> memref<128x128xf32, #tpu.memory_space<vmem_shared>>
        %dma_start3A_121 = arith.constant 0 : i32
        %dma_start3A_122 = tpu.memref_slice %arg11[%add3A_27, %dma_start3A_121] : memref<10240x128xf32, #tpu.memory_space<vmem_shared>> -> memref<128x128xf32, #tpu.memory_space<vmem_shared>>
        %dma_start3A_123 = arith.constant 0 : i32
        %dma_start3A_124 = arith.constant 0 : i32
        %dma_start3A_125 = tpu.memref_slice %arg10[%run_scoped3A_28, %dma_start3A_123, %dma_start3A_124] : memref<2x128x128xf32, #tpu.memory_space<vmem>> -> memref<1x128x128xf32, #tpu.memory_space<vmem>>
        %dma_start3A_126 = tpu.memref_squeeze %dma_start3A_125 : memref<1x128x128xf32, #tpu.memory_space<vmem>> -> memref<128x128xf32, #tpu.memory_space<vmem>>
        tpu.enqueue_dma source(%dma_start3A_126 : memref<128x128xf32, #tpu.memory_space<vmem>>) target(%dma_start3A_122 : memref<128x128xf32, #tpu.memory_space<vmem_shared>>) target_semaphore(%run_scoped3A_114 : memref<!tpu.dma_semaphore, #tpu.memory_space<semaphore_mem>>)
        %dma_wait3A = arith.constant 0 : i32
        %dma_wait3A_127 = arith.constant 0 : i32
        %dma_wait3A_128 = tpu.memref_slice %arg10[%run_scoped3A_28, %dma_wait3A, %dma_wait3A_127] : memref<2x128x128xf32, #tpu.memory_space<vmem>> -> memref<1x128x128xf32, #tpu.memory_space<vmem>>
        %dma_wait3A_129 = tpu.memref_squeeze %dma_wait3A_128 : memref<1x128x128xf32, #tpu.memory_space<vmem>> -> memref<128x128xf32, #tpu.memory_space<vmem>>
        %dma_wait3A_130 = arith.constant 0 : i32
        %dma_wait3A_131 = tpu.memref_slice %arg11[%add3A_27, %dma_wait3A_130] : memref<10240x128xf32, #tpu.memory_space<vmem_shared>> -> memref<128x128xf32, #tpu.memory_space<vmem_shared>>
        %dma_wait3A_132 = arith.constant 0 : i32
        %dma_wait3A_133 = tpu.memref_slice %arg11[%add3A_27, %dma_wait3A_132] : memref<10240x128xf32, #tpu.memory_space<vmem_shared>> -> memref<128x128xf32, #tpu.memory_space<vmem_shared>>
        %dma_wait3A_134 = arith.constant 0 : i32
        %dma_wait3A_135 = arith.constant 0 : i32
        %dma_wait3A_136 = tpu.memref_slice %arg10[%run_scoped3A_28, %dma_wait3A_134, %dma_wait3A_135] : memref<2x128x128xf32, #tpu.memory_space<vmem>> -> memref<1x128x128xf32, #tpu.memory_space<vmem>>
        %dma_wait3A_137 = tpu.memref_squeeze %dma_wait3A_136 : memref<1x128x128xf32, #tpu.memory_space<vmem>> -> memref<128x128xf32, #tpu.memory_space<vmem>>
        tpu.wait_dma2 semaphore(%run_scoped3A_114 : memref<!tpu.dma_semaphore, #tpu.memory_space<semaphore_mem>>) src(%dma_wait3A_137 : memref<128x128xf32, #tpu.memory_space<vmem>>) dst(%dma_wait3A_133 : memref<128x128xf32, #tpu.memory_space<vmem_shared>>)
        tpu.yield
      }) : () -> ()
      %mul3A_29 = arith.constant 640 : i32
      %mul3A_30 = arith.muli %arg1, %mul3A_29 : i32
      %add3A_31 = arith.constant 512 : i32
      %add3A_32 = arith.addi %mul3A_30, %add3A_31 : i32
      %run_scoped3A_33 = arith.constant 0 : i32
      "tpu.region"() ({
        %run_scoped3A_114 = tpu.sem_alloc : memref<!tpu.dma_semaphore, #tpu.memory_space<semaphore_mem>>
        %dma_start3A_115 = arith.constant 0 : i32
        %dma_start3A_116 = arith.constant 0 : i32
        %dma_start3A_117 = tpu.memref_slice %arg10[%run_scoped3A_33, %dma_start3A_115, %dma_start3A_116] : memref<2x128x128xf32, #tpu.memory_space<vmem>> -> memref<1x128x128xf32, #tpu.memory_space<vmem>>
        %dma_start3A_118 = tpu.memref_squeeze %dma_start3A_117 : memref<1x128x128xf32, #tpu.memory_space<vmem>> -> memref<128x128xf32, #tpu.memory_space<vmem>>
        %dma_start3A_119 = arith.constant 0 : i32
        %dma_start3A_120 = tpu.memref_slice %arg11[%add3A_32, %dma_start3A_119] : memref<10240x128xf32, #tpu.memory_space<vmem_shared>> -> memref<128x128xf32, #tpu.memory_space<vmem_shared>>
        %dma_start3A_121 = arith.constant 0 : i32
        %dma_start3A_122 = tpu.memref_slice %arg11[%add3A_32, %dma_start3A_121] : memref<10240x128xf32, #tpu.memory_space<vmem_shared>> -> memref<128x128xf32, #tpu.memory_space<vmem_shared>>
        %dma_start3A_123 = arith.constant 0 : i32
        %dma_start3A_124 = arith.constant 0 : i32
        %dma_start3A_125 = tpu.memref_slice %arg10[%run_scoped3A_33, %dma_start3A_123, %dma_start3A_124] : memref<2x128x128xf32, #tpu.memory_space<vmem>> -> memref<1x128x128xf32, #tpu.memory_space<vmem>>
        %dma_start3A_126 = tpu.memref_squeeze %dma_start3A_125 : memref<1x128x128xf32, #tpu.memory_space<vmem>> -> memref<128x128xf32, #tpu.memory_space<vmem>>
        tpu.enqueue_dma source(%dma_start3A_126 : memref<128x128xf32, #tpu.memory_space<vmem>>) target(%dma_start3A_122 : memref<128x128xf32, #tpu.memory_space<vmem_shared>>) target_semaphore(%run_scoped3A_114 : memref<!tpu.dma_semaphore, #tpu.memory_space<semaphore_mem>>)
        %dma_wait3A = arith.constant 0 : i32
        %dma_wait3A_127 = arith.constant 0 : i32
        %dma_wait3A_128 = tpu.memref_slice %arg10[%run_scoped3A_33, %dma_wait3A, %dma_wait3A_127] : memref<2x128x128xf32, #tpu.memory_space<vmem>> -> memref<1x128x128xf32, #tpu.memory_space<vmem>>
        %dma_wait3A_129 = tpu.memref_squeeze %dma_wait3A_128 : memref<1x128x128xf32, #tpu.memory_space<vmem>> -> memref<128x128xf32, #tpu.memory_space<vmem>>
        %dma_wait3A_130 = arith.constant 0 : i32
        %dma_wait3A_131 = tpu.memref_slice %arg11[%add3A_32, %dma_wait3A_130] : memref<10240x128xf32, #tpu.memory_space<vmem_shared>> -> memref<128x128xf32, #tpu.memory_space<vmem_shared>>
        %dma_wait3A_132 = arith.constant 0 : i32
        %dma_wait3A_133 = tpu.memref_slice %arg11[%add3A_32, %dma_wait3A_132] : memref<10240x128xf32, #tpu.memory_space<vmem_shared>> -> memref<128x128xf32, #tpu.memory_space<vmem_shared>>
        %dma_wait3A_134 = arith.constant 0 : i32
        %dma_wait3A_135 = arith.constant 0 : i32
        %dma_wait3A_136 = tpu.memref_slice %arg10[%run_scoped3A_33, %dma_wait3A_134, %dma_wait3A_135] : memref<2x128x128xf32, #tpu.memory_space<vmem>> -> memref<1x128x128xf32, #tpu.memory_space<vmem>>
        %dma_wait3A_137 = tpu.memref_squeeze %dma_wait3A_136 : memref<1x128x128xf32, #tpu.memory_space<vmem>> -> memref<128x128xf32, #tpu.memory_space<vmem>>
        tpu.wait_dma2 semaphore(%run_scoped3A_114 : memref<!tpu.dma_semaphore, #tpu.memory_space<semaphore_mem>>) src(%dma_wait3A_137 : memref<128x128xf32, #tpu.memory_space<vmem>>) dst(%dma_wait3A_133 : memref<128x128xf32, #tpu.memory_space<vmem_shared>>)
        tpu.yield
      }) : () -> ()
      %barrier3A = arith.constant 0 : index
      tpu.barrier barrier_id(%barrier3A)
      %mul3A_34 = arith.constant 2 : i32
      %mul3A_35 = arith.muli %mul3A_34, %arg1 : i32
      %add3A_36 = arith.constant 0 : i32
      %add3A_37 = arith.addi %mul3A_35, %add3A_36 : i32
      "tpu.region"() ({
        %run_scoped3A_114 = tpu.sem_alloc : memref<!tpu.dma_semaphore, #tpu.memory_space<semaphore_mem>>
        %dma_start3A_115 = arith.constant 0 : i32
        %dma_start3A_116 = arith.constant 0 : i32
        %dma_start3A_117 = tpu.memref_slice %arg2[%add3A_37, %dma_start3A_115, %dma_start3A_116] : memref<32x40x128xi32, #tpu.memory_space<hbm>> -> memref<1x40x128xi32, #tpu.memory_space<hbm>>
        %dma_start3A_118 = tpu.memref_squeeze %dma_start3A_117 : memref<1x40x128xi32, #tpu.memory_space<hbm>> -> memref<40x128xi32, #tpu.memory_space<hbm>>
        %dma_start3A_119 = arith.constant 0 : i32
        %dma_start3A_120 = arith.constant 0 : i32
        %dma_start3A_121 = tpu.memref_slice %arg2[%add3A_37, %dma_start3A_119, %dma_start3A_120] : memref<32x40x128xi32, #tpu.memory_space<hbm>> -> memref<1x40x128xi32, #tpu.memory_space<hbm>>
        %dma_start3A_122 = tpu.memref_squeeze %dma_start3A_121 : memref<1x40x128xi32, #tpu.memory_space<hbm>> -> memref<40x128xi32, #tpu.memory_space<hbm>>
        tpu.enqueue_dma source(%dma_start3A_122 : memref<40x128xi32, #tpu.memory_space<hbm>>) target(%arg8 : memref<40x128xi32, #tpu.memory_space<vmem>>) target_semaphore(%run_scoped3A_114 : memref<!tpu.dma_semaphore, #tpu.memory_space<semaphore_mem>>)
        %dma_wait3A = arith.constant 0 : i32
        %dma_wait3A_123 = arith.constant 0 : i32
        %dma_wait3A_124 = tpu.memref_slice %arg2[%add3A_37, %dma_wait3A, %dma_wait3A_123] : memref<32x40x128xi32, #tpu.memory_space<hbm>> -> memref<1x40x128xi32, #tpu.memory_space<hbm>>
        %dma_wait3A_125 = tpu.memref_squeeze %dma_wait3A_124 : memref<1x40x128xi32, #tpu.memory_space<hbm>> -> memref<40x128xi32, #tpu.memory_space<hbm>>
        %dma_wait3A_126 = arith.constant 0 : i32
        %dma_wait3A_127 = arith.constant 0 : i32
        %dma_wait3A_128 = tpu.memref_slice %arg2[%add3A_37, %dma_wait3A_126, %dma_wait3A_127] : memref<32x40x128xi32, #tpu.memory_space<hbm>> -> memref<1x40x128xi32, #tpu.memory_space<hbm>>
        %dma_wait3A_129 = tpu.memref_squeeze %dma_wait3A_128 : memref<1x40x128xi32, #tpu.memory_space<hbm>> -> memref<40x128xi32, #tpu.memory_space<hbm>>
        tpu.wait_dma2 semaphore(%run_scoped3A_114 : memref<!tpu.dma_semaphore, #tpu.memory_space<semaphore_mem>>) src(%dma_wait3A_129 : memref<40x128xi32, #tpu.memory_space<hbm>>) dst(%arg8 : memref<40x128xi32, #tpu.memory_space<vmem>>)
        tpu.yield
      }) : () -> ()
      %mul3A_38 = arith.constant 2 : i32
      %mul3A_39 = arith.muli %mul3A_38, %arg1 : i32
      %add3A_40 = arith.constant 0 : i32
      %add3A_41 = arith.addi %mul3A_39, %add3A_40 : i32
      "tpu.region"() ({
        %run_scoped3A_114 = tpu.sem_alloc : memref<!tpu.dma_semaphore, #tpu.memory_space<semaphore_mem>>
        %dma_start3A_115 = arith.constant 0 : i32
        %dma_start3A_116 = arith.constant 0 : i32
        %dma_start3A_117 = tpu.memref_slice %arg3[%add3A_41, %dma_start3A_115, %dma_start3A_116] : memref<32x40x128xi32, #tpu.memory_space<hbm>> -> memref<1x40x128xi32, #tpu.memory_space<hbm>>
        %dma_start3A_118 = tpu.memref_squeeze %dma_start3A_117 : memref<1x40x128xi32, #tpu.memory_space<hbm>> -> memref<40x128xi32, #tpu.memory_space<hbm>>
        %dma_start3A_119 = arith.constant 0 : i32
        %dma_start3A_120 = arith.constant 0 : i32
        %dma_start3A_121 = tpu.memref_slice %arg3[%add3A_41, %dma_start3A_119, %dma_start3A_120] : memref<32x40x128xi32, #tpu.memory_space<hbm>> -> memref<1x40x128xi32, #tpu.memory_space<hbm>>
        %dma_start3A_122 = tpu.memref_squeeze %dma_start3A_121 : memref<1x40x128xi32, #tpu.memory_space<hbm>> -> memref<40x128xi32, #tpu.memory_space<hbm>>
        tpu.enqueue_dma source(%dma_start3A_122 : memref<40x128xi32, #tpu.memory_space<hbm>>) target(%arg9 : memref<40x128xi32, #tpu.memory_space<vmem>>) target_semaphore(%run_scoped3A_114 : memref<!tpu.dma_semaphore, #tpu.memory_space<semaphore_mem>>)
        %dma_wait3A = arith.constant 0 : i32
        %dma_wait3A_123 = arith.constant 0 : i32
        %dma_wait3A_124 = tpu.memref_slice %arg3[%add3A_41, %dma_wait3A, %dma_wait3A_123] : memref<32x40x128xi32, #tpu.memory_space<hbm>> -> memref<1x40x128xi32, #tpu.memory_space<hbm>>
        %dma_wait3A_125 = tpu.memref_squeeze %dma_wait3A_124 : memref<1x40x128xi32, #tpu.memory_space<hbm>> -> memref<40x128xi32, #tpu.memory_space<hbm>>
        %dma_wait3A_126 = arith.constant 0 : i32
        %dma_wait3A_127 = arith.constant 0 : i32
        %dma_wait3A_128 = tpu.memref_slice %arg3[%add3A_41, %dma_wait3A_126, %dma_wait3A_127] : memref<32x40x128xi32, #tpu.memory_space<hbm>> -> memref<1x40x128xi32, #tpu.memory_space<hbm>>
        %dma_wait3A_129 = tpu.memref_squeeze %dma_wait3A_128 : memref<1x40x128xi32, #tpu.memory_space<hbm>> -> memref<40x128xi32, #tpu.memory_space<hbm>>
        tpu.wait_dma2 semaphore(%run_scoped3A_114 : memref<!tpu.dma_semaphore, #tpu.memory_space<semaphore_mem>>) src(%dma_wait3A_129 : memref<40x128xi32, #tpu.memory_space<hbm>>) dst(%arg9 : memref<40x128xi32, #tpu.memory_space<vmem>>)
        tpu.yield
      }) : () -> ()
      %dma_start3A = arith.constant 0 : i32
      %dma_start3A_42 = arith.constant 0 : i32
      %dma_start3A_43 = arith.constant 0 : i32
      %dma_start3A_44 = arith.constant 0 : i32
      %dma_start3A_45 = tpu.memref_slice %arg10[%dma_start3A_42, %dma_start3A_43, %dma_start3A_44] : memref<2x128x128xf32, #tpu.memory_space<vmem>> -> memref<1x128x128xf32, #tpu.memory_space<vmem>>
      %dma_start3A_46 = tpu.memref_squeeze %dma_start3A_45 : memref<1x128x128xf32, #tpu.memory_space<vmem>> -> memref<128x128xf32, #tpu.memory_space<vmem>>
      %dma_start3A_47 = arith.constant 0 : i32
      %dma_start3A_48 = tpu.memref_slice %arg8[%dma_start3A, %dma_start3A_47] : memref<40x128xi32, #tpu.memory_space<vmem>> -> memref<1x128xi32, #tpu.memory_space<vmem>>
      %dma_start3A_49 = tpu.memref_squeeze %dma_start3A_48 : memref<1x128xi32, #tpu.memory_space<vmem>> -> memref<128xi32, #tpu.memory_space<vmem>>
      %dma_start3A_50 = arith.constant 0 : i32
      %dma_start3A_51 = arith.constant 0 : i32
      %dma_start3A_52 = tpu.memref_slice %arg5[%dma_start3A_50, %dma_start3A_51] : memref<10240x128xf32, #tpu.memory_space<hbm>> -> memref<10240x128xf32, #tpu.memory_space<hbm>>
      tpu.enqueue_indirect_dma source(%dma_start3A_52 : memref<10240x128xf32, #tpu.memory_space<hbm>>) target(%dma_start3A_46 : memref<128x128xf32, #tpu.memory_space<vmem>>) offsets(%dma_start3A_49 : memref<128xi32, #tpu.memory_space<vmem>>) semaphore(%arg12 : memref<!tpu.dma_semaphore, #tpu.memory_space<semaphore_mem>>)
      %dma_start3A_53 = arith.constant 1 : i32
      %dma_start3A_54 = arith.constant 1 : i32
      %dma_start3A_55 = arith.constant 0 : i32
      %dma_start3A_56 = arith.constant 0 : i32
      %dma_start3A_57 = tpu.memref_slice %arg10[%dma_start3A_54, %dma_start3A_55, %dma_start3A_56] : memref<2x128x128xf32, #tpu.memory_space<vmem>> -> memref<1x128x128xf32, #tpu.memory_space<vmem>>
      %dma_start3A_58 = tpu.memref_squeeze %dma_start3A_57 : memref<1x128x128xf32, #tpu.memory_space<vmem>> -> memref<128x128xf32, #tpu.memory_space<vmem>>
      %dma_start3A_59 = arith.constant 0 : i32
      %dma_start3A_60 = tpu.memref_slice %arg8[%dma_start3A_53, %dma_start3A_59] : memref<40x128xi32, #tpu.memory_space<vmem>> -> memref<1x128xi32, #tpu.memory_space<vmem>>
      %dma_start3A_61 = tpu.memref_squeeze %dma_start3A_60 : memref<1x128xi32, #tpu.memory_space<vmem>> -> memref<128xi32, #tpu.memory_space<vmem>>
      %dma_start3A_62 = arith.constant 0 : i32
      %dma_start3A_63 = arith.constant 0 : i32
      %dma_start3A_64 = tpu.memref_slice %arg5[%dma_start3A_62, %dma_start3A_63] : memref<10240x128xf32, #tpu.memory_space<hbm>> -> memref<10240x128xf32, #tpu.memory_space<hbm>>
      tpu.enqueue_indirect_dma source(%dma_start3A_64 : memref<10240x128xf32, #tpu.memory_space<hbm>>) target(%dma_start3A_58 : memref<128x128xf32, #tpu.memory_space<vmem>>) offsets(%dma_start3A_61 : memref<128xi32, #tpu.memory_space<vmem>>) semaphore(%arg13 : memref<!tpu.dma_semaphore, #tpu.memory_space<semaphore_mem>>)
      %scan3A_65 = arith.constant 0 : i32
      %scan3A_66 = arith.constant 0 : i32
      %scan3A_67 = arith.constant 20 : i32
      %scan3A_68 = arith.addi %scan3A_66, %scan3A_67 : i32
      %scan3A_69 = arith.constant 1 : i32
      scf.for %scan3A_114 = %scan3A_66 to %scan3A_68 step %scan3A_69  : i32 {
        %mul3A_115 = arith.constant 2 : i32
        %mul3A_116 = arith.muli %mul3A_115, %scan3A_114 : i32
        %dma_wait3A = arith.constant 0 : i32
        %dma_wait3A_117 = arith.constant 0 : i32
        %dma_wait3A_118 = arith.constant 0 : i32
        %dma_wait3A_119 = tpu.memref_slice %arg10[%dma_wait3A, %dma_wait3A_117, %dma_wait3A_118] : memref<2x128x128xf32, #tpu.memory_space<vmem>> -> memref<1x128x128xf32, #tpu.memory_space<vmem>>
        %dma_wait3A_120 = tpu.memref_squeeze %dma_wait3A_119 : memref<1x128x128xf32, #tpu.memory_space<vmem>> -> memref<128x128xf32, #tpu.memory_space<vmem>>
        %dma_wait3A_121 = arith.constant 0 : i32
        %dma_wait3A_122 = tpu.memref_slice %arg8[%mul3A_116, %dma_wait3A_121] : memref<40x128xi32, #tpu.memory_space<vmem>> -> memref<1x128xi32, #tpu.memory_space<vmem>>
        %dma_wait3A_123 = tpu.memref_squeeze %dma_wait3A_122 : memref<1x128xi32, #tpu.memory_space<vmem>> -> memref<128xi32, #tpu.memory_space<vmem>>
        %dma_wait3A_124 = arith.constant 0 : i32
        %dma_wait3A_125 = arith.constant 0 : i32
        %dma_wait3A_126 = tpu.memref_slice %arg5[%dma_wait3A_124, %dma_wait3A_125] : memref<10240x128xf32, #tpu.memory_space<hbm>> -> memref<10240x128xf32, #tpu.memory_space<hbm>>
        tpu.wait_indirect_dma semaphore(%arg12 : memref<!tpu.dma_semaphore, #tpu.memory_space<semaphore_mem>>) src(%dma_wait3A_126 : memref<10240x128xf32, #tpu.memory_space<hbm>>) dst(%dma_wait3A_120 : memref<128x128xf32, #tpu.memory_space<vmem>>)
        %run_scoped3A_127 = arith.constant 0 : i32
        "tpu.region"() ({
          %run_scoped3A_153 = tpu.sem_alloc : memref<!tpu.dma_semaphore, #tpu.memory_space<semaphore_mem>>
          %dma_start3A_154 = arith.constant 0 : i32
          %dma_start3A_155 = arith.constant 0 : i32
          %dma_start3A_156 = tpu.memref_slice %arg10[%run_scoped3A_127, %dma_start3A_154, %dma_start3A_155] : memref<2x128x128xf32, #tpu.memory_space<vmem>> -> memref<1x128x128xf32, #tpu.memory_space<vmem>>
          %dma_start3A_157 = tpu.memref_squeeze %dma_start3A_156 : memref<1x128x128xf32, #tpu.memory_space<vmem>> -> memref<128x128xf32, #tpu.memory_space<vmem>>
          %dma_start3A_158 = arith.constant 0 : i32
          %dma_start3A_159 = tpu.memref_slice %arg9[%mul3A_116, %dma_start3A_158] : memref<40x128xi32, #tpu.memory_space<vmem>> -> memref<1x128xi32, #tpu.memory_space<vmem>>
          %dma_start3A_160 = tpu.memref_squeeze %dma_start3A_159 : memref<1x128xi32, #tpu.memory_space<vmem>> -> memref<128xi32, #tpu.memory_space<vmem>>
          %dma_start3A_161 = arith.constant 0 : i32
          %dma_start3A_162 = arith.constant 0 : i32
          %dma_start3A_163 = tpu.memref_slice %arg11[%dma_start3A_161, %dma_start3A_162] : memref<10240x128xf32, #tpu.memory_space<vmem_shared>> -> memref<10240x128xf32, #tpu.memory_space<vmem_shared>>
          tpu.enqueue_indirect_dma source(%dma_start3A_157 : memref<128x128xf32, #tpu.memory_space<vmem>>) target(%dma_start3A_163 : memref<10240x128xf32, #tpu.memory_space<vmem_shared>>) offsets(%dma_start3A_160 : memref<128xi32, #tpu.memory_space<vmem>>) semaphore(%run_scoped3A_153 : memref<!tpu.dma_semaphore, #tpu.memory_space<semaphore_mem>>) {add = true}
          %dma_wait3A_164 = arith.constant 0 : i32
          %dma_wait3A_165 = arith.constant 0 : i32
          %dma_wait3A_166 = tpu.memref_slice %arg10[%run_scoped3A_127, %dma_wait3A_164, %dma_wait3A_165] : memref<2x128x128xf32, #tpu.memory_space<vmem>> -> memref<1x128x128xf32, #tpu.memory_space<vmem>>
          %dma_wait3A_167 = tpu.memref_squeeze %dma_wait3A_166 : memref<1x128x128xf32, #tpu.memory_space<vmem>> -> memref<128x128xf32, #tpu.memory_space<vmem>>
          %dma_wait3A_168 = arith.constant 0 : i32
          %dma_wait3A_169 = tpu.memref_slice %arg9[%mul3A_116, %dma_wait3A_168] : memref<40x128xi32, #tpu.memory_space<vmem>> -> memref<1x128xi32, #tpu.memory_space<vmem>>
          %dma_wait3A_170 = tpu.memref_squeeze %dma_wait3A_169 : memref<1x128xi32, #tpu.memory_space<vmem>> -> memref<128xi32, #tpu.memory_space<vmem>>
          %dma_wait3A_171 = arith.constant 0 : i32
          %dma_wait3A_172 = arith.constant 0 : i32
          %dma_wait3A_173 = tpu.memref_slice %arg11[%dma_wait3A_171, %dma_wait3A_172] : memref<10240x128xf32, #tpu.memory_space<vmem_shared>> -> memref<10240x128xf32, #tpu.memory_space<vmem_shared>>
          tpu.wait_indirect_dma semaphore(%run_scoped3A_153 : memref<!tpu.dma_semaphore, #tpu.memory_space<semaphore_mem>>) src(%dma_wait3A_167 : memref<128x128xf32, #tpu.memory_space<vmem>>) dst(%dma_wait3A_173 : memref<10240x128xf32, #tpu.memory_space<vmem_shared>>)
          tpu.yield
        }) : () -> ()
        %lt3A = arith.constant 19 : i32
        %lt3A_128 = arith.cmpi slt, %scan3A_114, %lt3A : i32
        %convert_element_type3A_129 = arith.extui %lt3A_128 : i1 to i32
        %cond3A_130 = arith.constant 0 : i32
        %cond3A_131 = arith.cmpi ne, %convert_element_type3A_129, %cond3A_130 : i32
        scf.if %cond3A_131 {
          %add3A_153 = arith.constant 2 : i32
          %add3A_154 = arith.addi %mul3A_116, %add3A_153 : i32
          %dma_start3A_155 = arith.constant 0 : i32
          %dma_start3A_156 = arith.constant 0 : i32
          %dma_start3A_157 = arith.constant 0 : i32
          %dma_start3A_158 = tpu.memref_slice %arg10[%dma_start3A_155, %dma_start3A_156, %dma_start3A_157] : memref<2x128x128xf32, #tpu.memory_space<vmem>> -> memref<1x128x128xf32, #tpu.memory_space<vmem>>
          %dma_start3A_159 = tpu.memref_squeeze %dma_start3A_158 : memref<1x128x128xf32, #tpu.memory_space<vmem>> -> memref<128x128xf32, #tpu.memory_space<vmem>>
          %dma_start3A_160 = arith.constant 0 : i32
          %dma_start3A_161 = tpu.memref_slice %arg8[%add3A_154, %dma_start3A_160] : memref<40x128xi32, #tpu.memory_space<vmem>> -> memref<1x128xi32, #tpu.memory_space<vmem>>
          %dma_start3A_162 = tpu.memref_squeeze %dma_start3A_161 : memref<1x128xi32, #tpu.memory_space<vmem>> -> memref<128xi32, #tpu.memory_space<vmem>>
          %dma_start3A_163 = arith.constant 0 : i32
          %dma_start3A_164 = arith.constant 0 : i32
          %dma_start3A_165 = tpu.memref_slice %arg5[%dma_start3A_163, %dma_start3A_164] : memref<10240x128xf32, #tpu.memory_space<hbm>> -> memref<10240x128xf32, #tpu.memory_space<hbm>>
          tpu.enqueue_indirect_dma source(%dma_start3A_165 : memref<10240x128xf32, #tpu.memory_space<hbm>>) target(%dma_start3A_159 : memref<128x128xf32, #tpu.memory_space<vmem>>) offsets(%dma_start3A_162 : memref<128xi32, #tpu.memory_space<vmem>>) semaphore(%arg12 : memref<!tpu.dma_semaphore, #tpu.memory_space<semaphore_mem>>)
        } else {
        }
        %add3A_132 = arith.constant 1 : i32
        %add3A_133 = arith.addi %mul3A_116, %add3A_132 : i32
        %dma_wait3A_134 = arith.constant 1 : i32
        %dma_wait3A_135 = arith.constant 0 : i32
        %dma_wait3A_136 = arith.constant 0 : i32
        %dma_wait3A_137 = tpu.memref_slice %arg10[%dma_wait3A_134, %dma_wait3A_135, %dma_wait3A_136] : memref<2x128x128xf32, #tpu.memory_space<vmem>> -> memref<1x128x128xf32, #tpu.memory_space<vmem>>
        %dma_wait3A_138 = tpu.memref_squeeze %dma_wait3A_137 : memref<1x128x128xf32, #tpu.memory_space<vmem>> -> memref<128x128xf32, #tpu.memory_space<vmem>>
        %dma_wait3A_139 = arith.constant 0 : i32
        %dma_wait3A_140 = tpu.memref_slice %arg8[%add3A_133, %dma_wait3A_139] : memref<40x128xi32, #tpu.memory_space<vmem>> -> memref<1x128xi32, #tpu.memory_space<vmem>>
        %dma_wait3A_141 = tpu.memref_squeeze %dma_wait3A_140 : memref<1x128xi32, #tpu.memory_space<vmem>> -> memref<128xi32, #tpu.memory_space<vmem>>
        %dma_wait3A_142 = arith.constant 0 : i32
        %dma_wait3A_143 = arith.constant 0 : i32
        %dma_wait3A_144 = tpu.memref_slice %arg5[%dma_wait3A_142, %dma_wait3A_143] : memref<10240x128xf32, #tpu.memory_space<hbm>> -> memref<10240x128xf32, #tpu.memory_space<hbm>>
        tpu.wait_indirect_dma semaphore(%arg13 : memref<!tpu.dma_semaphore, #tpu.memory_space<semaphore_mem>>) src(%dma_wait3A_144 : memref<10240x128xf32, #tpu.memory_space<hbm>>) dst(%dma_wait3A_138 : memref<128x128xf32, #tpu.memory_space<vmem>>)
        %add3A_145 = arith.constant 1 : i32
        %add3A_146 = arith.addi %mul3A_116, %add3A_145 : i32
        %run_scoped3A_147 = arith.constant 1 : i32
        "tpu.region"() ({
          %run_scoped3A_153 = tpu.sem_alloc : memref<!tpu.dma_semaphore, #tpu.memory_space<semaphore_mem>>
          %dma_start3A_154 = arith.constant 0 : i32
          %dma_start3A_155 = arith.constant 0 : i32
          %dma_start3A_156 = tpu.memref_slice %arg10[%run_scoped3A_147, %dma_start3A_154, %dma_start3A_155] : memref<2x128x128xf32, #tpu.memory_space<vmem>> -> memref<1x128x128xf32, #tpu.memory_space<vmem>>
          %dma_start3A_157 = tpu.memref_squeeze %dma_start3A_156 : memref<1x128x128xf32, #tpu.memory_space<vmem>> -> memref<128x128xf32, #tpu.memory_space<vmem>>
          %dma_start3A_158 = arith.constant 0 : i32
          %dma_start3A_159 = tpu.memref_slice %arg9[%add3A_146, %dma_start3A_158] : memref<40x128xi32, #tpu.memory_space<vmem>> -> memref<1x128xi32, #tpu.memory_space<vmem>>
          %dma_start3A_160 = tpu.memref_squeeze %dma_start3A_159 : memref<1x128xi32, #tpu.memory_space<vmem>> -> memref<128xi32, #tpu.memory_space<vmem>>
          %dma_start3A_161 = arith.constant 0 : i32
          %dma_start3A_162 = arith.constant 0 : i32
          %dma_start3A_163 = tpu.memref_slice %arg11[%dma_start3A_161, %dma_start3A_162] : memref<10240x128xf32, #tpu.memory_space<vmem_shared>> -> memref<10240x128xf32, #tpu.memory_space<vmem_shared>>
          tpu.enqueue_indirect_dma source(%dma_start3A_157 : memref<128x128xf32, #tpu.memory_space<vmem>>) target(%dma_start3A_163 : memref<10240x128xf32, #tpu.memory_space<vmem_shared>>) offsets(%dma_start3A_160 : memref<128xi32, #tpu.memory_space<vmem>>) semaphore(%run_scoped3A_153 : memref<!tpu.dma_semaphore, #tpu.memory_space<semaphore_mem>>) {add = true}
          %dma_wait3A_164 = arith.constant 0 : i32
          %dma_wait3A_165 = arith.constant 0 : i32
          %dma_wait3A_166 = tpu.memref_slice %arg10[%run_scoped3A_147, %dma_wait3A_164, %dma_wait3A_165] : memref<2x128x128xf32, #tpu.memory_space<vmem>> -> memref<1x128x128xf32, #tpu.memory_space<vmem>>
          %dma_wait3A_167 = tpu.memref_squeeze %dma_wait3A_166 : memref<1x128x128xf32, #tpu.memory_space<vmem>> -> memref<128x128xf32, #tpu.memory_space<vmem>>
          %dma_wait3A_168 = arith.constant 0 : i32
          %dma_wait3A_169 = tpu.memref_slice %arg9[%add3A_146, %dma_wait3A_168] : memref<40x128xi32, #tpu.memory_space<vmem>> -> memref<1x128xi32, #tpu.memory_space<vmem>>
          %dma_wait3A_170 = tpu.memref_squeeze %dma_wait3A_169 : memref<1x128xi32, #tpu.memory_space<vmem>> -> memref<128xi32, #tpu.memory_space<vmem>>
          %dma_wait3A_171 = arith.constant 0 : i32
          %dma_wait3A_172 = arith.constant 0 : i32
          %dma_wait3A_173 = tpu.memref_slice %arg11[%dma_wait3A_171, %dma_wait3A_172] : memref<10240x128xf32, #tpu.memory_space<vmem_shared>> -> memref<10240x128xf32, #tpu.memory_space<vmem_shared>>
          tpu.wait_indirect_dma semaphore(%run_scoped3A_153 : memref<!tpu.dma_semaphore, #tpu.memory_space<semaphore_mem>>) src(%dma_wait3A_167 : memref<128x128xf32, #tpu.memory_space<vmem>>) dst(%dma_wait3A_173 : memref<10240x128xf32, #tpu.memory_space<vmem_shared>>)
          tpu.yield
        }) : () -> ()
        %lt3A_148 = arith.constant 19 : i32
        %lt3A_149 = arith.cmpi slt, %scan3A_114, %lt3A_148 : i32
        %convert_element_type3A_150 = arith.extui %lt3A_149 : i1 to i32
        %cond3A_151 = arith.constant 0 : i32
        %cond3A_152 = arith.cmpi ne, %convert_element_type3A_150, %cond3A_151 : i32
        scf.if %cond3A_152 {
          %add3A_153 = arith.constant 3 : i32
          %add3A_154 = arith.addi %mul3A_116, %add3A_153 : i32
          %dma_start3A_155 = arith.constant 1 : i32
          %dma_start3A_156 = arith.constant 0 : i32
          %dma_start3A_157 = arith.constant 0 : i32
          %dma_start3A_158 = tpu.memref_slice %arg10[%dma_start3A_155, %dma_start3A_156, %dma_start3A_157] : memref<2x128x128xf32, #tpu.memory_space<vmem>> -> memref<1x128x128xf32, #tpu.memory_space<vmem>>
          %dma_start3A_159 = tpu.memref_squeeze %dma_start3A_158 : memref<1x128x128xf32, #tpu.memory_space<vmem>> -> memref<128x128xf32, #tpu.memory_space<vmem>>
          %dma_start3A_160 = arith.constant 0 : i32
          %dma_start3A_161 = tpu.memref_slice %arg8[%add3A_154, %dma_start3A_160] : memref<40x128xi32, #tpu.memory_space<vmem>> -> memref<1x128xi32, #tpu.memory_space<vmem>>
          %dma_start3A_162 = tpu.memref_squeeze %dma_start3A_161 : memref<1x128xi32, #tpu.memory_space<vmem>> -> memref<128xi32, #tpu.memory_space<vmem>>
          %dma_start3A_163 = arith.constant 0 : i32
          %dma_start3A_164 = arith.constant 0 : i32
          %dma_start3A_165 = tpu.memref_slice %arg5[%dma_start3A_163, %dma_start3A_164] : memref<10240x128xf32, #tpu.memory_space<hbm>> -> memref<10240x128xf32, #tpu.memory_space<hbm>>
          tpu.enqueue_indirect_dma source(%dma_start3A_165 : memref<10240x128xf32, #tpu.memory_space<hbm>>) target(%dma_start3A_159 : memref<128x128xf32, #tpu.memory_space<vmem>>) offsets(%dma_start3A_162 : memref<128xi32, #tpu.memory_space<vmem>>) semaphore(%arg13 : memref<!tpu.dma_semaphore, #tpu.memory_space<semaphore_mem>>)
        } else {
        }
      }
      %scan3A_70 = arith.constant 20 : i32
      %mul3A_71 = arith.constant 2 : i32
      %mul3A_72 = arith.muli %mul3A_71, %arg1 : i32
      %add3A_73 = arith.constant 1 : i32
      %add3A_74 = arith.addi %mul3A_72, %add3A_73 : i32
      "tpu.region"() ({
        %run_scoped3A_114 = tpu.sem_alloc : memref<!tpu.dma_semaphore, #tpu.memory_space<semaphore_mem>>
        %dma_start3A_115 = arith.constant 0 : i32
        %dma_start3A_116 = arith.constant 0 : i32
        %dma_start3A_117 = tpu.memref_slice %arg2[%add3A_74, %dma_start3A_115, %dma_start3A_116] : memref<32x40x128xi32, #tpu.memory_space<hbm>> -> memref<1x40x128xi32, #tpu.memory_space<hbm>>
        %dma_start3A_118 = tpu.memref_squeeze %dma_start3A_117 : memref<1x40x128xi32, #tpu.memory_space<hbm>> -> memref<40x128xi32, #tpu.memory_space<hbm>>
        %dma_start3A_119 = arith.constant 0 : i32
        %dma_start3A_120 = arith.constant 0 : i32
        %dma_start3A_121 = tpu.memref_slice %arg2[%add3A_74, %dma_start3A_119, %dma_start3A_120] : memref<32x40x128xi32, #tpu.memory_space<hbm>> -> memref<1x40x128xi32, #tpu.memory_space<hbm>>
        %dma_start3A_122 = tpu.memref_squeeze %dma_start3A_121 : memref<1x40x128xi32, #tpu.memory_space<hbm>> -> memref<40x128xi32, #tpu.memory_space<hbm>>
        tpu.enqueue_dma source(%dma_start3A_122 : memref<40x128xi32, #tpu.memory_space<hbm>>) target(%arg8 : memref<40x128xi32, #tpu.memory_space<vmem>>) target_semaphore(%run_scoped3A_114 : memref<!tpu.dma_semaphore, #tpu.memory_space<semaphore_mem>>)
        %dma_wait3A = arith.constant 0 : i32
        %dma_wait3A_123 = arith.constant 0 : i32
        %dma_wait3A_124 = tpu.memref_slice %arg2[%add3A_74, %dma_wait3A, %dma_wait3A_123] : memref<32x40x128xi32, #tpu.memory_space<hbm>> -> memref<1x40x128xi32, #tpu.memory_space<hbm>>
        %dma_wait3A_125 = tpu.memref_squeeze %dma_wait3A_124 : memref<1x40x128xi32, #tpu.memory_space<hbm>> -> memref<40x128xi32, #tpu.memory_space<hbm>>
        %dma_wait3A_126 = arith.constant 0 : i32
        %dma_wait3A_127 = arith.constant 0 : i32
        %dma_wait3A_128 = tpu.memref_slice %arg2[%add3A_74, %dma_wait3A_126, %dma_wait3A_127] : memref<32x40x128xi32, #tpu.memory_space<hbm>> -> memref<1x40x128xi32, #tpu.memory_space<hbm>>
        %dma_wait3A_129 = tpu.memref_squeeze %dma_wait3A_128 : memref<1x40x128xi32, #tpu.memory_space<hbm>> -> memref<40x128xi32, #tpu.memory_space<hbm>>
        tpu.wait_dma2 semaphore(%run_scoped3A_114 : memref<!tpu.dma_semaphore, #tpu.memory_space<semaphore_mem>>) src(%dma_wait3A_129 : memref<40x128xi32, #tpu.memory_space<hbm>>) dst(%arg8 : memref<40x128xi32, #tpu.memory_space<vmem>>)
        tpu.yield
      }) : () -> ()
      %mul3A_75 = arith.constant 2 : i32
      %mul3A_76 = arith.muli %mul3A_75, %arg1 : i32
      %add3A_77 = arith.constant 1 : i32
      %add3A_78 = arith.addi %mul3A_76, %add3A_77 : i32
      "tpu.region"() ({
        %run_scoped3A_114 = tpu.sem_alloc : memref<!tpu.dma_semaphore, #tpu.memory_space<semaphore_mem>>
        %dma_start3A_115 = arith.constant 0 : i32
        %dma_start3A_116 = arith.constant 0 : i32
        %dma_start3A_117 = tpu.memref_slice %arg3[%add3A_78, %dma_start3A_115, %dma_start3A_116] : memref<32x40x128xi32, #tpu.memory_space<hbm>> -> memref<1x40x128xi32, #tpu.memory_space<hbm>>
        %dma_start3A_118 = tpu.memref_squeeze %dma_start3A_117 : memref<1x40x128xi32, #tpu.memory_space<hbm>> -> memref<40x128xi32, #tpu.memory_space<hbm>>
        %dma_start3A_119 = arith.constant 0 : i32
        %dma_start3A_120 = arith.constant 0 : i32
        %dma_start3A_121 = tpu.memref_slice %arg3[%add3A_78, %dma_start3A_119, %dma_start3A_120] : memref<32x40x128xi32, #tpu.memory_space<hbm>> -> memref<1x40x128xi32, #tpu.memory_space<hbm>>
        %dma_start3A_122 = tpu.memref_squeeze %dma_start3A_121 : memref<1x40x128xi32, #tpu.memory_space<hbm>> -> memref<40x128xi32, #tpu.memory_space<hbm>>
        tpu.enqueue_dma source(%dma_start3A_122 : memref<40x128xi32, #tpu.memory_space<hbm>>) target(%arg9 : memref<40x128xi32, #tpu.memory_space<vmem>>) target_semaphore(%run_scoped3A_114 : memref<!tpu.dma_semaphore, #tpu.memory_space<semaphore_mem>>)
        %dma_wait3A = arith.constant 0 : i32
        %dma_wait3A_123 = arith.constant 0 : i32
        %dma_wait3A_124 = tpu.memref_slice %arg3[%add3A_78, %dma_wait3A, %dma_wait3A_123] : memref<32x40x128xi32, #tpu.memory_space<hbm>> -> memref<1x40x128xi32, #tpu.memory_space<hbm>>
        %dma_wait3A_125 = tpu.memref_squeeze %dma_wait3A_124 : memref<1x40x128xi32, #tpu.memory_space<hbm>> -> memref<40x128xi32, #tpu.memory_space<hbm>>
        %dma_wait3A_126 = arith.constant 0 : i32
        %dma_wait3A_127 = arith.constant 0 : i32
        %dma_wait3A_128 = tpu.memref_slice %arg3[%add3A_78, %dma_wait3A_126, %dma_wait3A_127] : memref<32x40x128xi32, #tpu.memory_space<hbm>> -> memref<1x40x128xi32, #tpu.memory_space<hbm>>
        %dma_wait3A_129 = tpu.memref_squeeze %dma_wait3A_128 : memref<1x40x128xi32, #tpu.memory_space<hbm>> -> memref<40x128xi32, #tpu.memory_space<hbm>>
        tpu.wait_dma2 semaphore(%run_scoped3A_114 : memref<!tpu.dma_semaphore, #tpu.memory_space<semaphore_mem>>) src(%dma_wait3A_129 : memref<40x128xi32, #tpu.memory_space<hbm>>) dst(%arg9 : memref<40x128xi32, #tpu.memory_space<vmem>>)
        tpu.yield
      }) : () -> ()
      %dma_start3A_79 = arith.constant 0 : i32
      %dma_start3A_80 = arith.constant 0 : i32
      %dma_start3A_81 = arith.constant 0 : i32
      %dma_start3A_82 = arith.constant 0 : i32
      %dma_start3A_83 = tpu.memref_slice %arg10[%dma_start3A_80, %dma_start3A_81, %dma_start3A_82] : memref<2x128x128xf32, #tpu.memory_space<vmem>> -> memref<1x128x128xf32, #tpu.memory_space<vmem>>
      %dma_start3A_84 = tpu.memref_squeeze %dma_start3A_83 : memref<1x128x128xf32, #tpu.memory_space<vmem>> -> memref<128x128xf32, #tpu.memory_space<vmem>>
      %dma_start3A_85 = arith.constant 0 : i32
      %dma_start3A_86 = tpu.memref_slice %arg8[%dma_start3A_79, %dma_start3A_85] : memref<40x128xi32, #tpu.memory_space<vmem>> -> memref<1x128xi32, #tpu.memory_space<vmem>>
      %dma_start3A_87 = tpu.memref_squeeze %dma_start3A_86 : memref<1x128xi32, #tpu.memory_space<vmem>> -> memref<128xi32, #tpu.memory_space<vmem>>
      %dma_start3A_88 = arith.constant 0 : i32
      %dma_start3A_89 = arith.constant 0 : i32
      %dma_start3A_90 = tpu.memref_slice %arg5[%dma_start3A_88, %dma_start3A_89] : memref<10240x128xf32, #tpu.memory_space<hbm>> -> memref<10240x128xf32, #tpu.memory_space<hbm>>
      tpu.enqueue_indirect_dma source(%dma_start3A_90 : memref<10240x128xf32, #tpu.memory_space<hbm>>) target(%dma_start3A_84 : memref<128x128xf32, #tpu.memory_space<vmem>>) offsets(%dma_start3A_87 : memref<128xi32, #tpu.memory_space<vmem>>) semaphore(%arg12 : memref<!tpu.dma_semaphore, #tpu.memory_space<semaphore_mem>>)
      %dma_start3A_91 = arith.constant 1 : i32
      %dma_start3A_92 = arith.constant 1 : i32
      %dma_start3A_93 = arith.constant 0 : i32
      %dma_start3A_94 = arith.constant 0 : i32
      %dma_start3A_95 = tpu.memref_slice %arg10[%dma_start3A_92, %dma_start3A_93, %dma_start3A_94] : memref<2x128x128xf32, #tpu.memory_space<vmem>> -> memref<1x128x128xf32, #tpu.memory_space<vmem>>
      %dma_start3A_96 = tpu.memref_squeeze %dma_start3A_95 : memref<1x128x128xf32, #tpu.memory_space<vmem>> -> memref<128x128xf32, #tpu.memory_space<vmem>>
      %dma_start3A_97 = arith.constant 0 : i32
      %dma_start3A_98 = tpu.memref_slice %arg8[%dma_start3A_91, %dma_start3A_97] : memref<40x128xi32, #tpu.memory_space<vmem>> -> memref<1x128xi32, #tpu.memory_space<vmem>>
      %dma_start3A_99 = tpu.memref_squeeze %dma_start3A_98 : memref<1x128xi32, #tpu.memory_space<vmem>> -> memref<128xi32, #tpu.memory_space<vmem>>
      %dma_start3A_100 = arith.constant 0 : i32
      %dma_start3A_101 = arith.constant 0 : i32
      %dma_start3A_102 = tpu.memref_slice %arg5[%dma_start3A_100, %dma_start3A_101] : memref<10240x128xf32, #tpu.memory_space<hbm>> -> memref<10240x128xf32, #tpu.memory_space<hbm>>
      tpu.enqueue_indirect_dma source(%dma_start3A_102 : memref<10240x128xf32, #tpu.memory_space<hbm>>) target(%dma_start3A_96 : memref<128x128xf32, #tpu.memory_space<vmem>>) offsets(%dma_start3A_99 : memref<128xi32, #tpu.memory_space<vmem>>) semaphore(%arg13 : memref<!tpu.dma_semaphore, #tpu.memory_space<semaphore_mem>>)
      %scan3A_103 = arith.constant 0 : i32
      %scan3A_104 = arith.constant 0 : i32
      %scan3A_105 = arith.constant 20 : i32
      %scan3A_106 = arith.addi %scan3A_104, %scan3A_105 : i32
      %scan3A_107 = arith.constant 1 : i32
      scf.for %scan3A_114 = %scan3A_104 to %scan3A_106 step %scan3A_107  : i32 {
        %mul3A_115 = arith.constant 2 : i32
        %mul3A_116 = arith.muli %mul3A_115, %scan3A_114 : i32
        %dma_wait3A = arith.constant 0 : i32
        %dma_wait3A_117 = arith.constant 0 : i32
        %dma_wait3A_118 = arith.constant 0 : i32
        %dma_wait3A_119 = tpu.memref_slice %arg10[%dma_wait3A, %dma_wait3A_117, %dma_wait3A_118] : memref<2x128x128xf32, #tpu.memory_space<vmem>> -> memref<1x128x128xf32, #tpu.memory_space<vmem>>
        %dma_wait3A_120 = tpu.memref_squeeze %dma_wait3A_119 : memref<1x128x128xf32, #tpu.memory_space<vmem>> -> memref<128x128xf32, #tpu.memory_space<vmem>>
        %dma_wait3A_121 = arith.constant 0 : i32
        %dma_wait3A_122 = tpu.memref_slice %arg8[%mul3A_116, %dma_wait3A_121] : memref<40x128xi32, #tpu.memory_space<vmem>> -> memref<1x128xi32, #tpu.memory_space<vmem>>
        %dma_wait3A_123 = tpu.memref_squeeze %dma_wait3A_122 : memref<1x128xi32, #tpu.memory_space<vmem>> -> memref<128xi32, #tpu.memory_space<vmem>>
        %dma_wait3A_124 = arith.constant 0 : i32
        %dma_wait3A_125 = arith.constant 0 : i32
        %dma_wait3A_126 = tpu.memref_slice %arg5[%dma_wait3A_124, %dma_wait3A_125] : memref<10240x128xf32, #tpu.memory_space<hbm>> -> memref<10240x128xf32, #tpu.memory_space<hbm>>
        tpu.wait_indirect_dma semaphore(%arg12 : memref<!tpu.dma_semaphore, #tpu.memory_space<semaphore_mem>>) src(%dma_wait3A_126 : memref<10240x128xf32, #tpu.memory_space<hbm>>) dst(%dma_wait3A_120 : memref<128x128xf32, #tpu.memory_space<vmem>>)
        %run_scoped3A_127 = arith.constant 0 : i32
        "tpu.region"() ({
          %run_scoped3A_153 = tpu.sem_alloc : memref<!tpu.dma_semaphore, #tpu.memory_space<semaphore_mem>>
          %dma_start3A_154 = arith.constant 0 : i32
          %dma_start3A_155 = arith.constant 0 : i32
          %dma_start3A_156 = tpu.memref_slice %arg10[%run_scoped3A_127, %dma_start3A_154, %dma_start3A_155] : memref<2x128x128xf32, #tpu.memory_space<vmem>> -> memref<1x128x128xf32, #tpu.memory_space<vmem>>
          %dma_start3A_157 = tpu.memref_squeeze %dma_start3A_156 : memref<1x128x128xf32, #tpu.memory_space<vmem>> -> memref<128x128xf32, #tpu.memory_space<vmem>>
          %dma_start3A_158 = arith.constant 0 : i32
          %dma_start3A_159 = tpu.memref_slice %arg9[%mul3A_116, %dma_start3A_158] : memref<40x128xi32, #tpu.memory_space<vmem>> -> memref<1x128xi32, #tpu.memory_space<vmem>>
          %dma_start3A_160 = tpu.memref_squeeze %dma_start3A_159 : memref<1x128xi32, #tpu.memory_space<vmem>> -> memref<128xi32, #tpu.memory_space<vmem>>
          %dma_start3A_161 = arith.constant 0 : i32
          %dma_start3A_162 = arith.constant 0 : i32
          %dma_start3A_163 = tpu.memref_slice %arg11[%dma_start3A_161, %dma_start3A_162] : memref<10240x128xf32, #tpu.memory_space<vmem_shared>> -> memref<10240x128xf32, #tpu.memory_space<vmem_shared>>
          tpu.enqueue_indirect_dma source(%dma_start3A_157 : memref<128x128xf32, #tpu.memory_space<vmem>>) target(%dma_start3A_163 : memref<10240x128xf32, #tpu.memory_space<vmem_shared>>) offsets(%dma_start3A_160 : memref<128xi32, #tpu.memory_space<vmem>>) semaphore(%run_scoped3A_153 : memref<!tpu.dma_semaphore, #tpu.memory_space<semaphore_mem>>) {add = true}
          %dma_wait3A_164 = arith.constant 0 : i32
          %dma_wait3A_165 = arith.constant 0 : i32
          %dma_wait3A_166 = tpu.memref_slice %arg10[%run_scoped3A_127, %dma_wait3A_164, %dma_wait3A_165] : memref<2x128x128xf32, #tpu.memory_space<vmem>> -> memref<1x128x128xf32, #tpu.memory_space<vmem>>
          %dma_wait3A_167 = tpu.memref_squeeze %dma_wait3A_166 : memref<1x128x128xf32, #tpu.memory_space<vmem>> -> memref<128x128xf32, #tpu.memory_space<vmem>>
          %dma_wait3A_168 = arith.constant 0 : i32
          %dma_wait3A_169 = tpu.memref_slice %arg9[%mul3A_116, %dma_wait3A_168] : memref<40x128xi32, #tpu.memory_space<vmem>> -> memref<1x128xi32, #tpu.memory_space<vmem>>
          %dma_wait3A_170 = tpu.memref_squeeze %dma_wait3A_169 : memref<1x128xi32, #tpu.memory_space<vmem>> -> memref<128xi32, #tpu.memory_space<vmem>>
          %dma_wait3A_171 = arith.constant 0 : i32
          %dma_wait3A_172 = arith.constant 0 : i32
          %dma_wait3A_173 = tpu.memref_slice %arg11[%dma_wait3A_171, %dma_wait3A_172] : memref<10240x128xf32, #tpu.memory_space<vmem_shared>> -> memref<10240x128xf32, #tpu.memory_space<vmem_shared>>
          tpu.wait_indirect_dma semaphore(%run_scoped3A_153 : memref<!tpu.dma_semaphore, #tpu.memory_space<semaphore_mem>>) src(%dma_wait3A_167 : memref<128x128xf32, #tpu.memory_space<vmem>>) dst(%dma_wait3A_173 : memref<10240x128xf32, #tpu.memory_space<vmem_shared>>)
          tpu.yield
        }) : () -> ()
        %lt3A = arith.constant 19 : i32
        %lt3A_128 = arith.cmpi slt, %scan3A_114, %lt3A : i32
        %convert_element_type3A_129 = arith.extui %lt3A_128 : i1 to i32
        %cond3A_130 = arith.constant 0 : i32
        %cond3A_131 = arith.cmpi ne, %convert_element_type3A_129, %cond3A_130 : i32
        scf.if %cond3A_131 {
          %add3A_153 = arith.constant 2 : i32
          %add3A_154 = arith.addi %mul3A_116, %add3A_153 : i32
          %dma_start3A_155 = arith.constant 0 : i32
          %dma_start3A_156 = arith.constant 0 : i32
          %dma_start3A_157 = arith.constant 0 : i32
          %dma_start3A_158 = tpu.memref_slice %arg10[%dma_start3A_155, %dma_start3A_156, %dma_start3A_157] : memref<2x128x128xf32, #tpu.memory_space<vmem>> -> memref<1x128x128xf32, #tpu.memory_space<vmem>>
          %dma_start3A_159 = tpu.memref_squeeze %dma_start3A_158 : memref<1x128x128xf32, #tpu.memory_space<vmem>> -> memref<128x128xf32, #tpu.memory_space<vmem>>
          %dma_start3A_160 = arith.constant 0 : i32
          %dma_start3A_161 = tpu.memref_slice %arg8[%add3A_154, %dma_start3A_160] : memref<40x128xi32, #tpu.memory_space<vmem>> -> memref<1x128xi32, #tpu.memory_space<vmem>>
          %dma_start3A_162 = tpu.memref_squeeze %dma_start3A_161 : memref<1x128xi32, #tpu.memory_space<vmem>> -> memref<128xi32, #tpu.memory_space<vmem>>
          %dma_start3A_163 = arith.constant 0 : i32
          %dma_start3A_164 = arith.constant 0 : i32
          %dma_start3A_165 = tpu.memref_slice %arg5[%dma_start3A_163, %dma_start3A_164] : memref<10240x128xf32, #tpu.memory_space<hbm>> -> memref<10240x128xf32, #tpu.memory_space<hbm>>
          tpu.enqueue_indirect_dma source(%dma_start3A_165 : memref<10240x128xf32, #tpu.memory_space<hbm>>) target(%dma_start3A_159 : memref<128x128xf32, #tpu.memory_space<vmem>>) offsets(%dma_start3A_162 : memref<128xi32, #tpu.memory_space<vmem>>) semaphore(%arg12 : memref<!tpu.dma_semaphore, #tpu.memory_space<semaphore_mem>>)
        } else {
        }
        %add3A_132 = arith.constant 1 : i32
        %add3A_133 = arith.addi %mul3A_116, %add3A_132 : i32
        %dma_wait3A_134 = arith.constant 1 : i32
        %dma_wait3A_135 = arith.constant 0 : i32
        %dma_wait3A_136 = arith.constant 0 : i32
        %dma_wait3A_137 = tpu.memref_slice %arg10[%dma_wait3A_134, %dma_wait3A_135, %dma_wait3A_136] : memref<2x128x128xf32, #tpu.memory_space<vmem>> -> memref<1x128x128xf32, #tpu.memory_space<vmem>>
        %dma_wait3A_138 = tpu.memref_squeeze %dma_wait3A_137 : memref<1x128x128xf32, #tpu.memory_space<vmem>> -> memref<128x128xf32, #tpu.memory_space<vmem>>
        %dma_wait3A_139 = arith.constant 0 : i32
        %dma_wait3A_140 = tpu.memref_slice %arg8[%add3A_133, %dma_wait3A_139] : memref<40x128xi32, #tpu.memory_space<vmem>> -> memref<1x128xi32, #tpu.memory_space<vmem>>
        %dma_wait3A_141 = tpu.memref_squeeze %dma_wait3A_140 : memref<1x128xi32, #tpu.memory_space<vmem>> -> memref<128xi32, #tpu.memory_space<vmem>>
        %dma_wait3A_142 = arith.constant 0 : i32
        %dma_wait3A_143 = arith.constant 0 : i32
        %dma_wait3A_144 = tpu.memref_slice %arg5[%dma_wait3A_142, %dma_wait3A_143] : memref<10240x128xf32, #tpu.memory_space<hbm>> -> memref<10240x128xf32, #tpu.memory_space<hbm>>
        tpu.wait_indirect_dma semaphore(%arg13 : memref<!tpu.dma_semaphore, #tpu.memory_space<semaphore_mem>>) src(%dma_wait3A_144 : memref<10240x128xf32, #tpu.memory_space<hbm>>) dst(%dma_wait3A_138 : memref<128x128xf32, #tpu.memory_space<vmem>>)
        %add3A_145 = arith.constant 1 : i32
        %add3A_146 = arith.addi %mul3A_116, %add3A_145 : i32
        %run_scoped3A_147 = arith.constant 1 : i32
        "tpu.region"() ({
          %run_scoped3A_153 = tpu.sem_alloc : memref<!tpu.dma_semaphore, #tpu.memory_space<semaphore_mem>>
          %dma_start3A_154 = arith.constant 0 : i32
          %dma_start3A_155 = arith.constant 0 : i32
          %dma_start3A_156 = tpu.memref_slice %arg10[%run_scoped3A_147, %dma_start3A_154, %dma_start3A_155] : memref<2x128x128xf32, #tpu.memory_space<vmem>> -> memref<1x128x128xf32, #tpu.memory_space<vmem>>
          %dma_start3A_157 = tpu.memref_squeeze %dma_start3A_156 : memref<1x128x128xf32, #tpu.memory_space<vmem>> -> memref<128x128xf32, #tpu.memory_space<vmem>>
          %dma_start3A_158 = arith.constant 0 : i32
          %dma_start3A_159 = tpu.memref_slice %arg9[%add3A_146, %dma_start3A_158] : memref<40x128xi32, #tpu.memory_space<vmem>> -> memref<1x128xi32, #tpu.memory_space<vmem>>
          %dma_start3A_160 = tpu.memref_squeeze %dma_start3A_159 : memref<1x128xi32, #tpu.memory_space<vmem>> -> memref<128xi32, #tpu.memory_space<vmem>>
          %dma_start3A_161 = arith.constant 0 : i32
          %dma_start3A_162 = arith.constant 0 : i32
          %dma_start3A_163 = tpu.memref_slice %arg11[%dma_start3A_161, %dma_start3A_162] : memref<10240x128xf32, #tpu.memory_space<vmem_shared>> -> memref<10240x128xf32, #tpu.memory_space<vmem_shared>>
          tpu.enqueue_indirect_dma source(%dma_start3A_157 : memref<128x128xf32, #tpu.memory_space<vmem>>) target(%dma_start3A_163 : memref<10240x128xf32, #tpu.memory_space<vmem_shared>>) offsets(%dma_start3A_160 : memref<128xi32, #tpu.memory_space<vmem>>) semaphore(%run_scoped3A_153 : memref<!tpu.dma_semaphore, #tpu.memory_space<semaphore_mem>>) {add = true}
          %dma_wait3A_164 = arith.constant 0 : i32
          %dma_wait3A_165 = arith.constant 0 : i32
          %dma_wait3A_166 = tpu.memref_slice %arg10[%run_scoped3A_147, %dma_wait3A_164, %dma_wait3A_165] : memref<2x128x128xf32, #tpu.memory_space<vmem>> -> memref<1x128x128xf32, #tpu.memory_space<vmem>>
          %dma_wait3A_167 = tpu.memref_squeeze %dma_wait3A_166 : memref<1x128x128xf32, #tpu.memory_space<vmem>> -> memref<128x128xf32, #tpu.memory_space<vmem>>
          %dma_wait3A_168 = arith.constant 0 : i32
          %dma_wait3A_169 = tpu.memref_slice %arg9[%add3A_146, %dma_wait3A_168] : memref<40x128xi32, #tpu.memory_space<vmem>> -> memref<1x128xi32, #tpu.memory_space<vmem>>
          %dma_wait3A_170 = tpu.memref_squeeze %dma_wait3A_169 : memref<1x128xi32, #tpu.memory_space<vmem>> -> memref<128xi32, #tpu.memory_space<vmem>>
          %dma_wait3A_171 = arith.constant 0 : i32
          %dma_wait3A_172 = arith.constant 0 : i32
          %dma_wait3A_173 = tpu.memref_slice %arg11[%dma_wait3A_171, %dma_wait3A_172] : memref<10240x128xf32, #tpu.memory_space<vmem_shared>> -> memref<10240x128xf32, #tpu.memory_space<vmem_shared>>
          tpu.wait_indirect_dma semaphore(%run_scoped3A_153 : memref<!tpu.dma_semaphore, #tpu.memory_space<semaphore_mem>>) src(%dma_wait3A_167 : memref<128x128xf32, #tpu.memory_space<vmem>>) dst(%dma_wait3A_173 : memref<10240x128xf32, #tpu.memory_space<vmem_shared>>)
          tpu.yield
        }) : () -> ()
        %lt3A_148 = arith.constant 19 : i32
        %lt3A_149 = arith.cmpi slt, %scan3A_114, %lt3A_148 : i32
        %convert_element_type3A_150 = arith.extui %lt3A_149 : i1 to i32
        %cond3A_151 = arith.constant 0 : i32
        %cond3A_152 = arith.cmpi ne, %convert_element_type3A_150, %cond3A_151 : i32
        scf.if %cond3A_152 {
          %add3A_153 = arith.constant 3 : i32
          %add3A_154 = arith.addi %mul3A_116, %add3A_153 : i32
          %dma_start3A_155 = arith.constant 1 : i32
          %dma_start3A_156 = arith.constant 0 : i32
          %dma_start3A_157 = arith.constant 0 : i32
          %dma_start3A_158 = tpu.memref_slice %arg10[%dma_start3A_155, %dma_start3A_156, %dma_start3A_157] : memref<2x128x128xf32, #tpu.memory_space<vmem>> -> memref<1x128x128xf32, #tpu.memory_space<vmem>>
          %dma_start3A_159 = tpu.memref_squeeze %dma_start3A_158 : memref<1x128x128xf32, #tpu.memory_space<vmem>> -> memref<128x128xf32, #tpu.memory_space<vmem>>
          %dma_start3A_160 = arith.constant 0 : i32
          %dma_start3A_161 = tpu.memref_slice %arg8[%add3A_154, %dma_start3A_160] : memref<40x128xi32, #tpu.memory_space<vmem>> -> memref<1x128xi32, #tpu.memory_space<vmem>>
          %dma_start3A_162 = tpu.memref_squeeze %dma_start3A_161 : memref<1x128xi32, #tpu.memory_space<vmem>> -> memref<128xi32, #tpu.memory_space<vmem>>
          %dma_start3A_163 = arith.constant 0 : i32
          %dma_start3A_164 = arith.constant 0 : i32
          %dma_start3A_165 = tpu.memref_slice %arg5[%dma_start3A_163, %dma_start3A_164] : memref<10240x128xf32, #tpu.memory_space<hbm>> -> memref<10240x128xf32, #tpu.memory_space<hbm>>
          tpu.enqueue_indirect_dma source(%dma_start3A_165 : memref<10240x128xf32, #tpu.memory_space<hbm>>) target(%dma_start3A_159 : memref<128x128xf32, #tpu.memory_space<vmem>>) offsets(%dma_start3A_162 : memref<128xi32, #tpu.memory_space<vmem>>) semaphore(%arg13 : memref<!tpu.dma_semaphore, #tpu.memory_space<semaphore_mem>>)
        } else {
        }
      }
      %scan3A_108 = arith.constant 20 : i32
      %barrier3A_109 = arith.constant 0 : index
      tpu.barrier barrier_id(%barrier3A_109)
      %mul3A_110 = arith.constant 640 : i32
      %mul3A_111 = arith.muli %arg1, %mul3A_110 : i32
      %mul3A_112 = arith.constant 640 : i32
      %mul3A_113 = arith.muli %arg1, %mul3A_112 : i32
      "tpu.region"() ({
        %run_scoped3A_114 = tpu.sem_alloc : memref<!tpu.dma_semaphore, #tpu.memory_space<semaphore_mem>>
        %dma_start3A_115 = arith.constant 0 : i32
        %dma_start3A_116 = tpu.memref_slice %arg7[%mul3A_113, %dma_start3A_115] : memref<10240x128xf32, #tpu.memory_space<hbm>> -> memref<640x128xf32, #tpu.memory_space<hbm>>
        %dma_start3A_117 = arith.constant 0 : i32
        %dma_start3A_118 = tpu.memref_slice %arg11[%mul3A_111, %dma_start3A_117] : memref<10240x128xf32, #tpu.memory_space<vmem_shared>> -> memref<640x128xf32, #tpu.memory_space<vmem_shared>>
        tpu.enqueue_dma source(%dma_start3A_118 : memref<640x128xf32, #tpu.memory_space<vmem_shared>>) target(%dma_start3A_116 : memref<640x128xf32, #tpu.memory_space<hbm>>) target_semaphore(%run_scoped3A_114 : memref<!tpu.dma_semaphore, #tpu.memory_space<semaphore_mem>>)
        %dma_wait3A = arith.constant 0 : i32
        %dma_wait3A_119 = tpu.memref_slice %arg7[%mul3A_113, %dma_wait3A] : memref<10240x128xf32, #tpu.memory_space<hbm>> -> memref<640x128xf32, #tpu.memory_space<hbm>>
        %dma_wait3A_120 = arith.constant 0 : i32
        %dma_wait3A_121 = tpu.memref_slice %arg11[%mul3A_111, %dma_wait3A_120] : memref<10240x128xf32, #tpu.memory_space<vmem_shared>> -> memref<640x128xf32, #tpu.memory_space<vmem_shared>>
        tpu.wait_dma2 semaphore(%run_scoped3A_114 : memref<!tpu.dma_semaphore, #tpu.memory_space<semaphore_mem>>) src(%dma_wait3A_121 : memref<640x128xf32, #tpu.memory_space<vmem_shared>>) dst(%dma_wait3A_119 : memref<640x128xf32, #tpu.memory_space<hbm>>)
        tpu.yield
      }) : () -> ()
    } else {
    }
    return
  }
}

#map = affine_map<(d0, d1) -> (0)>
module attributes {stable_mosaic.version = 14 : i64} {
  func.func @pool_kernel(%arg0: i32, %arg1: i32, %arg2: memref<163840xi32, #tpu.memory_space<hbm>>, %arg3: memref<163840xi32, #tpu.memory_space<hbm>>, %arg4: memref<10240xf32, #tpu.memory_space<hbm>>, %arg5: memref<10240xf32, #tpu.memory_space<hbm>>, %arg6: memref<10240xi32, #tpu.memory_space<hbm>>, %arg7: memref<16xf32, #tpu.memory_space<hbm>>, %arg8: memref<64xf32, #tpu.memory_space<hbm>>, %arg9: memref<10240xf32, #tpu.memory_space<vmem>>, %arg10: memref<10240xf32, #tpu.memory_space<vmem>>, %arg11: memref<10240xi32, #tpu.memory_space<vmem>>, %arg12: memref<10240xi32, #tpu.memory_space<vmem>>, %arg13: memref<10240xi32, #tpu.memory_space<vmem>>, %arg14: memref<16xf32, #tpu.memory_space<vmem>>, %arg15: memref<2048xf32, #tpu.memory_space<vmem>>, %arg16: memref<2048xf32, #tpu.memory_space<vmem>>, %arg17: memref<128xf32, #tpu.memory_space<vmem>>, %arg18: memref<16x128xf32, #tpu.memory_space<vmem>>, %arg19: memref<64xf32, #tpu.memory_space<vmem>>, %arg20: memref<16x128xf32, #tpu.memory_space<vmem_shared>>) attributes {dimension_semantics = [#tpu.dimension_semantics<core_parallel>, #tpu.dimension_semantics<subcore_parallel>], iteration_bounds = array<i64: 2, 16>, scalar_prefetch = 0 : i64, scratch_operands = 12 : i64, tpu.core_type = #tpu.core_type<sc_vector_subcore>, window_params = [{transform_indices = #map}, {transform_indices = #map}, {transform_indices = #map}, {transform_indices = #map}, {transform_indices = #map}, {transform_indices = #map}, {transform_indices = #map}]} {
    %eq3A = arith.constant 0 : i32
    %eq3A_0 = arith.cmpi eq, %arg0, %eq3A : i32
    %convert_element_type3A = arith.extui %eq3A_0 : i1 to i32
    %cond3A = arith.constant 0 : i32
    %cond3A_1 = arith.cmpi ne, %convert_element_type3A, %cond3A : i32
    scf.if %cond3A_1 {
      %scan3A = arith.constant 0 : i32
      %scan3A_2 = arith.constant 0 : i32
      %scan3A_3 = arith.constant 128 : i32
      %scan3A_4 = arith.addi %scan3A_2, %scan3A_3 : i32
      %scan3A_5 = arith.constant 1 : i32
      scf.for %scan3A_444 = %scan3A_2 to %scan3A_4 step %scan3A_5  : i32 {
        %broadcast_in_dim3A_445 = arith.constant 0.000000e+00 : f32
        %broadcast_in_dim3A_446 = vector.broadcast %broadcast_in_dim3A_445 : f32 to vector<16xf32>
        %mul3A_447 = arith.constant 16 : i32
        %mul3A_448 = arith.muli %scan3A_444, %mul3A_447 : i32
        %swap3A_449 = arith.index_cast %mul3A_448 : i32 to index
        %swap3A_450 = tpu.vector_load %arg15[%swap3A_449] {strides = array<i32>} : memref<2048xf32, #tpu.memory_space<vmem>>, vector<16xf32>,
        tpu.vector_store %arg15[%swap3A_449], %broadcast_in_dim3A_446 {strides = array<i32>} : memref<2048xf32, #tpu.memory_space<vmem>>, vector<16xf32>,
        %broadcast_in_dim3A_451 = arith.constant 0.000000e+00 : f32
        %broadcast_in_dim3A_452 = vector.broadcast %broadcast_in_dim3A_451 : f32 to vector<16xf32>
        %mul3A_453 = arith.constant 16 : i32
        %mul3A_454 = arith.muli %scan3A_444, %mul3A_453 : i32
        %swap3A_455 = arith.index_cast %mul3A_454 : i32 to index
        %swap3A_456 = tpu.vector_load %arg16[%swap3A_455] {strides = array<i32>} : memref<2048xf32, #tpu.memory_space<vmem>>, vector<16xf32>,
        tpu.vector_store %arg16[%swap3A_455], %broadcast_in_dim3A_452 {strides = array<i32>} : memref<2048xf32, #tpu.memory_space<vmem>>, vector<16xf32>,
      }
      %scan3A_6 = arith.constant 128 : i32
      "tpu.region"() ({
        %run_scoped3A = tpu.sem_alloc : memref<!tpu.dma_semaphore, #tpu.memory_space<semaphore_mem>>
        tpu.enqueue_dma source(%arg4 : memref<10240xf32, #tpu.memory_space<hbm>>) target(%arg9 : memref<10240xf32, #tpu.memory_space<vmem>>) target_semaphore(%run_scoped3A : memref<!tpu.dma_semaphore, #tpu.memory_space<semaphore_mem>>)
        tpu.wait_dma2 semaphore(%run_scoped3A : memref<!tpu.dma_semaphore, #tpu.memory_space<semaphore_mem>>) src(%arg4 : memref<10240xf32, #tpu.memory_space<hbm>>) dst(%arg9 : memref<10240xf32, #tpu.memory_space<vmem>>)
        tpu.yield
      }) : () -> ()
      "tpu.region"() ({
        %run_scoped3A = tpu.sem_alloc : memref<!tpu.dma_semaphore, #tpu.memory_space<semaphore_mem>>
        tpu.enqueue_dma source(%arg5 : memref<10240xf32, #tpu.memory_space<hbm>>) target(%arg10 : memref<10240xf32, #tpu.memory_space<vmem>>) target_semaphore(%run_scoped3A : memref<!tpu.dma_semaphore, #tpu.memory_space<semaphore_mem>>)
        tpu.wait_dma2 semaphore(%run_scoped3A : memref<!tpu.dma_semaphore, #tpu.memory_space<semaphore_mem>>) src(%arg5 : memref<10240xf32, #tpu.memory_space<hbm>>) dst(%arg10 : memref<10240xf32, #tpu.memory_space<vmem>>)
        tpu.yield
      }) : () -> ()
      "tpu.region"() ({
        %run_scoped3A = tpu.sem_alloc : memref<!tpu.dma_semaphore, #tpu.memory_space<semaphore_mem>>
        tpu.enqueue_dma source(%arg6 : memref<10240xi32, #tpu.memory_space<hbm>>) target(%arg11 : memref<10240xi32, #tpu.memory_space<vmem>>) target_semaphore(%run_scoped3A : memref<!tpu.dma_semaphore, #tpu.memory_space<semaphore_mem>>)
        tpu.wait_dma2 semaphore(%run_scoped3A : memref<!tpu.dma_semaphore, #tpu.memory_space<semaphore_mem>>) src(%arg6 : memref<10240xi32, #tpu.memory_space<hbm>>) dst(%arg11 : memref<10240xi32, #tpu.memory_space<vmem>>)
        tpu.yield
      }) : () -> ()
      %mul3A = arith.constant 10240 : i32
      %mul3A_7 = arith.muli %arg1, %mul3A : i32
      "tpu.region"() ({
        %run_scoped3A = tpu.sem_alloc : memref<!tpu.dma_semaphore, #tpu.memory_space<semaphore_mem>>
        %dma_start3A = tpu.memref_slice %arg2[%mul3A_7] : memref<163840xi32, #tpu.memory_space<hbm>> -> memref<10240xi32, #tpu.memory_space<hbm>>
        %dma_start3A_444 = tpu.memref_slice %arg2[%mul3A_7] : memref<163840xi32, #tpu.memory_space<hbm>> -> memref<10240xi32, #tpu.memory_space<hbm>>
        tpu.enqueue_dma source(%dma_start3A_444 : memref<10240xi32, #tpu.memory_space<hbm>>) target(%arg12 : memref<10240xi32, #tpu.memory_space<vmem>>) target_semaphore(%run_scoped3A : memref<!tpu.dma_semaphore, #tpu.memory_space<semaphore_mem>>)
        %dma_wait3A = tpu.memref_slice %arg2[%mul3A_7] : memref<163840xi32, #tpu.memory_space<hbm>> -> memref<10240xi32, #tpu.memory_space<hbm>>
        %dma_wait3A_445 = tpu.memref_slice %arg2[%mul3A_7] : memref<163840xi32, #tpu.memory_space<hbm>> -> memref<10240xi32, #tpu.memory_space<hbm>>
        tpu.wait_dma2 semaphore(%run_scoped3A : memref<!tpu.dma_semaphore, #tpu.memory_space<semaphore_mem>>) src(%dma_wait3A_445 : memref<10240xi32, #tpu.memory_space<hbm>>) dst(%arg12 : memref<10240xi32, #tpu.memory_space<vmem>>)
        tpu.yield
      }) : () -> ()
      %mul3A_8 = arith.constant 10240 : i32
      %mul3A_9 = arith.muli %arg1, %mul3A_8 : i32
      "tpu.region"() ({
        %run_scoped3A = tpu.sem_alloc : memref<!tpu.dma_semaphore, #tpu.memory_space<semaphore_mem>>
        %dma_start3A = tpu.memref_slice %arg3[%mul3A_9] : memref<163840xi32, #tpu.memory_space<hbm>> -> memref<10240xi32, #tpu.memory_space<hbm>>
        %dma_start3A_444 = tpu.memref_slice %arg3[%mul3A_9] : memref<163840xi32, #tpu.memory_space<hbm>> -> memref<10240xi32, #tpu.memory_space<hbm>>
        tpu.enqueue_dma source(%dma_start3A_444 : memref<10240xi32, #tpu.memory_space<hbm>>) target(%arg13 : memref<10240xi32, #tpu.memory_space<vmem>>) target_semaphore(%run_scoped3A : memref<!tpu.dma_semaphore, #tpu.memory_space<semaphore_mem>>)
        %dma_wait3A = tpu.memref_slice %arg3[%mul3A_9] : memref<163840xi32, #tpu.memory_space<hbm>> -> memref<10240xi32, #tpu.memory_space<hbm>>
        %dma_wait3A_445 = tpu.memref_slice %arg3[%mul3A_9] : memref<163840xi32, #tpu.memory_space<hbm>> -> memref<10240xi32, #tpu.memory_space<hbm>>
        tpu.wait_dma2 semaphore(%run_scoped3A : memref<!tpu.dma_semaphore, #tpu.memory_space<semaphore_mem>>) src(%dma_wait3A_445 : memref<10240xi32, #tpu.memory_space<hbm>>) dst(%arg13 : memref<10240xi32, #tpu.memory_space<vmem>>)
        tpu.yield
      }) : () -> ()
      "tpu.region"() ({
        %run_scoped3A = tpu.sem_alloc : memref<!tpu.dma_semaphore, #tpu.memory_space<semaphore_mem>>
        tpu.enqueue_dma source(%arg7 : memref<16xf32, #tpu.memory_space<hbm>>) target(%arg14 : memref<16xf32, #tpu.memory_space<vmem>>) target_semaphore(%run_scoped3A : memref<!tpu.dma_semaphore, #tpu.memory_space<semaphore_mem>>)
        tpu.wait_dma2 semaphore(%run_scoped3A : memref<!tpu.dma_semaphore, #tpu.memory_space<semaphore_mem>>) src(%arg7 : memref<16xf32, #tpu.memory_space<hbm>>) dst(%arg14 : memref<16xf32, #tpu.memory_space<vmem>>)
        tpu.yield
      }) : () -> ()
      %iota3A = tpu.iota {dimensions = array<i32: 0>} : vector<16xi32>
      %mul3A_10 = arith.constant 128 : i32
      %mul3A_11 = vector.broadcast %mul3A_10 : i32 to vector<16xi32>
      %mul3A_12 = arith.muli %iota3A, %mul3A_11 : vector<16xi32>
      %get3A = arith.constant 0 : index
      %get3A_13 = tpu.vector_load %arg14[%get3A] {strides = array<i32>} : memref<16xf32, #tpu.memory_space<vmem>>, vector<16xf32>,
      %scan3A_14 = arith.constant 0 : i32
      %scan3A_15 = arith.constant 0 : i32
      %scan3A_16 = arith.constant 640 : i32
      %scan3A_17 = arith.addi %scan3A_15, %scan3A_16 : i32
      %scan3A_18 = arith.constant 1 : i32
      scf.for %scan3A_444 = %scan3A_15 to %scan3A_17 step %scan3A_18  : i32 {
        %mul3A_445 = arith.constant 16 : i32
        %mul3A_446 = arith.muli %scan3A_444, %mul3A_445 : i32
        %get3A_447 = arith.index_cast %mul3A_446 : i32 to index
        %get3A_448 = tpu.vector_load %arg12[%get3A_447] {strides = array<i32>} : memref<10240xi32, #tpu.memory_space<vmem>>, vector<16xi32>,
        %mul3A_449 = arith.constant 16 : i32
        %mul3A_450 = arith.muli %scan3A_444, %mul3A_449 : i32
        %get3A_451 = arith.index_cast %mul3A_450 : i32 to index
        %get3A_452 = tpu.vector_load %arg13[%get3A_451] {strides = array<i32>} : memref<10240xi32, #tpu.memory_space<vmem>>, vector<16xi32>,
        %gather3A = tpu.vector_load_idx %arg9[%get3A_448] : memref<10240xf32, #tpu.memory_space<vmem>>[vector<16xi32>], vector<16xf32>,
        %gather3A_453 = tpu.vector_load_idx %arg10[%get3A_452] : memref<10240xf32, #tpu.memory_space<vmem>>[vector<16xi32>], vector<16xf32>,
        %gather3A_454 = tpu.vector_load_idx %arg11[%get3A_452] : memref<10240xi32, #tpu.memory_space<vmem>>[vector<16xi32>], vector<16xi32>,
        %add3A_455 = arith.addi %gather3A_454, %mul3A_12 : vector<16xi32>
        %mul3A_456 = arith.mulf %gather3A, %gather3A_453 : vector<16xf32>
        tpu.vector_store_idx %arg15[%add3A_455], %mul3A_456 {add = true} : memref<2048xf32, #tpu.memory_space<vmem>>[vector<16xi32>], vector<16xf32>,
      }
      %scan3A_19 = arith.constant 640 : i32
      %scan3A_20 = arith.constant 0 : i32
      %scan3A_21 = arith.constant 0 : i32
      %scan3A_22 = arith.constant 40 : i32
      %scan3A_23 = arith.addi %scan3A_21, %scan3A_22 : i32
      %scan3A_24 = arith.constant 1 : i32
      scf.for %scan3A_444 = %scan3A_21 to %scan3A_23 step %scan3A_24  : i32 {
        %mul3A_445 = arith.constant 640 : i32
        %mul3A_446 = arith.muli %arg1, %mul3A_445 : i32
        %mul3A_447 = arith.constant 16 : i32
        %mul3A_448 = arith.muli %scan3A_444, %mul3A_447 : i32
        %add3A_449 = arith.addi %mul3A_446, %mul3A_448 : i32
        %get3A_450 = arith.index_cast %add3A_449 : i32 to index
        %get3A_451 = tpu.vector_load %arg11[%get3A_450] {strides = array<i32>} : memref<10240xi32, #tpu.memory_space<vmem>>, vector<16xi32>,
        %get3A_452 = arith.index_cast %add3A_449 : i32 to index
        %get3A_453 = tpu.vector_load %arg10[%get3A_452] {strides = array<i32>} : memref<10240xf32, #tpu.memory_space<vmem>>, vector<16xf32>,
        %get3A_454 = arith.index_cast %add3A_449 : i32 to index
        %get3A_455 = tpu.vector_load %arg9[%get3A_454] {strides = array<i32>} : memref<10240xf32, #tpu.memory_space<vmem>>, vector<16xf32>,
        %mul3A_456 = arith.mulf %get3A_453, %get3A_455 : vector<16xf32>
        %add3A_457 = arith.addf %mul3A_456, %get3A_13 : vector<16xf32>
        %add3A_458 = arith.addi %get3A_451, %mul3A_12 : vector<16xi32>
        tpu.vector_store_idx %arg15[%add3A_458], %add3A_457 {add = true} : memref<2048xf32, #tpu.memory_space<vmem>>[vector<16xi32>], vector<16xf32>,
        %add3A_459 = arith.addi %get3A_451, %mul3A_12 : vector<16xi32>
        %broadcast_in_dim3A_460 = arith.constant 1.000000e+00 : f32
        %broadcast_in_dim3A_461 = vector.broadcast %broadcast_in_dim3A_460 : f32 to vector<16xf32>
        tpu.vector_store_idx %arg16[%add3A_459], %broadcast_in_dim3A_461 {add = true} : memref<2048xf32, #tpu.memory_space<vmem>>[vector<16xi32>], vector<16xf32>,
      }
      %scan3A_25 = arith.constant 40 : i32
      %broadcast_in_dim3A = arith.constant 0.000000e+00 : f32
      %broadcast_in_dim3A_26 = vector.broadcast %broadcast_in_dim3A : f32 to vector<16xf32>
      %broadcast_in_dim3A_27 = arith.constant 0.000000e+00 : f32
      %broadcast_in_dim3A_28 = vector.broadcast %broadcast_in_dim3A_27 : f32 to vector<16xf32>
      %get3A_29 = arith.constant 0 : index
      %get3A_30 = tpu.vector_load %arg15[%get3A_29] {strides = array<i32>} : memref<2048xf32, #tpu.memory_space<vmem>>, vector<16xf32>,
      %add3A = arith.addf %broadcast_in_dim3A_26, %get3A_30 : vector<16xf32>
      %get3A_31 = arith.constant 0 : index
      %get3A_32 = tpu.vector_load %arg16[%get3A_31] {strides = array<i32>} : memref<2048xf32, #tpu.memory_space<vmem>>, vector<16xf32>,
      %add3A_33 = arith.addf %broadcast_in_dim3A_28, %get3A_32 : vector<16xf32>
      %get3A_34 = arith.constant 128 : index
      %get3A_35 = tpu.vector_load %arg15[%get3A_34] {strides = array<i32>} : memref<2048xf32, #tpu.memory_space<vmem>>, vector<16xf32>,
      %add3A_36 = arith.addf %add3A, %get3A_35 : vector<16xf32>
      %get3A_37 = arith.constant 128 : index
      %get3A_38 = tpu.vector_load %arg16[%get3A_37] {strides = array<i32>} : memref<2048xf32, #tpu.memory_space<vmem>>, vector<16xf32>,
      %add3A_39 = arith.addf %add3A_33, %get3A_38 : vector<16xf32>
      %get3A_40 = arith.constant 256 : index
      %get3A_41 = tpu.vector_load %arg15[%get3A_40] {strides = array<i32>} : memref<2048xf32, #tpu.memory_space<vmem>>, vector<16xf32>,
      %add3A_42 = arith.addf %add3A_36, %get3A_41 : vector<16xf32>
      %get3A_43 = arith.constant 256 : index
      %get3A_44 = tpu.vector_load %arg16[%get3A_43] {strides = array<i32>} : memref<2048xf32, #tpu.memory_space<vmem>>, vector<16xf32>,
      %add3A_45 = arith.addf %add3A_39, %get3A_44 : vector<16xf32>
      %get3A_46 = arith.constant 384 : index
      %get3A_47 = tpu.vector_load %arg15[%get3A_46] {strides = array<i32>} : memref<2048xf32, #tpu.memory_space<vmem>>, vector<16xf32>,
      %add3A_48 = arith.addf %add3A_42, %get3A_47 : vector<16xf32>
      %get3A_49 = arith.constant 384 : index
      %get3A_50 = tpu.vector_load %arg16[%get3A_49] {strides = array<i32>} : memref<2048xf32, #tpu.memory_space<vmem>>, vector<16xf32>,
      %add3A_51 = arith.addf %add3A_45, %get3A_50 : vector<16xf32>
      %get3A_52 = arith.constant 512 : index
      %get3A_53 = tpu.vector_load %arg15[%get3A_52] {strides = array<i32>} : memref<2048xf32, #tpu.memory_space<vmem>>, vector<16xf32>,
      %add3A_54 = arith.addf %add3A_48, %get3A_53 : vector<16xf32>
      %get3A_55 = arith.constant 512 : index
      %get3A_56 = tpu.vector_load %arg16[%get3A_55] {strides = array<i32>} : memref<2048xf32, #tpu.memory_space<vmem>>, vector<16xf32>,
      %add3A_57 = arith.addf %add3A_51, %get3A_56 : vector<16xf32>
      %get3A_58 = arith.constant 640 : index
      %get3A_59 = tpu.vector_load %arg15[%get3A_58] {strides = array<i32>} : memref<2048xf32, #tpu.memory_space<vmem>>, vector<16xf32>,
      %add3A_60 = arith.addf %add3A_54, %get3A_59 : vector<16xf32>
      %get3A_61 = arith.constant 640 : index
      %get3A_62 = tpu.vector_load %arg16[%get3A_61] {strides = array<i32>} : memref<2048xf32, #tpu.memory_space<vmem>>, vector<16xf32>,
      %add3A_63 = arith.addf %add3A_57, %get3A_62 : vector<16xf32>
      %get3A_64 = arith.constant 768 : index
      %get3A_65 = tpu.vector_load %arg15[%get3A_64] {strides = array<i32>} : memref<2048xf32, #tpu.memory_space<vmem>>, vector<16xf32>,
      %add3A_66 = arith.addf %add3A_60, %get3A_65 : vector<16xf32>
      %get3A_67 = arith.constant 768 : index
      %get3A_68 = tpu.vector_load %arg16[%get3A_67] {strides = array<i32>} : memref<2048xf32, #tpu.memory_space<vmem>>, vector<16xf32>,
      %add3A_69 = arith.addf %add3A_63, %get3A_68 : vector<16xf32>
      %get3A_70 = arith.constant 896 : index
      %get3A_71 = tpu.vector_load %arg15[%get3A_70] {strides = array<i32>} : memref<2048xf32, #tpu.memory_space<vmem>>, vector<16xf32>,
      %add3A_72 = arith.addf %add3A_66, %get3A_71 : vector<16xf32>
      %get3A_73 = arith.constant 896 : index
      %get3A_74 = tpu.vector_load %arg16[%get3A_73] {strides = array<i32>} : memref<2048xf32, #tpu.memory_space<vmem>>, vector<16xf32>,
      %add3A_75 = arith.addf %add3A_69, %get3A_74 : vector<16xf32>
      %get3A_76 = arith.constant 1024 : index
      %get3A_77 = tpu.vector_load %arg15[%get3A_76] {strides = array<i32>} : memref<2048xf32, #tpu.memory_space<vmem>>, vector<16xf32>,
      %add3A_78 = arith.addf %add3A_72, %get3A_77 : vector<16xf32>
      %get3A_79 = arith.constant 1024 : index
      %get3A_80 = tpu.vector_load %arg16[%get3A_79] {strides = array<i32>} : memref<2048xf32, #tpu.memory_space<vmem>>, vector<16xf32>,
      %add3A_81 = arith.addf %add3A_75, %get3A_80 : vector<16xf32>
      %get3A_82 = arith.constant 1152 : index
      %get3A_83 = tpu.vector_load %arg15[%get3A_82] {strides = array<i32>} : memref<2048xf32, #tpu.memory_space<vmem>>, vector<16xf32>,
      %add3A_84 = arith.addf %add3A_78, %get3A_83 : vector<16xf32>
      %get3A_85 = arith.constant 1152 : index
      %get3A_86 = tpu.vector_load %arg16[%get3A_85] {strides = array<i32>} : memref<2048xf32, #tpu.memory_space<vmem>>, vector<16xf32>,
      %add3A_87 = arith.addf %add3A_81, %get3A_86 : vector<16xf32>
      %get3A_88 = arith.constant 1280 : index
      %get3A_89 = tpu.vector_load %arg15[%get3A_88] {strides = array<i32>} : memref<2048xf32, #tpu.memory_space<vmem>>, vector<16xf32>,
      %add3A_90 = arith.addf %add3A_84, %get3A_89 : vector<16xf32>
      %get3A_91 = arith.constant 1280 : index
      %get3A_92 = tpu.vector_load %arg16[%get3A_91] {strides = array<i32>} : memref<2048xf32, #tpu.memory_space<vmem>>, vector<16xf32>,
      %add3A_93 = arith.addf %add3A_87, %get3A_92 : vector<16xf32>
      %get3A_94 = arith.constant 1408 : index
      %get3A_95 = tpu.vector_load %arg15[%get3A_94] {strides = array<i32>} : memref<2048xf32, #tpu.memory_space<vmem>>, vector<16xf32>,
      %add3A_96 = arith.addf %add3A_90, %get3A_95 : vector<16xf32>
      %get3A_97 = arith.constant 1408 : index
      %get3A_98 = tpu.vector_load %arg16[%get3A_97] {strides = array<i32>} : memref<2048xf32, #tpu.memory_space<vmem>>, vector<16xf32>,
      %add3A_99 = arith.addf %add3A_93, %get3A_98 : vector<16xf32>
      %get3A_100 = arith.constant 1536 : index
      %get3A_101 = tpu.vector_load %arg15[%get3A_100] {strides = array<i32>} : memref<2048xf32, #tpu.memory_space<vmem>>, vector<16xf32>,
      %add3A_102 = arith.addf %add3A_96, %get3A_101 : vector<16xf32>
      %get3A_103 = arith.constant 1536 : index
      %get3A_104 = tpu.vector_load %arg16[%get3A_103] {strides = array<i32>} : memref<2048xf32, #tpu.memory_space<vmem>>, vector<16xf32>,
      %add3A_105 = arith.addf %add3A_99, %get3A_104 : vector<16xf32>
      %get3A_106 = arith.constant 1664 : index
      %get3A_107 = tpu.vector_load %arg15[%get3A_106] {strides = array<i32>} : memref<2048xf32, #tpu.memory_space<vmem>>, vector<16xf32>,
      %add3A_108 = arith.addf %add3A_102, %get3A_107 : vector<16xf32>
      %get3A_109 = arith.constant 1664 : index
      %get3A_110 = tpu.vector_load %arg16[%get3A_109] {strides = array<i32>} : memref<2048xf32, #tpu.memory_space<vmem>>, vector<16xf32>,
      %add3A_111 = arith.addf %add3A_105, %get3A_110 : vector<16xf32>
      %get3A_112 = arith.constant 1792 : index
      %get3A_113 = tpu.vector_load %arg15[%get3A_112] {strides = array<i32>} : memref<2048xf32, #tpu.memory_space<vmem>>, vector<16xf32>,
      %add3A_114 = arith.addf %add3A_108, %get3A_113 : vector<16xf32>
      %get3A_115 = arith.constant 1792 : index
      %get3A_116 = tpu.vector_load %arg16[%get3A_115] {strides = array<i32>} : memref<2048xf32, #tpu.memory_space<vmem>>, vector<16xf32>,
      %add3A_117 = arith.addf %add3A_111, %get3A_116 : vector<16xf32>
      %get3A_118 = arith.constant 1920 : index
      %get3A_119 = tpu.vector_load %arg15[%get3A_118] {strides = array<i32>} : memref<2048xf32, #tpu.memory_space<vmem>>, vector<16xf32>,
      %add3A_120 = arith.addf %add3A_114, %get3A_119 : vector<16xf32>
      %get3A_121 = arith.constant 1920 : index
      %get3A_122 = tpu.vector_load %arg16[%get3A_121] {strides = array<i32>} : memref<2048xf32, #tpu.memory_space<vmem>>, vector<16xf32>,
      %add3A_123 = arith.addf %add3A_117, %get3A_122 : vector<16xf32>
      %swap3A = arith.constant 0 : index
      %swap3A_124 = tpu.vector_load %arg17[%swap3A] {strides = array<i32>} : memref<128xf32, #tpu.memory_space<vmem>>, vector<16xf32>,
      tpu.vector_store %arg17[%swap3A], %add3A_120 {strides = array<i32>} : memref<128xf32, #tpu.memory_space<vmem>>, vector<16xf32>,
      %swap3A_125 = arith.constant 64 : index
      %swap3A_126 = tpu.vector_load %arg17[%swap3A_125] {strides = array<i32>} : memref<128xf32, #tpu.memory_space<vmem>>, vector<16xf32>,
      tpu.vector_store %arg17[%swap3A_125], %add3A_123 {strides = array<i32>} : memref<128xf32, #tpu.memory_space<vmem>>, vector<16xf32>,
      %broadcast_in_dim3A_127 = arith.constant 0.000000e+00 : f32
      %broadcast_in_dim3A_128 = vector.broadcast %broadcast_in_dim3A_127 : f32 to vector<16xf32>
      %broadcast_in_dim3A_129 = arith.constant 0.000000e+00 : f32
      %broadcast_in_dim3A_130 = vector.broadcast %broadcast_in_dim3A_129 : f32 to vector<16xf32>
      %get3A_131 = arith.constant 16 : index
      %get3A_132 = tpu.vector_load %arg15[%get3A_131] {strides = array<i32>} : memref<2048xf32, #tpu.memory_space<vmem>>, vector<16xf32>,
      %add3A_133 = arith.addf %broadcast_in_dim3A_128, %get3A_132 : vector<16xf32>
      %get3A_134 = arith.constant 16 : index
      %get3A_135 = tpu.vector_load %arg16[%get3A_134] {strides = array<i32>} : memref<2048xf32, #tpu.memory_space<vmem>>, vector<16xf32>,
      %add3A_136 = arith.addf %broadcast_in_dim3A_130, %get3A_135 : vector<16xf32>
      %get3A_137 = arith.constant 144 : index
      %get3A_138 = tpu.vector_load %arg15[%get3A_137] {strides = array<i32>} : memref<2048xf32, #tpu.memory_space<vmem>>, vector<16xf32>,
      %add3A_139 = arith.addf %add3A_133, %get3A_138 : vector<16xf32>
      %get3A_140 = arith.constant 144 : index
      %get3A_141 = tpu.vector_load %arg16[%get3A_140] {strides = array<i32>} : memref<2048xf32, #tpu.memory_space<vmem>>, vector<16xf32>,
      %add3A_142 = arith.addf %add3A_136, %get3A_141 : vector<16xf32>
      %get3A_143 = arith.constant 272 : index
      %get3A_144 = tpu.vector_load %arg15[%get3A_143] {strides = array<i32>} : memref<2048xf32, #tpu.memory_space<vmem>>, vector<16xf32>,
      %add3A_145 = arith.addf %add3A_139, %get3A_144 : vector<16xf32>
      %get3A_146 = arith.constant 272 : index
      %get3A_147 = tpu.vector_load %arg16[%get3A_146] {strides = array<i32>} : memref<2048xf32, #tpu.memory_space<vmem>>, vector<16xf32>,
      %add3A_148 = arith.addf %add3A_142, %get3A_147 : vector<16xf32>
      %get3A_149 = arith.constant 400 : index
      %get3A_150 = tpu.vector_load %arg15[%get3A_149] {strides = array<i32>} : memref<2048xf32, #tpu.memory_space<vmem>>, vector<16xf32>,
      %add3A_151 = arith.addf %add3A_145, %get3A_150 : vector<16xf32>
      %get3A_152 = arith.constant 400 : index
      %get3A_153 = tpu.vector_load %arg16[%get3A_152] {strides = array<i32>} : memref<2048xf32, #tpu.memory_space<vmem>>, vector<16xf32>,
      %add3A_154 = arith.addf %add3A_148, %get3A_153 : vector<16xf32>
      %get3A_155 = arith.constant 528 : index
      %get3A_156 = tpu.vector_load %arg15[%get3A_155] {strides = array<i32>} : memref<2048xf32, #tpu.memory_space<vmem>>, vector<16xf32>,
      %add3A_157 = arith.addf %add3A_151, %get3A_156 : vector<16xf32>
      %get3A_158 = arith.constant 528 : index
      %get3A_159 = tpu.vector_load %arg16[%get3A_158] {strides = array<i32>} : memref<2048xf32, #tpu.memory_space<vmem>>, vector<16xf32>,
      %add3A_160 = arith.addf %add3A_154, %get3A_159 : vector<16xf32>
      %get3A_161 = arith.constant 656 : index
      %get3A_162 = tpu.vector_load %arg15[%get3A_161] {strides = array<i32>} : memref<2048xf32, #tpu.memory_space<vmem>>, vector<16xf32>,
      %add3A_163 = arith.addf %add3A_157, %get3A_162 : vector<16xf32>
      %get3A_164 = arith.constant 656 : index
      %get3A_165 = tpu.vector_load %arg16[%get3A_164] {strides = array<i32>} : memref<2048xf32, #tpu.memory_space<vmem>>, vector<16xf32>,
      %add3A_166 = arith.addf %add3A_160, %get3A_165 : vector<16xf32>
      %get3A_167 = arith.constant 784 : index
      %get3A_168 = tpu.vector_load %arg15[%get3A_167] {strides = array<i32>} : memref<2048xf32, #tpu.memory_space<vmem>>, vector<16xf32>,
      %add3A_169 = arith.addf %add3A_163, %get3A_168 : vector<16xf32>
      %get3A_170 = arith.constant 784 : index
      %get3A_171 = tpu.vector_load %arg16[%get3A_170] {strides = array<i32>} : memref<2048xf32, #tpu.memory_space<vmem>>, vector<16xf32>,
      %add3A_172 = arith.addf %add3A_166, %get3A_171 : vector<16xf32>
      %get3A_173 = arith.constant 912 : index
      %get3A_174 = tpu.vector_load %arg15[%get3A_173] {strides = array<i32>} : memref<2048xf32, #tpu.memory_space<vmem>>, vector<16xf32>,
      %add3A_175 = arith.addf %add3A_169, %get3A_174 : vector<16xf32>
      %get3A_176 = arith.constant 912 : index
      %get3A_177 = tpu.vector_load %arg16[%get3A_176] {strides = array<i32>} : memref<2048xf32, #tpu.memory_space<vmem>>, vector<16xf32>,
      %add3A_178 = arith.addf %add3A_172, %get3A_177 : vector<16xf32>
      %get3A_179 = arith.constant 1040 : index
      %get3A_180 = tpu.vector_load %arg15[%get3A_179] {strides = array<i32>} : memref<2048xf32, #tpu.memory_space<vmem>>, vector<16xf32>,
      %add3A_181 = arith.addf %add3A_175, %get3A_180 : vector<16xf32>
      %get3A_182 = arith.constant 1040 : index
      %get3A_183 = tpu.vector_load %arg16[%get3A_182] {strides = array<i32>} : memref<2048xf32, #tpu.memory_space<vmem>>, vector<16xf32>,
      %add3A_184 = arith.addf %add3A_178, %get3A_183 : vector<16xf32>
      %get3A_185 = arith.constant 1168 : index
      %get3A_186 = tpu.vector_load %arg15[%get3A_185] {strides = array<i32>} : memref<2048xf32, #tpu.memory_space<vmem>>, vector<16xf32>,
      %add3A_187 = arith.addf %add3A_181, %get3A_186 : vector<16xf32>
      %get3A_188 = arith.constant 1168 : index
      %get3A_189 = tpu.vector_load %arg16[%get3A_188] {strides = array<i32>} : memref<2048xf32, #tpu.memory_space<vmem>>, vector<16xf32>,
      %add3A_190 = arith.addf %add3A_184, %get3A_189 : vector<16xf32>
      %get3A_191 = arith.constant 1296 : index
      %get3A_192 = tpu.vector_load %arg15[%get3A_191] {strides = array<i32>} : memref<2048xf32, #tpu.memory_space<vmem>>, vector<16xf32>,
      %add3A_193 = arith.addf %add3A_187, %get3A_192 : vector<16xf32>
      %get3A_194 = arith.constant 1296 : index
      %get3A_195 = tpu.vector_load %arg16[%get3A_194] {strides = array<i32>} : memref<2048xf32, #tpu.memory_space<vmem>>, vector<16xf32>,
      %add3A_196 = arith.addf %add3A_190, %get3A_195 : vector<16xf32>
      %get3A_197 = arith.constant 1424 : index
      %get3A_198 = tpu.vector_load %arg15[%get3A_197] {strides = array<i32>} : memref<2048xf32, #tpu.memory_space<vmem>>, vector<16xf32>,
      %add3A_199 = arith.addf %add3A_193, %get3A_198 : vector<16xf32>
      %get3A_200 = arith.constant 1424 : index
      %get3A_201 = tpu.vector_load %arg16[%get3A_200] {strides = array<i32>} : memref<2048xf32, #tpu.memory_space<vmem>>, vector<16xf32>,
      %add3A_202 = arith.addf %add3A_196, %get3A_201 : vector<16xf32>
      %get3A_203 = arith.constant 1552 : index
      %get3A_204 = tpu.vector_load %arg15[%get3A_203] {strides = array<i32>} : memref<2048xf32, #tpu.memory_space<vmem>>, vector<16xf32>,
      %add3A_205 = arith.addf %add3A_199, %get3A_204 : vector<16xf32>
      %get3A_206 = arith.constant 1552 : index
      %get3A_207 = tpu.vector_load %arg16[%get3A_206] {strides = array<i32>} : memref<2048xf32, #tpu.memory_space<vmem>>, vector<16xf32>,
      %add3A_208 = arith.addf %add3A_202, %get3A_207 : vector<16xf32>
      %get3A_209 = arith.constant 1680 : index
      %get3A_210 = tpu.vector_load %arg15[%get3A_209] {strides = array<i32>} : memref<2048xf32, #tpu.memory_space<vmem>>, vector<16xf32>,
      %add3A_211 = arith.addf %add3A_205, %get3A_210 : vector<16xf32>
      %get3A_212 = arith.constant 1680 : index
      %get3A_213 = tpu.vector_load %arg16[%get3A_212] {strides = array<i32>} : memref<2048xf32, #tpu.memory_space<vmem>>, vector<16xf32>,
      %add3A_214 = arith.addf %add3A_208, %get3A_213 : vector<16xf32>
      %get3A_215 = arith.constant 1808 : index
      %get3A_216 = tpu.vector_load %arg15[%get3A_215] {strides = array<i32>} : memref<2048xf32, #tpu.memory_space<vmem>>, vector<16xf32>,
      %add3A_217 = arith.addf %add3A_211, %get3A_216 : vector<16xf32>
      %get3A_218 = arith.constant 1808 : index
      %get3A_219 = tpu.vector_load %arg16[%get3A_218] {strides = array<i32>} : memref<2048xf32, #tpu.memory_space<vmem>>, vector<16xf32>,
      %add3A_220 = arith.addf %add3A_214, %get3A_219 : vector<16xf32>
      %get3A_221 = arith.constant 1936 : index
      %get3A_222 = tpu.vector_load %arg15[%get3A_221] {strides = array<i32>} : memref<2048xf32, #tpu.memory_space<vmem>>, vector<16xf32>,
      %add3A_223 = arith.addf %add3A_217, %get3A_222 : vector<16xf32>
      %get3A_224 = arith.constant 1936 : index
      %get3A_225 = tpu.vector_load %arg16[%get3A_224] {strides = array<i32>} : memref<2048xf32, #tpu.memory_space<vmem>>, vector<16xf32>,
      %add3A_226 = arith.addf %add3A_220, %get3A_225 : vector<16xf32>
      %swap3A_227 = arith.constant 16 : index
      %swap3A_228 = tpu.vector_load %arg17[%swap3A_227] {strides = array<i32>} : memref<128xf32, #tpu.memory_space<vmem>>, vector<16xf32>,
      tpu.vector_store %arg17[%swap3A_227], %add3A_223 {strides = array<i32>} : memref<128xf32, #tpu.memory_space<vmem>>, vector<16xf32>,
      %swap3A_229 = arith.constant 80 : index
      %swap3A_230 = tpu.vector_load %arg17[%swap3A_229] {strides = array<i32>} : memref<128xf32, #tpu.memory_space<vmem>>, vector<16xf32>,
      tpu.vector_store %arg17[%swap3A_229], %add3A_226 {strides = array<i32>} : memref<128xf32, #tpu.memory_space<vmem>>, vector<16xf32>,
      %broadcast_in_dim3A_231 = arith.constant 0.000000e+00 : f32
      %broadcast_in_dim3A_232 = vector.broadcast %broadcast_in_dim3A_231 : f32 to vector<16xf32>
      %broadcast_in_dim3A_233 = arith.constant 0.000000e+00 : f32
      %broadcast_in_dim3A_234 = vector.broadcast %broadcast_in_dim3A_233 : f32 to vector<16xf32>
      %get3A_235 = arith.constant 32 : index
      %get3A_236 = tpu.vector_load %arg15[%get3A_235] {strides = array<i32>} : memref<2048xf32, #tpu.memory_space<vmem>>, vector<16xf32>,
      %add3A_237 = arith.addf %broadcast_in_dim3A_232, %get3A_236 : vector<16xf32>
      %get3A_238 = arith.constant 32 : index
      %get3A_239 = tpu.vector_load %arg16[%get3A_238] {strides = array<i32>} : memref<2048xf32, #tpu.memory_space<vmem>>, vector<16xf32>,
      %add3A_240 = arith.addf %broadcast_in_dim3A_234, %get3A_239 : vector<16xf32>
      %get3A_241 = arith.constant 160 : index
      %get3A_242 = tpu.vector_load %arg15[%get3A_241] {strides = array<i32>} : memref<2048xf32, #tpu.memory_space<vmem>>, vector<16xf32>,
      %add3A_243 = arith.addf %add3A_237, %get3A_242 : vector<16xf32>
      %get3A_244 = arith.constant 160 : index
      %get3A_245 = tpu.vector_load %arg16[%get3A_244] {strides = array<i32>} : memref<2048xf32, #tpu.memory_space<vmem>>, vector<16xf32>,
      %add3A_246 = arith.addf %add3A_240, %get3A_245 : vector<16xf32>
      %get3A_247 = arith.constant 288 : index
      %get3A_248 = tpu.vector_load %arg15[%get3A_247] {strides = array<i32>} : memref<2048xf32, #tpu.memory_space<vmem>>, vector<16xf32>,
      %add3A_249 = arith.addf %add3A_243, %get3A_248 : vector<16xf32>
      %get3A_250 = arith.constant 288 : index
      %get3A_251 = tpu.vector_load %arg16[%get3A_250] {strides = array<i32>} : memref<2048xf32, #tpu.memory_space<vmem>>, vector<16xf32>,
      %add3A_252 = arith.addf %add3A_246, %get3A_251 : vector<16xf32>
      %get3A_253 = arith.constant 416 : index
      %get3A_254 = tpu.vector_load %arg15[%get3A_253] {strides = array<i32>} : memref<2048xf32, #tpu.memory_space<vmem>>, vector<16xf32>,
      %add3A_255 = arith.addf %add3A_249, %get3A_254 : vector<16xf32>
      %get3A_256 = arith.constant 416 : index
      %get3A_257 = tpu.vector_load %arg16[%get3A_256] {strides = array<i32>} : memref<2048xf32, #tpu.memory_space<vmem>>, vector<16xf32>,
      %add3A_258 = arith.addf %add3A_252, %get3A_257 : vector<16xf32>
      %get3A_259 = arith.constant 544 : index
      %get3A_260 = tpu.vector_load %arg15[%get3A_259] {strides = array<i32>} : memref<2048xf32, #tpu.memory_space<vmem>>, vector<16xf32>,
      %add3A_261 = arith.addf %add3A_255, %get3A_260 : vector<16xf32>
      %get3A_262 = arith.constant 544 : index
      %get3A_263 = tpu.vector_load %arg16[%get3A_262] {strides = array<i32>} : memref<2048xf32, #tpu.memory_space<vmem>>, vector<16xf32>,
      %add3A_264 = arith.addf %add3A_258, %get3A_263 : vector<16xf32>
      %get3A_265 = arith.constant 672 : index
      %get3A_266 = tpu.vector_load %arg15[%get3A_265] {strides = array<i32>} : memref<2048xf32, #tpu.memory_space<vmem>>, vector<16xf32>,
      %add3A_267 = arith.addf %add3A_261, %get3A_266 : vector<16xf32>
      %get3A_268 = arith.constant 672 : index
      %get3A_269 = tpu.vector_load %arg16[%get3A_268] {strides = array<i32>} : memref<2048xf32, #tpu.memory_space<vmem>>, vector<16xf32>,
      %add3A_270 = arith.addf %add3A_264, %get3A_269 : vector<16xf32>
      %get3A_271 = arith.constant 800 : index
      %get3A_272 = tpu.vector_load %arg15[%get3A_271] {strides = array<i32>} : memref<2048xf32, #tpu.memory_space<vmem>>, vector<16xf32>,
      %add3A_273 = arith.addf %add3A_267, %get3A_272 : vector<16xf32>
      %get3A_274 = arith.constant 800 : index
      %get3A_275 = tpu.vector_load %arg16[%get3A_274] {strides = array<i32>} : memref<2048xf32, #tpu.memory_space<vmem>>, vector<16xf32>,
      %add3A_276 = arith.addf %add3A_270, %get3A_275 : vector<16xf32>
      %get3A_277 = arith.constant 928 : index
      %get3A_278 = tpu.vector_load %arg15[%get3A_277] {strides = array<i32>} : memref<2048xf32, #tpu.memory_space<vmem>>, vector<16xf32>,
      %add3A_279 = arith.addf %add3A_273, %get3A_278 : vector<16xf32>
      %get3A_280 = arith.constant 928 : index
      %get3A_281 = tpu.vector_load %arg16[%get3A_280] {strides = array<i32>} : memref<2048xf32, #tpu.memory_space<vmem>>, vector<16xf32>,
      %add3A_282 = arith.addf %add3A_276, %get3A_281 : vector<16xf32>
      %get3A_283 = arith.constant 1056 : index
      %get3A_284 = tpu.vector_load %arg15[%get3A_283] {strides = array<i32>} : memref<2048xf32, #tpu.memory_space<vmem>>, vector<16xf32>,
      %add3A_285 = arith.addf %add3A_279, %get3A_284 : vector<16xf32>
      %get3A_286 = arith.constant 1056 : index
      %get3A_287 = tpu.vector_load %arg16[%get3A_286] {strides = array<i32>} : memref<2048xf32, #tpu.memory_space<vmem>>, vector<16xf32>,
      %add3A_288 = arith.addf %add3A_282, %get3A_287 : vector<16xf32>
      %get3A_289 = arith.constant 1184 : index
      %get3A_290 = tpu.vector_load %arg15[%get3A_289] {strides = array<i32>} : memref<2048xf32, #tpu.memory_space<vmem>>, vector<16xf32>,
      %add3A_291 = arith.addf %add3A_285, %get3A_290 : vector<16xf32>
      %get3A_292 = arith.constant 1184 : index
      %get3A_293 = tpu.vector_load %arg16[%get3A_292] {strides = array<i32>} : memref<2048xf32, #tpu.memory_space<vmem>>, vector<16xf32>,
      %add3A_294 = arith.addf %add3A_288, %get3A_293 : vector<16xf32>
      %get3A_295 = arith.constant 1312 : index
      %get3A_296 = tpu.vector_load %arg15[%get3A_295] {strides = array<i32>} : memref<2048xf32, #tpu.memory_space<vmem>>, vector<16xf32>,
      %add3A_297 = arith.addf %add3A_291, %get3A_296 : vector<16xf32>
      %get3A_298 = arith.constant 1312 : index
      %get3A_299 = tpu.vector_load %arg16[%get3A_298] {strides = array<i32>} : memref<2048xf32, #tpu.memory_space<vmem>>, vector<16xf32>,
      %add3A_300 = arith.addf %add3A_294, %get3A_299 : vector<16xf32>
      %get3A_301 = arith.constant 1440 : index
      %get3A_302 = tpu.vector_load %arg15[%get3A_301] {strides = array<i32>} : memref<2048xf32, #tpu.memory_space<vmem>>, vector<16xf32>,
      %add3A_303 = arith.addf %add3A_297, %get3A_302 : vector<16xf32>
      %get3A_304 = arith.constant 1440 : index
      %get3A_305 = tpu.vector_load %arg16[%get3A_304] {strides = array<i32>} : memref<2048xf32, #tpu.memory_space<vmem>>, vector<16xf32>,
      %add3A_306 = arith.addf %add3A_300, %get3A_305 : vector<16xf32>
      %get3A_307 = arith.constant 1568 : index
      %get3A_308 = tpu.vector_load %arg15[%get3A_307] {strides = array<i32>} : memref<2048xf32, #tpu.memory_space<vmem>>, vector<16xf32>,
      %add3A_309 = arith.addf %add3A_303, %get3A_308 : vector<16xf32>
      %get3A_310 = arith.constant 1568 : index
      %get3A_311 = tpu.vector_load %arg16[%get3A_310] {strides = array<i32>} : memref<2048xf32, #tpu.memory_space<vmem>>, vector<16xf32>,
      %add3A_312 = arith.addf %add3A_306, %get3A_311 : vector<16xf32>
      %get3A_313 = arith.constant 1696 : index
      %get3A_314 = tpu.vector_load %arg15[%get3A_313] {strides = array<i32>} : memref<2048xf32, #tpu.memory_space<vmem>>, vector<16xf32>,
      %add3A_315 = arith.addf %add3A_309, %get3A_314 : vector<16xf32>
      %get3A_316 = arith.constant 1696 : index
      %get3A_317 = tpu.vector_load %arg16[%get3A_316] {strides = array<i32>} : memref<2048xf32, #tpu.memory_space<vmem>>, vector<16xf32>,
      %add3A_318 = arith.addf %add3A_312, %get3A_317 : vector<16xf32>
      %get3A_319 = arith.constant 1824 : index
      %get3A_320 = tpu.vector_load %arg15[%get3A_319] {strides = array<i32>} : memref<2048xf32, #tpu.memory_space<vmem>>, vector<16xf32>,
      %add3A_321 = arith.addf %add3A_315, %get3A_320 : vector<16xf32>
      %get3A_322 = arith.constant 1824 : index
      %get3A_323 = tpu.vector_load %arg16[%get3A_322] {strides = array<i32>} : memref<2048xf32, #tpu.memory_space<vmem>>, vector<16xf32>,
      %add3A_324 = arith.addf %add3A_318, %get3A_323 : vector<16xf32>
      %get3A_325 = arith.constant 1952 : index
      %get3A_326 = tpu.vector_load %arg15[%get3A_325] {strides = array<i32>} : memref<2048xf32, #tpu.memory_space<vmem>>, vector<16xf32>,
      %add3A_327 = arith.addf %add3A_321, %get3A_326 : vector<16xf32>
      %get3A_328 = arith.constant 1952 : index
      %get3A_329 = tpu.vector_load %arg16[%get3A_328] {strides = array<i32>} : memref<2048xf32, #tpu.memory_space<vmem>>, vector<16xf32>,
      %add3A_330 = arith.addf %add3A_324, %get3A_329 : vector<16xf32>
      %swap3A_331 = arith.constant 32 : index
      %swap3A_332 = tpu.vector_load %arg17[%swap3A_331] {strides = array<i32>} : memref<128xf32, #tpu.memory_space<vmem>>, vector<16xf32>,
      tpu.vector_store %arg17[%swap3A_331], %add3A_327 {strides = array<i32>} : memref<128xf32, #tpu.memory_space<vmem>>, vector<16xf32>,
      %swap3A_333 = arith.constant 96 : index
      %swap3A_334 = tpu.vector_load %arg17[%swap3A_333] {strides = array<i32>} : memref<128xf32, #tpu.memory_space<vmem>>, vector<16xf32>,
      tpu.vector_store %arg17[%swap3A_333], %add3A_330 {strides = array<i32>} : memref<128xf32, #tpu.memory_space<vmem>>, vector<16xf32>,
      %broadcast_in_dim3A_335 = arith.constant 0.000000e+00 : f32
      %broadcast_in_dim3A_336 = vector.broadcast %broadcast_in_dim3A_335 : f32 to vector<16xf32>
      %broadcast_in_dim3A_337 = arith.constant 0.000000e+00 : f32
      %broadcast_in_dim3A_338 = vector.broadcast %broadcast_in_dim3A_337 : f32 to vector<16xf32>
      %get3A_339 = arith.constant 48 : index
      %get3A_340 = tpu.vector_load %arg15[%get3A_339] {strides = array<i32>} : memref<2048xf32, #tpu.memory_space<vmem>>, vector<16xf32>,
      %add3A_341 = arith.addf %broadcast_in_dim3A_336, %get3A_340 : vector<16xf32>
      %get3A_342 = arith.constant 48 : index
      %get3A_343 = tpu.vector_load %arg16[%get3A_342] {strides = array<i32>} : memref<2048xf32, #tpu.memory_space<vmem>>, vector<16xf32>,
      %add3A_344 = arith.addf %broadcast_in_dim3A_338, %get3A_343 : vector<16xf32>
      %get3A_345 = arith.constant 176 : index
      %get3A_346 = tpu.vector_load %arg15[%get3A_345] {strides = array<i32>} : memref<2048xf32, #tpu.memory_space<vmem>>, vector<16xf32>,
      %add3A_347 = arith.addf %add3A_341, %get3A_346 : vector<16xf32>
      %get3A_348 = arith.constant 176 : index
      %get3A_349 = tpu.vector_load %arg16[%get3A_348] {strides = array<i32>} : memref<2048xf32, #tpu.memory_space<vmem>>, vector<16xf32>,
      %add3A_350 = arith.addf %add3A_344, %get3A_349 : vector<16xf32>
      %get3A_351 = arith.constant 304 : index
      %get3A_352 = tpu.vector_load %arg15[%get3A_351] {strides = array<i32>} : memref<2048xf32, #tpu.memory_space<vmem>>, vector<16xf32>,
      %add3A_353 = arith.addf %add3A_347, %get3A_352 : vector<16xf32>
      %get3A_354 = arith.constant 304 : index
      %get3A_355 = tpu.vector_load %arg16[%get3A_354] {strides = array<i32>} : memref<2048xf32, #tpu.memory_space<vmem>>, vector<16xf32>,
      %add3A_356 = arith.addf %add3A_350, %get3A_355 : vector<16xf32>
      %get3A_357 = arith.constant 432 : index
      %get3A_358 = tpu.vector_load %arg15[%get3A_357] {strides = array<i32>} : memref<2048xf32, #tpu.memory_space<vmem>>, vector<16xf32>,
      %add3A_359 = arith.addf %add3A_353, %get3A_358 : vector<16xf32>
      %get3A_360 = arith.constant 432 : index
      %get3A_361 = tpu.vector_load %arg16[%get3A_360] {strides = array<i32>} : memref<2048xf32, #tpu.memory_space<vmem>>, vector<16xf32>,
      %add3A_362 = arith.addf %add3A_356, %get3A_361 : vector<16xf32>
      %get3A_363 = arith.constant 560 : index
      %get3A_364 = tpu.vector_load %arg15[%get3A_363] {strides = array<i32>} : memref<2048xf32, #tpu.memory_space<vmem>>, vector<16xf32>,
      %add3A_365 = arith.addf %add3A_359, %get3A_364 : vector<16xf32>
      %get3A_366 = arith.constant 560 : index
      %get3A_367 = tpu.vector_load %arg16[%get3A_366] {strides = array<i32>} : memref<2048xf32, #tpu.memory_space<vmem>>, vector<16xf32>,
      %add3A_368 = arith.addf %add3A_362, %get3A_367 : vector<16xf32>
      %get3A_369 = arith.constant 688 : index
      %get3A_370 = tpu.vector_load %arg15[%get3A_369] {strides = array<i32>} : memref<2048xf32, #tpu.memory_space<vmem>>, vector<16xf32>,
      %add3A_371 = arith.addf %add3A_365, %get3A_370 : vector<16xf32>
      %get3A_372 = arith.constant 688 : index
      %get3A_373 = tpu.vector_load %arg16[%get3A_372] {strides = array<i32>} : memref<2048xf32, #tpu.memory_space<vmem>>, vector<16xf32>,
      %add3A_374 = arith.addf %add3A_368, %get3A_373 : vector<16xf32>
      %get3A_375 = arith.constant 816 : index
      %get3A_376 = tpu.vector_load %arg15[%get3A_375] {strides = array<i32>} : memref<2048xf32, #tpu.memory_space<vmem>>, vector<16xf32>,
      %add3A_377 = arith.addf %add3A_371, %get3A_376 : vector<16xf32>
      %get3A_378 = arith.constant 816 : index
      %get3A_379 = tpu.vector_load %arg16[%get3A_378] {strides = array<i32>} : memref<2048xf32, #tpu.memory_space<vmem>>, vector<16xf32>,
      %add3A_380 = arith.addf %add3A_374, %get3A_379 : vector<16xf32>
      %get3A_381 = arith.constant 944 : index
      %get3A_382 = tpu.vector_load %arg15[%get3A_381] {strides = array<i32>} : memref<2048xf32, #tpu.memory_space<vmem>>, vector<16xf32>,
      %add3A_383 = arith.addf %add3A_377, %get3A_382 : vector<16xf32>
      %get3A_384 = arith.constant 944 : index
      %get3A_385 = tpu.vector_load %arg16[%get3A_384] {strides = array<i32>} : memref<2048xf32, #tpu.memory_space<vmem>>, vector<16xf32>,
      %add3A_386 = arith.addf %add3A_380, %get3A_385 : vector<16xf32>
      %get3A_387 = arith.constant 1072 : index
      %get3A_388 = tpu.vector_load %arg15[%get3A_387] {strides = array<i32>} : memref<2048xf32, #tpu.memory_space<vmem>>, vector<16xf32>,
      %add3A_389 = arith.addf %add3A_383, %get3A_388 : vector<16xf32>
      %get3A_390 = arith.constant 1072 : index
      %get3A_391 = tpu.vector_load %arg16[%get3A_390] {strides = array<i32>} : memref<2048xf32, #tpu.memory_space<vmem>>, vector<16xf32>,
      %add3A_392 = arith.addf %add3A_386, %get3A_391 : vector<16xf32>
      %get3A_393 = arith.constant 1200 : index
      %get3A_394 = tpu.vector_load %arg15[%get3A_393] {strides = array<i32>} : memref<2048xf32, #tpu.memory_space<vmem>>, vector<16xf32>,
      %add3A_395 = arith.addf %add3A_389, %get3A_394 : vector<16xf32>
      %get3A_396 = arith.constant 1200 : index
      %get3A_397 = tpu.vector_load %arg16[%get3A_396] {strides = array<i32>} : memref<2048xf32, #tpu.memory_space<vmem>>, vector<16xf32>,
      %add3A_398 = arith.addf %add3A_392, %get3A_397 : vector<16xf32>
      %get3A_399 = arith.constant 1328 : index
      %get3A_400 = tpu.vector_load %arg15[%get3A_399] {strides = array<i32>} : memref<2048xf32, #tpu.memory_space<vmem>>, vector<16xf32>,
      %add3A_401 = arith.addf %add3A_395, %get3A_400 : vector<16xf32>
      %get3A_402 = arith.constant 1328 : index
      %get3A_403 = tpu.vector_load %arg16[%get3A_402] {strides = array<i32>} : memref<2048xf32, #tpu.memory_space<vmem>>, vector<16xf32>,
      %add3A_404 = arith.addf %add3A_398, %get3A_403 : vector<16xf32>
      %get3A_405 = arith.constant 1456 : index
      %get3A_406 = tpu.vector_load %arg15[%get3A_405] {strides = array<i32>} : memref<2048xf32, #tpu.memory_space<vmem>>, vector<16xf32>,
      %add3A_407 = arith.addf %add3A_401, %get3A_406 : vector<16xf32>
      %get3A_408 = arith.constant 1456 : index
      %get3A_409 = tpu.vector_load %arg16[%get3A_408] {strides = array<i32>} : memref<2048xf32, #tpu.memory_space<vmem>>, vector<16xf32>,
      %add3A_410 = arith.addf %add3A_404, %get3A_409 : vector<16xf32>
      %get3A_411 = arith.constant 1584 : index
      %get3A_412 = tpu.vector_load %arg15[%get3A_411] {strides = array<i32>} : memref<2048xf32, #tpu.memory_space<vmem>>, vector<16xf32>,
      %add3A_413 = arith.addf %add3A_407, %get3A_412 : vector<16xf32>
      %get3A_414 = arith.constant 1584 : index
      %get3A_415 = tpu.vector_load %arg16[%get3A_414] {strides = array<i32>} : memref<2048xf32, #tpu.memory_space<vmem>>, vector<16xf32>,
      %add3A_416 = arith.addf %add3A_410, %get3A_415 : vector<16xf32>
      %get3A_417 = arith.constant 1712 : index
      %get3A_418 = tpu.vector_load %arg15[%get3A_417] {strides = array<i32>} : memref<2048xf32, #tpu.memory_space<vmem>>, vector<16xf32>,
      %add3A_419 = arith.addf %add3A_413, %get3A_418 : vector<16xf32>
      %get3A_420 = arith.constant 1712 : index
      %get3A_421 = tpu.vector_load %arg16[%get3A_420] {strides = array<i32>} : memref<2048xf32, #tpu.memory_space<vmem>>, vector<16xf32>,
      %add3A_422 = arith.addf %add3A_416, %get3A_421 : vector<16xf32>
      %get3A_423 = arith.constant 1840 : index
      %get3A_424 = tpu.vector_load %arg15[%get3A_423] {strides = array<i32>} : memref<2048xf32, #tpu.memory_space<vmem>>, vector<16xf32>,
      %add3A_425 = arith.addf %add3A_419, %get3A_424 : vector<16xf32>
      %get3A_426 = arith.constant 1840 : index
      %get3A_427 = tpu.vector_load %arg16[%get3A_426] {strides = array<i32>} : memref<2048xf32, #tpu.memory_space<vmem>>, vector<16xf32>,
      %add3A_428 = arith.addf %add3A_422, %get3A_427 : vector<16xf32>
      %get3A_429 = arith.constant 1968 : index
      %get3A_430 = tpu.vector_load %arg15[%get3A_429] {strides = array<i32>} : memref<2048xf32, #tpu.memory_space<vmem>>, vector<16xf32>,
      %add3A_431 = arith.addf %add3A_425, %get3A_430 : vector<16xf32>
      %get3A_432 = arith.constant 1968 : index
      %get3A_433 = tpu.vector_load %arg16[%get3A_432] {strides = array<i32>} : memref<2048xf32, #tpu.memory_space<vmem>>, vector<16xf32>,
      %add3A_434 = arith.addf %add3A_428, %get3A_433 : vector<16xf32>
      %swap3A_435 = arith.constant 48 : index
      %swap3A_436 = tpu.vector_load %arg17[%swap3A_435] {strides = array<i32>} : memref<128xf32, #tpu.memory_space<vmem>>, vector<16xf32>,
      tpu.vector_store %arg17[%swap3A_435], %add3A_431 {strides = array<i32>} : memref<128xf32, #tpu.memory_space<vmem>>, vector<16xf32>,
      %swap3A_437 = arith.constant 112 : index
      %swap3A_438 = tpu.vector_load %arg17[%swap3A_437] {strides = array<i32>} : memref<128xf32, #tpu.memory_space<vmem>>, vector<16xf32>,
      tpu.vector_store %arg17[%swap3A_437], %add3A_434 {strides = array<i32>} : memref<128xf32, #tpu.memory_space<vmem>>, vector<16xf32>,
      "tpu.region"() ({
        %run_scoped3A = tpu.sem_alloc : memref<!tpu.dma_semaphore, #tpu.memory_space<semaphore_mem>>
        %dma_start3A = arith.constant 0 : i32
        %dma_start3A_444 = tpu.memref_slice %arg20[%arg1, %dma_start3A] : memref<16x128xf32, #tpu.memory_space<vmem_shared>> -> memref<1x128xf32, #tpu.memory_space<vmem_shared>>
        %dma_start3A_445 = tpu.memref_squeeze %dma_start3A_444 : memref<1x128xf32, #tpu.memory_space<vmem_shared>> -> memref<128xf32, #tpu.memory_space<vmem_shared>>
        %dma_start3A_446 = arith.constant 0 : i32
        %dma_start3A_447 = tpu.memref_slice %arg20[%arg1, %dma_start3A_446] : memref<16x128xf32, #tpu.memory_space<vmem_shared>> -> memref<1x128xf32, #tpu.memory_space<vmem_shared>>
        %dma_start3A_448 = tpu.memref_squeeze %dma_start3A_447 : memref<1x128xf32, #tpu.memory_space<vmem_shared>> -> memref<128xf32, #tpu.memory_space<vmem_shared>>
        tpu.enqueue_dma source(%arg17 : memref<128xf32, #tpu.memory_space<vmem>>) target(%dma_start3A_448 : memref<128xf32, #tpu.memory_space<vmem_shared>>) target_semaphore(%run_scoped3A : memref<!tpu.dma_semaphore, #tpu.memory_space<semaphore_mem>>)
        %dma_wait3A = arith.constant 0 : i32
        %dma_wait3A_449 = tpu.memref_slice %arg20[%arg1, %dma_wait3A] : memref<16x128xf32, #tpu.memory_space<vmem_shared>> -> memref<1x128xf32, #tpu.memory_space<vmem_shared>>
        %dma_wait3A_450 = tpu.memref_squeeze %dma_wait3A_449 : memref<1x128xf32, #tpu.memory_space<vmem_shared>> -> memref<128xf32, #tpu.memory_space<vmem_shared>>
        %dma_wait3A_451 = arith.constant 0 : i32
        %dma_wait3A_452 = tpu.memref_slice %arg20[%arg1, %dma_wait3A_451] : memref<16x128xf32, #tpu.memory_space<vmem_shared>> -> memref<1x128xf32, #tpu.memory_space<vmem_shared>>
        %dma_wait3A_453 = tpu.memref_squeeze %dma_wait3A_452 : memref<1x128xf32, #tpu.memory_space<vmem_shared>> -> memref<128xf32, #tpu.memory_space<vmem_shared>>
        tpu.wait_dma2 semaphore(%run_scoped3A : memref<!tpu.dma_semaphore, #tpu.memory_space<semaphore_mem>>) src(%arg17 : memref<128xf32, #tpu.memory_space<vmem>>) dst(%dma_wait3A_453 : memref<128xf32, #tpu.memory_space<vmem_shared>>)
        tpu.yield
      }) : () -> ()
      %barrier3A = arith.constant 0 : index
      tpu.barrier barrier_id(%barrier3A)
      %eq3A_439 = arith.constant 0 : i32
      %eq3A_440 = arith.cmpi eq, %arg1, %eq3A_439 : i32
      %convert_element_type3A_441 = arith.extui %eq3A_440 : i1 to i32
      %cond3A_442 = arith.constant 0 : i32
      %cond3A_443 = arith.cmpi ne, %convert_element_type3A_441, %cond3A_442 : i32
      scf.if %cond3A_443 {
        "tpu.region"() ({
          %run_scoped3A = tpu.sem_alloc : memref<!tpu.dma_semaphore, #tpu.memory_space<semaphore_mem>>
          tpu.enqueue_dma source(%arg20 : memref<16x128xf32, #tpu.memory_space<vmem_shared>>) target(%arg18 : memref<16x128xf32, #tpu.memory_space<vmem>>) target_semaphore(%run_scoped3A : memref<!tpu.dma_semaphore, #tpu.memory_space<semaphore_mem>>)
          tpu.wait_dma2 semaphore(%run_scoped3A : memref<!tpu.dma_semaphore, #tpu.memory_space<semaphore_mem>>) src(%arg20 : memref<16x128xf32, #tpu.memory_space<vmem_shared>>) dst(%arg18 : memref<16x128xf32, #tpu.memory_space<vmem>>)
          tpu.yield
        }) : () -> ()
        %broadcast_in_dim3A_444 = arith.constant 0.000000e+00 : f32
        %broadcast_in_dim3A_445 = vector.broadcast %broadcast_in_dim3A_444 : f32 to vector<16xf32>
        %broadcast_in_dim3A_446 = arith.constant 0.000000e+00 : f32
        %broadcast_in_dim3A_447 = vector.broadcast %broadcast_in_dim3A_446 : f32 to vector<16xf32>
        %get3A_448 = arith.constant 0 : i32
        %get3A_449 = arith.index_cast %get3A_448 : i32 to index
        %get3A_450 = arith.constant 0 : index
        %get3A_451 = tpu.vector_load %arg18[%get3A_449, %get3A_450] {strides = array<i32>} : memref<16x128xf32, #tpu.memory_space<vmem>>, vector<16xf32>,
        %add3A_452 = arith.addf %broadcast_in_dim3A_445, %get3A_451 : vector<16xf32>
        %get3A_453 = arith.constant 0 : i32
        %get3A_454 = arith.index_cast %get3A_453 : i32 to index
        %get3A_455 = arith.constant 64 : index
        %get3A_456 = tpu.vector_load %arg18[%get3A_454, %get3A_455] {strides = array<i32>} : memref<16x128xf32, #tpu.memory_space<vmem>>, vector<16xf32>,
        %add3A_457 = arith.addf %broadcast_in_dim3A_447, %get3A_456 : vector<16xf32>
        %get3A_458 = arith.constant 1 : i32
        %get3A_459 = arith.index_cast %get3A_458 : i32 to index
        %get3A_460 = arith.constant 0 : index
        %get3A_461 = tpu.vector_load %arg18[%get3A_459, %get3A_460] {strides = array<i32>} : memref<16x128xf32, #tpu.memory_space<vmem>>, vector<16xf32>,
        %add3A_462 = arith.addf %add3A_452, %get3A_461 : vector<16xf32>
        %get3A_463 = arith.constant 1 : i32
        %get3A_464 = arith.index_cast %get3A_463 : i32 to index
        %get3A_465 = arith.constant 64 : index
        %get3A_466 = tpu.vector_load %arg18[%get3A_464, %get3A_465] {strides = array<i32>} : memref<16x128xf32, #tpu.memory_space<vmem>>, vector<16xf32>,
        %add3A_467 = arith.addf %add3A_457, %get3A_466 : vector<16xf32>
        %get3A_468 = arith.constant 2 : i32
        %get3A_469 = arith.index_cast %get3A_468 : i32 to index
        %get3A_470 = arith.constant 0 : index
        %get3A_471 = tpu.vector_load %arg18[%get3A_469, %get3A_470] {strides = array<i32>} : memref<16x128xf32, #tpu.memory_space<vmem>>, vector<16xf32>,
        %add3A_472 = arith.addf %add3A_462, %get3A_471 : vector<16xf32>
        %get3A_473 = arith.constant 2 : i32
        %get3A_474 = arith.index_cast %get3A_473 : i32 to index
        %get3A_475 = arith.constant 64 : index
        %get3A_476 = tpu.vector_load %arg18[%get3A_474, %get3A_475] {strides = array<i32>} : memref<16x128xf32, #tpu.memory_space<vmem>>, vector<16xf32>,
        %add3A_477 = arith.addf %add3A_467, %get3A_476 : vector<16xf32>
        %get3A_478 = arith.constant 3 : i32
        %get3A_479 = arith.index_cast %get3A_478 : i32 to index
        %get3A_480 = arith.constant 0 : index
        %get3A_481 = tpu.vector_load %arg18[%get3A_479, %get3A_480] {strides = array<i32>} : memref<16x128xf32, #tpu.memory_space<vmem>>, vector<16xf32>,
        %add3A_482 = arith.addf %add3A_472, %get3A_481 : vector<16xf32>
        %get3A_483 = arith.constant 3 : i32
        %get3A_484 = arith.index_cast %get3A_483 : i32 to index
        %get3A_485 = arith.constant 64 : index
        %get3A_486 = tpu.vector_load %arg18[%get3A_484, %get3A_485] {strides = array<i32>} : memref<16x128xf32, #tpu.memory_space<vmem>>, vector<16xf32>,
        %add3A_487 = arith.addf %add3A_477, %get3A_486 : vector<16xf32>
        %get3A_488 = arith.constant 4 : i32
        %get3A_489 = arith.index_cast %get3A_488 : i32 to index
        %get3A_490 = arith.constant 0 : index
        %get3A_491 = tpu.vector_load %arg18[%get3A_489, %get3A_490] {strides = array<i32>} : memref<16x128xf32, #tpu.memory_space<vmem>>, vector<16xf32>,
        %add3A_492 = arith.addf %add3A_482, %get3A_491 : vector<16xf32>
        %get3A_493 = arith.constant 4 : i32
        %get3A_494 = arith.index_cast %get3A_493 : i32 to index
        %get3A_495 = arith.constant 64 : index
        %get3A_496 = tpu.vector_load %arg18[%get3A_494, %get3A_495] {strides = array<i32>} : memref<16x128xf32, #tpu.memory_space<vmem>>, vector<16xf32>,
        %add3A_497 = arith.addf %add3A_487, %get3A_496 : vector<16xf32>
        %get3A_498 = arith.constant 5 : i32
        %get3A_499 = arith.index_cast %get3A_498 : i32 to index
        %get3A_500 = arith.constant 0 : index
        %get3A_501 = tpu.vector_load %arg18[%get3A_499, %get3A_500] {strides = array<i32>} : memref<16x128xf32, #tpu.memory_space<vmem>>, vector<16xf32>,
        %add3A_502 = arith.addf %add3A_492, %get3A_501 : vector<16xf32>
        %get3A_503 = arith.constant 5 : i32
        %get3A_504 = arith.index_cast %get3A_503 : i32 to index
        %get3A_505 = arith.constant 64 : index
        %get3A_506 = tpu.vector_load %arg18[%get3A_504, %get3A_505] {strides = array<i32>} : memref<16x128xf32, #tpu.memory_space<vmem>>, vector<16xf32>,
        %add3A_507 = arith.addf %add3A_497, %get3A_506 : vector<16xf32>
        %get3A_508 = arith.constant 6 : i32
        %get3A_509 = arith.index_cast %get3A_508 : i32 to index
        %get3A_510 = arith.constant 0 : index
        %get3A_511 = tpu.vector_load %arg18[%get3A_509, %get3A_510] {strides = array<i32>} : memref<16x128xf32, #tpu.memory_space<vmem>>, vector<16xf32>,
        %add3A_512 = arith.addf %add3A_502, %get3A_511 : vector<16xf32>
        %get3A_513 = arith.constant 6 : i32
        %get3A_514 = arith.index_cast %get3A_513 : i32 to index
        %get3A_515 = arith.constant 64 : index
        %get3A_516 = tpu.vector_load %arg18[%get3A_514, %get3A_515] {strides = array<i32>} : memref<16x128xf32, #tpu.memory_space<vmem>>, vector<16xf32>,
        %add3A_517 = arith.addf %add3A_507, %get3A_516 : vector<16xf32>
        %get3A_518 = arith.constant 7 : i32
        %get3A_519 = arith.index_cast %get3A_518 : i32 to index
        %get3A_520 = arith.constant 0 : index
        %get3A_521 = tpu.vector_load %arg18[%get3A_519, %get3A_520] {strides = array<i32>} : memref<16x128xf32, #tpu.memory_space<vmem>>, vector<16xf32>,
        %add3A_522 = arith.addf %add3A_512, %get3A_521 : vector<16xf32>
        %get3A_523 = arith.constant 7 : i32
        %get3A_524 = arith.index_cast %get3A_523 : i32 to index
        %get3A_525 = arith.constant 64 : index
        %get3A_526 = tpu.vector_load %arg18[%get3A_524, %get3A_525] {strides = array<i32>} : memref<16x128xf32, #tpu.memory_space<vmem>>, vector<16xf32>,
        %add3A_527 = arith.addf %add3A_517, %get3A_526 : vector<16xf32>
        %get3A_528 = arith.constant 8 : i32
        %get3A_529 = arith.index_cast %get3A_528 : i32 to index
        %get3A_530 = arith.constant 0 : index
        %get3A_531 = tpu.vector_load %arg18[%get3A_529, %get3A_530] {strides = array<i32>} : memref<16x128xf32, #tpu.memory_space<vmem>>, vector<16xf32>,
        %add3A_532 = arith.addf %add3A_522, %get3A_531 : vector<16xf32>
        %get3A_533 = arith.constant 8 : i32
        %get3A_534 = arith.index_cast %get3A_533 : i32 to index
        %get3A_535 = arith.constant 64 : index
        %get3A_536 = tpu.vector_load %arg18[%get3A_534, %get3A_535] {strides = array<i32>} : memref<16x128xf32, #tpu.memory_space<vmem>>, vector<16xf32>,
        %add3A_537 = arith.addf %add3A_527, %get3A_536 : vector<16xf32>
        %get3A_538 = arith.constant 9 : i32
        %get3A_539 = arith.index_cast %get3A_538 : i32 to index
        %get3A_540 = arith.constant 0 : index
        %get3A_541 = tpu.vector_load %arg18[%get3A_539, %get3A_540] {strides = array<i32>} : memref<16x128xf32, #tpu.memory_space<vmem>>, vector<16xf32>,
        %add3A_542 = arith.addf %add3A_532, %get3A_541 : vector<16xf32>
        %get3A_543 = arith.constant 9 : i32
        %get3A_544 = arith.index_cast %get3A_543 : i32 to index
        %get3A_545 = arith.constant 64 : index
        %get3A_546 = tpu.vector_load %arg18[%get3A_544, %get3A_545] {strides = array<i32>} : memref<16x128xf32, #tpu.memory_space<vmem>>, vector<16xf32>,
        %add3A_547 = arith.addf %add3A_537, %get3A_546 : vector<16xf32>
        %get3A_548 = arith.constant 10 : i32
        %get3A_549 = arith.index_cast %get3A_548 : i32 to index
        %get3A_550 = arith.constant 0 : index
        %get3A_551 = tpu.vector_load %arg18[%get3A_549, %get3A_550] {strides = array<i32>} : memref<16x128xf32, #tpu.memory_space<vmem>>, vector<16xf32>,
        %add3A_552 = arith.addf %add3A_542, %get3A_551 : vector<16xf32>
        %get3A_553 = arith.constant 10 : i32
        %get3A_554 = arith.index_cast %get3A_553 : i32 to index
        %get3A_555 = arith.constant 64 : index
        %get3A_556 = tpu.vector_load %arg18[%get3A_554, %get3A_555] {strides = array<i32>} : memref<16x128xf32, #tpu.memory_space<vmem>>, vector<16xf32>,
        %add3A_557 = arith.addf %add3A_547, %get3A_556 : vector<16xf32>
        %get3A_558 = arith.constant 11 : i32
        %get3A_559 = arith.index_cast %get3A_558 : i32 to index
        %get3A_560 = arith.constant 0 : index
        %get3A_561 = tpu.vector_load %arg18[%get3A_559, %get3A_560] {strides = array<i32>} : memref<16x128xf32, #tpu.memory_space<vmem>>, vector<16xf32>,
        %add3A_562 = arith.addf %add3A_552, %get3A_561 : vector<16xf32>
        %get3A_563 = arith.constant 11 : i32
        %get3A_564 = arith.index_cast %get3A_563 : i32 to index
        %get3A_565 = arith.constant 64 : index
        %get3A_566 = tpu.vector_load %arg18[%get3A_564, %get3A_565] {strides = array<i32>} : memref<16x128xf32, #tpu.memory_space<vmem>>, vector<16xf32>,
        %add3A_567 = arith.addf %add3A_557, %get3A_566 : vector<16xf32>
        %get3A_568 = arith.constant 12 : i32
        %get3A_569 = arith.index_cast %get3A_568 : i32 to index
        %get3A_570 = arith.constant 0 : index
        %get3A_571 = tpu.vector_load %arg18[%get3A_569, %get3A_570] {strides = array<i32>} : memref<16x128xf32, #tpu.memory_space<vmem>>, vector<16xf32>,
        %add3A_572 = arith.addf %add3A_562, %get3A_571 : vector<16xf32>
        %get3A_573 = arith.constant 12 : i32
        %get3A_574 = arith.index_cast %get3A_573 : i32 to index
        %get3A_575 = arith.constant 64 : index
        %get3A_576 = tpu.vector_load %arg18[%get3A_574, %get3A_575] {strides = array<i32>} : memref<16x128xf32, #tpu.memory_space<vmem>>, vector<16xf32>,
        %add3A_577 = arith.addf %add3A_567, %get3A_576 : vector<16xf32>
        %get3A_578 = arith.constant 13 : i32
        %get3A_579 = arith.index_cast %get3A_578 : i32 to index
        %get3A_580 = arith.constant 0 : index
        %get3A_581 = tpu.vector_load %arg18[%get3A_579, %get3A_580] {strides = array<i32>} : memref<16x128xf32, #tpu.memory_space<vmem>>, vector<16xf32>,
        %add3A_582 = arith.addf %add3A_572, %get3A_581 : vector<16xf32>
        %get3A_583 = arith.constant 13 : i32
        %get3A_584 = arith.index_cast %get3A_583 : i32 to index
        %get3A_585 = arith.constant 64 : index
        %get3A_586 = tpu.vector_load %arg18[%get3A_584, %get3A_585] {strides = array<i32>} : memref<16x128xf32, #tpu.memory_space<vmem>>, vector<16xf32>,
        %add3A_587 = arith.addf %add3A_577, %get3A_586 : vector<16xf32>
        %get3A_588 = arith.constant 14 : i32
        %get3A_589 = arith.index_cast %get3A_588 : i32 to index
        %get3A_590 = arith.constant 0 : index
        %get3A_591 = tpu.vector_load %arg18[%get3A_589, %get3A_590] {strides = array<i32>} : memref<16x128xf32, #tpu.memory_space<vmem>>, vector<16xf32>,
        %add3A_592 = arith.addf %add3A_582, %get3A_591 : vector<16xf32>
        %get3A_593 = arith.constant 14 : i32
        %get3A_594 = arith.index_cast %get3A_593 : i32 to index
        %get3A_595 = arith.constant 64 : index
        %get3A_596 = tpu.vector_load %arg18[%get3A_594, %get3A_595] {strides = array<i32>} : memref<16x128xf32, #tpu.memory_space<vmem>>, vector<16xf32>,
        %add3A_597 = arith.addf %add3A_587, %get3A_596 : vector<16xf32>
        %get3A_598 = arith.constant 15 : i32
        %get3A_599 = arith.index_cast %get3A_598 : i32 to index
        %get3A_600 = arith.constant 0 : index
        %get3A_601 = tpu.vector_load %arg18[%get3A_599, %get3A_600] {strides = array<i32>} : memref<16x128xf32, #tpu.memory_space<vmem>>, vector<16xf32>,
        %add3A_602 = arith.addf %add3A_592, %get3A_601 : vector<16xf32>
        %get3A_603 = arith.constant 15 : i32
        %get3A_604 = arith.index_cast %get3A_603 : i32 to index
        %get3A_605 = arith.constant 64 : index
        %get3A_606 = tpu.vector_load %arg18[%get3A_604, %get3A_605] {strides = array<i32>} : memref<16x128xf32, #tpu.memory_space<vmem>>, vector<16xf32>,
        %add3A_607 = arith.addf %add3A_597, %get3A_606 : vector<16xf32>
        %max3A = arith.constant 1.000000e+00 : f32
        %max3A_608 = vector.broadcast %max3A : f32 to vector<16xf32>
        %max3A_609 = arith.maximumf %add3A_607, %max3A_608 : vector<16xf32>
        %div3A = arith.divf %add3A_602, %max3A_609 : vector<16xf32>
        %swap3A_610 = arith.constant 0 : index
        %swap3A_611 = tpu.vector_load %arg19[%swap3A_610] {strides = array<i32>} : memref<64xf32, #tpu.memory_space<vmem>>, vector<16xf32>,
        tpu.vector_store %arg19[%swap3A_610], %div3A {strides = array<i32>} : memref<64xf32, #tpu.memory_space<vmem>>, vector<16xf32>,
        %broadcast_in_dim3A_612 = arith.constant 0.000000e+00 : f32
        %broadcast_in_dim3A_613 = vector.broadcast %broadcast_in_dim3A_612 : f32 to vector<16xf32>
        %broadcast_in_dim3A_614 = arith.constant 0.000000e+00 : f32
        %broadcast_in_dim3A_615 = vector.broadcast %broadcast_in_dim3A_614 : f32 to vector<16xf32>
        %get3A_616 = arith.constant 0 : i32
        %get3A_617 = arith.index_cast %get3A_616 : i32 to index
        %get3A_618 = arith.constant 16 : index
        %get3A_619 = tpu.vector_load %arg18[%get3A_617, %get3A_618] {strides = array<i32>} : memref<16x128xf32, #tpu.memory_space<vmem>>, vector<16xf32>,
        %add3A_620 = arith.addf %broadcast_in_dim3A_613, %get3A_619 : vector<16xf32>
        %get3A_621 = arith.constant 0 : i32
        %get3A_622 = arith.index_cast %get3A_621 : i32 to index
        %get3A_623 = arith.constant 80 : index
        %get3A_624 = tpu.vector_load %arg18[%get3A_622, %get3A_623] {strides = array<i32>} : memref<16x128xf32, #tpu.memory_space<vmem>>, vector<16xf32>,
        %add3A_625 = arith.addf %broadcast_in_dim3A_615, %get3A_624 : vector<16xf32>
        %get3A_626 = arith.constant 1 : i32
        %get3A_627 = arith.index_cast %get3A_626 : i32 to index
        %get3A_628 = arith.constant 16 : index
        %get3A_629 = tpu.vector_load %arg18[%get3A_627, %get3A_628] {strides = array<i32>} : memref<16x128xf32, #tpu.memory_space<vmem>>, vector<16xf32>,
        %add3A_630 = arith.addf %add3A_620, %get3A_629 : vector<16xf32>
        %get3A_631 = arith.constant 1 : i32
        %get3A_632 = arith.index_cast %get3A_631 : i32 to index
        %get3A_633 = arith.constant 80 : index
        %get3A_634 = tpu.vector_load %arg18[%get3A_632, %get3A_633] {strides = array<i32>} : memref<16x128xf32, #tpu.memory_space<vmem>>, vector<16xf32>,
        %add3A_635 = arith.addf %add3A_625, %get3A_634 : vector<16xf32>
        %get3A_636 = arith.constant 2 : i32
        %get3A_637 = arith.index_cast %get3A_636 : i32 to index
        %get3A_638 = arith.constant 16 : index
        %get3A_639 = tpu.vector_load %arg18[%get3A_637, %get3A_638] {strides = array<i32>} : memref<16x128xf32, #tpu.memory_space<vmem>>, vector<16xf32>,
        %add3A_640 = arith.addf %add3A_630, %get3A_639 : vector<16xf32>
        %get3A_641 = arith.constant 2 : i32
        %get3A_642 = arith.index_cast %get3A_641 : i32 to index
        %get3A_643 = arith.constant 80 : index
        %get3A_644 = tpu.vector_load %arg18[%get3A_642, %get3A_643] {strides = array<i32>} : memref<16x128xf32, #tpu.memory_space<vmem>>, vector<16xf32>,
        %add3A_645 = arith.addf %add3A_635, %get3A_644 : vector<16xf32>
        %get3A_646 = arith.constant 3 : i32
        %get3A_647 = arith.index_cast %get3A_646 : i32 to index
        %get3A_648 = arith.constant 16 : index
        %get3A_649 = tpu.vector_load %arg18[%get3A_647, %get3A_648] {strides = array<i32>} : memref<16x128xf32, #tpu.memory_space<vmem>>, vector<16xf32>,
        %add3A_650 = arith.addf %add3A_640, %get3A_649 : vector<16xf32>
        %get3A_651 = arith.constant 3 : i32
        %get3A_652 = arith.index_cast %get3A_651 : i32 to index
        %get3A_653 = arith.constant 80 : index
        %get3A_654 = tpu.vector_load %arg18[%get3A_652, %get3A_653] {strides = array<i32>} : memref<16x128xf32, #tpu.memory_space<vmem>>, vector<16xf32>,
        %add3A_655 = arith.addf %add3A_645, %get3A_654 : vector<16xf32>
        %get3A_656 = arith.constant 4 : i32
        %get3A_657 = arith.index_cast %get3A_656 : i32 to index
        %get3A_658 = arith.constant 16 : index
        %get3A_659 = tpu.vector_load %arg18[%get3A_657, %get3A_658] {strides = array<i32>} : memref<16x128xf32, #tpu.memory_space<vmem>>, vector<16xf32>,
        %add3A_660 = arith.addf %add3A_650, %get3A_659 : vector<16xf32>
        %get3A_661 = arith.constant 4 : i32
        %get3A_662 = arith.index_cast %get3A_661 : i32 to index
        %get3A_663 = arith.constant 80 : index
        %get3A_664 = tpu.vector_load %arg18[%get3A_662, %get3A_663] {strides = array<i32>} : memref<16x128xf32, #tpu.memory_space<vmem>>, vector<16xf32>,
        %add3A_665 = arith.addf %add3A_655, %get3A_664 : vector<16xf32>
        %get3A_666 = arith.constant 5 : i32
        %get3A_667 = arith.index_cast %get3A_666 : i32 to index
        %get3A_668 = arith.constant 16 : index
        %get3A_669 = tpu.vector_load %arg18[%get3A_667, %get3A_668] {strides = array<i32>} : memref<16x128xf32, #tpu.memory_space<vmem>>, vector<16xf32>,
        %add3A_670 = arith.addf %add3A_660, %get3A_669 : vector<16xf32>
        %get3A_671 = arith.constant 5 : i32
        %get3A_672 = arith.index_cast %get3A_671 : i32 to index
        %get3A_673 = arith.constant 80 : index
        %get3A_674 = tpu.vector_load %arg18[%get3A_672, %get3A_673] {strides = array<i32>} : memref<16x128xf32, #tpu.memory_space<vmem>>, vector<16xf32>,
        %add3A_675 = arith.addf %add3A_665, %get3A_674 : vector<16xf32>
        %get3A_676 = arith.constant 6 : i32
        %get3A_677 = arith.index_cast %get3A_676 : i32 to index
        %get3A_678 = arith.constant 16 : index
        %get3A_679 = tpu.vector_load %arg18[%get3A_677, %get3A_678] {strides = array<i32>} : memref<16x128xf32, #tpu.memory_space<vmem>>, vector<16xf32>,
        %add3A_680 = arith.addf %add3A_670, %get3A_679 : vector<16xf32>
        %get3A_681 = arith.constant 6 : i32
        %get3A_682 = arith.index_cast %get3A_681 : i32 to index
        %get3A_683 = arith.constant 80 : index
        %get3A_684 = tpu.vector_load %arg18[%get3A_682, %get3A_683] {strides = array<i32>} : memref<16x128xf32, #tpu.memory_space<vmem>>, vector<16xf32>,
        %add3A_685 = arith.addf %add3A_675, %get3A_684 : vector<16xf32>
        %get3A_686 = arith.constant 7 : i32
        %get3A_687 = arith.index_cast %get3A_686 : i32 to index
        %get3A_688 = arith.constant 16 : index
        %get3A_689 = tpu.vector_load %arg18[%get3A_687, %get3A_688] {strides = array<i32>} : memref<16x128xf32, #tpu.memory_space<vmem>>, vector<16xf32>,
        %add3A_690 = arith.addf %add3A_680, %get3A_689 : vector<16xf32>
        %get3A_691 = arith.constant 7 : i32
        %get3A_692 = arith.index_cast %get3A_691 : i32 to index
        %get3A_693 = arith.constant 80 : index
        %get3A_694 = tpu.vector_load %arg18[%get3A_692, %get3A_693] {strides = array<i32>} : memref<16x128xf32, #tpu.memory_space<vmem>>, vector<16xf32>,
        %add3A_695 = arith.addf %add3A_685, %get3A_694 : vector<16xf32>
        %get3A_696 = arith.constant 8 : i32
        %get3A_697 = arith.index_cast %get3A_696 : i32 to index
        %get3A_698 = arith.constant 16 : index
        %get3A_699 = tpu.vector_load %arg18[%get3A_697, %get3A_698] {strides = array<i32>} : memref<16x128xf32, #tpu.memory_space<vmem>>, vector<16xf32>,
        %add3A_700 = arith.addf %add3A_690, %get3A_699 : vector<16xf32>
        %get3A_701 = arith.constant 8 : i32
        %get3A_702 = arith.index_cast %get3A_701 : i32 to index
        %get3A_703 = arith.constant 80 : index
        %get3A_704 = tpu.vector_load %arg18[%get3A_702, %get3A_703] {strides = array<i32>} : memref<16x128xf32, #tpu.memory_space<vmem>>, vector<16xf32>,
        %add3A_705 = arith.addf %add3A_695, %get3A_704 : vector<16xf32>
        %get3A_706 = arith.constant 9 : i32
        %get3A_707 = arith.index_cast %get3A_706 : i32 to index
        %get3A_708 = arith.constant 16 : index
        %get3A_709 = tpu.vector_load %arg18[%get3A_707, %get3A_708] {strides = array<i32>} : memref<16x128xf32, #tpu.memory_space<vmem>>, vector<16xf32>,
        %add3A_710 = arith.addf %add3A_700, %get3A_709 : vector<16xf32>
        %get3A_711 = arith.constant 9 : i32
        %get3A_712 = arith.index_cast %get3A_711 : i32 to index
        %get3A_713 = arith.constant 80 : index
        %get3A_714 = tpu.vector_load %arg18[%get3A_712, %get3A_713] {strides = array<i32>} : memref<16x128xf32, #tpu.memory_space<vmem>>, vector<16xf32>,
        %add3A_715 = arith.addf %add3A_705, %get3A_714 : vector<16xf32>
        %get3A_716 = arith.constant 10 : i32
        %get3A_717 = arith.index_cast %get3A_716 : i32 to index
        %get3A_718 = arith.constant 16 : index
        %get3A_719 = tpu.vector_load %arg18[%get3A_717, %get3A_718] {strides = array<i32>} : memref<16x128xf32, #tpu.memory_space<vmem>>, vector<16xf32>,
        %add3A_720 = arith.addf %add3A_710, %get3A_719 : vector<16xf32>
        %get3A_721 = arith.constant 10 : i32
        %get3A_722 = arith.index_cast %get3A_721 : i32 to index
        %get3A_723 = arith.constant 80 : index
        %get3A_724 = tpu.vector_load %arg18[%get3A_722, %get3A_723] {strides = array<i32>} : memref<16x128xf32, #tpu.memory_space<vmem>>, vector<16xf32>,
        %add3A_725 = arith.addf %add3A_715, %get3A_724 : vector<16xf32>
        %get3A_726 = arith.constant 11 : i32
        %get3A_727 = arith.index_cast %get3A_726 : i32 to index
        %get3A_728 = arith.constant 16 : index
        %get3A_729 = tpu.vector_load %arg18[%get3A_727, %get3A_728] {strides = array<i32>} : memref<16x128xf32, #tpu.memory_space<vmem>>, vector<16xf32>,
        %add3A_730 = arith.addf %add3A_720, %get3A_729 : vector<16xf32>
        %get3A_731 = arith.constant 11 : i32
        %get3A_732 = arith.index_cast %get3A_731 : i32 to index
        %get3A_733 = arith.constant 80 : index
        %get3A_734 = tpu.vector_load %arg18[%get3A_732, %get3A_733] {strides = array<i32>} : memref<16x128xf32, #tpu.memory_space<vmem>>, vector<16xf32>,
        %add3A_735 = arith.addf %add3A_725, %get3A_734 : vector<16xf32>
        %get3A_736 = arith.constant 12 : i32
        %get3A_737 = arith.index_cast %get3A_736 : i32 to index
        %get3A_738 = arith.constant 16 : index
        %get3A_739 = tpu.vector_load %arg18[%get3A_737, %get3A_738] {strides = array<i32>} : memref<16x128xf32, #tpu.memory_space<vmem>>, vector<16xf32>,
        %add3A_740 = arith.addf %add3A_730, %get3A_739 : vector<16xf32>
        %get3A_741 = arith.constant 12 : i32
        %get3A_742 = arith.index_cast %get3A_741 : i32 to index
        %get3A_743 = arith.constant 80 : index
        %get3A_744 = tpu.vector_load %arg18[%get3A_742, %get3A_743] {strides = array<i32>} : memref<16x128xf32, #tpu.memory_space<vmem>>, vector<16xf32>,
        %add3A_745 = arith.addf %add3A_735, %get3A_744 : vector<16xf32>
        %get3A_746 = arith.constant 13 : i32
        %get3A_747 = arith.index_cast %get3A_746 : i32 to index
        %get3A_748 = arith.constant 16 : index
        %get3A_749 = tpu.vector_load %arg18[%get3A_747, %get3A_748] {strides = array<i32>} : memref<16x128xf32, #tpu.memory_space<vmem>>, vector<16xf32>,
        %add3A_750 = arith.addf %add3A_740, %get3A_749 : vector<16xf32>
        %get3A_751 = arith.constant 13 : i32
        %get3A_752 = arith.index_cast %get3A_751 : i32 to index
        %get3A_753 = arith.constant 80 : index
        %get3A_754 = tpu.vector_load %arg18[%get3A_752, %get3A_753] {strides = array<i32>} : memref<16x128xf32, #tpu.memory_space<vmem>>, vector<16xf32>,
        %add3A_755 = arith.addf %add3A_745, %get3A_754 : vector<16xf32>
        %get3A_756 = arith.constant 14 : i32
        %get3A_757 = arith.index_cast %get3A_756 : i32 to index
        %get3A_758 = arith.constant 16 : index
        %get3A_759 = tpu.vector_load %arg18[%get3A_757, %get3A_758] {strides = array<i32>} : memref<16x128xf32, #tpu.memory_space<vmem>>, vector<16xf32>,
        %add3A_760 = arith.addf %add3A_750, %get3A_759 : vector<16xf32>
        %get3A_761 = arith.constant 14 : i32
        %get3A_762 = arith.index_cast %get3A_761 : i32 to index
        %get3A_763 = arith.constant 80 : index
        %get3A_764 = tpu.vector_load %arg18[%get3A_762, %get3A_763] {strides = array<i32>} : memref<16x128xf32, #tpu.memory_space<vmem>>, vector<16xf32>,
        %add3A_765 = arith.addf %add3A_755, %get3A_764 : vector<16xf32>
        %get3A_766 = arith.constant 15 : i32
        %get3A_767 = arith.index_cast %get3A_766 : i32 to index
        %get3A_768 = arith.constant 16 : index
        %get3A_769 = tpu.vector_load %arg18[%get3A_767, %get3A_768] {strides = array<i32>} : memref<16x128xf32, #tpu.memory_space<vmem>>, vector<16xf32>,
        %add3A_770 = arith.addf %add3A_760, %get3A_769 : vector<16xf32>
        %get3A_771 = arith.constant 15 : i32
        %get3A_772 = arith.index_cast %get3A_771 : i32 to index
        %get3A_773 = arith.constant 80 : index
        %get3A_774 = tpu.vector_load %arg18[%get3A_772, %get3A_773] {strides = array<i32>} : memref<16x128xf32, #tpu.memory_space<vmem>>, vector<16xf32>,
        %add3A_775 = arith.addf %add3A_765, %get3A_774 : vector<16xf32>
        %max3A_776 = arith.constant 1.000000e+00 : f32
        %max3A_777 = vector.broadcast %max3A_776 : f32 to vector<16xf32>
        %max3A_778 = arith.maximumf %add3A_775, %max3A_777 : vector<16xf32>
        %div3A_779 = arith.divf %add3A_770, %max3A_778 : vector<16xf32>
        %swap3A_780 = arith.constant 16 : index
        %swap3A_781 = tpu.vector_load %arg19[%swap3A_780] {strides = array<i32>} : memref<64xf32, #tpu.memory_space<vmem>>, vector<16xf32>,
        tpu.vector_store %arg19[%swap3A_780], %div3A_779 {strides = array<i32>} : memref<64xf32, #tpu.memory_space<vmem>>, vector<16xf32>,
        %broadcast_in_dim3A_782 = arith.constant 0.000000e+00 : f32
        %broadcast_in_dim3A_783 = vector.broadcast %broadcast_in_dim3A_782 : f32 to vector<16xf32>
        %broadcast_in_dim3A_784 = arith.constant 0.000000e+00 : f32
        %broadcast_in_dim3A_785 = vector.broadcast %broadcast_in_dim3A_784 : f32 to vector<16xf32>
        %get3A_786 = arith.constant 0 : i32
        %get3A_787 = arith.index_cast %get3A_786 : i32 to index
        %get3A_788 = arith.constant 32 : index
        %get3A_789 = tpu.vector_load %arg18[%get3A_787, %get3A_788] {strides = array<i32>} : memref<16x128xf32, #tpu.memory_space<vmem>>, vector<16xf32>,
        %add3A_790 = arith.addf %broadcast_in_dim3A_783, %get3A_789 : vector<16xf32>
        %get3A_791 = arith.constant 0 : i32
        %get3A_792 = arith.index_cast %get3A_791 : i32 to index
        %get3A_793 = arith.constant 96 : index
        %get3A_794 = tpu.vector_load %arg18[%get3A_792, %get3A_793] {strides = array<i32>} : memref<16x128xf32, #tpu.memory_space<vmem>>, vector<16xf32>,
        %add3A_795 = arith.addf %broadcast_in_dim3A_785, %get3A_794 : vector<16xf32>
        %get3A_796 = arith.constant 1 : i32
        %get3A_797 = arith.index_cast %get3A_796 : i32 to index
        %get3A_798 = arith.constant 32 : index
        %get3A_799 = tpu.vector_load %arg18[%get3A_797, %get3A_798] {strides = array<i32>} : memref<16x128xf32, #tpu.memory_space<vmem>>, vector<16xf32>,
        %add3A_800 = arith.addf %add3A_790, %get3A_799 : vector<16xf32>
        %get3A_801 = arith.constant 1 : i32
        %get3A_802 = arith.index_cast %get3A_801 : i32 to index
        %get3A_803 = arith.constant 96 : index
        %get3A_804 = tpu.vector_load %arg18[%get3A_802, %get3A_803] {strides = array<i32>} : memref<16x128xf32, #tpu.memory_space<vmem>>, vector<16xf32>,
        %add3A_805 = arith.addf %add3A_795, %get3A_804 : vector<16xf32>
        %get3A_806 = arith.constant 2 : i32
        %get3A_807 = arith.index_cast %get3A_806 : i32 to index
        %get3A_808 = arith.constant 32 : index
        %get3A_809 = tpu.vector_load %arg18[%get3A_807, %get3A_808] {strides = array<i32>} : memref<16x128xf32, #tpu.memory_space<vmem>>, vector<16xf32>,
        %add3A_810 = arith.addf %add3A_800, %get3A_809 : vector<16xf32>
        %get3A_811 = arith.constant 2 : i32
        %get3A_812 = arith.index_cast %get3A_811 : i32 to index
        %get3A_813 = arith.constant 96 : index
        %get3A_814 = tpu.vector_load %arg18[%get3A_812, %get3A_813] {strides = array<i32>} : memref<16x128xf32, #tpu.memory_space<vmem>>, vector<16xf32>,
        %add3A_815 = arith.addf %add3A_805, %get3A_814 : vector<16xf32>
        %get3A_816 = arith.constant 3 : i32
        %get3A_817 = arith.index_cast %get3A_816 : i32 to index
        %get3A_818 = arith.constant 32 : index
        %get3A_819 = tpu.vector_load %arg18[%get3A_817, %get3A_818] {strides = array<i32>} : memref<16x128xf32, #tpu.memory_space<vmem>>, vector<16xf32>,
        %add3A_820 = arith.addf %add3A_810, %get3A_819 : vector<16xf32>
        %get3A_821 = arith.constant 3 : i32
        %get3A_822 = arith.index_cast %get3A_821 : i32 to index
        %get3A_823 = arith.constant 96 : index
        %get3A_824 = tpu.vector_load %arg18[%get3A_822, %get3A_823] {strides = array<i32>} : memref<16x128xf32, #tpu.memory_space<vmem>>, vector<16xf32>,
        %add3A_825 = arith.addf %add3A_815, %get3A_824 : vector<16xf32>
        %get3A_826 = arith.constant 4 : i32
        %get3A_827 = arith.index_cast %get3A_826 : i32 to index
        %get3A_828 = arith.constant 32 : index
        %get3A_829 = tpu.vector_load %arg18[%get3A_827, %get3A_828] {strides = array<i32>} : memref<16x128xf32, #tpu.memory_space<vmem>>, vector<16xf32>,
        %add3A_830 = arith.addf %add3A_820, %get3A_829 : vector<16xf32>
        %get3A_831 = arith.constant 4 : i32
        %get3A_832 = arith.index_cast %get3A_831 : i32 to index
        %get3A_833 = arith.constant 96 : index
        %get3A_834 = tpu.vector_load %arg18[%get3A_832, %get3A_833] {strides = array<i32>} : memref<16x128xf32, #tpu.memory_space<vmem>>, vector<16xf32>,
        %add3A_835 = arith.addf %add3A_825, %get3A_834 : vector<16xf32>
        %get3A_836 = arith.constant 5 : i32
        %get3A_837 = arith.index_cast %get3A_836 : i32 to index
        %get3A_838 = arith.constant 32 : index
        %get3A_839 = tpu.vector_load %arg18[%get3A_837, %get3A_838] {strides = array<i32>} : memref<16x128xf32, #tpu.memory_space<vmem>>, vector<16xf32>,
        %add3A_840 = arith.addf %add3A_830, %get3A_839 : vector<16xf32>
        %get3A_841 = arith.constant 5 : i32
        %get3A_842 = arith.index_cast %get3A_841 : i32 to index
        %get3A_843 = arith.constant 96 : index
        %get3A_844 = tpu.vector_load %arg18[%get3A_842, %get3A_843] {strides = array<i32>} : memref<16x128xf32, #tpu.memory_space<vmem>>, vector<16xf32>,
        %add3A_845 = arith.addf %add3A_835, %get3A_844 : vector<16xf32>
        %get3A_846 = arith.constant 6 : i32
        %get3A_847 = arith.index_cast %get3A_846 : i32 to index
        %get3A_848 = arith.constant 32 : index
        %get3A_849 = tpu.vector_load %arg18[%get3A_847, %get3A_848] {strides = array<i32>} : memref<16x128xf32, #tpu.memory_space<vmem>>, vector<16xf32>,
        %add3A_850 = arith.addf %add3A_840, %get3A_849 : vector<16xf32>
        %get3A_851 = arith.constant 6 : i32
        %get3A_852 = arith.index_cast %get3A_851 : i32 to index
        %get3A_853 = arith.constant 96 : index
        %get3A_854 = tpu.vector_load %arg18[%get3A_852, %get3A_853] {strides = array<i32>} : memref<16x128xf32, #tpu.memory_space<vmem>>, vector<16xf32>,
        %add3A_855 = arith.addf %add3A_845, %get3A_854 : vector<16xf32>
        %get3A_856 = arith.constant 7 : i32
        %get3A_857 = arith.index_cast %get3A_856 : i32 to index
        %get3A_858 = arith.constant 32 : index
        %get3A_859 = tpu.vector_load %arg18[%get3A_857, %get3A_858] {strides = array<i32>} : memref<16x128xf32, #tpu.memory_space<vmem>>, vector<16xf32>,
        %add3A_860 = arith.addf %add3A_850, %get3A_859 : vector<16xf32>
        %get3A_861 = arith.constant 7 : i32
        %get3A_862 = arith.index_cast %get3A_861 : i32 to index
        %get3A_863 = arith.constant 96 : index
        %get3A_864 = tpu.vector_load %arg18[%get3A_862, %get3A_863] {strides = array<i32>} : memref<16x128xf32, #tpu.memory_space<vmem>>, vector<16xf32>,
        %add3A_865 = arith.addf %add3A_855, %get3A_864 : vector<16xf32>
        %get3A_866 = arith.constant 8 : i32
        %get3A_867 = arith.index_cast %get3A_866 : i32 to index
        %get3A_868 = arith.constant 32 : index
        %get3A_869 = tpu.vector_load %arg18[%get3A_867, %get3A_868] {strides = array<i32>} : memref<16x128xf32, #tpu.memory_space<vmem>>, vector<16xf32>,
        %add3A_870 = arith.addf %add3A_860, %get3A_869 : vector<16xf32>
        %get3A_871 = arith.constant 8 : i32
        %get3A_872 = arith.index_cast %get3A_871 : i32 to index
        %get3A_873 = arith.constant 96 : index
        %get3A_874 = tpu.vector_load %arg18[%get3A_872, %get3A_873] {strides = array<i32>} : memref<16x128xf32, #tpu.memory_space<vmem>>, vector<16xf32>,
        %add3A_875 = arith.addf %add3A_865, %get3A_874 : vector<16xf32>
        %get3A_876 = arith.constant 9 : i32
        %get3A_877 = arith.index_cast %get3A_876 : i32 to index
        %get3A_878 = arith.constant 32 : index
        %get3A_879 = tpu.vector_load %arg18[%get3A_877, %get3A_878] {strides = array<i32>} : memref<16x128xf32, #tpu.memory_space<vmem>>, vector<16xf32>,
        %add3A_880 = arith.addf %add3A_870, %get3A_879 : vector<16xf32>
        %get3A_881 = arith.constant 9 : i32
        %get3A_882 = arith.index_cast %get3A_881 : i32 to index
        %get3A_883 = arith.constant 96 : index
        %get3A_884 = tpu.vector_load %arg18[%get3A_882, %get3A_883] {strides = array<i32>} : memref<16x128xf32, #tpu.memory_space<vmem>>, vector<16xf32>,
        %add3A_885 = arith.addf %add3A_875, %get3A_884 : vector<16xf32>
        %get3A_886 = arith.constant 10 : i32
        %get3A_887 = arith.index_cast %get3A_886 : i32 to index
        %get3A_888 = arith.constant 32 : index
        %get3A_889 = tpu.vector_load %arg18[%get3A_887, %get3A_888] {strides = array<i32>} : memref<16x128xf32, #tpu.memory_space<vmem>>, vector<16xf32>,
        %add3A_890 = arith.addf %add3A_880, %get3A_889 : vector<16xf32>
        %get3A_891 = arith.constant 10 : i32
        %get3A_892 = arith.index_cast %get3A_891 : i32 to index
        %get3A_893 = arith.constant 96 : index
        %get3A_894 = tpu.vector_load %arg18[%get3A_892, %get3A_893] {strides = array<i32>} : memref<16x128xf32, #tpu.memory_space<vmem>>, vector<16xf32>,
        %add3A_895 = arith.addf %add3A_885, %get3A_894 : vector<16xf32>
        %get3A_896 = arith.constant 11 : i32
        %get3A_897 = arith.index_cast %get3A_896 : i32 to index
        %get3A_898 = arith.constant 32 : index
        %get3A_899 = tpu.vector_load %arg18[%get3A_897, %get3A_898] {strides = array<i32>} : memref<16x128xf32, #tpu.memory_space<vmem>>, vector<16xf32>,
        %add3A_900 = arith.addf %add3A_890, %get3A_899 : vector<16xf32>
        %get3A_901 = arith.constant 11 : i32
        %get3A_902 = arith.index_cast %get3A_901 : i32 to index
        %get3A_903 = arith.constant 96 : index
        %get3A_904 = tpu.vector_load %arg18[%get3A_902, %get3A_903] {strides = array<i32>} : memref<16x128xf32, #tpu.memory_space<vmem>>, vector<16xf32>,
        %add3A_905 = arith.addf %add3A_895, %get3A_904 : vector<16xf32>
        %get3A_906 = arith.constant 12 : i32
        %get3A_907 = arith.index_cast %get3A_906 : i32 to index
        %get3A_908 = arith.constant 32 : index
        %get3A_909 = tpu.vector_load %arg18[%get3A_907, %get3A_908] {strides = array<i32>} : memref<16x128xf32, #tpu.memory_space<vmem>>, vector<16xf32>,
        %add3A_910 = arith.addf %add3A_900, %get3A_909 : vector<16xf32>
        %get3A_911 = arith.constant 12 : i32
        %get3A_912 = arith.index_cast %get3A_911 : i32 to index
        %get3A_913 = arith.constant 96 : index
        %get3A_914 = tpu.vector_load %arg18[%get3A_912, %get3A_913] {strides = array<i32>} : memref<16x128xf32, #tpu.memory_space<vmem>>, vector<16xf32>,
        %add3A_915 = arith.addf %add3A_905, %get3A_914 : vector<16xf32>
        %get3A_916 = arith.constant 13 : i32
        %get3A_917 = arith.index_cast %get3A_916 : i32 to index
        %get3A_918 = arith.constant 32 : index
        %get3A_919 = tpu.vector_load %arg18[%get3A_917, %get3A_918] {strides = array<i32>} : memref<16x128xf32, #tpu.memory_space<vmem>>, vector<16xf32>,
        %add3A_920 = arith.addf %add3A_910, %get3A_919 : vector<16xf32>
        %get3A_921 = arith.constant 13 : i32
        %get3A_922 = arith.index_cast %get3A_921 : i32 to index
        %get3A_923 = arith.constant 96 : index
        %get3A_924 = tpu.vector_load %arg18[%get3A_922, %get3A_923] {strides = array<i32>} : memref<16x128xf32, #tpu.memory_space<vmem>>, vector<16xf32>,
        %add3A_925 = arith.addf %add3A_915, %get3A_924 : vector<16xf32>
        %get3A_926 = arith.constant 14 : i32
        %get3A_927 = arith.index_cast %get3A_926 : i32 to index
        %get3A_928 = arith.constant 32 : index
        %get3A_929 = tpu.vector_load %arg18[%get3A_927, %get3A_928] {strides = array<i32>} : memref<16x128xf32, #tpu.memory_space<vmem>>, vector<16xf32>,
        %add3A_930 = arith.addf %add3A_920, %get3A_929 : vector<16xf32>
        %get3A_931 = arith.constant 14 : i32
        %get3A_932 = arith.index_cast %get3A_931 : i32 to index
        %get3A_933 = arith.constant 96 : index
        %get3A_934 = tpu.vector_load %arg18[%get3A_932, %get3A_933] {strides = array<i32>} : memref<16x128xf32, #tpu.memory_space<vmem>>, vector<16xf32>,
        %add3A_935 = arith.addf %add3A_925, %get3A_934 : vector<16xf32>
        %get3A_936 = arith.constant 15 : i32
        %get3A_937 = arith.index_cast %get3A_936 : i32 to index
        %get3A_938 = arith.constant 32 : index
        %get3A_939 = tpu.vector_load %arg18[%get3A_937, %get3A_938] {strides = array<i32>} : memref<16x128xf32, #tpu.memory_space<vmem>>, vector<16xf32>,
        %add3A_940 = arith.addf %add3A_930, %get3A_939 : vector<16xf32>
        %get3A_941 = arith.constant 15 : i32
        %get3A_942 = arith.index_cast %get3A_941 : i32 to index
        %get3A_943 = arith.constant 96 : index
        %get3A_944 = tpu.vector_load %arg18[%get3A_942, %get3A_943] {strides = array<i32>} : memref<16x128xf32, #tpu.memory_space<vmem>>, vector<16xf32>,
        %add3A_945 = arith.addf %add3A_935, %get3A_944 : vector<16xf32>
        %max3A_946 = arith.constant 1.000000e+00 : f32
        %max3A_947 = vector.broadcast %max3A_946 : f32 to vector<16xf32>
        %max3A_948 = arith.maximumf %add3A_945, %max3A_947 : vector<16xf32>
        %div3A_949 = arith.divf %add3A_940, %max3A_948 : vector<16xf32>
        %swap3A_950 = arith.constant 32 : index
        %swap3A_951 = tpu.vector_load %arg19[%swap3A_950] {strides = array<i32>} : memref<64xf32, #tpu.memory_space<vmem>>, vector<16xf32>,
        tpu.vector_store %arg19[%swap3A_950], %div3A_949 {strides = array<i32>} : memref<64xf32, #tpu.memory_space<vmem>>, vector<16xf32>,
        %broadcast_in_dim3A_952 = arith.constant 0.000000e+00 : f32
        %broadcast_in_dim3A_953 = vector.broadcast %broadcast_in_dim3A_952 : f32 to vector<16xf32>
        %broadcast_in_dim3A_954 = arith.constant 0.000000e+00 : f32
        %broadcast_in_dim3A_955 = vector.broadcast %broadcast_in_dim3A_954 : f32 to vector<16xf32>
        %get3A_956 = arith.constant 0 : i32
        %get3A_957 = arith.index_cast %get3A_956 : i32 to index
        %get3A_958 = arith.constant 48 : index
        %get3A_959 = tpu.vector_load %arg18[%get3A_957, %get3A_958] {strides = array<i32>} : memref<16x128xf32, #tpu.memory_space<vmem>>, vector<16xf32>,
        %add3A_960 = arith.addf %broadcast_in_dim3A_953, %get3A_959 : vector<16xf32>
        %get3A_961 = arith.constant 0 : i32
        %get3A_962 = arith.index_cast %get3A_961 : i32 to index
        %get3A_963 = arith.constant 112 : index
        %get3A_964 = tpu.vector_load %arg18[%get3A_962, %get3A_963] {strides = array<i32>} : memref<16x128xf32, #tpu.memory_space<vmem>>, vector<16xf32>,
        %add3A_965 = arith.addf %broadcast_in_dim3A_955, %get3A_964 : vector<16xf32>
        %get3A_966 = arith.constant 1 : i32
        %get3A_967 = arith.index_cast %get3A_966 : i32 to index
        %get3A_968 = arith.constant 48 : index
        %get3A_969 = tpu.vector_load %arg18[%get3A_967, %get3A_968] {strides = array<i32>} : memref<16x128xf32, #tpu.memory_space<vmem>>, vector<16xf32>,
        %add3A_970 = arith.addf %add3A_960, %get3A_969 : vector<16xf32>
        %get3A_971 = arith.constant 1 : i32
        %get3A_972 = arith.index_cast %get3A_971 : i32 to index
        %get3A_973 = arith.constant 112 : index
        %get3A_974 = tpu.vector_load %arg18[%get3A_972, %get3A_973] {strides = array<i32>} : memref<16x128xf32, #tpu.memory_space<vmem>>, vector<16xf32>,
        %add3A_975 = arith.addf %add3A_965, %get3A_974 : vector<16xf32>
        %get3A_976 = arith.constant 2 : i32
        %get3A_977 = arith.index_cast %get3A_976 : i32 to index
        %get3A_978 = arith.constant 48 : index
        %get3A_979 = tpu.vector_load %arg18[%get3A_977, %get3A_978] {strides = array<i32>} : memref<16x128xf32, #tpu.memory_space<vmem>>, vector<16xf32>,
        %add3A_980 = arith.addf %add3A_970, %get3A_979 : vector<16xf32>
        %get3A_981 = arith.constant 2 : i32
        %get3A_982 = arith.index_cast %get3A_981 : i32 to index
        %get3A_983 = arith.constant 112 : index
        %get3A_984 = tpu.vector_load %arg18[%get3A_982, %get3A_983] {strides = array<i32>} : memref<16x128xf32, #tpu.memory_space<vmem>>, vector<16xf32>,
        %add3A_985 = arith.addf %add3A_975, %get3A_984 : vector<16xf32>
        %get3A_986 = arith.constant 3 : i32
        %get3A_987 = arith.index_cast %get3A_986 : i32 to index
        %get3A_988 = arith.constant 48 : index
        %get3A_989 = tpu.vector_load %arg18[%get3A_987, %get3A_988] {strides = array<i32>} : memref<16x128xf32, #tpu.memory_space<vmem>>, vector<16xf32>,
        %add3A_990 = arith.addf %add3A_980, %get3A_989 : vector<16xf32>
        %get3A_991 = arith.constant 3 : i32
        %get3A_992 = arith.index_cast %get3A_991 : i32 to index
        %get3A_993 = arith.constant 112 : index
        %get3A_994 = tpu.vector_load %arg18[%get3A_992, %get3A_993] {strides = array<i32>} : memref<16x128xf32, #tpu.memory_space<vmem>>, vector<16xf32>,
        %add3A_995 = arith.addf %add3A_985, %get3A_994 : vector<16xf32>
        %get3A_996 = arith.constant 4 : i32
        %get3A_997 = arith.index_cast %get3A_996 : i32 to index
        %get3A_998 = arith.constant 48 : index
        %get3A_999 = tpu.vector_load %arg18[%get3A_997, %get3A_998] {strides = array<i32>} : memref<16x128xf32, #tpu.memory_space<vmem>>, vector<16xf32>,
        %add3A_1000 = arith.addf %add3A_990, %get3A_999 : vector<16xf32>
        %get3A_1001 = arith.constant 4 : i32
        %get3A_1002 = arith.index_cast %get3A_1001 : i32 to index
        %get3A_1003 = arith.constant 112 : index
        %get3A_1004 = tpu.vector_load %arg18[%get3A_1002, %get3A_1003] {strides = array<i32>} : memref<16x128xf32, #tpu.memory_space<vmem>>, vector<16xf32>,
        %add3A_1005 = arith.addf %add3A_995, %get3A_1004 : vector<16xf32>
        %get3A_1006 = arith.constant 5 : i32
        %get3A_1007 = arith.index_cast %get3A_1006 : i32 to index
        %get3A_1008 = arith.constant 48 : index
        %get3A_1009 = tpu.vector_load %arg18[%get3A_1007, %get3A_1008] {strides = array<i32>} : memref<16x128xf32, #tpu.memory_space<vmem>>, vector<16xf32>,
        %add3A_1010 = arith.addf %add3A_1000, %get3A_1009 : vector<16xf32>
        %get3A_1011 = arith.constant 5 : i32
        %get3A_1012 = arith.index_cast %get3A_1011 : i32 to index
        %get3A_1013 = arith.constant 112 : index
        %get3A_1014 = tpu.vector_load %arg18[%get3A_1012, %get3A_1013] {strides = array<i32>} : memref<16x128xf32, #tpu.memory_space<vmem>>, vector<16xf32>,
        %add3A_1015 = arith.addf %add3A_1005, %get3A_1014 : vector<16xf32>
        %get3A_1016 = arith.constant 6 : i32
        %get3A_1017 = arith.index_cast %get3A_1016 : i32 to index
        %get3A_1018 = arith.constant 48 : index
        %get3A_1019 = tpu.vector_load %arg18[%get3A_1017, %get3A_1018] {strides = array<i32>} : memref<16x128xf32, #tpu.memory_space<vmem>>, vector<16xf32>,
        %add3A_1020 = arith.addf %add3A_1010, %get3A_1019 : vector<16xf32>
        %get3A_1021 = arith.constant 6 : i32
        %get3A_1022 = arith.index_cast %get3A_1021 : i32 to index
        %get3A_1023 = arith.constant 112 : index
        %get3A_1024 = tpu.vector_load %arg18[%get3A_1022, %get3A_1023] {strides = array<i32>} : memref<16x128xf32, #tpu.memory_space<vmem>>, vector<16xf32>,
        %add3A_1025 = arith.addf %add3A_1015, %get3A_1024 : vector<16xf32>
        %get3A_1026 = arith.constant 7 : i32
        %get3A_1027 = arith.index_cast %get3A_1026 : i32 to index
        %get3A_1028 = arith.constant 48 : index
        %get3A_1029 = tpu.vector_load %arg18[%get3A_1027, %get3A_1028] {strides = array<i32>} : memref<16x128xf32, #tpu.memory_space<vmem>>, vector<16xf32>,
        %add3A_1030 = arith.addf %add3A_1020, %get3A_1029 : vector<16xf32>
        %get3A_1031 = arith.constant 7 : i32
        %get3A_1032 = arith.index_cast %get3A_1031 : i32 to index
        %get3A_1033 = arith.constant 112 : index
        %get3A_1034 = tpu.vector_load %arg18[%get3A_1032, %get3A_1033] {strides = array<i32>} : memref<16x128xf32, #tpu.memory_space<vmem>>, vector<16xf32>,
        %add3A_1035 = arith.addf %add3A_1025, %get3A_1034 : vector<16xf32>
        %get3A_1036 = arith.constant 8 : i32
        %get3A_1037 = arith.index_cast %get3A_1036 : i32 to index
        %get3A_1038 = arith.constant 48 : index
        %get3A_1039 = tpu.vector_load %arg18[%get3A_1037, %get3A_1038] {strides = array<i32>} : memref<16x128xf32, #tpu.memory_space<vmem>>, vector<16xf32>,
        %add3A_1040 = arith.addf %add3A_1030, %get3A_1039 : vector<16xf32>
        %get3A_1041 = arith.constant 8 : i32
        %get3A_1042 = arith.index_cast %get3A_1041 : i32 to index
        %get3A_1043 = arith.constant 112 : index
        %get3A_1044 = tpu.vector_load %arg18[%get3A_1042, %get3A_1043] {strides = array<i32>} : memref<16x128xf32, #tpu.memory_space<vmem>>, vector<16xf32>,
        %add3A_1045 = arith.addf %add3A_1035, %get3A_1044 : vector<16xf32>
        %get3A_1046 = arith.constant 9 : i32
        %get3A_1047 = arith.index_cast %get3A_1046 : i32 to index
        %get3A_1048 = arith.constant 48 : index
        %get3A_1049 = tpu.vector_load %arg18[%get3A_1047, %get3A_1048] {strides = array<i32>} : memref<16x128xf32, #tpu.memory_space<vmem>>, vector<16xf32>,
        %add3A_1050 = arith.addf %add3A_1040, %get3A_1049 : vector<16xf32>
        %get3A_1051 = arith.constant 9 : i32
        %get3A_1052 = arith.index_cast %get3A_1051 : i32 to index
        %get3A_1053 = arith.constant 112 : index
        %get3A_1054 = tpu.vector_load %arg18[%get3A_1052, %get3A_1053] {strides = array<i32>} : memref<16x128xf32, #tpu.memory_space<vmem>>, vector<16xf32>,
        %add3A_1055 = arith.addf %add3A_1045, %get3A_1054 : vector<16xf32>
        %get3A_1056 = arith.constant 10 : i32
        %get3A_1057 = arith.index_cast %get3A_1056 : i32 to index
        %get3A_1058 = arith.constant 48 : index
        %get3A_1059 = tpu.vector_load %arg18[%get3A_1057, %get3A_1058] {strides = array<i32>} : memref<16x128xf32, #tpu.memory_space<vmem>>, vector<16xf32>,
        %add3A_1060 = arith.addf %add3A_1050, %get3A_1059 : vector<16xf32>
        %get3A_1061 = arith.constant 10 : i32
        %get3A_1062 = arith.index_cast %get3A_1061 : i32 to index
        %get3A_1063 = arith.constant 112 : index
        %get3A_1064 = tpu.vector_load %arg18[%get3A_1062, %get3A_1063] {strides = array<i32>} : memref<16x128xf32, #tpu.memory_space<vmem>>, vector<16xf32>,
        %add3A_1065 = arith.addf %add3A_1055, %get3A_1064 : vector<16xf32>
        %get3A_1066 = arith.constant 11 : i32
        %get3A_1067 = arith.index_cast %get3A_1066 : i32 to index
        %get3A_1068 = arith.constant 48 : index
        %get3A_1069 = tpu.vector_load %arg18[%get3A_1067, %get3A_1068] {strides = array<i32>} : memref<16x128xf32, #tpu.memory_space<vmem>>, vector<16xf32>,
        %add3A_1070 = arith.addf %add3A_1060, %get3A_1069 : vector<16xf32>
        %get3A_1071 = arith.constant 11 : i32
        %get3A_1072 = arith.index_cast %get3A_1071 : i32 to index
        %get3A_1073 = arith.constant 112 : index
        %get3A_1074 = tpu.vector_load %arg18[%get3A_1072, %get3A_1073] {strides = array<i32>} : memref<16x128xf32, #tpu.memory_space<vmem>>, vector<16xf32>,
        %add3A_1075 = arith.addf %add3A_1065, %get3A_1074 : vector<16xf32>
        %get3A_1076 = arith.constant 12 : i32
        %get3A_1077 = arith.index_cast %get3A_1076 : i32 to index
        %get3A_1078 = arith.constant 48 : index
        %get3A_1079 = tpu.vector_load %arg18[%get3A_1077, %get3A_1078] {strides = array<i32>} : memref<16x128xf32, #tpu.memory_space<vmem>>, vector<16xf32>,
        %add3A_1080 = arith.addf %add3A_1070, %get3A_1079 : vector<16xf32>
        %get3A_1081 = arith.constant 12 : i32
        %get3A_1082 = arith.index_cast %get3A_1081 : i32 to index
        %get3A_1083 = arith.constant 112 : index
        %get3A_1084 = tpu.vector_load %arg18[%get3A_1082, %get3A_1083] {strides = array<i32>} : memref<16x128xf32, #tpu.memory_space<vmem>>, vector<16xf32>,
        %add3A_1085 = arith.addf %add3A_1075, %get3A_1084 : vector<16xf32>
        %get3A_1086 = arith.constant 13 : i32
        %get3A_1087 = arith.index_cast %get3A_1086 : i32 to index
        %get3A_1088 = arith.constant 48 : index
        %get3A_1089 = tpu.vector_load %arg18[%get3A_1087, %get3A_1088] {strides = array<i32>} : memref<16x128xf32, #tpu.memory_space<vmem>>, vector<16xf32>,
        %add3A_1090 = arith.addf %add3A_1080, %get3A_1089 : vector<16xf32>
        %get3A_1091 = arith.constant 13 : i32
        %get3A_1092 = arith.index_cast %get3A_1091 : i32 to index
        %get3A_1093 = arith.constant 112 : index
        %get3A_1094 = tpu.vector_load %arg18[%get3A_1092, %get3A_1093] {strides = array<i32>} : memref<16x128xf32, #tpu.memory_space<vmem>>, vector<16xf32>,
        %add3A_1095 = arith.addf %add3A_1085, %get3A_1094 : vector<16xf32>
        %get3A_1096 = arith.constant 14 : i32
        %get3A_1097 = arith.index_cast %get3A_1096 : i32 to index
        %get3A_1098 = arith.constant 48 : index
        %get3A_1099 = tpu.vector_load %arg18[%get3A_1097, %get3A_1098] {strides = array<i32>} : memref<16x128xf32, #tpu.memory_space<vmem>>, vector<16xf32>,
        %add3A_1100 = arith.addf %add3A_1090, %get3A_1099 : vector<16xf32>
        %get3A_1101 = arith.constant 14 : i32
        %get3A_1102 = arith.index_cast %get3A_1101 : i32 to index
        %get3A_1103 = arith.constant 112 : index
        %get3A_1104 = tpu.vector_load %arg18[%get3A_1102, %get3A_1103] {strides = array<i32>} : memref<16x128xf32, #tpu.memory_space<vmem>>, vector<16xf32>,
        %add3A_1105 = arith.addf %add3A_1095, %get3A_1104 : vector<16xf32>
        %get3A_1106 = arith.constant 15 : i32
        %get3A_1107 = arith.index_cast %get3A_1106 : i32 to index
        %get3A_1108 = arith.constant 48 : index
        %get3A_1109 = tpu.vector_load %arg18[%get3A_1107, %get3A_1108] {strides = array<i32>} : memref<16x128xf32, #tpu.memory_space<vmem>>, vector<16xf32>,
        %add3A_1110 = arith.addf %add3A_1100, %get3A_1109 : vector<16xf32>
        %get3A_1111 = arith.constant 15 : i32
        %get3A_1112 = arith.index_cast %get3A_1111 : i32 to index
        %get3A_1113 = arith.constant 112 : index
        %get3A_1114 = tpu.vector_load %arg18[%get3A_1112, %get3A_1113] {strides = array<i32>} : memref<16x128xf32, #tpu.memory_space<vmem>>, vector<16xf32>,
        %add3A_1115 = arith.addf %add3A_1105, %get3A_1114 : vector<16xf32>
        %max3A_1116 = arith.constant 1.000000e+00 : f32
        %max3A_1117 = vector.broadcast %max3A_1116 : f32 to vector<16xf32>
        %max3A_1118 = arith.maximumf %add3A_1115, %max3A_1117 : vector<16xf32>
        %div3A_1119 = arith.divf %add3A_1110, %max3A_1118 : vector<16xf32>
        %swap3A_1120 = arith.constant 48 : index
        %swap3A_1121 = tpu.vector_load %arg19[%swap3A_1120] {strides = array<i32>} : memref<64xf32, #tpu.memory_space<vmem>>, vector<16xf32>,
        tpu.vector_store %arg19[%swap3A_1120], %div3A_1119 {strides = array<i32>} : memref<64xf32, #tpu.memory_space<vmem>>, vector<16xf32>,
        "tpu.region"() ({
          %run_scoped3A = tpu.sem_alloc : memref<!tpu.dma_semaphore, #tpu.memory_space<semaphore_mem>>
          tpu.enqueue_dma source(%arg19 : memref<64xf32, #tpu.memory_space<vmem>>) target(%arg8 : memref<64xf32, #tpu.memory_space<hbm>>) target_semaphore(%run_scoped3A : memref<!tpu.dma_semaphore, #tpu.memory_space<semaphore_mem>>)
          tpu.wait_dma2 semaphore(%run_scoped3A : memref<!tpu.dma_semaphore, #tpu.memory_space<semaphore_mem>>) src(%arg19 : memref<64xf32, #tpu.memory_space<vmem>>) dst(%arg8 : memref<64xf32, #tpu.memory_space<hbm>>)
          tpu.yield
        }) : () -> ()
      } else {
      }
    } else {
    }
    return
  }
}

module attributes {stable_mosaic.version = 14 : i64} {
  func.func @_mm_body(%arg0: i32, %arg1: memref<1024x256xf32, #tpu.memory_space<vmem>>, %arg2: memref<256x256xf32, #tpu.memory_space<vmem>>, %arg3: memref<1024x1xf32, #tpu.memory_space<vmem>>, %arg4: memref<1024x1xf32, #tpu.memory_space<vmem>>, %arg5: memref<1024x128xf32, #tpu.memory_space<vmem>>, %arg6: memref<1024x128xf32, #tpu.memory_space<vmem>>, %arg7: memref<1024x1xf32, #tpu.memory_space<vmem>>) attributes {dimension_semantics = [#tpu.dimension_semantics<arbitrary>], iteration_bounds = array<i64: 10>, scalar_prefetch = 0 : i64, scratch_operands = 0 : i64, tpu.core_type = #tpu.core_type<tc>, window_params = [{transform_indices = @transform_0, window_bounds = array<i64: 1024, 256>}, {pipeline_mode = #tpu.pipeline_mode<synchronous>, transform_indices = @transform_1, window_bounds = array<i64: 256, 256>}, {transform_indices = @transform_2, window_bounds = array<i64: 1024, 1>}, {transform_indices = @transform_3, window_bounds = array<i64: 1024, 1>}, {transform_indices = @transform_4, window_bounds = array<i64: 1024, 128>}, {transform_indices = @transform_5, window_bounds = array<i64: 1024, 128>}, {transform_indices = @transform_6, window_bounds = array<i64: 1024, 1>}]} {
    %get3A = arith.constant 0 : index
    %get3A_0 = arith.constant 0 : index
    %get3A_1 = vector.load %arg1[%get3A, %get3A_0] : memref<1024x256xf32, #tpu.memory_space<vmem>>, vector<1024x256xf32>
    %get3A_2 = arith.constant 0 : index
    %get3A_3 = arith.constant 0 : index
    %get3A_4 = vector.load %arg2[%get3A_2, %get3A_3] : memref<256x256xf32, #tpu.memory_space<vmem>>, vector<256x256xf32>
    %dot_general3A = arith.constant dense<0.000000e+00> : vector<1024x256xf32>
    %dot_general3A_5 = tpu.matmul %get3A_1, %get3A_4, %dot_general3A {dimension_numbers = #tpu.dot_dimension_numbers<[1], [0], [0], [1], [0, 0, 1, 1], [], []>, transpose_lhs_hint = false} : vector<1024x256xf32>, vector<256x256xf32>, vector<1024x256xf32> -> vector<1024x256xf32>
    %get3A_6 = arith.constant 0 : index
    %get3A_7 = arith.constant 0 : index
    %get3A_8 = vector.load %arg3[%get3A_6, %get3A_7] : memref<1024x1xf32, #tpu.memory_space<vmem>>, vector<1024x1xf32>
    %get3A_9 = arith.constant 0 : index
    %get3A_10 = arith.constant 0 : index
    %get3A_11 = vector.load %arg4[%get3A_9, %get3A_10] : memref<1024x1xf32, #tpu.memory_space<vmem>>, vector<1024x1xf32>
    %add3A = arith.addf %get3A_8, %get3A_11 : vector<1024x1xf32>
    %add3A_12 = arith.constant 1.000000e+00 : f32
    %add3A_13 = vector.broadcast %add3A_12 : f32 to vector<1024x1xf32>
    %add3A_14 = arith.addf %add3A, %add3A_13 : vector<1024x1xf32>
    %rsqrt3A = math.rsqrt %add3A_14 : vector<1024x1xf32>
    %mul3A = vector.broadcast %rsqrt3A : vector<1024x1xf32> to vector<1024x256xf32>
    %mul3A_15 = arith.mulf %dot_general3A_5, %mul3A : vector<1024x256xf32>
    %slice3A = vector.extract_strided_slice %mul3A_15 {offsets = [0, 0], sizes = [1024, 128], strides = [1, 1]} : vector<1024x256xf32> to vector<1024x128xf32>
    %swap3A = arith.constant 0 : index
    %swap3A_16 = arith.constant 0 : index
    %swap3A_17 = vector.load %arg5[%swap3A, %swap3A_16] : memref<1024x128xf32, #tpu.memory_space<vmem>>, vector<1024x128xf32>
    tpu.vector_store %arg5[%swap3A, %swap3A_16], %slice3A {strides = array<i32>} : memref<1024x128xf32, #tpu.memory_space<vmem>>, vector<1024x128xf32>,
    %slice3A_18 = vector.extract_strided_slice %mul3A_15 {offsets = [0, 128], sizes = [1024, 128], strides = [1, 1]} : vector<1024x256xf32> to vector<1024x128xf32>
    %swap3A_19 = arith.constant 0 : index
    %swap3A_20 = arith.constant 0 : index
    %swap3A_21 = vector.load %arg6[%swap3A_19, %swap3A_20] : memref<1024x128xf32, #tpu.memory_space<vmem>>, vector<1024x128xf32>
    tpu.vector_store %arg6[%swap3A_19, %swap3A_20], %slice3A_18 {strides = array<i32>} : memref<1024x128xf32, #tpu.memory_space<vmem>>, vector<1024x128xf32>,
    %swap3A_22 = arith.constant 0 : index
    %swap3A_23 = arith.constant 0 : index
    %swap3A_24 = vector.load %arg7[%swap3A_22, %swap3A_23] : memref<1024x1xf32, #tpu.memory_space<vmem>>, vector<1024x1xf32>
    tpu.vector_store %arg7[%swap3A_22, %swap3A_23], %rsqrt3A {strides = array<i32>} : memref<1024x1xf32, #tpu.memory_space<vmem>>, vector<1024x1xf32>,
    return
  }
  func.func @transform_0(%arg0: i32) -> (i32, i32) {
    %c0_i32 = arith.constant 0 : i32
    %c0_i32_0 = arith.constant 0 : i32
    return %arg0, %c0_i32 : i32, i32
  }
  func.func @transform_1(%arg0: i32) -> (i32, i32) {
    %c0_i32 = arith.constant 0 : i32
    %c0_i32_0 = arith.constant 0 : i32
    %c0_i32_1 = arith.constant 0 : i32
    return %c0_i32, %c0_i32_0 : i32, i32
  }
  func.func @transform_2(%arg0: i32) -> (i32, i32) {
    %c0_i32 = arith.constant 0 : i32
    %c0_i32_0 = arith.constant 0 : i32
    return %arg0, %c0_i32 : i32, i32
  }
  func.func @transform_3(%arg0: i32) -> (i32, i32) {
    %c0_i32 = arith.constant 0 : i32
    %c0_i32_0 = arith.constant 0 : i32
    return %arg0, %c0_i32 : i32, i32
  }
  func.func @transform_4(%arg0: i32) -> (i32, i32) {
    %c0_i32 = arith.constant 0 : i32
    %c0_i32_0 = arith.constant 0 : i32
    return %arg0, %c0_i32 : i32, i32
  }
  func.func @transform_5(%arg0: i32) -> (i32, i32) {
    %c0_i32 = arith.constant 0 : i32
    %c0_i32_0 = arith.constant 0 : i32
    return %arg0, %c0_i32 : i32, i32
  }
  func.func @transform_6(%arg0: i32) -> (i32, i32) {
    %c0_i32 = arith.constant 0 : i32
    %c0_i32_0 = arith.constant 0 : i32
    return %arg0, %c0_i32 : i32, i32
  }
}

module attributes {stable_mosaic.version = 14 : i64} {
  func.func @_post_body(%arg0: i32, %arg1: memref<1024x128xf32, #tpu.memory_space<vmem>>, %arg2: memref<1024x128xf32, #tpu.memory_space<vmem>>, %arg3: memref<1024x128xf32, #tpu.memory_space<vmem>>, %arg4: memref<1024x128xf32, #tpu.memory_space<vmem>>, %arg5: memref<1024x1xf32, #tpu.memory_space<vmem>>, %arg6: memref<1x256xf32, #tpu.memory_space<vmem>>, %arg7: memref<256x1xf32, #tpu.memory_space<vmem>>, %arg8: memref<1024x1xf32, #tpu.memory_space<vmem>>) attributes {dimension_semantics = [#tpu.dimension_semantics<arbitrary>], iteration_bounds = array<i64: 10>, scalar_prefetch = 0 : i64, scratch_operands = 0 : i64, tpu.core_type = #tpu.core_type<tc>, window_params = [{transform_indices = @transform_0, window_bounds = array<i64: 1024, 128>}, {transform_indices = @transform_1, window_bounds = array<i64: 1024, 128>}, {transform_indices = @transform_2, window_bounds = array<i64: 1024, 128>}, {transform_indices = @transform_3, window_bounds = array<i64: 1024, 128>}, {transform_indices = @transform_4, window_bounds = array<i64: 1024, 1>}, {pipeline_mode = #tpu.pipeline_mode<synchronous>, transform_indices = @transform_5, window_bounds = array<i64: 1, 256>}, {pipeline_mode = #tpu.pipeline_mode<synchronous>, transform_indices = @transform_6, window_bounds = array<i64: 256, 1>}, {transform_indices = @transform_7, window_bounds = array<i64: 1024, 1>}]} {
    %get3A = arith.constant 0 : index
    %get3A_0 = arith.constant 0 : index
    %get3A_1 = vector.load %arg5[%get3A, %get3A_0] : memref<1024x1xf32, #tpu.memory_space<vmem>>, vector<1024x1xf32>
    %get3A_2 = arith.constant 0 : index
    %get3A_3 = arith.constant 0 : index
    %get3A_4 = vector.load %arg6[%get3A_2, %get3A_3] : memref<1x256xf32, #tpu.memory_space<vmem>>, vector<1x256xf32>
    %get3A_5 = arith.constant 0 : index
    %get3A_6 = arith.constant 0 : index
    %get3A_7 = vector.load %arg7[%get3A_5, %get3A_6] : memref<256x1xf32, #tpu.memory_space<vmem>>, vector<256x1xf32>
    %get3A_8 = arith.constant 0 : index
    %get3A_9 = arith.constant 0 : index
    %get3A_10 = vector.load %arg1[%get3A_8, %get3A_9] : memref<1024x128xf32, #tpu.memory_space<vmem>>, vector<1024x128xf32>
    %get3A_11 = arith.constant 0 : index
    %get3A_12 = arith.constant 0 : index
    %get3A_13 = vector.load %arg3[%get3A_11, %get3A_12] : memref<1024x128xf32, #tpu.memory_space<vmem>>, vector<1024x128xf32>
    %add3A = arith.addf %get3A_10, %get3A_13 : vector<1024x128xf32>
    %mul3A = vector.broadcast %get3A_1 : vector<1024x1xf32> to vector<1024x128xf32>
    %mul3A_14 = arith.mulf %mul3A, %add3A : vector<1024x128xf32>
    %slice3A = vector.extract_strided_slice %get3A_4 {offsets = [0, 0], sizes = [1, 128], strides = [1, 1]} : vector<1x256xf32> to vector<1x128xf32>
    %add3A_15 = vector.broadcast %slice3A : vector<1x128xf32> to vector<1024x128xf32>
    %add3A_16 = arith.addf %mul3A_14, %add3A_15 : vector<1024x128xf32>
    %max3A = arith.constant 0.000000e+00 : f32
    %max3A_17 = vector.broadcast %max3A : f32 to vector<1024x128xf32>
    %max3A_18 = arith.maximumf %add3A_16, %max3A_17 : vector<1024x128xf32>
    %get3A_19 = arith.constant 0 : index
    %get3A_20 = arith.constant 0 : index
    %get3A_21 = vector.load %arg2[%get3A_19, %get3A_20] : memref<1024x128xf32, #tpu.memory_space<vmem>>, vector<1024x128xf32>
    %get3A_22 = arith.constant 0 : index
    %get3A_23 = arith.constant 0 : index
    %get3A_24 = vector.load %arg4[%get3A_22, %get3A_23] : memref<1024x128xf32, #tpu.memory_space<vmem>>, vector<1024x128xf32>
    %add3A_25 = arith.addf %get3A_21, %get3A_24 : vector<1024x128xf32>
    %mul3A_26 = vector.broadcast %get3A_1 : vector<1024x1xf32> to vector<1024x128xf32>
    %mul3A_27 = arith.mulf %mul3A_26, %add3A_25 : vector<1024x128xf32>
    %slice3A_28 = vector.extract_strided_slice %get3A_4 {offsets = [0, 128], sizes = [1, 128], strides = [1, 1]} : vector<1x256xf32> to vector<1x128xf32>
    %add3A_29 = vector.broadcast %slice3A_28 : vector<1x128xf32> to vector<1024x128xf32>
    %add3A_30 = arith.addf %mul3A_27, %add3A_29 : vector<1024x128xf32>
    %max3A_31 = arith.constant 0.000000e+00 : f32
    %max3A_32 = vector.broadcast %max3A_31 : f32 to vector<1024x128xf32>
    %max3A_33 = arith.maximumf %add3A_30, %max3A_32 : vector<1024x128xf32>
    %slice3A_34 = vector.extract_strided_slice %get3A_7 {offsets = [0, 0], sizes = [128, 1], strides = [1, 1]} : vector<256x1xf32> to vector<128x1xf32>
    %dot_general3A = arith.constant dense<0.000000e+00> : vector<1024x1xf32>
    %dot_general3A_35 = tpu.matmul %max3A_18, %slice3A_34, %dot_general3A {dimension_numbers = #tpu.dot_dimension_numbers<[1], [0], [0], [1], [0, 0, 1, 1], [], []>, transpose_lhs_hint = false} : vector<1024x128xf32>, vector<128x1xf32>, vector<1024x1xf32> -> vector<1024x1xf32>
    %slice3A_36 = vector.extract_strided_slice %get3A_7 {offsets = [128, 0], sizes = [128, 1], strides = [1, 1]} : vector<256x1xf32> to vector<128x1xf32>
    %dot_general3A_37 = arith.constant dense<0.000000e+00> : vector<1024x1xf32>
    %dot_general3A_38 = tpu.matmul %max3A_33, %slice3A_36, %dot_general3A_37 {dimension_numbers = #tpu.dot_dimension_numbers<[1], [0], [0], [1], [0, 0, 1, 1], [], []>, transpose_lhs_hint = false} : vector<1024x128xf32>, vector<128x1xf32>, vector<1024x1xf32> -> vector<1024x1xf32>
    %add3A_39 = arith.addf %dot_general3A_35, %dot_general3A_38 : vector<1024x1xf32>
    %mul3A_40 = arith.mulf %get3A_1, %add3A_39 : vector<1024x1xf32>
    %swap3A = arith.constant 0 : index
    %swap3A_41 = arith.constant 0 : index
    %swap3A_42 = vector.load %arg8[%swap3A, %swap3A_41] : memref<1024x1xf32, #tpu.memory_space<vmem>>, vector<1024x1xf32>
    tpu.vector_store %arg8[%swap3A, %swap3A_41], %mul3A_40 {strides = array<i32>} : memref<1024x1xf32, #tpu.memory_space<vmem>>, vector<1024x1xf32>,
    return
  }
  func.func @transform_0(%arg0: i32) -> (i32, i32) {
    %c0_i32 = arith.constant 0 : i32
    %c0_i32_0 = arith.constant 0 : i32
    return %arg0, %c0_i32 : i32, i32
  }
  func.func @transform_1(%arg0: i32) -> (i32, i32) {
    %c0_i32 = arith.constant 0 : i32
    %c0_i32_0 = arith.constant 0 : i32
    return %arg0, %c0_i32 : i32, i32
  }
  func.func @transform_2(%arg0: i32) -> (i32, i32) {
    %c0_i32 = arith.constant 0 : i32
    %c0_i32_0 = arith.constant 0 : i32
    return %arg0, %c0_i32 : i32, i32
  }
  func.func @transform_3(%arg0: i32) -> (i32, i32) {
    %c0_i32 = arith.constant 0 : i32
    %c0_i32_0 = arith.constant 0 : i32
    return %arg0, %c0_i32 : i32, i32
  }
  func.func @transform_4(%arg0: i32) -> (i32, i32) {
    %c0_i32 = arith.constant 0 : i32
    %c0_i32_0 = arith.constant 0 : i32
    return %arg0, %c0_i32 : i32, i32
  }
  func.func @transform_5(%arg0: i32) -> (i32, i32) {
    %c0_i32 = arith.constant 0 : i32
    %c0_i32_0 = arith.constant 0 : i32
    %c0_i32_1 = arith.constant 0 : i32
    return %c0_i32, %c0_i32_0 : i32, i32
  }
  func.func @transform_6(%arg0: i32) -> (i32, i32) {
    %c0_i32 = arith.constant 0 : i32
    %c0_i32_0 = arith.constant 0 : i32
    %c0_i32_1 = arith.constant 0 : i32
    return %c0_i32, %c0_i32_0 : i32, i32
  }
  func.func @transform_7(%arg0: i32) -> (i32, i32) {
    %c0_i32 = arith.constant 0 : i32
    %c0_i32_0 = arith.constant 0 : i32
    return %arg0, %c0_i32 : i32, i32
  }
}

</mosaic_0001>

<sc_bundles>
// kernel: kernel.10.cloned.1.call-start
scs
__scs_entry_jumppad:
0x0: {  	(pc) =	sbr.rel $0x88, $3  }
0x1: {  	(tag) =	ssettag $0x0;
	lr =	simm.s32 $0x1  }
0x2: {  	[smem:$0x3F9A] =	sst lr;
	_ =	strace $0xD0000000  }
0x3: {  	_ = 	snop  }
0x4: {  	_ = 	snop  }
0x5: {  	_ = 	snop  }
0x6: {  	_ = 	snop  }
0x7: {  	_ = 	snop  }
__scs_overlays_trampoline_lowered:
0x8: {  	[smem:$0x3FA9] =	sst s0  }
0x9: {  	[smem:$0x3FAA] =	sst s1  }
0xa: {  	[smem:$0x3FAB] =	sst s2  }
0xb: {  	[smem:$0x3FAC] =	sst s3  }
0xc: {  	[smem:$0x3FAD] =	sst s4  }
0xd: {  	[smem:$0x3FAE] =	sst s5  }
0xe: {  	[smem:$0x3FAF] =	sst s6  }
0xf: {  	[smem:$0x3FB0] =	sst s7  }
0x10: {  	[smem:$0x3FB1] =	sst s8  }
0x11: {  	[smem:$0x3FB2] =	sst s9;
	s0 =	simm.s32 @!p0 $0x0  }
0x12: {  	s1 =	sld [smem:$0x3F98];
	s0 =	simm.s32 @p0 $0x1  }
0x13: {  	[smem:$0x3FB3] =	sst s0;
	s0 =	simm.s32 @!p1 $0x0  }
0x14: {  	s2 =	sld [smem:$0x3F97];
	s0 =	simm.s32 @p1 $0x1  }
0x15: {  	[smem:$0x3FB4] =	sst s0;
	s0 =	simm.s32 @!p2 $0x0  }
0x16: {  	s3 =	sld [smem:$0x3FDB];
	s0 =	simm.s32 @p2 $0x1  }
0x17: {  	s4 =	simm.s32 $0x1BF5;
	[smem:$0x3FB6] =	sst s0  }
0x18: {  	s0 =	sld [smem:$0x3F99];
	_ =	swait.ge [sflag:s4], $0x0  }
0x19: {  	s7 =	sld [smem:$0x3F9A]  }
0x1a: {  	s8 =	sadd.s32 $0xFFFFE003, lr  }
0x1b: {  	s9 =	sadd.s32 $0xFFFFFEF7, lr;
	s5 =	simm.s32 $0xFFFFFFFF;
	p2 =	slt.u32 s8, $0xFFFFF086  }
0x1c: {  	p1 =	slt.u32 s9, $0xF7A;
	s5 =	simm.s32 @!p2 $0x0  }
0x1d: {  	s5 =	simm.s32 @p1 $0x1;
	p0 =	seq.s32 s7, s2  }
0x1e: {  	s7 =	smul.u32 @!p0 $0xF7A, s2;
	p2 =	seq.s32 @!p0 s5, $0x0  }
0x1f: {  	s9 =	smul.u32 $0xF7A, s1;
	s8 =	simm.s32 @!p0 $0x1BF5;
	p2 =	por !p2, p0  }
0x20: {  	[sflag:s8] =	ssyncset.s32 @!p0 $0xFFFFF086;
	s6 =	sadd.s32 @!p0 s3, s7;
	s7 =	simm.s32 @!p0 $0x108  }
0x21: {  	s3 =	sadd.s32 s3, s9;
	s6 =	sadd.s32 @!p0 $0x88, s6;
	s7 =	simm.s32 @p2 $0x1082  }
0x22: {  	[simem:s7], [sflag:s8] =	dma.local @!p0 [hbm:s6], $0xF7A  }
0x23: {  	s9 =	sor.u32 $0xD0000000, s2;
	s6 =	simm.s32 $0x108;
	_ =	swait.ge @!p0 [sflag:s8], $0x0  }
0x24: {  	s3 =	sadd.s32 $0x88, s3;
	s6 =	simm.s32 @!p1 $0x1082;
	[sflag:s4] =	ssyncset.s32 $0xFFFFF086  }
0x25: {  	[simem:s6], [sflag:s4] =	dma.local [hbm:s3], $0xF7A  }
0x26: {  	[smem:$0x3F9A] =	sst s1;
	(tag) =	ssettag s2;
	_ =	strace s9  }
0x27: {  	s1 =	sld [smem:$0x3FAA]  }
0x28: {  	s2 =	sld [smem:$0x3FAB]  }
0x29: {  	s4 =	sld [smem:$0x3FAD]  }
0x2a: {  	p0 =	seq.s32 s5, $0x0;
	s5 =	sld [smem:$0x3FAE]  }
0x2b: {  	s6 =	sld [smem:$0x3FAF]  }
0x2c: {  	s7 =	sld [smem:$0x3FB0]  }
0x2d: {  	s3 =	simm.s32 $0x108;
	s8 =	sld [smem:$0x3FB1]  }
0x2e: {  	s3 =	simm.s32 @!p0 $0x1082;
	s9 =	sld [smem:$0x3FB2]  }
0x2f: {  	lr =	sadd.s32 s0, s3;
	s0 =	sld [smem:$0x3FA9]  }
0x30: {  	s3 =	sld [smem:$0x3FAC]  }
0x31: {  	[smem:$0x3FB5] =	sst s10  }
0x32: {  	s10 =	sld [smem:$0x3FB3];
	_ =	sdelay $0x3  }
0x33: {  	p0 =	seq.s32 s10, $0x1;
	s10 =	sld [smem:$0x3FB5];
	_ =	sdelay $0x3  }
0x34: {  	[smem:$0x3FB5] =	sst s10  }
0x35: {  	s10 =	sld [smem:$0x3FB4];
	_ =	sdelay $0x3  }
0x36: {  	p1 =	seq.s32 s10, $0x1;
	s10 =	sld [smem:$0x3FB5];
	_ =	sdelay $0x3  }
0x37: {  	[smem:$0x3FB5] =	sst s10  }
0x38: {  	s10 =	sld [smem:$0x3FB6]  }
0x39: {  	_ = 	snop;
	(pc) =	sbr.ind lr, $3  }
0x3a: {  	_ = 	snop  }
0x3b: {  	_ = 	snop  }
0x3c: {  	p2 =	seq.s32 s10, $0x1;
	s10 =	sld [smem:$0x3FB5]  }
0x3d: {  	_ =	shalt  }
0x3e: {  	_ =	shalt  }
0x3f: {  	_ =	shalt  }
0x40: {  	_ =	shalt  }
0x41: {  	_ =	shalt  }
0x42: {  	_ =	shalt  }
0x43: {  	_ =	shalt  }
0x44: {  	_ =	shalt  }
0x45: {  	_ =	shalt  }
0x46: {  	_ =	shalt  }
0x47: {  	_ =	shalt  }
0x48: {  	_ =	shalt  }
0x49: {  	_ =	shalt  }
0x4a: {  	_ =	shalt  }
0x4b: {  	_ =	shalt  }
0x4c: {  	_ =	shalt  }
0x4d: {  	_ =	shalt  }
0x4e: {  	_ =	shalt  }
0x4f: {  	_ =	shalt  }
0x50: {  	_ =	shalt  }
0x51: {  	_ =	shalt  }
0x52: {  	_ =	shalt  }
0x53: {  	_ =	shalt  }
0x54: {  	_ =	shalt  }
0x55: {  	_ =	shalt  }
0x56: {  	_ =	shalt  }
0x57: {  	_ =	shalt  }
0x58: {  	_ =	shalt  }
0x59: {  	_ =	shalt  }
0x5a: {  	_ =	shalt  }
0x5b: {  	_ =	shalt  }
0x5c: {  	_ =	shalt  }
0x5d: {  	_ =	shalt  }
0x5e: {  	_ =	shalt  }
0x5f: {  	_ =	shalt  }
0x60: {  	_ =	shalt  }
0x61: {  	_ =	shalt  }
0x62: {  	_ =	shalt  }
0x63: {  	_ =	shalt  }
0x64: {  	_ =	shalt  }
0x65: {  	_ =	shalt  }
0x66: {  	_ =	shalt  }
0x67: {  	_ =	shalt  }
0x68: {  	_ =	shalt  }
0x69: {  	_ =	shalt  }
0x6a: {  	_ =	shalt  }
0x6b: {  	_ =	shalt  }
0x6c: {  	_ =	shalt  }
0x6d: {  	_ =	shalt  }
0x6e: {  	_ =	shalt  }
0x6f: {  	_ =	shalt  }
0x70: {  	_ =	shalt  }
0x71: {  	_ =	shalt  }
0x72: {  	_ =	shalt  }
0x73: {  	_ =	shalt  }
0x74: {  	_ =	shalt  }
0x75: {  	_ =	shalt  }
0x76: {  	_ =	shalt  }
0x77: {  	_ =	shalt  }
0x78: {  	_ =	shalt  }
0x79: {  	_ =	shalt  }
0x7a: {  	_ =	shalt  }
0x7b: {  	_ =	shalt  }
0x7c: {  	_ =	shalt  }
0x7d: {  	_ =	shalt  }
0x7e: {  	_ =	shalt  }
0x7f: {  	_ =	shalt  }
0x80: {  	_ =	shalt  }
0x81: {  	_ =	shalt  }
0x82: {  	_ =	shalt  }
0x83: {  	_ =	shalt  }
0x84: {  	_ =	shalt  }
0x85: {  	_ =	shalt  }
0x86: {  	_ =	shalt  }
0x87: {  	_ =	shalt  }
.Lfunc_end0:
.L_simem_size_0:
called_computation.1_lowered:
.L_overlay_start_0:
0x88: {  	s2 =	sld [smem:$0x3FD9]  }
0x89: {  	s3 =	sld [smem:$0x3FFE];
	_ =	sdelay $0x1  }
0x8a: {  	s1 =	srdreg.scid  }
0x8b: {  	s0 =	sand.u32 $0x1, s1  }
0x8c: {  	s16 =	sshll.u32 s0, $0xA;
	s2 =	sadd.s32 s3, s2  }
0x8d: {  	s2 =	sadd.s32 s2, s16  }
0x8e: {  	[smem:$0x3FC1] =	sst s2  }
0x8f: {  	_ = 	snop  }
0x90: {  	(tm) =	ssettm $0x1  }
0x91: {  	s17 =	sld [smem:$0x3FFB];
	_ =	sdelay $0x3  }
0x92: {  	_ =	strace s17  }
0x93: {  	s2 =	sld [smem:$0x3FFC];
	_ =	sdelay $0x3  }
0x94: {  	_ =	strace s2  }
0x95: {  	s2 =	sld [smem:$0x3FFD];
	_ =	sdelay $0x3  }
0x96: {  	_ =	strace s2  }
0x97: {  	_ =	strace $0x8FFFFFFF  }
0x98: {  	s18 =	sld [smem:$0x3FDB];
	_ =	sdelay $0x1  }
0x99: {  	s19 =	simm.s32 $_scs_section_size  }
0x9a: {  	s4 =	simm.s32 $_size__tile_overlayer_lowered;
	s5 =	simm.s32 $_tile_overlayer_lowered  }
0x9b: {  	s22 =	simm.s32 $0x1BFF;
	s21 =	sshll.u32 s5, $0x1;
	s2 =	sadd.s32 s19, s18  }
0x9c: {  	s6 =	simm.s32 $0x0;
	s20 =	sshll.u32 s4, $0x1;
	s4 =	sadd.s32 s21, s2  }
0x9d: {  	[timem:s6], [sflag:s22] =	dma.local [hbm:s4], s20  }
0x9e: {  	_ =	swait.ge [sflag:s22], s20  }
0x9f: {  	s3 =	ssub.s32 $0x0, s20;
	[sflag:s22] =	ssyncset.done $0x0  }
0xa0: {  	[sflag:s22] =	ssyncadd.s32 s3;
	_ =	sdelay $0x1  }
0xa1: {  	s23 =	simm.s32 $0x1B8B  }
0xa2: {  	_ =	swait.ge [sflag:s23], $0x1  }
0xa3: {  	[sflag:s23] =	ssyncset.done $0x0  }
0xa4: {  	s25 =	simm.s32 $0x1B8E;
	s24 =	sld [smem:$0x3FFE];
	[sflag:s23] =	ssyncadd.s32 $0xFFFFFFFF  }
0xa5: {  	s26 =	simm.s32 $execute0_lowered;
	[smem:$0x3FD2] =	sst s25  }
0xa6: {  	s4 =	sshll.u32 s26, $0x1;
	_ =	strace $0x80000049;
	[dreg:$0x1] =	wrdreg $0xFFFFFFFF  }
0xa7: {  	s28 =	simm.s32 $_size_execute0_lowered;
	s2 =	sadd.s32 s2, s4;
	[dreg:$0x0] =	wrdreg $0x0  }
0xa8: {  	s4 =	sshll.u32 s28, $0x1;
	[dreg:$0x2] =	wrdreg s2  }
0xa9: {  	[dreg:$0x3] =	wrdreg s4  }
0xaa: {  	[dreg:$0x4] =	wrdreg $0xC0  }
0xab: {  	_ =	task [dreg:s6], $0x5FFFF  }
0xac: {  	[dreg:$0x1] =	wrdreg $0xFFFFFFFF  }
0xad: {  	[dreg:$0x0] =	wrdreg $0x60  }
0xae: {  	[dreg:$0x2] =	wrdreg s24  }
0xaf: {  	[dreg:$0x3] =	wrdreg $0xA8000  }
0xb0: {  	[dreg:$0x4] =	wrdreg $0x9  }
0xb1: {  	_ =	task.clear_ibuf [dreg:s6], $0x5FFFF;
	_ =	strace $0x90000049  }
0xb2: {  	s29 =	simm.s32 $0x9;
	_ =	strace $0x8000004B  }
0xb3: {  	_ =	swait.ge [sflag:s29], $0x1  }
0xb4: {  	[sflag:s29] =	ssyncadd.s32 $0xFFFFFFFF  }
0xb5: {  	_ =	strace $0x9000004B  }
0xb6: {  	_ =	sfence  }
0xb7: {  	s30 =	sld [smem:$0x0];
	_ =	sdelay $0x2  }
0xb8: {  	s31 =	sshll.u32 s1, $0xD;
	s1 =	sshrl.u32 s1, $0x2  }
0xb9: {  	s3 =	sand.u32 $0x4000, s31;
	s1 =	sadd.s32 s1, s30  }
0xba: {  	s0 =	sor.u32 s3, s0;
	s1 =	sshll.u32 s1, $0x11  }
0xbb: {  	s0 =	sor.u32 s1, s0  }
0xbc: {  	s0 =	sadd.s32 $0x8F2B, s0  }
0xbd: {  	[sflag:s0] =	ssyncadd.remote.s32 $0x1  }
0xbe: {  	_ =	sfence.sel $0xFFFF  }
0xbf: {  	[dreg:$0x0] =	wrdreg $0xFFFFFFFF;
	(pc) =	sbr.abs _section_cstart, $3  }
0xc0: {  	[dreg:$0x1] =	wrdreg $0xFFFFFFFF  }
0xc1: {  	_ =	task.clear_ibuf [dreg:s6], $0x2FFFF;
	_ =	strace $0x9FFFFFFF  }
0xc2: {  	(tm) =	ssettm $0x7FFFFFFF  }
0xc3: {  	_ =	shalt  }
tec
execute0_lowered:
.L_overlay_start_1:
0x0: {  	(tag) =	ssettag $0x1  }
0x1: {  	s7 =	rddreg [dreg:$0x0]  }
0x2: {  	s1 =	rddreg [dreg:$0x1];
	s2 =	simm.s32 $0x0  }
0x3: {  	s3 =	stileid.u32;
	s8 =	srdreg.scid;
	s20 =	simm.s32 $0x3  }
0x4: {  	s21 =	simm.s32 $0x1400;
	s22 =	simm.s32 $0x80;
	s23 =	simm.s32 $0x6800  }
0x5: {  	s24 =	simm.s32 $0x1;
	s25 =	simm.s32 $0x2;
	s26 =	simm.s32 $0x2700  }
0x6: {  	s28 =	simm.s32 $0x2780;
	s29 =	simm.s32 $0x0;
	[smem:$0x7FF] =	sst s2  }
0x7: {  	s16 =	sadd.s32 $0x2E00, s7;
	s17 =	sadd.s32 $0x7E00, s7;
	s4 =	sadd.s32 $0xCE00, s7  }
0x8: {  	s9 =	smul.u32 $0x50000, s3;
	s5 =	sadd.s32 $0x34E00, s7;
	s6 =	sadd.s32 $0x84E00, s7  }
0x9: {  	s10 =	sand.u32 $0x1, s8;
	s7 =	sadd.s32 $0xACE00, s7;
	s15 =	smul.u32 $0x500, s3  }
0xa: {  	_ =	strace $0x8000004A;
	s11 =	ssub.s32 $0x2, s10;
	p0 =	seq.s32 s10, $0x1  }
0xb: {  	s31 =	sshrl.u32 s9, $0x2;
	s12 =	sshrl.u32 s11, $0x1;
	s9 =	smul.u32 $0x2800, s3  }
.Ltmp0:
0xc: {  	s8 =	sadd.s32 s31, s1;
	s18 =	ssub.s32 s11, s12;
	(pc) =	sbr.rel .LBB2_1-.Ltmp0, $4  }
0xd: {  	s10 =	sadd.s32 $0x4000, s8;
	s11 =	sadd.s32 $0x8000, s8;
	s14 =	sshrl.u32 s9, $0x3  }
0xe: {  	s12 =	sadd.s32 $0xC000, s8;
	s13 =	sadd.s32 $0x10000, s8;
	s18 =	smax.u32 s18, $0x1  }
0xf: {  	s19 =	sadd.s32 $0x280, s14;
	s14 =	sadd.s32 s16, s15;
	s15 =	sadd.s32 s17, s15  }
0x10: {  	v0 =	vimm.f32 $0.0e+00;
	s16 =	sadd.s32 s16, s19;
	s17 =	sadd.s32 s17, s19;
	s19 =	simm.s32 $0x2800  }
.LBB2_13:
0x11: {  	[tilespmem:s23], [sflag:$0x2] =	stream.indirect.gather [hbm4b:s5+s22], $0x80, s31, s22, $0xb8;
	[tilespmem:$0x1E800] =	vst v63  }
0x12: {  	_ =	swait.ge [sflag:s24], $0x4000  }
0x13: {  	[sflag:s24] =	ssyncset.done $0x0  }
0x14: {  	[sflag:s24] =	ssyncadd.s32 $0xFFFFC000  }
0x15: {  	[spmem:s1] =	stream.indirect.scatter.add.f32 [tilespmem:s19], [sflag:$0x3], $0x80, s26, s22, $0xb8;
	[tilespmem:$0x1E800] =	vst v63  }
0x16: {  	_ =	swait.ge [sflag:s20], $0x4000  }
0x17: {  	[sflag:s20] =	ssyncset.done $0x0  }
0x18: {  	[sflag:s20] =	ssyncadd.s32 $0xFFFFC000  }
0x19: {  	_ =	swait.ge [sflag:s25], $0x4000  }
0x1a: {  	[sflag:s25] =	ssyncset.done $0x0  }
0x1b: {  	s30 =	smov.u32 s7;
	[sflag:s25] =	ssyncadd.s32 $0xFFFFC000  }
0x1c: {  	[spmem:s1] =	stream.indirect.scatter.add.f32 [tilespmem:s23], [sflag:$0x3], $0x80, s28, s22, $0xb8;
	[tilespmem:$0x1E800] =	vst v63  }
.LBB2_14:
0x1d: {  	_ =	swait.ge [sflag:s20], $0x4000;
	s0 =	sadd.s32 s30, s9  }
0x1e: {  	s31 =	sshll.u32 s3, $0x6;
	s29 =	sadd.s32 $0x1, s29;
	[sflag:s20] =	ssyncset.done $0x0  }
0x1f: {  	s30 =	sor.u32 $0x1C03, s31;
	p1 =	sne.s32 s29, s18;
	[sflag:s20] =	ssyncadd.s32 $0xFFFFC000  }
.Ltmp1:
0x20: {  	s31 =	sshrl.u32 s8, $0x3;
	[bflag:$0x0] =	sbarrier.arrive $0xFFFF;
	(pc) =	sbr.rel @!p1 .LBB2_15-.Ltmp1, $4  }
0x21: {  	[hbm:s0], [sflag:s30] =	dma.local [spmem:s31], $0x2800  }
0x22: {  	_ =	swait.ge [sflag:s20], $0x2800  }
0x23: {  	[sflag:s20] =	ssyncset.done $0x0  }
0x24: {  	[sflag:s20] =	ssyncadd.s32 $0xFFFFD800  }
.LBB2_1:
.Ltmp2:
0x25: {  	(pc) =	sbr.rel @!p0 .LBB2_2-.Ltmp2, $2  }
0x26: {  	_ =	sdelay $0x2  }
0x27: {  	s30 =	sshra.s32 s2, $0x2;
	s31 =	sadd.s32 $0x200, s2  }
.LBB2_8:
0x28: {  	p1 =	sne.s32 s31, $0xFE00;
	[tilespmem:s30+$0x2870] =	vst v0  }
0x29: {  	[tilespmem:s30+$0x2800] =	vst v0  }
0x2a: {  	[tilespmem:s30+$0x2810] =	vst v0  }
.Ltmp3:
0x2b: {  	[tilespmem:s30+$0x2820] =	vst v0;
	(pc) =	sbr.rel @p1 .LBB2_8-.Ltmp3, $4  }
0x2c: {  	[tilespmem:s30+$0x2830] =	vst v0  }
0x2d: {  	[tilespmem:s30+$0x2840] =	vst v0  }
0x2e: {  	[tilespmem:s30+$0x2850] =	vst v0  }
0x2f: {  	[tilespmem:s30+$0x2860] =	vst v0;
	s30 =	sshra.s32 s31, $0x2;
	s31 =	sadd.s32 $0x200, s31  }
0x30: {  	[tilespmem:s30+$0x2870] =	vst v0  }
0x31: {  	[tilespmem:s30+$0x2800] =	vst v0  }
0x32: {  	[tilespmem:s30+$0x2810] =	vst v0  }
0x33: {  	[tilespmem:s30+$0x2820] =	vst v0  }
0x34: {  	[tilespmem:s30+$0x2830] =	vst v0  }
0x35: {  	[tilespmem:s30+$0x2840] =	vst v0  }
0x36: {  	[tilespmem:s30+$0x2850] =	vst v0  }
0x37: {  	[tilespmem:s30+$0x2860] =	vst v0  }
0x38: {  	[spmem:s8] =	stream.linear.scatter [tilespmem:s19], [sflag:$0x3], $0x4000, $0x38;
	[tilespmem:$0x1E800] =	vst v63  }
0x39: {  	_ =	swait.ge [sflag:s20], $0x4000  }
0x3a: {  	[sflag:s20] =	ssyncset.done $0x0  }
0x3b: {  	[sflag:s20] =	ssyncadd.s32 $0xFFFFC000  }
0x3c: {  	[spmem:s10] =	stream.linear.scatter [tilespmem:s19], [sflag:$0x3], $0x4000, $0x38;
	[tilespmem:$0x1E800] =	vst v63  }
0x3d: {  	_ =	swait.ge [sflag:s20], $0x4000  }
0x3e: {  	[sflag:s20] =	ssyncset.done $0x0  }
0x3f: {  	[sflag:s20] =	ssyncadd.s32 $0xFFFFC000  }
0x40: {  	[spmem:s11] =	stream.linear.scatter [tilespmem:s19], [sflag:$0x3], $0x4000, $0x38;
	[tilespmem:$0x1E800] =	vst v63  }
0x41: {  	_ =	swait.ge [sflag:s20], $0x4000  }
0x42: {  	[sflag:s20] =	ssyncset.done $0x0  }
0x43: {  	[sflag:s20] =	ssyncadd.s32 $0xFFFFC000  }
0x44: {  	[spmem:s12] =	stream.linear.scatter [tilespmem:s19], [sflag:$0x3], $0x4000, $0x38;
	[tilespmem:$0x1E800] =	vst v63  }
0x45: {  	_ =	swait.ge [sflag:s20], $0x4000  }
0x46: {  	[sflag:s20] =	ssyncset.done $0x0  }
0x47: {  	[sflag:s20] =	ssyncadd.s32 $0xFFFFC000  }
0x48: {  	[spmem:s13] =	stream.linear.scatter [tilespmem:s19], [sflag:$0x3], $0x4000, $0x38;
	[tilespmem:$0x1E800] =	vst v63  }
0x49: {  	_ =	swait.ge [sflag:s20], $0x4000  }
0x4a: {  	[sflag:s20] =	ssyncset.done $0x0  }
0x4b: {  	[sflag:s20] =	ssyncadd.s32 $0xFFFFC000  }
0x4c: {  	s0 =	simm.s32 $0x0;
	[bflag:$0x0] =	sbarrier.arrive $0xFFFF  }
0x4d: {  	[tilespmem:s0], [sflag:$0x3] =	stream.linear.gather [hbm4b:s14+s0], $0x1400, $0x38;
	[tilespmem:$0x1E800] =	vst v63  }
0x4e: {  	_ =	swait.ge [sflag:s20], $0x1400  }
0x4f: {  	[sflag:s20] =	ssyncset.done $0x0  }
0x50: {  	[sflag:s20] =	ssyncadd.s32 $0xFFFFEC00  }
0x51: {  	[tilespmem:s21], [sflag:$0x3] =	stream.linear.gather [hbm4b:s15+s0], $0x1400, $0x38;
	[tilespmem:$0x1E800] =	vst v63  }
0x52: {  	_ =	swait.ge [sflag:s20], $0x1400  }
0x53: {  	[sflag:s20] =	ssyncset.done $0x0  }
0x54: {  	[sflag:s20] =	ssyncadd.s32 $0xFFFFEC00  }
0x55: {  	[tilespmem:s19], [sflag:$0x1] =	stream.indirect.gather [hbm4b:s5+s22], $0x80, s0, s22, $0xb8;
	[tilespmem:$0x1E800] =	vst v63  }
0x56: {  	_ = 	snop  }
0x57: {  	[tilespmem:s23], [sflag:$0x2] =	stream.indirect.gather [hbm4b:s5+s22], $0x80, s22, s22, $0xb8;
	[tilespmem:$0x1E800] =	vst v63  }
0x58: {  	_ =	swait.ge [sflag:s24], $0x4000  }
0x59: {  	[sflag:s24] =	ssyncset.done $0x0  }
0x5a: {  	s0 =	simm.s32 $0x1400;
	[sflag:s24] =	ssyncadd.s32 $0xFFFFC000  }
0x5b: {  	[spmem:s1] =	stream.indirect.scatter.add.f32 [tilespmem:s19], [sflag:$0x3], $0x80, s0, s22, $0xb8;
	[tilespmem:$0x1E800] =	vst v63  }
0x5c: {  	_ =	swait.ge [sflag:s20], $0x4000  }
0x5d: {  	[sflag:s20] =	ssyncset.done $0x0  }
0x5e: {  	s0 =	simm.s32 $0x100;
	[sflag:s20] =	ssyncadd.s32 $0xFFFFC000  }
0x5f: {  	[tilespmem:s19], [sflag:$0x1] =	stream.indirect.gather [hbm4b:s5+s22], $0x80, s0, s22, $0xb8;
	[tilespmem:$0x1E800] =	vst v63  }
0x60: {  	_ =	swait.ge [sflag:s25], $0x4000  }
0x61: {  	[sflag:s25] =	ssyncset.done $0x0  }
0x62: {  	s0 =	simm.s32 $0x1480;
	[sflag:s25] =	ssyncadd.s32 $0xFFFFC000  }
0x63: {  	[spmem:s1] =	stream.indirect.scatter.add.f32 [tilespmem:s23], [sflag:$0x3], $0x80, s0, s22, $0xb8;
	[tilespmem:$0x1E800] =	vst v63  }
0x64: {  	_ =	swait.ge [sflag:s20], $0x4000  }
0x65: {  	[sflag:s20] =	ssyncset.done $0x0  }
0x66: {  	s30 =	simm.s32 $0x400;
	s31 =	simm.s32 $0x180;
	[sflag:s20] =	ssyncadd.s32 $0xFFFFC000  }
.LBB2_10:
0x67: {  	[tilespmem:s23], [sflag:$0x2] =	stream.indirect.gather [hbm4b:s5+s22], $0x80, s31, s22, $0xb8;
	[tilespmem:$0x1E800] =	vst v63  }
0x68: {  	s0 =	smov.u32 s30  }
0x69: {  	p1 =	sne.s32 s30, $0x4800;
	s30 =	sadd.s32 $0x400, s30;
	_ =	swait.ge [sflag:s24], $0x4000  }
0x6a: {  	s0 =	sshra.s32 s0, $0x2;
	[sflag:s24] =	ssyncset.done $0x0  }
0x6b: {  	s31 =	sadd.s32 $0x1400, s0;
	[sflag:s24] =	ssyncadd.s32 $0xFFFFC000  }
0x6c: {  	[spmem:s1] =	stream.indirect.scatter.add.f32 [tilespmem:s19], [sflag:$0x3], $0x80, s31, s22, $0xb8;
	[tilespmem:$0x1E800] =	vst v63  }
0x6d: {  	_ =	swait.ge [sflag:s20], $0x4000  }
0x6e: {  	[sflag:s20] =	ssyncset.done $0x0  }
0x6f: {  	s31 =	sadd.s32 $0x100, s0;
	[sflag:s20] =	ssyncadd.s32 $0xFFFFC000  }
0x70: {  	[tilespmem:s19], [sflag:$0x1] =	stream.indirect.gather [hbm4b:s5+s22], $0x80, s31, s22, $0xb8;
	[tilespmem:$0x1E800] =	vst v63  }
0x71: {  	_ =	swait.ge [sflag:s25], $0x4000  }
0x72: {  	[sflag:s25] =	ssyncset.done $0x0  }
.Ltmp4:
0x73: {  	s31 =	sadd.s32 $0x1480, s0;
	[sflag:s25] =	ssyncadd.s32 $0xFFFFC000;
	(pc) =	sbr.rel @p1 .LBB2_10-.Ltmp4, $4  }
0x74: {  	[spmem:s1] =	stream.indirect.scatter.add.f32 [tilespmem:s23], [sflag:$0x3], $0x80, s31, s22, $0xb8;
	[tilespmem:$0x1E800] =	vst v63  }
0x75: {  	_ =	swait.ge [sflag:s20], $0x4000  }
0x76: {  	[sflag:s20] =	ssyncset.done $0x0  }
0x77: {  	s31 =	sadd.s32 $0x180, s0;
	[sflag:s20] =	ssyncadd.s32 $0xFFFFC000  }
0x78: {  	[tilespmem:s23], [sflag:$0x2] =	stream.indirect.gather [hbm4b:s5+s22], $0x80, s31, s22, $0xb8;
	[tilespmem:$0x1E800] =	vst v63  }
0x79: {  	_ =	swait.ge [sflag:s24], $0x4000  }
0x7a: {  	[sflag:s24] =	ssyncset.done $0x0  }
0x7b: {  	[sflag:s24] =	ssyncadd.s32 $0xFFFFC000  }
0x7c: {  	[spmem:s1] =	stream.indirect.scatter.add.f32 [tilespmem:s19], [sflag:$0x3], $0x80, s26, s22, $0xb8;
	[tilespmem:$0x1E800] =	vst v63  }
0x7d: {  	_ =	swait.ge [sflag:s20], $0x4000  }
0x7e: {  	[sflag:s20] =	ssyncset.done $0x0  }
0x7f: {  	[sflag:s20] =	ssyncadd.s32 $0xFFFFC000  }
0x80: {  	_ =	swait.ge [sflag:s25], $0x4000  }
0x81: {  	[sflag:s25] =	ssyncset.done $0x0  }
0x82: {  	[sflag:s25] =	ssyncadd.s32 $0xFFFFC000  }
0x83: {  	[spmem:s1] =	stream.indirect.scatter.add.f32 [tilespmem:s23], [sflag:$0x3], $0x80, s28, s22, $0xb8;
	[tilespmem:$0x1E800] =	vst v63  }
0x84: {  	_ =	swait.ge [sflag:s20], $0x4000  }
0x85: {  	[sflag:s20] =	ssyncset.done $0x0  }
0x86: {  	s0 =	simm.s32 $0x0;
	[sflag:s20] =	ssyncadd.s32 $0xFFFFC000  }
0x87: {  	[tilespmem:s0], [sflag:$0x3] =	stream.linear.gather [hbm4b:s16+s0], $0x1400, $0x38;
	[tilespmem:$0x1E800] =	vst v63  }
0x88: {  	_ =	swait.ge [sflag:s20], $0x1400  }
0x89: {  	[sflag:s20] =	ssyncset.done $0x0  }
0x8a: {  	[sflag:s20] =	ssyncadd.s32 $0xFFFFEC00  }
0x8b: {  	[tilespmem:s21], [sflag:$0x3] =	stream.linear.gather [hbm4b:s17+s0], $0x1400, $0x38;
	[tilespmem:$0x1E800] =	vst v63  }
0x8c: {  	_ =	swait.ge [sflag:s20], $0x1400  }
0x8d: {  	[sflag:s20] =	ssyncset.done $0x0  }
0x8e: {  	[sflag:s20] =	ssyncadd.s32 $0xFFFFEC00  }
0x8f: {  	[tilespmem:s19], [sflag:$0x1] =	stream.indirect.gather [hbm4b:s5+s22], $0x80, s0, s22, $0xb8;
	[tilespmem:$0x1E800] =	vst v63  }
0x90: {  	_ = 	snop  }
0x91: {  	[tilespmem:s23], [sflag:$0x2] =	stream.indirect.gather [hbm4b:s5+s22], $0x80, s22, s22, $0xb8;
	[tilespmem:$0x1E800] =	vst v63  }
0x92: {  	_ =	swait.ge [sflag:s24], $0x4000  }
0x93: {  	[sflag:s24] =	ssyncset.done $0x0  }
0x94: {  	s0 =	simm.s32 $0x1400;
	[sflag:s24] =	ssyncadd.s32 $0xFFFFC000  }
0x95: {  	[spmem:s1] =	stream.indirect.scatter.add.f32 [tilespmem:s19], [sflag:$0x3], $0x80, s0, s22, $0xb8;
	[tilespmem:$0x1E800] =	vst v63  }
0x96: {  	_ =	swait.ge [sflag:s20], $0x4000  }
0x97: {  	[sflag:s20] =	ssyncset.done $0x0  }
0x98: {  	s0 =	simm.s32 $0x100;
	[sflag:s20] =	ssyncadd.s32 $0xFFFFC000  }
0x99: {  	[tilespmem:s19], [sflag:$0x1] =	stream.indirect.gather [hbm4b:s5+s22], $0x80, s0, s22, $0xb8;
	[tilespmem:$0x1E800] =	vst v63  }
0x9a: {  	_ =	swait.ge [sflag:s25], $0x4000  }
0x9b: {  	[sflag:s25] =	ssyncset.done $0x0  }
0x9c: {  	s0 =	simm.s32 $0x1480;
	[sflag:s25] =	ssyncadd.s32 $0xFFFFC000  }
0x9d: {  	[spmem:s1] =	stream.indirect.scatter.add.f32 [tilespmem:s23], [sflag:$0x3], $0x80, s0, s22, $0xb8;
	[tilespmem:$0x1E800] =	vst v63  }
0x9e: {  	_ =	swait.ge [sflag:s20], $0x4000  }
0x9f: {  	[sflag:s20] =	ssyncset.done $0x0  }
0xa0: {  	s30 =	simm.s32 $0x400;
	s31 =	simm.s32 $0x180;
	[sflag:s20] =	ssyncadd.s32 $0xFFFFC000  }
.LBB2_12:
0xa1: {  	[tilespmem:s23], [sflag:$0x2] =	stream.indirect.gather [hbm4b:s5+s22], $0x80, s31, s22, $0xb8;
	[tilespmem:$0x1E800] =	vst v63  }
0xa2: {  	s0 =	smov.u32 s30  }
0xa3: {  	p1 =	sne.s32 s30, $0x4800;
	s30 =	sadd.s32 $0x400, s30;
	_ =	swait.ge [sflag:s24], $0x4000  }
0xa4: {  	s0 =	sshra.s32 s0, $0x2;
	[sflag:s24] =	ssyncset.done $0x0  }
0xa5: {  	s31 =	sadd.s32 $0x1400, s0;
	[sflag:s24] =	ssyncadd.s32 $0xFFFFC000  }
0xa6: {  	[spmem:s1] =	stream.indirect.scatter.add.f32 [tilespmem:s19], [sflag:$0x3], $0x80, s31, s22, $0xb8;
	[tilespmem:$0x1E800] =	vst v63  }
0xa7: {  	_ =	swait.ge [sflag:s20], $0x4000  }
0xa8: {  	[sflag:s20] =	ssyncset.done $0x0  }
0xa9: {  	s31 =	sadd.s32 $0x100, s0;
	[sflag:s20] =	ssyncadd.s32 $0xFFFFC000  }
0xaa: {  	[tilespmem:s19], [sflag:$0x1] =	stream.indirect.gather [hbm4b:s5+s22], $0x80, s31, s22, $0xb8;
	[tilespmem:$0x1E800] =	vst v63  }
0xab: {  	_ =	swait.ge [sflag:s25], $0x4000  }
0xac: {  	[sflag:s25] =	ssyncset.done $0x0  }
.Ltmp5:
0xad: {  	s31 =	sadd.s32 $0x1480, s0;
	[sflag:s25] =	ssyncadd.s32 $0xFFFFC000;
	(pc) =	sbr.rel @p1 .LBB2_12-.Ltmp5, $4  }
0xae: {  	[spmem:s1] =	stream.indirect.scatter.add.f32 [tilespmem:s23], [sflag:$0x3], $0x80, s31, s22, $0xb8;
	[tilespmem:$0x1E800] =	vst v63  }
0xaf: {  	_ =	swait.ge [sflag:s20], $0x4000  }
0xb0: {  	[sflag:s20] =	ssyncset.done $0x0  }
0xb1: {  	s31 =	sadd.s32 $0x180, s0;
	[sflag:s20] =	ssyncadd.s32 $0xFFFFC000  }
.Ltmp6:
0xb2: {  	_ = 	snop;
	(pc) =	sbr.rel .LBB2_13-.Ltmp6, $1  }
0xb3: {  	_ =	sdelay $0x3  }
.LBB2_2:
0xb4: {  	p1 =	sne.s32 s31, $0xFE00;
	[tilespmem:s30+$0x2870] =	vst v0  }
0xb5: {  	[tilespmem:s30+$0x2800] =	vst v0  }
0xb6: {  	[tilespmem:s30+$0x2810] =	vst v0  }
.Ltmp7:
0xb7: {  	[tilespmem:s30+$0x2820] =	vst v0;
	(pc) =	sbr.rel @p1 .LBB2_2-.Ltmp7, $4  }
0xb8: {  	[tilespmem:s30+$0x2830] =	vst v0  }
0xb9: {  	[tilespmem:s30+$0x2840] =	vst v0  }
0xba: {  	[tilespmem:s30+$0x2850] =	vst v0  }
0xbb: {  	[tilespmem:s30+$0x2860] =	vst v0;
	s30 =	sshra.s32 s31, $0x2;
	s31 =	sadd.s32 $0x200, s31  }
0xbc: {  	[tilespmem:s30+$0x2870] =	vst v0  }
0xbd: {  	[tilespmem:s30+$0x2800] =	vst v0  }
0xbe: {  	[tilespmem:s30+$0x2810] =	vst v0  }
0xbf: {  	[tilespmem:s30+$0x2820] =	vst v0  }
0xc0: {  	[tilespmem:s30+$0x2830] =	vst v0  }
0xc1: {  	[tilespmem:s30+$0x2840] =	vst v0  }
0xc2: {  	[tilespmem:s30+$0x2850] =	vst v0  }
0xc3: {  	[tilespmem:s30+$0x2860] =	vst v0  }
0xc4: {  	[spmem:s8] =	stream.linear.scatter [tilespmem:s19], [sflag:$0x3], $0x4000, $0x38;
	[tilespmem:$0x1E800] =	vst v63  }
0xc5: {  	_ =	swait.ge [sflag:s20], $0x4000  }
0xc6: {  	[sflag:s20] =	ssyncset.done $0x0  }
0xc7: {  	[sflag:s20] =	ssyncadd.s32 $0xFFFFC000  }
0xc8: {  	[spmem:s10] =	stream.linear.scatter [tilespmem:s19], [sflag:$0x3], $0x4000, $0x38;
	[tilespmem:$0x1E800] =	vst v63  }
0xc9: {  	_ =	swait.ge [sflag:s20], $0x4000  }
0xca: {  	[sflag:s20] =	ssyncset.done $0x0  }
0xcb: {  	[sflag:s20] =	ssyncadd.s32 $0xFFFFC000  }
0xcc: {  	[spmem:s11] =	stream.linear.scatter [tilespmem:s19], [sflag:$0x3], $0x4000, $0x38;
	[tilespmem:$0x1E800] =	vst v63  }
0xcd: {  	_ =	swait.ge [sflag:s20], $0x4000  }
0xce: {  	[sflag:s20] =	ssyncset.done $0x0  }
0xcf: {  	[sflag:s20] =	ssyncadd.s32 $0xFFFFC000  }
0xd0: {  	[spmem:s12] =	stream.linear.scatter [tilespmem:s19], [sflag:$0x3], $0x4000, $0x38;
	[tilespmem:$0x1E800] =	vst v63  }
0xd1: {  	_ =	swait.ge [sflag:s20], $0x4000  }
0xd2: {  	[sflag:s20] =	ssyncset.done $0x0  }
0xd3: {  	[sflag:s20] =	ssyncadd.s32 $0xFFFFC000  }
0xd4: {  	[spmem:s13] =	stream.linear.scatter [tilespmem:s19], [sflag:$0x3], $0x4000, $0x38;
	[tilespmem:$0x1E800] =	vst v63  }
0xd5: {  	_ =	swait.ge [sflag:s20], $0x4000  }
0xd6: {  	[sflag:s20] =	ssyncset.done $0x0  }
0xd7: {  	[sflag:s20] =	ssyncadd.s32 $0xFFFFC000  }
0xd8: {  	s30 =	simm.s32 $0x0;
	[bflag:$0x0] =	sbarrier.arrive $0xFFFF  }
0xd9: {  	[tilespmem:s30], [sflag:$0x3] =	stream.linear.gather [hbm4b:s14+s30], $0x1400, $0x38;
	[tilespmem:$0x1E800] =	vst v63  }
0xda: {  	_ =	swait.ge [sflag:s20], $0x1400  }
0xdb: {  	[sflag:s20] =	ssyncset.done $0x0  }
0xdc: {  	[sflag:s20] =	ssyncadd.s32 $0xFFFFEC00  }
0xdd: {  	[tilespmem:s21], [sflag:$0x3] =	stream.linear.gather [hbm4b:s15+s30], $0x1400, $0x38;
	[tilespmem:$0x1E800] =	vst v63  }
0xde: {  	_ =	swait.ge [sflag:s20], $0x1400  }
0xdf: {  	[sflag:s20] =	ssyncset.done $0x0  }
0xe0: {  	[sflag:s20] =	ssyncadd.s32 $0xFFFFEC00  }
0xe1: {  	[tilespmem:s19], [sflag:$0x1] =	stream.indirect.gather [hbm4b:s4+s22], $0x80, s30, s22, $0xb8;
	[tilespmem:$0x1E800] =	vst v63  }
0xe2: {  	_ = 	snop  }
0xe3: {  	[tilespmem:s23], [sflag:$0x2] =	stream.indirect.gather [hbm4b:s4+s22], $0x80, s22, s22, $0xb8;
	[tilespmem:$0x1E800] =	vst v63  }
0xe4: {  	_ =	swait.ge [sflag:s24], $0x4000  }
0xe5: {  	[sflag:s24] =	ssyncset.done $0x0  }
0xe6: {  	s30 =	simm.s32 $0x1400;
	[sflag:s24] =	ssyncadd.s32 $0xFFFFC000  }
0xe7: {  	[spmem:s1] =	stream.indirect.scatter.add.f32 [tilespmem:s19], [sflag:$0x3], $0x80, s30, s22, $0xb8;
	[tilespmem:$0x1E800] =	vst v63  }
0xe8: {  	_ =	swait.ge [sflag:s20], $0x4000  }
0xe9: {  	[sflag:s20] =	ssyncset.done $0x0  }
0xea: {  	s30 =	simm.s32 $0x100;
	[sflag:s20] =	ssyncadd.s32 $0xFFFFC000  }
0xeb: {  	[tilespmem:s19], [sflag:$0x1] =	stream.indirect.gather [hbm4b:s4+s22], $0x80, s30, s22, $0xb8;
	[tilespmem:$0x1E800] =	vst v63  }
0xec: {  	_ =	swait.ge [sflag:s25], $0x4000  }
0xed: {  	[sflag:s25] =	ssyncset.done $0x0  }
0xee: {  	s30 =	simm.s32 $0x1480;
	[sflag:s25] =	ssyncadd.s32 $0xFFFFC000  }
0xef: {  	[spmem:s1] =	stream.indirect.scatter.add.f32 [tilespmem:s23], [sflag:$0x3], $0x80, s30, s22, $0xb8;
	[tilespmem:$0x1E800] =	vst v63  }
0xf0: {  	_ =	swait.ge [sflag:s20], $0x4000  }
0xf1: {  	[sflag:s20] =	ssyncset.done $0x0  }
0xf2: {  	s31 =	simm.s32 $0x180;
	s30 =	simm.s32 $0x400;
	[sflag:s20] =	ssyncadd.s32 $0xFFFFC000  }
.LBB2_4:
0xf3: {  	[tilespmem:s23], [sflag:$0x2] =	stream.indirect.gather [hbm4b:s4+s22], $0x80, s31, s22, $0xb8;
	[tilespmem:$0x1E800] =	vst v63  }
0xf4: {  	s31 =	smov.u32 s30  }
0xf5: {  	p1 =	sne.s32 s30, $0x4800;
	s30 =	sadd.s32 $0x400, s30;
	_ =	swait.ge [sflag:s24], $0x4000  }
0xf6: {  	s31 =	sshra.s32 s31, $0x2;
	[sflag:s24] =	ssyncset.done $0x0  }
0xf7: {  	s0 =	sadd.s32 $0x1400, s31;
	[sflag:s24] =	ssyncadd.s32 $0xFFFFC000  }
0xf8: {  	[spmem:s1] =	stream.indirect.scatter.add.f32 [tilespmem:s19], [sflag:$0x3], $0x80, s0, s22, $0xb8;
	[tilespmem:$0x1E800] =	vst v63  }
0xf9: {  	_ =	swait.ge [sflag:s20], $0x4000  }
0xfa: {  	[sflag:s20] =	ssyncset.done $0x0  }
0xfb: {  	s0 =	sadd.s32 $0x100, s31;
	[sflag:s20] =	ssyncadd.s32 $0xFFFFC000  }
0xfc: {  	[tilespmem:s19], [sflag:$0x1] =	stream.indirect.gather [hbm4b:s4+s22], $0x80, s0, s22, $0xb8;
	[tilespmem:$0x1E800] =	vst v63  }
0xfd: {  	_ =	swait.ge [sflag:s25], $0x4000  }
0xfe: {  	[sflag:s25] =	ssyncset.done $0x0  }
.Ltmp8:
0xff: {  	s0 =	sadd.s32 $0x1480, s31;
	[sflag:s25] =	ssyncadd.s32 $0xFFFFC000;
	(pc) =	sbr.rel @p1 .LBB2_4-.Ltmp8, $4  }
0x100: {  	[spmem:s1] =	stream.indirect.scatter.add.f32 [tilespmem:s23], [sflag:$0x3], $0x80, s0, s22, $0xb8;
	[tilespmem:$0x1E800] =	vst v63  }
0x101: {  	_ =	swait.ge [sflag:s20], $0x4000  }
0x102: {  	[sflag:s20] =	ssyncset.done $0x0  }
0x103: {  	s31 =	sadd.s32 $0x180, s31;
	[sflag:s20] =	ssyncadd.s32 $0xFFFFC000  }
0x104: {  	[tilespmem:s23], [sflag:$0x2] =	stream.indirect.gather [hbm4b:s4+s22], $0x80, s31, s22, $0xb8;
	[tilespmem:$0x1E800] =	vst v63  }
0x105: {  	_ =	swait.ge [sflag:s24], $0x4000  }
0x106: {  	[sflag:s24] =	ssyncset.done $0x0  }
0x107: {  	[sflag:s24] =	ssyncadd.s32 $0xFFFFC000  }
0x108: {  	[spmem:s1] =	stream.indirect.scatter.add.f32 [tilespmem:s19], [sflag:$0x3], $0x80, s26, s22, $0xb8;
	[tilespmem:$0x1E800] =	vst v63  }
0x109: {  	_ =	swait.ge [sflag:s20], $0x4000  }
0x10a: {  	[sflag:s20] =	ssyncset.done $0x0  }
0x10b: {  	[sflag:s20] =	ssyncadd.s32 $0xFFFFC000  }
0x10c: {  	_ =	swait.ge [sflag:s25], $0x4000  }
0x10d: {  	[sflag:s25] =	ssyncset.done $0x0  }
0x10e: {  	[sflag:s25] =	ssyncadd.s32 $0xFFFFC000  }
0x10f: {  	[spmem:s1] =	stream.indirect.scatter.add.f32 [tilespmem:s23], [sflag:$0x3], $0x80, s28, s22, $0xb8;
	[tilespmem:$0x1E800] =	vst v63  }
0x110: {  	_ =	swait.ge [sflag:s20], $0x4000  }
0x111: {  	[sflag:s20] =	ssyncset.done $0x0  }
0x112: {  	s0 =	simm.s32 $0x0;
	[sflag:s20] =	ssyncadd.s32 $0xFFFFC000  }
0x113: {  	[tilespmem:s0], [sflag:$0x3] =	stream.linear.gather [hbm4b:s16+s0], $0x1400, $0x38;
	[tilespmem:$0x1E800] =	vst v63  }
0x114: {  	_ =	swait.ge [sflag:s20], $0x1400  }
0x115: {  	[sflag:s20] =	ssyncset.done $0x0  }
0x116: {  	[sflag:s20] =	ssyncadd.s32 $0xFFFFEC00  }
0x117: {  	[tilespmem:s21], [sflag:$0x3] =	stream.linear.gather [hbm4b:s17+s0], $0x1400, $0x38;
	[tilespmem:$0x1E800] =	vst v63  }
0x118: {  	_ =	swait.ge [sflag:s20], $0x1400  }
0x119: {  	[sflag:s20] =	ssyncset.done $0x0  }
0x11a: {  	[sflag:s20] =	ssyncadd.s32 $0xFFFFEC00  }
0x11b: {  	[tilespmem:s19], [sflag:$0x1] =	stream.indirect.gather [hbm4b:s4+s22], $0x80, s0, s22, $0xb8;
	[tilespmem:$0x1E800] =	vst v63  }
0x11c: {  	_ = 	snop  }
0x11d: {  	[tilespmem:s23], [sflag:$0x2] =	stream.indirect.gather [hbm4b:s4+s22], $0x80, s22, s22, $0xb8;
	[tilespmem:$0x1E800] =	vst v63  }
0x11e: {  	_ =	swait.ge [sflag:s24], $0x4000  }
0x11f: {  	[sflag:s24] =	ssyncset.done $0x0  }
0x120: {  	s0 =	simm.s32 $0x1400;
	[sflag:s24] =	ssyncadd.s32 $0xFFFFC000  }
0x121: {  	[spmem:s1] =	stream.indirect.scatter.add.f32 [tilespmem:s19], [sflag:$0x3], $0x80, s0, s22, $0xb8;
	[tilespmem:$0x1E800] =	vst v63  }
0x122: {  	_ =	swait.ge [sflag:s20], $0x4000  }
0x123: {  	[sflag:s20] =	ssyncset.done $0x0  }
0x124: {  	s0 =	simm.s32 $0x100;
	[sflag:s20] =	ssyncadd.s32 $0xFFFFC000  }
0x125: {  	[tilespmem:s19], [sflag:$0x1] =	stream.indirect.gather [hbm4b:s4+s22], $0x80, s0, s22, $0xb8;
	[tilespmem:$0x1E800] =	vst v63  }
0x126: {  	_ =	swait.ge [sflag:s25], $0x4000  }
0x127: {  	[sflag:s25] =	ssyncset.done $0x0  }
0x128: {  	s0 =	simm.s32 $0x1480;
	[sflag:s25] =	ssyncadd.s32 $0xFFFFC000  }
0x129: {  	[spmem:s1] =	stream.indirect.scatter.add.f32 [tilespmem:s23], [sflag:$0x3], $0x80, s0, s22, $0xb8;
	[tilespmem:$0x1E800] =	vst v63  }
0x12a: {  	_ =	swait.ge [sflag:s20], $0x4000  }
0x12b: {  	[sflag:s20] =	ssyncset.done $0x0  }
0x12c: {  	s30 =	simm.s32 $0x400;
	s31 =	simm.s32 $0x180;
	[sflag:s20] =	ssyncadd.s32 $0xFFFFC000  }
.LBB2_6:
0x12d: {  	[tilespmem:s23], [sflag:$0x2] =	stream.indirect.gather [hbm4b:s4+s22], $0x80, s31, s22, $0xb8;
	[tilespmem:$0x1E800] =	vst v63  }
0x12e: {  	s0 =	smov.u32 s30  }
0x12f: {  	p1 =	sne.s32 s30, $0x4800;
	s30 =	sadd.s32 $0x400, s30;
	_ =	swait.ge [sflag:s24], $0x4000  }
0x130: {  	s0 =	sshra.s32 s0, $0x2;
	[sflag:s24] =	ssyncset.done $0x0  }
0x131: {  	s31 =	sadd.s32 $0x1400, s0;
	[sflag:s24] =	ssyncadd.s32 $0xFFFFC000  }
0x132: {  	[spmem:s1] =	stream.indirect.scatter.add.f32 [tilespmem:s19], [sflag:$0x3], $0x80, s31, s22, $0xb8;
	[tilespmem:$0x1E800] =	vst v63  }
0x133: {  	_ =	swait.ge [sflag:s20], $0x4000  }
0x134: {  	[sflag:s20] =	ssyncset.done $0x0  }
0x135: {  	s31 =	sadd.s32 $0x100, s0;
	[sflag:s20] =	ssyncadd.s32 $0xFFFFC000  }
0x136: {  	[tilespmem:s19], [sflag:$0x1] =	stream.indirect.gather [hbm4b:s4+s22], $0x80, s31, s22, $0xb8;
	[tilespmem:$0x1E800] =	vst v63  }
0x137: {  	_ =	swait.ge [sflag:s25], $0x4000  }
0x138: {  	[sflag:s25] =	ssyncset.done $0x0  }
.Ltmp9:
0x139: {  	s31 =	sadd.s32 $0x1480, s0;
	[sflag:s25] =	ssyncadd.s32 $0xFFFFC000;
	(pc) =	sbr.rel @p1 .LBB2_6-.Ltmp9, $4  }
0x13a: {  	[spmem:s1] =	stream.indirect.scatter.add.f32 [tilespmem:s23], [sflag:$0x3], $0x80, s31, s22, $0xb8;
	[tilespmem:$0x1E800] =	vst v63  }
0x13b: {  	_ =	swait.ge [sflag:s20], $0x4000  }
0x13c: {  	[sflag:s20] =	ssyncset.done $0x0  }
0x13d: {  	s31 =	sadd.s32 $0x180, s0;
	[sflag:s20] =	ssyncadd.s32 $0xFFFFC000  }
0x13e: {  	[tilespmem:s23], [sflag:$0x2] =	stream.indirect.gather [hbm4b:s4+s22], $0x80, s31, s22, $0xb8;
	[tilespmem:$0x1E800] =	vst v63  }
0x13f: {  	_ =	swait.ge [sflag:s24], $0x4000  }
0x140: {  	[sflag:s24] =	ssyncset.done $0x0  }
0x141: {  	[sflag:s24] =	ssyncadd.s32 $0xFFFFC000  }
0x142: {  	[spmem:s1] =	stream.indirect.scatter.add.f32 [tilespmem:s19], [sflag:$0x3], $0x80, s26, s22, $0xb8;
	[tilespmem:$0x1E800] =	vst v63  }
0x143: {  	_ =	swait.ge [sflag:s20], $0x4000  }
0x144: {  	[sflag:s20] =	ssyncset.done $0x0  }
.Ltmp10:
0x145: {  	[sflag:s20] =	ssyncadd.s32 $0xFFFFC000;
	(pc) =	sbr.rel .LBB2_14-.Ltmp10, $4  }
0x146: {  	_ =	swait.ge [sflag:s25], $0x4000  }
0x147: {  	[sflag:s25] =	ssyncset.done $0x0  }
0x148: {  	s30 =	smov.u32 s6;
	[sflag:s25] =	ssyncadd.s32 $0xFFFFC000  }
0x149: {  	[spmem:s1] =	stream.indirect.scatter.add.f32 [tilespmem:s23], [sflag:$0x3], $0x80, s28, s22, $0xb8;
	[tilespmem:$0x1E800] =	vst v63  }
.LBB2_15:
0x14a: {  	_ =	sfence.sel $0x180000  }
0x14b: {  	[bflag:$0x0] =	sbarrier.arrive $0xFFFF  }
0x14c: {  	_ =	strace $0x9000004A  }
0x14d: {  	[bflag:$0x2] =	sbarrier.arrive $0xFFFF  }
0x14e: {  	p0 =	sne.s32 s3, $0x0;
	s0 =	rddreg [dreg:$0x2]  }
0x14f: {  	s0 =	sadd.s32 @!p0 $0x100000, s0  }
0x150: {  	[sflag:s0] =	ssyncadd.tile.s32 @!p0 $0x1;
	_ =	shalt  }
.Lfunc_end2:
_tile_overlayer_lowered:
.L_overlay_start_2:
0x151: {  	(tag) =	ssettag $0x2  }
0x152: {  	s0 =	rddreg [dreg:$0x0];
	s2 =	stileid.u32  }
0x153: {  	s1 =	rddreg [dreg:$0x1];
	p0 =	sne.s32 s2, $0x0  }
0x154: {  	s3 =	rddreg [dreg:$0x2];
	[bflag:$0x3] =	sbarrier.arrive $0xFFFF;
	s2 =	simm.s32 @!p0 $0x1C03  }
0x155: {  	[timem:s3], [sflag:s2] =	dma.local @!p0 [hbm:s0], s1  }
0x156: {  	s0 =	simm.s32 @!p0 $0x3  }
0x157: {  	_ =	swait.ge @!p0 [sflag:s0], s1  }
0x158: {  	s1 =	ssub.s32 @!p0 $0x0, s1;
	[sflag:s0] =	ssyncset.done @!p0 $0x0  }
0x159: {  	[sflag:s0] =	ssyncadd.s32 @!p0 s1  }
0x15a: {  	[bflag:$0x3] =	sbarrier.arrive $0xFFFF  }
0x15b: {  	_ =	shalt  }

// kernel: kernel.13.cloned.1.call-start
scs
__scs_entry_jumppad:
0x0: {  	(pc) =	sbr.rel $0x88, $3  }
0x1: {  	(tag) =	ssettag $0x0;
	lr =	simm.s32 $0x1  }
0x2: {  	[smem:$0x3F9A] =	sst lr;
	_ =	strace $0xD0000000  }
0x3: {  	_ = 	snop  }
0x4: {  	_ = 	snop  }
0x5: {  	_ = 	snop  }
0x6: {  	_ = 	snop  }
0x7: {  	_ = 	snop  }
__scs_overlays_trampoline_lowered:
0x8: {  	[smem:$0x3FA9] =	sst s0  }
0x9: {  	[smem:$0x3FAA] =	sst s1  }
0xa: {  	[smem:$0x3FAB] =	sst s2  }
0xb: {  	[smem:$0x3FAC] =	sst s3  }
0xc: {  	[smem:$0x3FAD] =	sst s4  }
0xd: {  	[smem:$0x3FAE] =	sst s5  }
0xe: {  	[smem:$0x3FAF] =	sst s6  }
0xf: {  	[smem:$0x3FB0] =	sst s7  }
0x10: {  	[smem:$0x3FB1] =	sst s8  }
0x11: {  	[smem:$0x3FB2] =	sst s9;
	s0 =	simm.s32 @!p0 $0x0  }
0x12: {  	s1 =	sld [smem:$0x3F98];
	s0 =	simm.s32 @p0 $0x1  }
0x13: {  	[smem:$0x3FB3] =	sst s0;
	s0 =	simm.s32 @!p1 $0x0  }
0x14: {  	s2 =	sld [smem:$0x3F97];
	s0 =	simm.s32 @p1 $0x1  }
0x15: {  	[smem:$0x3FB4] =	sst s0;
	s0 =	simm.s32 @!p2 $0x0  }
0x16: {  	s3 =	sld [smem:$0x3FDB];
	s0 =	simm.s32 @p2 $0x1  }
0x17: {  	s4 =	simm.s32 $0x1BF5;
	[smem:$0x3FB6] =	sst s0  }
0x18: {  	s0 =	sld [smem:$0x3F99];
	_ =	swait.ge [sflag:s4], $0x0  }
0x19: {  	s7 =	sld [smem:$0x3F9A]  }
0x1a: {  	s8 =	sadd.s32 $0xFFFFE003, lr  }
0x1b: {  	s9 =	sadd.s32 $0xFFFFFEF7, lr;
	s5 =	simm.s32 $0xFFFFFFFF;
	p2 =	slt.u32 s8, $0xFFFFF086  }
0x1c: {  	p1 =	slt.u32 s9, $0xF7A;
	s5 =	simm.s32 @!p2 $0x0  }
0x1d: {  	s5 =	simm.s32 @p1 $0x1;
	p0 =	seq.s32 s7, s2  }
0x1e: {  	s7 =	smul.u32 @!p0 $0xF7A, s2;
	p2 =	seq.s32 @!p0 s5, $0x0  }
0x1f: {  	s9 =	smul.u32 $0xF7A, s1;
	s8 =	simm.s32 @!p0 $0x1BF5;
	p2 =	por !p2, p0  }
0x20: {  	[sflag:s8] =	ssyncset.s32 @!p0 $0xFFFFF086;
	s6 =	sadd.s32 @!p0 s3, s7;
	s7 =	simm.s32 @!p0 $0x108  }
0x21: {  	s3 =	sadd.s32 s3, s9;
	s6 =	sadd.s32 @!p0 $0x88, s6;
	s7 =	simm.s32 @p2 $0x1082  }
0x22: {  	[simem:s7], [sflag:s8] =	dma.local @!p0 [hbm:s6], $0xF7A  }
0x23: {  	s9 =	sor.u32 $0xD0000000, s2;
	s6 =	simm.s32 $0x108;
	_ =	swait.ge @!p0 [sflag:s8], $0x0  }
0x24: {  	s3 =	sadd.s32 $0x88, s3;
	s6 =	simm.s32 @!p1 $0x1082;
	[sflag:s4] =	ssyncset.s32 $0xFFFFF086  }
0x25: {  	[simem:s6], [sflag:s4] =	dma.local [hbm:s3], $0xF7A  }
0x26: {  	[smem:$0x3F9A] =	sst s1;
	(tag) =	ssettag s2;
	_ =	strace s9  }
0x27: {  	s1 =	sld [smem:$0x3FAA]  }
0x28: {  	s2 =	sld [smem:$0x3FAB]  }
0x29: {  	s4 =	sld [smem:$0x3FAD]  }
0x2a: {  	p0 =	seq.s32 s5, $0x0;
	s5 =	sld [smem:$0x3FAE]  }
0x2b: {  	s6 =	sld [smem:$0x3FAF]  }
0x2c: {  	s7 =	sld [smem:$0x3FB0]  }
0x2d: {  	s3 =	simm.s32 $0x108;
	s8 =	sld [smem:$0x3FB1]  }
0x2e: {  	s3 =	simm.s32 @!p0 $0x1082;
	s9 =	sld [smem:$0x3FB2]  }
0x2f: {  	lr =	sadd.s32 s0, s3;
	s0 =	sld [smem:$0x3FA9]  }
0x30: {  	s3 =	sld [smem:$0x3FAC]  }
0x31: {  	[smem:$0x3FB5] =	sst s10  }
0x32: {  	s10 =	sld [smem:$0x3FB3];
	_ =	sdelay $0x3  }
0x33: {  	p0 =	seq.s32 s10, $0x1;
	s10 =	sld [smem:$0x3FB5];
	_ =	sdelay $0x3  }
0x34: {  	[smem:$0x3FB5] =	sst s10  }
0x35: {  	s10 =	sld [smem:$0x3FB4];
	_ =	sdelay $0x3  }
0x36: {  	p1 =	seq.s32 s10, $0x1;
	s10 =	sld [smem:$0x3FB5];
	_ =	sdelay $0x3  }
0x37: {  	[smem:$0x3FB5] =	sst s10  }
0x38: {  	s10 =	sld [smem:$0x3FB6]  }
0x39: {  	_ = 	snop;
	(pc) =	sbr.ind lr, $3  }
0x3a: {  	_ = 	snop  }
0x3b: {  	_ = 	snop  }
0x3c: {  	p2 =	seq.s32 s10, $0x1;
	s10 =	sld [smem:$0x3FB5]  }
0x3d: {  	_ =	shalt  }
0x3e: {  	_ =	shalt  }
0x3f: {  	_ =	shalt  }
0x40: {  	_ =	shalt  }
0x41: {  	_ =	shalt  }
0x42: {  	_ =	shalt  }
0x43: {  	_ =	shalt  }
0x44: {  	_ =	shalt  }
0x45: {  	_ =	shalt  }
0x46: {  	_ =	shalt  }
0x47: {  	_ =	shalt  }
0x48: {  	_ =	shalt  }
0x49: {  	_ =	shalt  }
0x4a: {  	_ =	shalt  }
0x4b: {  	_ =	shalt  }
0x4c: {  	_ =	shalt  }
0x4d: {  	_ =	shalt  }
0x4e: {  	_ =	shalt  }
0x4f: {  	_ =	shalt  }
0x50: {  	_ =	shalt  }
0x51: {  	_ =	shalt  }
0x52: {  	_ =	shalt  }
0x53: {  	_ =	shalt  }
0x54: {  	_ =	shalt  }
0x55: {  	_ =	shalt  }
0x56: {  	_ =	shalt  }
0x57: {  	_ =	shalt  }
0x58: {  	_ =	shalt  }
0x59: {  	_ =	shalt  }
0x5a: {  	_ =	shalt  }
0x5b: {  	_ =	shalt  }
0x5c: {  	_ =	shalt  }
0x5d: {  	_ =	shalt  }
0x5e: {  	_ =	shalt  }
0x5f: {  	_ =	shalt  }
0x60: {  	_ =	shalt  }
0x61: {  	_ =	shalt  }
0x62: {  	_ =	shalt  }
0x63: {  	_ =	shalt  }
0x64: {  	_ =	shalt  }
0x65: {  	_ =	shalt  }
0x66: {  	_ =	shalt  }
0x67: {  	_ =	shalt  }
0x68: {  	_ =	shalt  }
0x69: {  	_ =	shalt  }
0x6a: {  	_ =	shalt  }
0x6b: {  	_ =	shalt  }
0x6c: {  	_ =	shalt  }
0x6d: {  	_ =	shalt  }
0x6e: {  	_ =	shalt  }
0x6f: {  	_ =	shalt  }
0x70: {  	_ =	shalt  }
0x71: {  	_ =	shalt  }
0x72: {  	_ =	shalt  }
0x73: {  	_ =	shalt  }
0x74: {  	_ =	shalt  }
0x75: {  	_ =	shalt  }
0x76: {  	_ =	shalt  }
0x77: {  	_ =	shalt  }
0x78: {  	_ =	shalt  }
0x79: {  	_ =	shalt  }
0x7a: {  	_ =	shalt  }
0x7b: {  	_ =	shalt  }
0x7c: {  	_ =	shalt  }
0x7d: {  	_ =	shalt  }
0x7e: {  	_ =	shalt  }
0x7f: {  	_ =	shalt  }
0x80: {  	_ =	shalt  }
0x81: {  	_ =	shalt  }
0x82: {  	_ =	shalt  }
0x83: {  	_ =	shalt  }
0x84: {  	_ =	shalt  }
0x85: {  	_ =	shalt  }
0x86: {  	_ =	shalt  }
0x87: {  	_ =	shalt  }
.Lfunc_end0:
.L_simem_size_0:
called_computation.2_lowered:
.L_overlay_start_0:
0x88: {  	s2 =	sld [smem:$0x3FD9]  }
0x89: {  	s3 =	sld [smem:$0x3FFE];
	_ =	sdelay $0x1  }
0x8a: {  	s1 =	srdreg.scid  }
0x8b: {  	s0 =	sand.u32 $0x1, s1  }
0x8c: {  	s17 =	sshll.u32 s0, $0xA;
	s2 =	sadd.s32 s3, s2  }
0x8d: {  	s2 =	sadd.s32 s2, s17  }
0x8e: {  	[smem:$0x3FC1] =	sst s2  }
0x8f: {  	_ = 	snop  }
0x90: {  	s2 =	sld [smem:$0x3FD0];
	(tm) =	ssettm $0x1  }
0x91: {  	s18 =	sld [smem:$0x3FFB];
	_ =	sdelay $0x3  }
0x92: {  	_ =	strace s18  }
0x93: {  	s3 =	sld [smem:$0x3FFC];
	_ =	sdelay $0x3  }
0x94: {  	_ =	strace s3  }
0x95: {  	s3 =	sld [smem:$0x3FFD];
	_ =	sdelay $0x3  }
0x96: {  	_ =	strace s3  }
0x97: {  	_ =	strace $0x8FFFFFFF  }
0x98: {  	s19 =	sld [smem:$0x3FDB];
	_ =	sdelay $0x1  }
0x99: {  	s4 =	simm.s32 $_scs_section_size  }
0x9a: {  	s5 =	simm.s32 $_size__tile_overlayer_lowered;
	s6 =	simm.s32 $_tile_overlayer_lowered  }
0x9b: {  	s22 =	simm.s32 $0x1BFF;
	s21 =	sshll.u32 s6, $0x1;
	s3 =	sadd.s32 s4, s19  }
0x9c: {  	s7 =	simm.s32 $0x0;
	s20 =	sshll.u32 s5, $0x1;
	s5 =	sadd.s32 s21, s3  }
0x9d: {  	[timem:s7], [sflag:s22] =	dma.local [hbm:s5], s20  }
0x9e: {  	_ =	swait.ge [sflag:s22], s20  }
0x9f: {  	s4 =	ssub.s32 $0x0, s20;
	[sflag:s22] =	ssyncset.done $0x0  }
0xa0: {  	[sflag:s22] =	ssyncadd.s32 s4;
	_ =	sdelay $0x1  }
0xa1: {  	s23 =	simm.s32 $0x1B8B  }
0xa2: {  	_ =	swait.ge [sflag:s23], $0x1  }
0xa3: {  	[sflag:s23] =	ssyncset.done $0x0  }
0xa4: {  	s25 =	simm.s32 $0x1B8E;
	s24 =	sld [smem:$0x3FFE];
	[sflag:s23] =	ssyncadd.s32 $0xFFFFFFFF  }
0xa5: {  	s26 =	simm.s32 $execute0_lowered;
	[smem:$0x3FD2] =	sst s25  }
0xa6: {  	s5 =	sshll.u32 s26, $0x1;
	_ =	strace $0x8000004C;
	[dreg:$0x1] =	wrdreg $0xFFFFFFFF  }
0xa7: {  	s28 =	simm.s32 $_size_execute0_lowered;
	s3 =	sadd.s32 s3, s5;
	[dreg:$0x0] =	wrdreg $0x0  }
0xa8: {  	s5 =	sshll.u32 s28, $0x1;
	[dreg:$0x2] =	wrdreg s3  }
0xa9: {  	[dreg:$0x3] =	wrdreg s5  }
0xaa: {  	[dreg:$0x4] =	wrdreg $0xC0  }
0xab: {  	_ =	task [dreg:s7], $0x5FFFF  }
0xac: {  	[dreg:$0x1] =	wrdreg $0xFFFFFFFF  }
0xad: {  	[dreg:$0x0] =	wrdreg $0x60  }
0xae: {  	[dreg:$0x2] =	wrdreg s24  }
0xaf: {  	[dreg:$0x3] =	wrdreg s2  }
0xb0: {  	[dreg:$0x4] =	wrdreg $0xE1800  }
0xb1: {  	[dreg:$0x5] =	wrdreg $0x9  }
0xb2: {  	_ =	task.clear_ibuf [dreg:s7], $0x6FFFF;
	_ =	strace $0x9000004C  }
0xb3: {  	s29 =	simm.s32 $0x9;
	_ =	strace $0x8000004E  }
0xb4: {  	_ =	swait.ge [sflag:s29], $0x1  }
0xb5: {  	[sflag:s29] =	ssyncadd.s32 $0xFFFFFFFF  }
0xb6: {  	_ =	strace $0x9000004E  }
0xb7: {  	_ =	sfence  }
0xb8: {  	s30 =	sld [smem:$0x0];
	_ =	sdelay $0x2  }
0xb9: {  	s31 =	sshll.u32 s1, $0xD;
	s1 =	sshrl.u32 s1, $0x2  }
0xba: {  	s3 =	sand.u32 $0x4000, s31;
	s1 =	sadd.s32 s1, s30  }
0xbb: {  	s0 =	sor.u32 s3, s0;
	s1 =	sshll.u32 s1, $0x11  }
0xbc: {  	s0 =	sor.u32 s1, s0  }
0xbd: {  	s0 =	sadd.s32 $0x8F2B, s0  }
0xbe: {  	[sflag:s0] =	ssyncadd.remote.s32 $0x1  }
0xbf: {  	_ =	sfence.sel $0xFFFF  }
0xc0: {  	[dreg:$0x0] =	wrdreg $0xFFFFFFFF;
	(pc) =	sbr.abs _section_cstart, $3  }
0xc1: {  	[dreg:$0x1] =	wrdreg $0xFFFFFFFF  }
0xc2: {  	_ =	task.clear_ibuf [dreg:s7], $0x2FFFF;
	_ =	strace $0x9FFFFFFF  }
0xc3: {  	(tm) =	ssettm $0x7FFFFFFF  }
tec
execute0_lowered:
.L_overlay_start_1:
0x0: {  	(tag) =	ssettag $0x1  }
0x1: {  	s2 =	srdreg.scid  }
0x2: {  	s2 =	sand.u32 $0x1, s2  }
0x3: {  	p0 =	seq.s32 s2, $0x1  }
.Ltmp0:
0x4: {  	s4 =	rddreg [dreg:$0x0];
	(pc) =	sbr.rel @p0 .LBB2_9-.Ltmp0, $4  }
0x5: {  	s1 =	rddreg [dreg:$0x1]  }
0x6: {  	s3 =	rddreg [dreg:$0x2];
	s5 =	simm.s32 $0x0  }
0x7: {  	[smem:$0x7FF] =	sst s5  }
0x8: {  	s0 =	rddreg [dreg:$0x3];
	_ =	strace $0x8000004D;
	s2 =	stileid.u32  }
0x9: {  	s5 =	smul.u32 $0x500, s2  }
0xa: {  	s10 =	sadd.s32 $0xCE00, s4;
	s12 =	sadd.s32 $0x2800, s4;
	s11 =	sadd.s32 $0x2200, s4  }
0xb: {  	s6 =	sadd.s32 $0xD400, s4;
	s31 =	sshll.u32 s2, $0x7;
	s7 =	simm.s32 $0x40  }
0xc: {  	s13 =	simm.s32 $0x0;
	s5 =	sadd.s32 s5, s4;
	s4 =	sadd.s32 s31, s3  }
0xd: {  	v0 =	vimm.f32 $0.0e+00;
	s9 =	sadd.s32 $0x2E00, s5;
	s8 =	sadd.s32 $0x7E00, s5;
	s5 =	smul.u32 $0x280, s2  }
.LBB2_2:
0xe: {  	p0 =	sne.s32 s7, $0x1FC0;
	[tilespmem:s13+$0xC880] =	vst v0;
	s14 =	smov.u32 s7;
	s7 =	sadd.s32 $0x40, s7  }
.Ltmp1:
0xf: {  	[tilespmem:s13+$0xD080] =	vst v0;
	(pc) =	sbr.rel @p0 .LBB2_2-.Ltmp1, $2  }
0x10: {  	_ =	sdelay $0x2  }
0x11: {  	s13 =	sshra.s32 s14, $0x2  }
0x12: {  	[tilespmem:s13+$0xC880] =	vst v0  }
0x13: {  	[tilespmem:s13+$0xD080] =	vst v0;
	s7 =	simm.s32 $0x0;
	s28 =	simm.s32 $0x1  }
0x14: {  	[tilespmem:s7], [sflag:$0x1] =	stream.linear.gather [hbm4b:s10+s7], $0x2800, $0x38;
	[tilespmem:$0xE200] =	vst v63  }
0x15: {  	_ =	swait.ge [sflag:s28], $0x2800  }
0x16: {  	[sflag:s28] =	ssyncset.done $0x0  }
0x17: {  	s10 =	simm.s32 $0x2800;
	[sflag:s28] =	ssyncadd.s32 $0xFFFFD800  }
0x18: {  	[tilespmem:s10], [sflag:$0x1] =	stream.linear.gather [hbm4b:s12+s7], $0x2800, $0x38;
	[tilespmem:$0xE200] =	vst v63  }
0x19: {  	_ =	swait.ge [sflag:s28], $0x2800  }
0x1a: {  	[sflag:s28] =	ssyncset.done $0x0  }
0x1b: {  	s12 =	simm.s32 $0x5000;
	[sflag:s28] =	ssyncadd.s32 $0xFFFFD800  }
0x1c: {  	[tilespmem:s12], [sflag:$0x1] =	stream.linear.gather [hbm4b:s11+s7], $0x2800, $0x38;
	[tilespmem:$0xE200] =	vst v63  }
0x1d: {  	_ =	swait.ge [sflag:s28], $0x2800  }
0x1e: {  	[sflag:s28] =	ssyncset.done $0x0  }
0x1f: {  	s29 =	simm.s32 $0x7800;
	[sflag:s28] =	ssyncadd.s32 $0xFFFFD800  }
0x20: {  	[tilespmem:s29], [sflag:$0x1] =	stream.linear.gather [hbm4b:s9+s7], $0x2800, $0x38;
	[tilespmem:$0xE200] =	vst v63  }
0x21: {  	_ =	swait.ge [sflag:s28], $0x2800  }
0x22: {  	[sflag:s28] =	ssyncset.done $0x0  }
0x23: {  	s30 =	simm.s32 $0xA000;
	[sflag:s28] =	ssyncadd.s32 $0xFFFFD800  }
0x24: {  	[tilespmem:s30], [sflag:$0x1] =	stream.linear.gather [hbm4b:s8+s7], $0x2800, $0x38;
	[tilespmem:$0xE200] =	vst v63  }
0x25: {  	_ =	swait.ge [sflag:s28], $0x2800  }
0x26: {  	[sflag:s28] =	ssyncset.done $0x0  }
0x27: {  	s31 =	simm.s32 $0xC800;
	[sflag:s28] =	ssyncadd.s32 $0xFFFFD800  }
0x28: {  	[tilespmem:s31], [sflag:$0x1] =	stream.linear.gather [hbm4b:s6+s7], $0x80, $0x38;
	[tilespmem:$0xE200] =	vst v63  }
0x29: {  	_ =	swait.ge [sflag:s28], $0x80  }
0x2a: {  	[sflag:s28] =	ssyncset.done $0x0  }
0x2b: {  	v1 =	vlaneseq.u32;
	[sflag:s28] =	ssyncadd.s32 $0xFFFFFF80  }
0x2c: {  	v1 =	vmul.u32 $0x80, v1;
	s8 =	simm.s32 $0x0;
	s6 =	simm.s32 $0xC880;
	v0 =	vld [tilespmem:$0xC800]  }
.LBB2_4:
0x2d: {  	s9 =	sshra.s32 s8, $0x2  }
0x2e: {  	v2 =	vld [tilespmem:s9+$0xA000];
	_ =	sdelay $0x1  }
0x2f: {  	v3 =	vld [tilespmem:s9+$0x7800];
	_ =	sdelay $0x5  }
0x30: {  	v4 =	vld.idx.msk [tilespmem:v2+s12+$0x0], $0xffff;
	_ =	sdelay $0x1  }
0x31: {  	v3 =	vld.idx.msk [tilespmem:v3+s7+$0x0], $0xffff  }
0x32: {  	v2 =	vld.idx.msk [tilespmem:v2+s10+$0x0], $0xffff;
	_ =	sdelay $0x1  }
0x33: {  	p0 =	sne.s32 s8, $0x9FC0;
	v4 =	vadd.s32 v1, v4  }
.Ltmp2:
0x34: {  	_ = 	snop;
	(pc) =	sbr.rel @p0 .LBB2_4-.Ltmp2, $3  }
0x35: {  	_ = 	snop  }
0x36: {  	v2 =	vmul.f32 v2, v3;
	_ =	sdelay $0x1  }
0x37: {  	s8 =	sadd.s32 $0x40, s8;
	[tilespmem:v4+s6+$0x0] =	vst.idx.add.f32.msk $0xffff, v2  }
0x38: {  	s8 =	sadd.s32 $0x0, s5  }
0x39: {  	v1 =	vlaneseq.u32;
	s6 =	simm.s32 $0xC880;
	s9 =	sand.u32 $0x70, s7;
	s8 =	sand.u32 $0x7F80, s8  }
0x3a: {  	s7 =	simm.s32 $0xD080;
	v2 =	vmul.u32 $0x80, v1;
	v1 =	vimm.f32 $1.000000000e+00;
	s9 =	sor.u32 s9, s8;
	s8 =	simm.s32 $0x10  }
.LBB2_6:
0x3b: {  	p0 =	sne.s32 s8, $0x270;
	v3 =	vld [tilespmem:s9+$0x5000]  }
0x3c: {  	v4 =	vld [tilespmem:s9+$0x2800]  }
0x3d: {  	v5 =	vld [tilespmem:s9+$0x0];
	_ =	sdelay $0x3  }
0x3e: {  	v3 =	vadd.s32 v2, v3  }
0x3f: {  	v4 =	vmul.f32 v5, v4  }
.Ltmp3:
0x40: {  	(pc) =	sbr.rel @p0 .LBB2_6-.Ltmp3, $4  }
0x41: {  	v4 =	vadd.f32 v4, v0  }
0x42: {  	s9 =	sadd.s32 s8, s5  }
0x43: {  	s10 =	sand.u32 $0x70, s8;
	s9 =	sand.u32 $0x7F80, s9;
	[tilespmem:v3+s6+$0x0] =	vst.idx.add.f32.msk $0xffff, v4  }
0x44: {  	s8 =	sadd.s32 $0x10, s8;
	s9 =	sor.u32 s10, s9;
	[tilespmem:v3+s7+$0x0] =	vst.idx.add.f32.msk $0xffff, v1  }
0x45: {  	v3 =	vld [tilespmem:s9+$0x5000]  }
0x46: {  	v4 =	vld [tilespmem:s9+$0x2800]  }
0x47: {  	v5 =	vld [tilespmem:s9+$0x0];
	_ =	sdelay $0x3  }
0x48: {  	v2 =	vadd.s32 v2, v3  }
0x49: {  	v37 =	vmul.f32 v5, v4;
	_ =	sdelay $0x1  }
0x4a: {  	v0 =	vadd.f32 v37, v0;
	_ =	sdelay $0x1  }
0x4b: {  	[tilespmem:v2+s6+$0x0] =	vst.idx.add.f32.msk $0xffff, v0  }
0x4c: {  	[tilespmem:v2+s7+$0x0] =	vst.idx.add.f32.msk $0xffff, v1  }
0x4d: {  	v0 =	vld [tilespmem:$0xC880]  }
0x4e: {  	v1 =	vld [tilespmem:$0xD080]  }
0x4f: {  	v2 =	vld [tilespmem:$0xC900]  }
0x50: {  	v3 =	vld [tilespmem:$0xD100]  }
0x51: {  	v4 =	vld [tilespmem:$0xC980]  }
0x52: {  	v5 =	vld [tilespmem:$0xD180]  }
0x53: {  	v6 =	vld [tilespmem:$0xCA00]  }
0x54: {  	v7 =	vld [tilespmem:$0xD200]  }
0x55: {  	v8 =	vld [tilespmem:$0xCA80]  }
0x56: {  	v9 =	vld [tilespmem:$0xD280]  }
0x57: {  	v10 =	vld [tilespmem:$0xCB00]  }
0x58: {  	v11 =	vld [tilespmem:$0xD300]  }
0x59: {  	v12 =	vld [tilespmem:$0xCB80]  }
0x5a: {  	v13 =	vld [tilespmem:$0xD380]  }
0x5b: {  	v14 =	vld [tilespmem:$0xCC00]  }
0x5c: {  	v15 =	vld [tilespmem:$0xD400]  }
0x5d: {  	v16 =	vld [tilespmem:$0xCC80]  }
0x5e: {  	v18 =	vld [tilespmem:$0xD480]  }
0x5f: {  	v20 =	vld [tilespmem:$0xCD00]  }
0x60: {  	v23 =	vld [tilespmem:$0xD500]  }
0x61: {  	v25 =	vld [tilespmem:$0xCD80]  }
0x62: {  	v26 =	vld [tilespmem:$0xD580]  }
0x63: {  	v27 =	vld [tilespmem:$0xCE00]  }
0x64: {  	v28 =	vld [tilespmem:$0xD600]  }
0x65: {  	v29 =	vld [tilespmem:$0xCE80]  }
0x66: {  	v30 =	vld [tilespmem:$0xD680]  }
0x67: {  	v31 =	vld [tilespmem:$0xCF00]  }
0x68: {  	v17 =	vld [tilespmem:$0xD700]  }
0x69: {  	v38 =	vld [tilespmem:$0xCF80]  }
0x6a: {  	v39 =	vld [tilespmem:$0xD780]  }
0x6b: {  	v40 =	vld [tilespmem:$0xD000]  }
0x6c: {  	v41 =	vld [tilespmem:$0xD800]  }
0x6d: {  	v32 =	vld [tilespmem:$0xC890]  }
0x6e: {  	v33 =	vld [tilespmem:$0xD090]  }
0x6f: {  	v34 =	vld [tilespmem:$0xC910]  }
0x70: {  	v35 =	vld [tilespmem:$0xD110]  }
0x71: {  	v36 =	vld [tilespmem:$0xC990]  }
0x72: {  	v37 =	vld [tilespmem:$0xD190]  }
0x73: {  	v42 =	vld [tilespmem:$0xCB10]  }
0x74: {  	v43 =	vld [tilespmem:$0xD310]  }
0x75: {  	v44 =	vld [tilespmem:$0xCB90]  }
0x76: {  	v45 =	vld [tilespmem:$0xD390]  }
0x77: {  	v46 =	vld [tilespmem:$0xCC10]  }
0x78: {  	v47 =	vld [tilespmem:$0xD410]  }
0x79: {  	v48 =	vld [tilespmem:$0xCC90]  }
0x7a: {  	v49 =	vld [tilespmem:$0xD490]  }
0x7b: {  	v50 =	vld [tilespmem:$0xCD10]  }
0x7c: {  	v51 =	vld [tilespmem:$0xD510]  }
0x7d: {  	v52 =	vld [tilespmem:$0xCD90]  }
0x7e: {  	v53 =	vld [tilespmem:$0xD590]  }
0x7f: {  	v54 =	vld [tilespmem:$0xCE10]  }
0x80: {  	v55 =	vld [tilespmem:$0xD610]  }
0x81: {  	v56 =	vld [tilespmem:$0xCE90]  }
0x82: {  	v57 =	vld [tilespmem:$0xD690]  }
0x83: {  	v58 =	vld [tilespmem:$0xCF10]  }
0x84: {  	v59 =	vld [tilespmem:$0xD710]  }
0x85: {  	v60 =	vld [tilespmem:$0xCF90]  }
0x86: {  	v61 =	vld [tilespmem:$0xD790]  }
0x87: {  	v62 =	vld [tilespmem:$0xD010]  }
0x88: {  	v63 =	vld [tilespmem:$0xD810]  }
0x89: {  	v19 =	vld [tilespmem:$0xD0A0]  }
0x8a: {  	v21 =	vld [tilespmem:$0xC920]  }
0x8b: {  	v22 =	vld [tilespmem:$0xD120]  }
0x8c: {  	v24 =	vld [tilespmem:$0xC9A0]  }
0x8d: {  	[tilespmem:$0x1FFC0] =	vst v38;
	v38 =	vld [tilespmem:$0xCA10]  }
0x8e: {  	[tilespmem:$0x1FFD0] =	vst v39;
	v39 =	vld [tilespmem:$0xD210]  }
0x8f: {  	[tilespmem:$0x1FFE0] =	vst v40;
	v40 =	vld [tilespmem:$0xCA90]  }
0x90: {  	[tilespmem:$0x1FFF0] =	vst v41;
	v41 =	vld [tilespmem:$0xD290];
	v0 =	vadd.f32 $0.0e+00, v0  }
0x91: {  	[tilespmem:$0x1FFB0] =	vst v17;
	v17 =	vld [tilespmem:$0xC8A0];
	v1 =	vadd.f32 $0.0e+00, v1  }
0x92: {  	v0 =	vadd.f32 v2, v0;
	v2 =	vadd.f32 $0.0e+00, v32;
	v32 =	vld [tilespmem:$0xD1A0]  }
0x93: {  	v1 =	vadd.f32 v3, v1;
	v3 =	vadd.f32 $0.0e+00, v33;
	v33 =	vld [tilespmem:$0xCA20]  }
0x94: {  	v0 =	vadd.f32 v4, v0;
	v4 =	vld [tilespmem:$0xD220]  }
0x95: {  	v1 =	vadd.f32 v5, v1;
	v5 =	vld [tilespmem:$0xCAA0]  }
0x96: {  	v2 =	vadd.f32 v34, v2;
	v34 =	vld [tilespmem:$0xD020]  }
0x97: {  	v3 =	vadd.f32 v35, v3;
	v35 =	vld [tilespmem:$0xD820]  }
0x98: {  	v0 =	vadd.f32 v6, v0;
	v6 =	vld [tilespmem:$0xD2A0]  }
0x99: {  	v1 =	vadd.f32 v7, v1;
	v7 =	vld [tilespmem:$0xCB20]  }
0x9a: {  	v17 =	vadd.f32 $0.0e+00, v17;
	v3 =	vadd.f32 v37, v3;
	v37 =	vld [tilespmem:$0xD3B0]  }
0x9b: {  	v2 =	vadd.f32 v36, v2;
	v0 =	vadd.f32 v8, v0;
	v8 =	vld [tilespmem:$0xD320]  }
0x9c: {  	v1 =	vadd.f32 v9, v1;
	v9 =	vld [tilespmem:$0xCBA0]  }
0x9d: {  	v17 =	vadd.f32 v21, v17;
	v2 =	vadd.f32 v38, v2;
	v38 =	vld [tilespmem:$0xCC30]  }
0x9e: {  	v19 =	vadd.f32 $0.0e+00, v19;
	v3 =	vadd.f32 v39, v3;
	v39 =	vld [tilespmem:$0xD430]  }
0x9f: {  	v17 =	vadd.f32 v24, v17;
	v24 =	vld [tilespmem:$0xCBB0]  }
0xa0: {  	v19 =	vadd.f32 v22, v19;
	v0 =	vadd.f32 v10, v0;
	v10 =	vld [tilespmem:$0xD3A0]  }
0xa1: {  	v1 =	vadd.f32 v11, v1;
	v11 =	vld [tilespmem:$0xCC20]  }
0xa2: {  	v19 =	vadd.f32 v32, v19;
	v2 =	vadd.f32 v40, v2;
	v40 =	vld [tilespmem:$0xCCB0]  }
0xa3: {  	v3 =	vadd.f32 v41, v3;
	v41 =	vld [tilespmem:$0xD4B0]  }
0xa4: {  	v4 =	vadd.f32 v4, v19;
	v0 =	vadd.f32 v12, v0;
	v12 =	vld [tilespmem:$0xD420]  }
0xa5: {  	v17 =	vadd.f32 v33, v17;
	v1 =	vadd.f32 v13, v1;
	v13 =	vld [tilespmem:$0xCCA0]  }
0xa6: {  	v4 =	vadd.f32 v6, v4;
	v2 =	vadd.f32 v42, v2;
	v42 =	vld [tilespmem:$0x1FFB0]  }
0xa7: {  	v3 =	vadd.f32 v43, v3;
	v43 =	vld [tilespmem:$0x1FFC0];
	v5 =	vadd.f32 v5, v17  }
0xa8: {  	v4 =	vadd.f32 v8, v4;
	v0 =	vadd.f32 v14, v0;
	v14 =	vld [tilespmem:$0xD4A0]  }
0xa9: {  	v2 =	vadd.f32 v44, v2;
	v1 =	vadd.f32 v15, v1;
	v15 =	vld [tilespmem:$0xCD20]  }
0xaa: {  	v3 =	vadd.f32 v45, v3;
	v44 =	vld [tilespmem:$0x1FFD0];
	v5 =	vadd.f32 v7, v5  }
0xab: {  	v45 =	vld [tilespmem:$0xC8B0];
	v4 =	vadd.f32 v10, v4;
	v0 =	vadd.f32 v16, v0  }
0xac: {  	v2 =	vadd.f32 v46, v2;
	v16 =	vld [tilespmem:$0xD520];
	v1 =	vadd.f32 v18, v1  }
0xad: {  	v3 =	vadd.f32 v47, v3;
	v18 =	vld [tilespmem:$0xCDA0];
	v5 =	vadd.f32 v9, v5  }
0xae: {  	v46 =	vld [tilespmem:$0x1FFE0];
	v4 =	vadd.f32 v12, v4;
	v0 =	vadd.f32 v20, v0  }
0xaf: {  	v47 =	vld [tilespmem:$0xD0B0];
	v2 =	vadd.f32 v48, v2;
	v1 =	vadd.f32 v23, v1  }
0xb0: {  	v20 =	vld [tilespmem:$0xD5A0];
	v3 =	vadd.f32 v49, v3;
	v5 =	vadd.f32 v11, v5  }
0xb1: {  	v23 =	vld [tilespmem:$0xCE20];
	v4 =	vadd.f32 v14, v4;
	v2 =	vadd.f32 v50, v2  }
0xb2: {  	v48 =	vld [tilespmem:$0x1FFF0];
	v0 =	vadd.f32 v25, v0;
	v3 =	vadd.f32 v51, v3  }
0xb3: {  	v49 =	vld [tilespmem:$0xC930];
	v1 =	vadd.f32 v26, v1;
	v2 =	vadd.f32 v52, v2  }
0xb4: {  	v25 =	vld [tilespmem:$0xD620];
	v5 =	vadd.f32 v13, v5;
	v3 =	vadd.f32 v53, v3  }
0xb5: {  	v50 =	vld [tilespmem:$0xD130];
	v4 =	vadd.f32 v16, v4;
	v2 =	vadd.f32 v54, v2  }
0xb6: {  	v51 =	vld [tilespmem:$0xC9B0];
	v0 =	vadd.f32 v27, v0;
	v3 =	vadd.f32 v55, v3  }
0xb7: {  	v52 =	vadd.f32 $0.0e+00, v45;
	v53 =	vld [tilespmem:$0xD1B0];
	v2 =	vadd.f32 v56, v2  }
0xb8: {  	v54 =	vadd.f32 $0.0e+00, v47;
	v55 =	vld [tilespmem:$0xCA30];
	v3 =	vadd.f32 v57, v3  }
0xb9: {  	v21 =	vadd.f32 v49, v52;
	v56 =	vld [tilespmem:$0xD230];
	v2 =	vadd.f32 v58, v2  }
0xba: {  	v22 =	vadd.f32 v50, v54;
	v57 =	vld [tilespmem:$0xCAB0];
	v3 =	vadd.f32 v59, v3  }
0xbb: {  	v21 =	vadd.f32 v51, v21;
	v58 =	vld [tilespmem:$0xD2B0];
	v2 =	vadd.f32 v60, v2  }
0xbc: {  	v59 =	vadd.f32 v53, v22;
	v3 =	vadd.f32 v61, v3;
	v60 =	vld [tilespmem:$0xCB30]  }
0xbd: {  	v61 =	vadd.f32 v55, v21;
	v2 =	vadd.f32 v62, v2;
	v62 =	vld [tilespmem:$0xD330]  }
0xbe: {  	v26 =	vld [tilespmem:$0xCEA0];
	v3 =	vadd.f32 v63, v3;
	v63 =	vadd.f32 v56, v59  }
0xbf: {  	v27 =	vld [tilespmem:$0xD6A0];
	v1 =	vadd.f32 v28, v1;
	v36 =	vadd.f32 v57, v61  }
0xc0: {  	v28 =	vld [tilespmem:$0xCF20];
	v5 =	vadd.f32 v15, v5;
	v6 =	vadd.f32 v58, v63  }
0xc1: {  	v45 =	vld [tilespmem:$0xD5B0];
	v0 =	vadd.f32 v29, v0;
	v7 =	vadd.f32 v60, v36  }
0xc2: {  	v29 =	vld [tilespmem:$0xD720];
	v1 =	vadd.f32 v30, v1;
	v6 =	vadd.f32 v62, v6  }
0xc3: {  	v30 =	vld [tilespmem:$0xCFA0];
	v0 =	vadd.f32 v31, v0;
	v7 =	vadd.f32 v24, v7  }
0xc4: {  	v1 =	vadd.f32 v42, v1;
	v42 =	vld [tilespmem:$0xCD30];
	v6 =	vadd.f32 v37, v6  }
0xc5: {  	v0 =	vadd.f32 v43, v0;
	v43 =	vld [tilespmem:$0xD530];
	v7 =	vadd.f32 v38, v7  }
0xc6: {  	v1 =	vadd.f32 v44, v1;
	v44 =	vld [tilespmem:$0xCDB0];
	v6 =	vadd.f32 v39, v6  }
0xc7: {  	v4 =	vadd.f32 v20, v4;
	v47 =	vld [tilespmem:$0xD630];
	v7 =	vadd.f32 v40, v7  }
0xc8: {  	v0 =	vadd.f32 v46, v0;
	v46 =	vld [tilespmem:$0xCE30];
	v6 =	vadd.f32 v41, v6  }
0xc9: {  	v49 =	vld [tilespmem:$0xD6B0];
	v5 =	vadd.f32 v18, v5;
	v7 =	vadd.f32 v42, v7  }
0xca: {  	v1 =	vadd.f32 v48, v1;
	v48 =	vld [tilespmem:$0xCEB0];
	v6 =	vadd.f32 v43, v6  }
0xcb: {  	v31 =	vld [tilespmem:$0xD7A0];
	v5 =	vadd.f32 v23, v5;
	v7 =	vadd.f32 v44, v7  }
0xcc: {  	v4 =	vadd.f32 v25, v4;
	v50 =	vld [tilespmem:$0xCF30];
	v6 =	vadd.f32 v45, v6  }
0xcd: {  	v51 =	vld [tilespmem:$0xD730];
	v5 =	vadd.f32 v26, v5;
	v7 =	vadd.f32 v46, v7  }
0xce: {  	v52 =	vld [tilespmem:$0xCFB0];
	v4 =	vadd.f32 v27, v4;
	v6 =	vadd.f32 v47, v6  }
0xcf: {  	v53 =	vld [tilespmem:$0xD7B0];
	v5 =	vadd.f32 v28, v5;
	v7 =	vadd.f32 v48, v7  }
0xd0: {  	v54 =	vld [tilespmem:$0xD030];
	v4 =	vadd.f32 v29, v4;
	v6 =	vadd.f32 v49, v6  }
0xd1: {  	[tilespmem:$0xD880] =	vst v0;
	v57 =	vld [tilespmem:$0xD830];
	v55 =	vadd.f32 v30, v5;
	v56 =	vadd.f32 v50, v7  }
0xd2: {  	[tilespmem:$0xD8C0] =	vst v1;
	v58 =	vadd.f32 v31, v4;
	v59 =	vadd.f32 v51, v6  }
0xd3: {  	[tilespmem:$0xD890] =	vst v2;
	v0 =	vadd.f32 v34, v55;
	v60 =	vadd.f32 v52, v56  }
0xd4: {  	[tilespmem:$0xD8D0] =	vst v3;
	v1 =	vadd.f32 v35, v58;
	v61 =	vadd.f32 v53, v59  }
0xd5: {  	[tilespmem:$0xD8A0] =	vst v0;
	v62 =	vadd.f32 v54, v60  }
0xd6: {  	[tilespmem:$0xD8E0] =	vst v1;
	v63 =	vadd.f32 v57, v61  }
0xd7: {  	[tilespmem:$0xD8B0] =	vst v62  }
0xd8: {  	s5 =	simm.s32 $0xD880;
	[tilespmem:$0xD8F0] =	vst v63  }
0xd9: {  	[spmem:s4] =	stream.linear.scatter [tilespmem:s5], [sflag:$0x1], $0x80, $0x38;
	[tilespmem:$0xE200] =	vst v63  }
0xda: {  	p0 =	sne.s32 s2, $0x0;
	s4 =	simm.s32 $0x1  }
.Ltmp4:
0xdb: {  	_ =	swait.ge [sflag:s4], $0x80;
	(pc) =	sbr.rel @p0 .LBB2_9-.Ltmp4, $3  }
0xdc: {  	[sflag:s4] =	ssyncset.done $0x0  }
0xdd: {  	[sflag:s4] =	ssyncadd.s32 $0xFFFFFF80  }
0xde: {  	[bflag:$0x0] =	sbarrier.arrive $0xFFFF;
	_ =	sdelay $0x1  }
0xdf: {  	s5 =	simm.s32 $0xD900  }
0xe0: {  	[tilespmem:s5], [sflag:$0x1] =	stream.linear.gather [spmem:s3], $0x800, $0x38;
	[tilespmem:$0xE200] =	vst v63  }
0xe1: {  	_ =	swait.ge [sflag:s4], $0x800  }
0xe2: {  	[sflag:s4] =	ssyncset.done $0x0  }
0xe3: {  	[sflag:s4] =	ssyncadd.s32 $0xFFFFF800  }
0xe4: {  	v7 =	vld [tilespmem:$0xD900]  }
0xe5: {  	v3 =	vld [tilespmem:$0xD940]  }
0xe6: {  	v8 =	vld [tilespmem:$0xD980]  }
0xe7: {  	v9 =	vld [tilespmem:$0xD9C0]  }
0xe8: {  	v10 =	vld [tilespmem:$0xDA00]  }
0xe9: {  	v11 =	vld [tilespmem:$0xDA40]  }
0xea: {  	v12 =	vld [tilespmem:$0xDA80]  }
0xeb: {  	v13 =	vld [tilespmem:$0xDAC0]  }
0xec: {  	v14 =	vld [tilespmem:$0xDB00]  }
0xed: {  	v15 =	vld [tilespmem:$0xDB40]  }
0xee: {  	v16 =	vld [tilespmem:$0xDB80]  }
0xef: {  	v17 =	vld [tilespmem:$0xDBC0]  }
0xf0: {  	v18 =	vld [tilespmem:$0xDC00]  }
0xf1: {  	v19 =	vld [tilespmem:$0xDC40]  }
0xf2: {  	v20 =	vld [tilespmem:$0xDC80]  }
0xf3: {  	v21 =	vld [tilespmem:$0xDCC0]  }
0xf4: {  	v22 =	vld [tilespmem:$0xDD00]  }
0xf5: {  	v23 =	vld [tilespmem:$0xDD40]  }
0xf6: {  	v24 =	vld [tilespmem:$0xDD80]  }
0xf7: {  	v25 =	vld [tilespmem:$0xDDC0]  }
0xf8: {  	v26 =	vld [tilespmem:$0xDE00]  }
0xf9: {  	v27 =	vld [tilespmem:$0xDE40]  }
0xfa: {  	v28 =	vld [tilespmem:$0xDE80]  }
0xfb: {  	v29 =	vld [tilespmem:$0xDEC0]  }
0xfc: {  	v30 =	vld [tilespmem:$0xDF00]  }
0xfd: {  	v31 =	vld [tilespmem:$0xDF40]  }
0xfe: {  	v2 =	vld [tilespmem:$0xDF80]  }
0xff: {  	v32 =	vld [tilespmem:$0xDFC0]  }
0x100: {  	v1 =	vld [tilespmem:$0xE000]  }
0x101: {  	v33 =	vld [tilespmem:$0xE040]  }
0x102: {  	v0 =	vld [tilespmem:$0xE080]  }
0x103: {  	v34 =	vld [tilespmem:$0xE0C0]  }
0x104: {  	v35 =	vld [tilespmem:$0xD910]  }
0x105: {  	v36 =	vld [tilespmem:$0xD950]  }
0x106: {  	v37 =	vld [tilespmem:$0xD990]  }
0x107: {  	v38 =	vld [tilespmem:$0xD9D0]  }
0x108: {  	v39 =	vld [tilespmem:$0xDA10]  }
0x109: {  	v40 =	vld [tilespmem:$0xDA50]  }
0x10a: {  	v41 =	vld [tilespmem:$0xDA90]  }
0x10b: {  	v42 =	vld [tilespmem:$0xDAD0]  }
0x10c: {  	v43 =	vld [tilespmem:$0xDB10]  }
0x10d: {  	v44 =	vld [tilespmem:$0xDB50]  }
0x10e: {  	v45 =	vld [tilespmem:$0xDB90]  }
0x10f: {  	v46 =	vld [tilespmem:$0xDBD0]  }
0x110: {  	v47 =	vld [tilespmem:$0xDC10]  }
0x111: {  	v48 =	vld [tilespmem:$0xDC50]  }
0x112: {  	v49 =	vld [tilespmem:$0xDC90]  }
0x113: {  	v50 =	vld [tilespmem:$0xDCD0]  }
0x114: {  	v51 =	vld [tilespmem:$0xDD10]  }
0x115: {  	v52 =	vld [tilespmem:$0xDD50]  }
0x116: {  	v53 =	vld [tilespmem:$0xDD90]  }
0x117: {  	v54 =	vld [tilespmem:$0xDDD0]  }
0x118: {  	v55 =	vld [tilespmem:$0xDE10]  }
0x119: {  	v56 =	vld [tilespmem:$0xDE50]  }
0x11a: {  	v57 =	vld [tilespmem:$0xDE90]  }
0x11b: {  	v58 =	vld [tilespmem:$0xDED0]  }
0x11c: {  	v6 =	vld [tilespmem:$0xDF10]  }
0x11d: {  	v59 =	vld [tilespmem:$0xDF50]  }
0x11e: {  	v5 =	vld [tilespmem:$0xDF90]  }
0x11f: {  	v60 =	vld [tilespmem:$0xDFD0]  }
0x120: {  	v4 =	vld [tilespmem:$0xE010]  }
0x121: {  	v61 =	vld [tilespmem:$0xE050]  }
0x122: {  	v62 =	vld [tilespmem:$0xD920];
	v3 =	vadd.f32 $0.0e+00, v3  }
0x123: {  	v7 =	vadd.f32 $0.0e+00, v7;
	v63 =	vadd.f32 $0.0e+00, v36;
	v36 =	vld [tilespmem:$0xDAA0]  }
0x124: {  	v9 =	vadd.f32 v9, v3;
	v3 =	vld [tilespmem:$0xE090]  }
0x125: {  	v7 =	vadd.f32 v8, v7;
	v8 =	vld [tilespmem:$0xD9A0]  }
0x126: {  	v9 =	vadd.f32 v11, v9;
	v11 =	vld [tilespmem:$0xE0D0]  }
0x127: {  	v7 =	vadd.f32 v10, v7;
	v10 =	vld [tilespmem:$0xDA20]  }
0x128: {  	v9 =	vadd.f32 v13, v9;
	v13 =	vld [tilespmem:$0xD960]  }
0x129: {  	v7 =	vadd.f32 v12, v7;
	v12 =	vadd.f32 v38, v63;
	v63 =	vld [tilespmem:$0xD970]  }
0x12a: {  	v38 =	vld [tilespmem:$0xE0F0]  }
0x12b: {  	v9 =	vadd.f32 v15, v9;
	v15 =	vld [tilespmem:$0xD9E0]  }
0x12c: {  	v7 =	vadd.f32 v14, v7;
	v14 =	vld [tilespmem:$0xDB20];
	v12 =	vadd.f32 v40, v12  }
0x12d: {  	v40 =	vld [tilespmem:$0xD9F0];
	v9 =	vadd.f32 v17, v9  }
0x12e: {  	v17 =	vld [tilespmem:$0xDA60];
	v7 =	vadd.f32 v16, v7;
	v12 =	vadd.f32 v42, v12  }
0x12f: {  	v16 =	vld [tilespmem:$0xDBA0];
	v42 =	vadd.f32 $0.0e+00, v35;
	v13 =	vadd.f32 $0.0e+00, v13  }
0x130: {  	v9 =	vadd.f32 v19, v9;
	v19 =	vld [tilespmem:$0xDAE0];
	v7 =	vadd.f32 v18, v7  }
0x131: {  	v35 =	vld [tilespmem:$0xDC60];
	v12 =	vadd.f32 v44, v12;
	v13 =	vadd.f32 v15, v13  }
0x132: {  	v18 =	vld [tilespmem:$0xDC20];
	v9 =	vadd.f32 v21, v9;
	v7 =	vadd.f32 v20, v7  }
0x133: {  	v21 =	vld [tilespmem:$0xDB60];
	v12 =	vadd.f32 v46, v12;
	v13 =	vadd.f32 v17, v13  }
0x134: {  	v44 =	vld [tilespmem:$0xDAF0];
	v9 =	vadd.f32 v23, v9;
	v7 =	vadd.f32 v22, v7  }
0x135: {  	v23 =	vld [tilespmem:$0xDBE0];
	v12 =	vadd.f32 v48, v12;
	v13 =	vadd.f32 v19, v13  }
0x136: {  	v20 =	vld [tilespmem:$0xDCA0];
	v9 =	vadd.f32 v25, v9;
	v25 =	vadd.f32 v37, v42  }
0x137: {  	v46 =	vld [tilespmem:$0xDB70];
	v7 =	vadd.f32 v24, v7;
	v12 =	vadd.f32 v50, v12  }
0x138: {  	v22 =	vld [tilespmem:$0xDD20];
	v13 =	vadd.f32 v21, v13;
	v9 =	vadd.f32 v27, v9  }
0x139: {  	v48 =	vld [tilespmem:$0xDBF0];
	v25 =	vadd.f32 v39, v25;
	v7 =	vadd.f32 v26, v7  }
0x13a: {  	v24 =	vld [tilespmem:$0xDDA0];
	v12 =	vadd.f32 v52, v12;
	v52 =	vadd.f32 v23, v13  }
0x13b: {  	v42 =	vld [tilespmem:$0xDA70];
	v9 =	vadd.f32 v29, v9;
	v25 =	vadd.f32 v41, v25  }
0x13c: {  	v50 =	vld [tilespmem:$0xDC70];
	v7 =	vadd.f32 v28, v7;
	v12 =	vadd.f32 v54, v12  }
0x13d: {  	v27 =	vld [tilespmem:$0xDCE0];
	v28 =	vadd.f32 $0.0e+00, v63;
	v25 =	vadd.f32 v43, v25  }
0x13e: {  	v29 =	vld [tilespmem:$0xDD60];
	v54 =	vadd.f32 $0.0e+00, v62;
	v9 =	vadd.f32 v31, v9  }
0x13f: {  	v41 =	vld [tilespmem:$0xDF60];
	v12 =	vadd.f32 v56, v12;
	v25 =	vadd.f32 v45, v25  }
0x140: {  	v62 =	vld [tilespmem:$0xDE70];
	v7 =	vadd.f32 v30, v7;
	v28 =	vadd.f32 v40, v28  }
0x141: {  	v63 =	vld [tilespmem:$0xDBB0];
	v12 =	vadd.f32 v58, v12;
	v25 =	vadd.f32 v47, v25  }
0x142: {  	v31 =	vld [tilespmem:$0xDDE0];
	v8 =	vadd.f32 v8, v54;
	v28 =	vadd.f32 v42, v28  }
0x143: {  	v43 =	vld [tilespmem:$0xDFE0];
	v12 =	vadd.f32 v59, v12;
	v25 =	vadd.f32 v49, v25  }
0x144: {  	v56 =	vld [tilespmem:$0xDD70];
	v9 =	vadd.f32 v32, v9;
	v15 =	vadd.f32 v44, v28  }
0x145: {  	v12 =	vadd.f32 v60, v12;
	v49 =	vld [tilespmem:$0xD930];
	v25 =	vadd.f32 v51, v25  }
0x146: {  	v32 =	vld [tilespmem:$0xDE60];
	v8 =	vadd.f32 v10, v8;
	v15 =	vadd.f32 v46, v15  }
0x147: {  	v12 =	vadd.f32 v61, v12;
	v51 =	vld [tilespmem:$0xD9B0];
	v25 =	vadd.f32 v53, v25  }
0x148: {  	v9 =	vadd.f32 v33, v9;
	v15 =	vadd.f32 v48, v15;
	v53 =	vld [tilespmem:$0xDCF0]  }
0x149: {  	v11 =	vadd.f32 v11, v12;
	v25 =	vadd.f32 v55, v25;
	v55 =	vld [tilespmem:$0xDA30]  }
0x14a: {  	v45 =	vld [tilespmem:$0xE060];
	v12 =	vadd.f32 v35, v52;
	v28 =	vadd.f32 $0.0e+00, v49  }
0x14b: {  	v15 =	vadd.f32 v50, v15;
	v25 =	vadd.f32 v57, v25;
	v57 =	vld [tilespmem:$0xDAB0]  }
0x14c: {  	v58 =	vld [tilespmem:$0xDDF0];
	v12 =	vadd.f32 v27, v12;
	v17 =	vadd.f32 v51, v28  }
0x14d: {  	v8 =	vadd.f32 v36, v8;
	v60 =	vld [tilespmem:$0xDB30];
	v59 =	vadd.f32 v53, v15  }
0x14e: {  	v33 =	vld [tilespmem:$0xDEE0];
	v12 =	vadd.f32 v29, v12;
	v61 =	vadd.f32 v55, v17  }
0x14f: {  	v47 =	vld [tilespmem:$0xE0E0];
	v9 =	vadd.f32 v34, v9;
	v10 =	vadd.f32 v56, v59  }
0x150: {  	v27 =	vld [tilespmem:$0xDEF0];
	v12 =	vadd.f32 v31, v12;
	v15 =	vadd.f32 v57, v61  }
0x151: {  	v8 =	vadd.f32 v14, v8;
	v28 =	vld [tilespmem:$0xDC30];
	v10 =	vadd.f32 v58, v10  }
0x152: {  	v29 =	vld [tilespmem:$0xDF70];
	v12 =	vadd.f32 v32, v12;
	v13 =	vadd.f32 v60, v15  }
0x153: {  	v8 =	vadd.f32 v16, v8;
	v31 =	vld [tilespmem:$0xDCB0];
	v10 =	vadd.f32 v62, v10  }
0x154: {  	v32 =	vld [tilespmem:$0xDFF0];
	v12 =	vadd.f32 v33, v12;
	v13 =	vadd.f32 v63, v13  }
0x155: {  	v8 =	vadd.f32 v18, v8;
	v33 =	vld [tilespmem:$0xDD30];
	v10 =	vadd.f32 v27, v10  }
0x156: {  	v35 =	vld [tilespmem:$0xE070];
	v12 =	vadd.f32 v41, v12;
	v13 =	vadd.f32 v28, v13  }
0x157: {  	v36 =	vld [tilespmem:$0xDDB0];
	v8 =	vadd.f32 v20, v8;
	v10 =	vadd.f32 v29, v10  }
0x158: {  	v26 =	vld [tilespmem:$0xDE20];
	v12 =	vadd.f32 v43, v12;
	v13 =	vadd.f32 v31, v13  }
0x159: {  	v39 =	vld [tilespmem:$0xDE30];
	v8 =	vadd.f32 v22, v8;
	v10 =	vadd.f32 v32, v10  }
0x15a: {  	v40 =	vld [tilespmem:$0xDEA0];
	v12 =	vadd.f32 v45, v12;
	v13 =	vadd.f32 v33, v13  }
0x15b: {  	v9 =	vmax.f32 v9, $1.000000000e+00;
	v8 =	vadd.f32 v24, v8;
	v41 =	vld [tilespmem:$0xDEB0];
	v10 =	vadd.f32 v35, v10  }
0x15c: {  	v44 =	vld [tilespmem:$0xDF20];
	(erf) = vrcp.f32 v9;
	v42 =	vadd.f32 v47, v12;
	v43 =	vadd.f32 v36, v13  }
0x15d: {  	v11 =	vmax.f32 v11, $1.000000000e+00;
	v8 =	vadd.f32 v26, v8;
	v45 =	vld [tilespmem:$0xDF30];
	v10 =	vadd.f32 v38, v10  }
0x15e: {  	(erf) = vrcp.f32 v11;
	v47 =	vld [tilespmem:$0xDFA0];
	v9 =	vmax.f32 v42, $1.000000000e+00;
	v46 =	vadd.f32 v39, v43  }
0x15f: {  	v48 =	vld [tilespmem:$0xDFB0];
	v8 =	vadd.f32 v40, v8;
	(erf) = vrcp.f32 v9;
	v10 =	vmax.f32 v10, $1.000000000e+00  }
0x160: {  	v49 =	vld [tilespmem:$0xE020];
	v6 =	vadd.f32 v6, v25;
	(erf) = vrcp.f32 v10;
	v11 =	vadd.f32 v41, v46  }
0x161: {  	v2 =	vadd.f32 v2, v7;
	v51 =	vld [tilespmem:$0xE030];
	v50 =	vadd.f32 v44, v8  }
0x162: {  	v53 =	vld [tilespmem:$0xE0A0];
	v5 =	vadd.f32 v5, v6;
	v52 =	vadd.f32 v45, v11  }
0x163: {  	v1 =	vadd.f32 v1, v2;
	v55 =	vld [tilespmem:$0xE0B0];
	v54 =	vadd.f32 v47, v50  }
0x164: {  	v4 =	vadd.f32 v4, v5;
	v56 =	vadd.f32 v48, v52  }
0x165: {  	v0 =	vadd.f32 v0, v1;
	v57 =	vadd.f32 v49, v54  }
0x166: {  	v58 =	vpop (erf);
	v3 =	vadd.f32 v3, v4;
	v59 =	vadd.f32 v51, v56  }
0x167: {  	v0 =	vmul.f32 v58, v0;
	v60 =	vpop (erf);
	v1 =	vadd.f32 v53, v57  }
0x168: {  	v3 =	vmul.f32 v60, v3;
	v61 =	vpop (erf);
	v4 =	vadd.f32 v55, v59  }
0x169: {  	[tilespmem:$0xE100] =	vst v0;
	v62 =	vmul.f32 v61, v1;
	v63 =	vpop (erf)  }
0x16a: {  	[tilespmem:$0xE110] =	vst v3;
	v1 =	vmul.f32 v63, v4  }
0x16b: {  	[tilespmem:$0xE120] =	vst v62  }
0x16c: {  	s30 =	simm.s32 $0x0;
	s31 =	simm.s32 $0xE100;
	[tilespmem:$0xE130] =	vst v1  }
0x16d: {  	[hbm4b:s1+s30] =	stream.linear.scatter [tilespmem:s31], [sflag:$0x1], $0x80, $0x38;
	[tilespmem:$0xE200] =	vst v63  }
0x16e: {  	_ =	swait.ge [sflag:s4], $0x80  }
0x16f: {  	[sflag:s4] =	ssyncset.done $0x0  }
0x170: {  	[sflag:s4] =	ssyncadd.s32 $0xFFFFFF80  }
.LBB2_9:
0x171: {  	_ =	sfence.sel $0x180000  }
0x172: {  	[bflag:$0x0] =	sbarrier.arrive $0xFFFF  }
0x173: {  	p0 =	sne.s32 s2, $0x0;
	_ =	strace $0x9000004D  }
0x174: {  	s0 =	sadd.s32 @!p0 $0x100000, s0;
	[bflag:$0x2] =	sbarrier.arrive $0xFFFF  }
0x175: {  	[sflag:s0] =	ssyncadd.tile.s32 @!p0 $0x1;
	_ =	shalt  }
.Lfunc_end2:
_tile_overlayer_lowered:
.L_overlay_start_2:
0x176: {  	(tag) =	ssettag $0x2  }
0x177: {  	s0 =	rddreg [dreg:$0x0];
	s2 =	stileid.u32  }
0x178: {  	s1 =	rddreg [dreg:$0x1];
	p0 =	sne.s32 s2, $0x0  }
0x179: {  	s3 =	rddreg [dreg:$0x2];
	[bflag:$0x3] =	sbarrier.arrive $0xFFFF;
	s2 =	simm.s32 @!p0 $0x1C01  }
0x17a: {  	[timem:s3], [sflag:s2] =	dma.local @!p0 [hbm:s0], s1  }
0x17b: {  	s0 =	simm.s32 @!p0 $0x1  }
0x17c: {  	_ =	swait.ge @!p0 [sflag:s0], s1  }
0x17d: {  	s1 =	ssub.s32 @!p0 $0x0, s1;
	[sflag:s0] =	ssyncset.done @!p0 $0x0  }
0x17e: {  	[sflag:s0] =	ssyncadd.s32 @!p0 s1  }
0x17f: {  	[bflag:$0x3] =	sbarrier.arrive $0xFFFF  }
0x180: {  	_ =	shalt  }

// kernel: kernel.7.cloned.1.call-start
scs
__scs_entry_jumppad:
0x0: {  	(pc) =	sbr.rel $0x88, $3  }
0x1: {  	(tag) =	ssettag $0x0;
	lr =	simm.s32 $0x1  }
0x2: {  	[smem:$0x3F9A] =	sst lr;
	_ =	strace $0xD0000000  }
0x3: {  	_ = 	snop  }
0x4: {  	_ = 	snop  }
0x5: {  	_ = 	snop  }
0x6: {  	_ = 	snop  }
0x7: {  	_ = 	snop  }
__scs_overlays_trampoline_lowered:
0x8: {  	[smem:$0x3FA9] =	sst s0  }
0x9: {  	[smem:$0x3FAA] =	sst s1  }
0xa: {  	[smem:$0x3FAB] =	sst s2  }
0xb: {  	[smem:$0x3FAC] =	sst s3  }
0xc: {  	[smem:$0x3FAD] =	sst s4  }
0xd: {  	[smem:$0x3FAE] =	sst s5  }
0xe: {  	[smem:$0x3FAF] =	sst s6  }
0xf: {  	[smem:$0x3FB0] =	sst s7  }
0x10: {  	[smem:$0x3FB1] =	sst s8  }
0x11: {  	[smem:$0x3FB2] =	sst s9;
	s0 =	simm.s32 @!p0 $0x0  }
0x12: {  	s1 =	sld [smem:$0x3F98];
	s0 =	simm.s32 @p0 $0x1  }
0x13: {  	[smem:$0x3FB3] =	sst s0;
	s0 =	simm.s32 @!p1 $0x0  }
0x14: {  	s2 =	sld [smem:$0x3F97];
	s0 =	simm.s32 @p1 $0x1  }
0x15: {  	[smem:$0x3FB4] =	sst s0;
	s0 =	simm.s32 @!p2 $0x0  }
0x16: {  	s3 =	sld [smem:$0x3FDB];
	s0 =	simm.s32 @p2 $0x1  }
0x17: {  	s4 =	simm.s32 $0x1BF5;
	[smem:$0x3FB6] =	sst s0  }
0x18: {  	s0 =	sld [smem:$0x3F99];
	_ =	swait.ge [sflag:s4], $0x0  }
0x19: {  	s7 =	sld [smem:$0x3F9A]  }
0x1a: {  	s8 =	sadd.s32 $0xFFFFE003, lr  }
0x1b: {  	s9 =	sadd.s32 $0xFFFFFEF7, lr;
	s5 =	simm.s32 $0xFFFFFFFF;
	p2 =	slt.u32 s8, $0xFFFFF086  }
0x1c: {  	p1 =	slt.u32 s9, $0xF7A;
	s5 =	simm.s32 @!p2 $0x0  }
0x1d: {  	s5 =	simm.s32 @p1 $0x1;
	p0 =	seq.s32 s7, s2  }
0x1e: {  	s7 =	smul.u32 @!p0 $0xF7A, s2;
	p2 =	seq.s32 @!p0 s5, $0x0  }
0x1f: {  	s9 =	smul.u32 $0xF7A, s1;
	s8 =	simm.s32 @!p0 $0x1BF5;
	p2 =	por !p2, p0  }
0x20: {  	[sflag:s8] =	ssyncset.s32 @!p0 $0xFFFFF086;
	s6 =	sadd.s32 @!p0 s3, s7;
	s7 =	simm.s32 @!p0 $0x108  }
0x21: {  	s3 =	sadd.s32 s3, s9;
	s6 =	sadd.s32 @!p0 $0x88, s6;
	s7 =	simm.s32 @p2 $0x1082  }
0x22: {  	[simem:s7], [sflag:s8] =	dma.local @!p0 [hbm:s6], $0xF7A  }
0x23: {  	s9 =	sor.u32 $0xD0000000, s2;
	s6 =	simm.s32 $0x108;
	_ =	swait.ge @!p0 [sflag:s8], $0x0  }
0x24: {  	s3 =	sadd.s32 $0x88, s3;
	s6 =	simm.s32 @!p1 $0x1082;
	[sflag:s4] =	ssyncset.s32 $0xFFFFF086  }
0x25: {  	[simem:s6], [sflag:s4] =	dma.local [hbm:s3], $0xF7A  }
0x26: {  	[smem:$0x3F9A] =	sst s1;
	(tag) =	ssettag s2;
	_ =	strace s9  }
0x27: {  	s1 =	sld [smem:$0x3FAA]  }
0x28: {  	s2 =	sld [smem:$0x3FAB]  }
0x29: {  	s4 =	sld [smem:$0x3FAD]  }
0x2a: {  	p0 =	seq.s32 s5, $0x0;
	s5 =	sld [smem:$0x3FAE]  }
0x2b: {  	s6 =	sld [smem:$0x3FAF]  }
0x2c: {  	s7 =	sld [smem:$0x3FB0]  }
0x2d: {  	s3 =	simm.s32 $0x108;
	s8 =	sld [smem:$0x3FB1]  }
0x2e: {  	s3 =	simm.s32 @!p0 $0x1082;
	s9 =	sld [smem:$0x3FB2]  }
0x2f: {  	lr =	sadd.s32 s0, s3;
	s0 =	sld [smem:$0x3FA9]  }
0x30: {  	s3 =	sld [smem:$0x3FAC]  }
0x31: {  	[smem:$0x3FB5] =	sst s10  }
0x32: {  	s10 =	sld [smem:$0x3FB3];
	_ =	sdelay $0x3  }
0x33: {  	p0 =	seq.s32 s10, $0x1;
	s10 =	sld [smem:$0x3FB5];
	_ =	sdelay $0x3  }
0x34: {  	[smem:$0x3FB5] =	sst s10  }
0x35: {  	s10 =	sld [smem:$0x3FB4];
	_ =	sdelay $0x3  }
0x36: {  	p1 =	seq.s32 s10, $0x1;
	s10 =	sld [smem:$0x3FB5];
	_ =	sdelay $0x3  }
0x37: {  	[smem:$0x3FB5] =	sst s10  }
0x38: {  	s10 =	sld [smem:$0x3FB6]  }
0x39: {  	_ = 	snop;
	(pc) =	sbr.ind lr, $3  }
0x3a: {  	_ = 	snop  }
0x3b: {  	_ = 	snop  }
0x3c: {  	p2 =	seq.s32 s10, $0x1;
	s10 =	sld [smem:$0x3FB5]  }
0x3d: {  	_ =	shalt  }
0x3e: {  	_ =	shalt  }
0x3f: {  	_ =	shalt  }
0x40: {  	_ =	shalt  }
0x41: {  	_ =	shalt  }
0x42: {  	_ =	shalt  }
0x43: {  	_ =	shalt  }
0x44: {  	_ =	shalt  }
0x45: {  	_ =	shalt  }
0x46: {  	_ =	shalt  }
0x47: {  	_ =	shalt  }
0x48: {  	_ =	shalt  }
0x49: {  	_ =	shalt  }
0x4a: {  	_ =	shalt  }
0x4b: {  	_ =	shalt  }
0x4c: {  	_ =	shalt  }
0x4d: {  	_ =	shalt  }
0x4e: {  	_ =	shalt  }
0x4f: {  	_ =	shalt  }
0x50: {  	_ =	shalt  }
0x51: {  	_ =	shalt  }
0x52: {  	_ =	shalt  }
0x53: {  	_ =	shalt  }
0x54: {  	_ =	shalt  }
0x55: {  	_ =	shalt  }
0x56: {  	_ =	shalt  }
0x57: {  	_ =	shalt  }
0x58: {  	_ =	shalt  }
0x59: {  	_ =	shalt  }
0x5a: {  	_ =	shalt  }
0x5b: {  	_ =	shalt  }
0x5c: {  	_ =	shalt  }
0x5d: {  	_ =	shalt  }
0x5e: {  	_ =	shalt  }
0x5f: {  	_ =	shalt  }
0x60: {  	_ =	shalt  }
0x61: {  	_ =	shalt  }
0x62: {  	_ =	shalt  }
0x63: {  	_ =	shalt  }
0x64: {  	_ =	shalt  }
0x65: {  	_ =	shalt  }
0x66: {  	_ =	shalt  }
0x67: {  	_ =	shalt  }
0x68: {  	_ =	shalt  }
0x69: {  	_ =	shalt  }
0x6a: {  	_ =	shalt  }
0x6b: {  	_ =	shalt  }
0x6c: {  	_ =	shalt  }
0x6d: {  	_ =	shalt  }
0x6e: {  	_ =	shalt  }
0x6f: {  	_ =	shalt  }
0x70: {  	_ =	shalt  }
0x71: {  	_ =	shalt  }
0x72: {  	_ =	shalt  }
0x73: {  	_ =	shalt  }
0x74: {  	_ =	shalt  }
0x75: {  	_ =	shalt  }
0x76: {  	_ =	shalt  }
0x77: {  	_ =	shalt  }
0x78: {  	_ =	shalt  }
0x79: {  	_ =	shalt  }
0x7a: {  	_ =	shalt  }
0x7b: {  	_ =	shalt  }
0x7c: {  	_ =	shalt  }
0x7d: {  	_ =	shalt  }
0x7e: {  	_ =	shalt  }
0x7f: {  	_ =	shalt  }
0x80: {  	_ =	shalt  }
0x81: {  	_ =	shalt  }
0x82: {  	_ =	shalt  }
0x83: {  	_ =	shalt  }
0x84: {  	_ =	shalt  }
0x85: {  	_ =	shalt  }
0x86: {  	_ =	shalt  }
0x87: {  	_ =	shalt  }
.Lfunc_end0:
.L_simem_size_0:
called_computation_lowered:
.L_overlay_start_0:
0x88: {  	s2 =	sld [smem:$0x3FD9]  }
0x89: {  	s3 =	sld [smem:$0x3FFE];
	_ =	sdelay $0x1  }
0x8a: {  	s1 =	srdreg.scid  }
0x8b: {  	s0 =	sand.u32 $0x1, s1  }
0x8c: {  	s17 =	sshll.u32 s0, $0xA;
	s2 =	sadd.s32 s3, s2  }
0x8d: {  	s2 =	sadd.s32 s2, s17  }
0x8e: {  	[smem:$0x3FC1] =	sst s2  }
0x8f: {  	_ = 	snop  }
0x90: {  	s2 =	sld [smem:$0x3FC8];
	(tm) =	ssettm $0x1  }
0x91: {  	s18 =	sld [smem:$0x3FFB];
	_ =	sdelay $0x3  }
0x92: {  	_ =	strace s18  }
0x93: {  	s3 =	sld [smem:$0x3FFC];
	_ =	sdelay $0x3  }
0x94: {  	_ =	strace s3  }
0x95: {  	s3 =	sld [smem:$0x3FFD];
	_ =	sdelay $0x3  }
0x96: {  	_ =	strace s3  }
0x97: {  	_ =	strace $0x8FFFFFFF  }
0x98: {  	s19 =	sld [smem:$0x3FDB];
	_ =	sdelay $0x1  }
0x99: {  	s4 =	simm.s32 $_scs_section_size  }
0x9a: {  	s5 =	simm.s32 $_size__tile_overlayer_lowered;
	s6 =	simm.s32 $_tile_overlayer_lowered  }
0x9b: {  	s22 =	simm.s32 $0x1BFF;
	s21 =	sshll.u32 s6, $0x1;
	s3 =	sadd.s32 s4, s19  }
0x9c: {  	s7 =	simm.s32 $0x0;
	s20 =	sshll.u32 s5, $0x1;
	s5 =	sadd.s32 s21, s3  }
0x9d: {  	[timem:s7], [sflag:s22] =	dma.local [hbm:s5], s20  }
0x9e: {  	_ =	swait.ge [sflag:s22], s20  }
0x9f: {  	s4 =	ssub.s32 $0x0, s20;
	[sflag:s22] =	ssyncset.done $0x0  }
0xa0: {  	[sflag:s22] =	ssyncadd.s32 s4;
	_ =	sdelay $0x1  }
0xa1: {  	s23 =	simm.s32 $0x1B8B  }
0xa2: {  	_ =	swait.ge [sflag:s23], $0x1  }
0xa3: {  	[sflag:s23] =	ssyncset.done $0x0  }
0xa4: {  	s25 =	simm.s32 $0x1B8E;
	s24 =	sld [smem:$0x3FFE];
	[sflag:s23] =	ssyncadd.s32 $0xFFFFFFFF  }
0xa5: {  	s26 =	simm.s32 $execute0_lowered;
	[smem:$0x3FD2] =	sst s25  }
0xa6: {  	s5 =	sshll.u32 s26, $0x1;
	_ =	strace $0x80000046;
	[dreg:$0x1] =	wrdreg $0xFFFFFFFF  }
0xa7: {  	s28 =	simm.s32 $_size_execute0_lowered;
	s3 =	sadd.s32 s3, s5;
	[dreg:$0x0] =	wrdreg $0x0  }
0xa8: {  	s5 =	sshll.u32 s28, $0x1;
	[dreg:$0x2] =	wrdreg s3  }
0xa9: {  	[dreg:$0x3] =	wrdreg s5  }
0xaa: {  	[dreg:$0x4] =	wrdreg $0xC0  }
0xab: {  	_ =	task [dreg:s7], $0x5FFFF  }
0xac: {  	[dreg:$0x1] =	wrdreg $0xFFFFFFFF  }
0xad: {  	[dreg:$0x0] =	wrdreg $0x60  }
0xae: {  	[dreg:$0x2] =	wrdreg s2  }
0xaf: {  	[dreg:$0x3] =	wrdreg s24  }
0xb0: {  	[dreg:$0x4] =	wrdreg $0x53000  }
0xb1: {  	[dreg:$0x5] =	wrdreg $0x9  }
0xb2: {  	_ =	task.clear_ibuf [dreg:s7], $0x6FFFF;
	_ =	strace $0x90000046  }
0xb3: {  	s29 =	simm.s32 $0x9;
	_ =	strace $0x80000048  }
0xb4: {  	_ =	swait.ge [sflag:s29], $0x1  }
0xb5: {  	[sflag:s29] =	ssyncadd.s32 $0xFFFFFFFF  }
0xb6: {  	_ =	strace $0x90000048  }
0xb7: {  	_ =	sfence  }
0xb8: {  	s30 =	sld [smem:$0x0];
	_ =	sdelay $0x2  }
0xb9: {  	s31 =	sshll.u32 s1, $0xD;
	s1 =	sshrl.u32 s1, $0x2  }
0xba: {  	s3 =	sand.u32 $0x4000, s31;
	s1 =	sadd.s32 s1, s30  }
0xbb: {  	s0 =	sor.u32 s3, s0;
	s1 =	sshll.u32 s1, $0x11  }
0xbc: {  	s0 =	sor.u32 s1, s0  }
0xbd: {  	s0 =	sadd.s32 $0x8F2B, s0  }
0xbe: {  	[sflag:s0] =	ssyncadd.remote.s32 $0x1  }
0xbf: {  	_ =	sfence.sel $0xFFFF  }
0xc0: {  	[dreg:$0x0] =	wrdreg $0xFFFFFFFF;
	(pc) =	sbr.abs _section_cstart, $3  }
0xc1: {  	[dreg:$0x1] =	wrdreg $0xFFFFFFFF  }
0xc2: {  	_ =	task.clear_ibuf [dreg:s7], $0x2FFFF;
	_ =	strace $0x9FFFFFFF  }
0xc3: {  	(tm) =	ssettm $0x7FFFFFFF  }
tec
execute0_lowered:
.L_overlay_start_1:
0x0: {  	(tag) =	ssettag $0x1  }
0x1: {  	s6 =	rddreg [dreg:$0x0]  }
0x2: {  	s8 =	rddreg [dreg:$0x1]  }
0x3: {  	s1 =	rddreg [dreg:$0x2]  }
0x4: {  	s2 =	srdreg.scid;
	s0 =	rddreg [dreg:$0x3]  }
0x5: {  	s3 =	simm.s32 $0x0;
	s7 =	sand.u32 $0x1, s2;
	s2 =	stileid.u32  }
0x6: {  	s12 =	simm.s32 $0x2800;
	s14 =	simm.s32 $0x5000;
	s9 =	smul.u32 $0x280, s2  }
0x7: {  	[smem:$0x7FF] =	sst s3;
	s4 =	ssub.s32 $0x2, s7;
	s11 =	smul.u32 $0xA00, s2  }
0x8: {  	_ =	strace $0x80000047;
	p0 =	seq.s32 s7, $0x1;
	s13 =	smul.u32 $0xA000, s7  }
0x9: {  	s7 =	smul.u32 $0x28, s7;
	p1 =	sne.s32 s2, $0xF;
	s15 =	sshll.u32 s2, $0x6  }
0xa: {  	s5 =	sshrl.u32 s4, $0x1;
	s12 =	simm.s32 @!p0 $0x2200;
	p0 =	seq.s32 s2, $0xF  }
0xb: {  	s15 =	sor.u32 $0x1C01, s15;
	s10 =	ssub.s32 s4, s5;
	s4 =	sadd.s32 s9, s1  }
0xc: {  	s5 =	sadd.s32 $0x9600, s6;
	s6 =	sadd.s32 s6, s11;
	s9 =	sshrl.u32 s9, $0x3  }
0xd: {  	s30 =	sadd.s32 s12, s8;
	s31 =	sshrl.u32 s13, $0x2;
	s11 =	simm.s32 $0x5080  }
0xe: {  	s12 =	simm.s32 $0x1;
	s13 =	simm.s32 $0x80;
	s8 =	smax.u32 s10, $0x1  }
0xf: {  	v0 =	vimm.f32 $0.0e+00;
	v1 =	vimm.f32 $1.000000000e+00;
	s9 =	sadd.s32 s30, s9;
	s10 =	sor.u32 $0x80, s31;
	s16 =	sshrl.u32 s4, $0x3  }
.LBB2_1:
0x10: {  	[tilespmem:$0x5080] =	vst v0  }
0x11: {  	[tilespmem:$0x5090] =	vst v0  }
0x12: {  	[tilespmem:$0x50A0] =	vst v0  }
0x13: {  	[tilespmem:$0x50B0] =	vst v0  }
0x14: {  	[tilespmem:$0x50C0] =	vst v0  }
0x15: {  	[tilespmem:$0x50D0] =	vst v0  }
0x16: {  	[tilespmem:$0x50E0] =	vst v0  }
0x17: {  	[tilespmem:$0x50F0] =	vst v0  }
0x18: {  	[tilespmem:$0x5100] =	vst v0  }
0x19: {  	[tilespmem:$0x5110] =	vst v0  }
0x1a: {  	[tilespmem:$0x5120] =	vst v0  }
0x1b: {  	[tilespmem:$0x5130] =	vst v0  }
0x1c: {  	[tilespmem:$0x5140] =	vst v0  }
0x1d: {  	[tilespmem:$0x5150] =	vst v0  }
0x1e: {  	[tilespmem:$0x5160] =	vst v0  }
0x1f: {  	[tilespmem:$0x5170] =	vst v0  }
0x20: {  	[tilespmem:$0x5180] =	vst v0  }
0x21: {  	[tilespmem:$0x5190] =	vst v0  }
0x22: {  	[tilespmem:$0x51A0] =	vst v0  }
0x23: {  	[tilespmem:$0x51B0] =	vst v0  }
0x24: {  	[tilespmem:$0x51C0] =	vst v0  }
0x25: {  	[tilespmem:$0x51D0] =	vst v0  }
0x26: {  	[tilespmem:$0x51E0] =	vst v0  }
0x27: {  	[tilespmem:$0x51F0] =	vst v0  }
0x28: {  	[tilespmem:$0x5200] =	vst v0  }
0x29: {  	[tilespmem:$0x5210] =	vst v0  }
0x2a: {  	[tilespmem:$0x5220] =	vst v0  }
0x2b: {  	[tilespmem:$0x5230] =	vst v0  }
0x2c: {  	[tilespmem:$0x5240] =	vst v0  }
0x2d: {  	[tilespmem:$0x5250] =	vst v0  }
0x2e: {  	[tilespmem:$0x5260] =	vst v0  }
0x2f: {  	[tilespmem:$0x5270] =	vst v0  }
0x30: {  	[tilespmem:$0x5280] =	vst v0  }
0x31: {  	[tilespmem:$0x5290] =	vst v0  }
0x32: {  	[tilespmem:$0x52A0] =	vst v0  }
0x33: {  	[tilespmem:$0x52B0] =	vst v0  }
0x34: {  	[tilespmem:$0x52C0] =	vst v0  }
0x35: {  	[tilespmem:$0x52D0] =	vst v0  }
0x36: {  	[tilespmem:$0x52E0] =	vst v0  }
0x37: {  	[tilespmem:$0x52F0] =	vst v0  }
0x38: {  	[tilespmem:$0x5000] =	vst v1  }
0x39: {  	[tilespmem:$0x5010] =	vst v1  }
0x3a: {  	[tilespmem:$0x5020] =	vst v1  }
0x3b: {  	[tilespmem:$0x5030] =	vst v1  }
0x3c: {  	[tilespmem:$0x5040] =	vst v1  }
0x3d: {  	[tilespmem:$0x5050] =	vst v1  }
0x3e: {  	[tilespmem:$0x5060] =	vst v1  }
0x3f: {  	[tilespmem:$0x5070] =	vst v1  }
0x40: {  	[spmem:s4] =	stream.linear.scatter [tilespmem:s11], [sflag:$0x1], $0x280, $0x38;
	[tilespmem:$0x5580] =	vst v63  }
0x41: {  	_ =	swait.ge [sflag:s12], $0x280  }
0x42: {  	[sflag:s12] =	ssyncset.done $0x0  }
0x43: {  	s17 =	simm.s32 @p0 $0x0;
	[sflag:s12] =	ssyncadd.s32 $0xFFFFFD80  }
0x44: {  	[tilespmem:s17], [sflag:$0x1] =	stream.linear.gather @p0 [hbm4b:s5+s17], $0x3200, $0x38;
	[tilespmem:$0x5580] =	vst v63  }
0x45: {  	s17 =	simm.s32 @p0 $0x1  }
0x46: {  	_ =	swait.ge @p0 [sflag:s17], $0x3200  }
0x47: {  	[sflag:s17] =	ssyncset.done @p0 $0x0  }
0x48: {  	[sflag:s17] =	ssyncadd.s32 @p0 $0xFFFFCE00;
	s17 =	simm.s32 @!p0 $0x0  }
0x49: {  	[tilespmem:s17], [sflag:$0x1] =	stream.linear.gather @!p0 [hbm4b:s6+s17], $0x5000, $0x38;
	[tilespmem:$0x5580] =	vst v63  }
0x4a: {  	s17 =	simm.s32 @!p0 $0x1  }
0x4b: {  	_ =	swait.ge @!p0 [sflag:s17], $0x5000  }
0x4c: {  	[sflag:s17] =	ssyncset.done @!p0 $0x0  }
0x4d: {  	[sflag:s17] =	ssyncadd.s32 @!p0 $0xFFFFB000  }
0x4e: {  	s18 =	simm.s32 $0x0;
	s17 =	smov.u32 s10;
	[bflag:$0x0] =	sbarrier.arrive $0xFFFF  }
.LBB2_2:
0x4f: {  	s19 =	sadd.s32 s18, s7  }
0x50: {  	p2 =	sgt.u32 @!p1 s19, $0x31  }
0x51: {  	p2 =	por p1, !p2  }
0x52: {  	[spmem:s1] =	stream.indirect.scatter.add.f32 @p2 [tilespmem:s14], [sflag:$0x1], $0x1, s17, s13, $0xb8;
	[tilespmem:$0x5580] =	vst v63  }
0x53: {  	_ =	swait.ge @p2 [sflag:s12], $0x80  }
0x54: {  	s18 =	sadd.s32 $0x1, s18;
	[sflag:s12] =	ssyncset.done @p2 $0x0  }
0x55: {  	[sflag:s12] =	ssyncadd.s32 @p2 $0xFFFFFF80;
	p2 =	sne.s32 s18, $0x28  }
.Ltmp0:
0x56: {  	_ = 	snop;
	(pc) =	sbr.rel @p2 .LBB2_2-.Ltmp0, $2  }
0x57: {  	_ =	sdelay $0x2  }
0x58: {  	s17 =	sadd.s32 $0x100, s17  }
0x59: {  	s3 =	sadd.s32 $0x1, s3  }
0x5a: {  	p2 =	sne.s32 s3, s8  }
.Ltmp1:
0x5b: {  	[bflag:$0x0] =	sbarrier.arrive $0xFFFF;
	(pc) =	sbr.rel @p2 .LBB2_1-.Ltmp1, $4  }
0x5c: {  	[hbm:s9], [sflag:s15] =	dma.local [spmem:s16], $0x50  }
0x5d: {  	_ =	swait.ge [sflag:s12], $0x50  }
0x5e: {  	[sflag:s12] =	ssyncset.done $0x0  }
0x5f: {  	[sflag:s12] =	ssyncadd.s32 $0xFFFFFFB0  }
0x60: {  	_ =	sfence.sel $0x180000  }
0x61: {  	[bflag:$0x0] =	sbarrier.arrive $0xFFFF  }
0x62: {  	p0 =	sne.s32 s2, $0x0;
	_ =	strace $0x90000047  }
0x63: {  	s0 =	sadd.s32 @!p0 $0x100000, s0;
	[bflag:$0x2] =	sbarrier.arrive $0xFFFF  }
0x64: {  	[sflag:s0] =	ssyncadd.tile.s32 @!p0 $0x1;
	_ =	shalt  }
.Lfunc_end2:
_tile_overlayer_lowered:
.L_overlay_start_2:
0x65: {  	(tag) =	ssettag $0x2  }
0x66: {  	s0 =	rddreg [dreg:$0x0];
	s2 =	stileid.u32  }
0x67: {  	s1 =	rddreg [dreg:$0x1];
	p0 =	sne.s32 s2, $0x0  }
0x68: {  	s3 =	rddreg [dreg:$0x2];
	[bflag:$0x3] =	sbarrier.arrive $0xFFFF;
	s2 =	simm.s32 @!p0 $0x1C01  }
0x69: {  	[timem:s3], [sflag:s2] =	dma.local @!p0 [hbm:s0], s1  }
0x6a: {  	s0 =	simm.s32 @!p0 $0x1  }
0x6b: {  	_ =	swait.ge @!p0 [sflag:s0], s1  }
0x6c: {  	s1 =	ssub.s32 @!p0 $0x0, s1;
	[sflag:s0] =	ssyncset.done @!p0 $0x0  }
0x6d: {  	[sflag:s0] =	ssyncadd.s32 @!p0 s1  }
0x6e: {  	[bflag:$0x3] =	sbarrier.arrive $0xFFFF  }
0x6f: {  	_ =	shalt  }

</sc_bundles>
